<compile_context>
chip_gen: v7x
topology: tpu7x:2x2x1
jax: 0.10.2.dev20260603
libtpu: 0.0.44.dev20260713+nightly
codegen_flags: <defaults>
</compile_context>

<pallas_src>
import jax
import jax.numpy as jnp
from jax import lax
from jax.experimental import pallas as pl
from jax.experimental.pallas import tpu as pltpu
from jax.experimental.pallas import tpu_sc as plsc

B, N, E, D, DE, S, H = 4, 1024, 65536, 128, 16, 1024, 8
PH = D // H

NC, NS, L = 2, 16, 16
NW = NC * NS
CH = 128

_F32 = jnp.float32


def _gelu(x):
    return 0.5 * x * (1.0 + lax.erf(x * (2.0 ** -0.5)))


def _layernorm(x, g, b, eps=1e-3):
    m = jnp.mean(x, axis=-1, keepdims=True)
    xc = x - m
    v = jnp.mean(xc * xc, axis=-1, keepdims=True)
    return xc * lax.rsqrt(v + eps) * g + b


def _proj_body(nf_ref, w_ref, p1_ref, p2_ref):
    nf = nf_ref[...]
    w1 = w_ref[0:D, :]
    w2 = w_ref[D:2 * D, :]
    p1_ref[...] = jnp.dot(nf, w1, preferred_element_type=_F32)
    p2_ref[...] = jnp.dot(nf, w2, preferred_element_type=_F32)


def _proj(nf, W_msg):
    return pl.pallas_call(
        _proj_body,
        out_shape=(jax.ShapeDtypeStruct((B * N, D), _F32),
                   jax.ShapeDtypeStruct((B * N, D), _F32)),
        name="proj_nodes",
    )(nf, W_msg)


def _sc_gather_body(p1_hbm, p2_hbm, src_hbm, dst_hbm, gsum_hbm,
                    idxa1, idxa2, rows1, rows2, gsem0, gsem1, osem0, osem1):
    c = lax.axis_index("c")
    s = lax.axis_index("s")
    wid = c * NS + s
    epw = E // NW
    cpb = epw // CH
    nchunks = B * cpb
    gsems = (gsem0, gsem1)
    osems = (osem0, osem1)

    for b in range(B):
        pltpu.sync_copy(src_hbm.at[pl.ds(b * E + wid * epw, epw)],
                        idxa1.at[pl.ds(b * epw, epw)])
        pltpu.sync_copy(dst_hbm.at[pl.ds(b * E + wid * epw, epw)],
                        idxa2.at[pl.ds(b * epw, epw)])
    vpb = epw // L

    @plsc.parallel_loop(vpb, B * vpb, unroll=4)
    def _offset(j):
        boff = (j // vpb) * N
        sl = pl.ds(j * L, L)
        idxa1[sl] = idxa1[sl] + boff
        idxa2[sl] = idxa2[sl] + boff

    def prep(i, k, wait_out):
        if wait_out:
            pltpu.make_async_copy(rows1.at[k], gsum_hbm.at[pl.ds(0, CH)],
                                  osems[k]).wait()
        pltpu.async_copy(p1_hbm.at[idxa1.at[pl.ds(i * CH, CH)]],
                         rows1.at[k], gsems[k])
        pltpu.async_copy(p2_hbm.at[idxa2.at[pl.ds(i * CH, CH)]],
                         rows2.at[k], gsems[k])

    def consume(i, k):
        pltpu.make_async_copy(p1_hbm.at[idxa1.at[pl.ds(0, CH)]],
                              rows1.at[k], gsems[k]).wait()
        pltpu.make_async_copy(p2_hbm.at[idxa2.at[pl.ds(0, CH)]],
                              rows2.at[k], gsems[k]).wait()

        @plsc.parallel_loop(0, CH, unroll=2)
        def _addrow(r):
            for j in range(D // L):
                sl = pl.ds(j * L, L)
                rows1[k, r, sl] = rows1[k, r, sl] + rows2[k, r, sl]

        b = i // cpb
        base = b * E + wid * epw + (i - b * cpb) * CH
        pltpu.async_copy(rows1.at[k], gsum_hbm.at[pl.ds(base, CH)], osems[k])

    prep(0, 0, False)
    prep(1, 1, False)

    def step(si, carry):
        c0 = 2 * si
        consume(c0, 0)

        @pl.when(si < nchunks // 2 - 1)
        def _():
            prep(c0 + 2, 0, True)

        consume(c0 + 1, 1)

        @pl.when(si < nchunks // 2 - 1)
        def _():
            prep(c0 + 3, 1, True)

        return carry

    lax.fori_loop(0, nchunks // 2, step, 0)
    pltpu.make_async_copy(rows1.at[0], gsum_hbm.at[pl.ds(0, CH)], osem0).wait()
    pltpu.make_async_copy(rows1.at[1], gsum_hbm.at[pl.ds(0, CH)], osem1).wait()


def _sc_gather(p1, p2, src, dst):
    mesh = plsc.VectorSubcoreMesh(core_axis_name="c", subcore_axis_name="s")
    return pl.kernel(
        _sc_gather_body,
        out_type=jax.ShapeDtypeStruct((B * E, D), _F32),
        mesh=mesh,
        scratch_types=[
            pltpu.VMEM((B * (E // NW),), jnp.int32),
            pltpu.VMEM((B * (E // NW),), jnp.int32),
            pltpu.VMEM((2, CH, D), _F32),
            pltpu.VMEM((2, CH, D), _F32),
            pltpu.SemaphoreType.DMA,
            pltpu.SemaphoreType.DMA,
            pltpu.SemaphoreType.DMA,
            pltpu.SemaphoreType.DMA,
        ],
        compiler_params=pltpu.CompilerParams(needs_layout_passes=False),
        name="sc_gather_sum",
    )(p1, p2, src, dst)


_BE = 4096


def _edge_mlp_body(g_ref, ef_ref, w_ref, bm_ref, g1_ref, b1_ref, wc_ref, out_ref):
    w3 = w_ref[2 * D:2 * D + DE, :]
    x = g_ref[...] + jnp.dot(ef_ref[...], w3, preferred_element_type=_F32)
    x = x + bm_ref[...]
    x = _gelu(x)
    x = _layernorm(x, g1_ref[...], b1_ref[...])
    out_ref[...] = x * wc_ref[...]


def _edge_mlp(gsum, eff, W_msg, b_msg, ln1_g, ln1_b, wcol):
    grid = (B * E // _BE,)
    return pl.pallas_call(
        _edge_mlp_body,
        grid=grid,
        in_specs=[
            pl.BlockSpec((_BE, D), lambda i: (i, 0)),
            pl.BlockSpec((_BE, DE), lambda i: (i, 0)),
            pl.BlockSpec((2 * D + DE, D), lambda i: (0, 0)),
            pl.BlockSpec((D,), lambda i: (0,)),
            pl.BlockSpec((D,), lambda i: (0,)),
            pl.BlockSpec((D,), lambda i: (0,)),
            pl.BlockSpec((_BE, 1), lambda i: (i, 0)),
        ],
        out_specs=pl.BlockSpec((_BE, D), lambda i: (i, 0)),
        out_shape=jax.ShapeDtypeStruct((B * E, D), _F32),
        name="edge_mlp",
    )(gsum, eff, W_msg, b_msg, ln1_g, ln1_b, wcol)


def _sc_scatter_body(w_hbm, seg_hbm, dst2_hbm, agg_hbm,
                     acc, dstt, segb, comb, rows, zb,
                     rsem0, rsem1, ssem0, ssem1):
    c = lax.axis_index("c")
    sid = lax.axis_index("s")
    rsems = (rsem0, rsem1)
    ssems = (ssem0, ssem1)

    def zrow(r, carry):
        for k in range(D // L):
            zb[r, pl.ds(k * L, L)] = jnp.zeros((L,), _F32)
        return carry

    lax.fori_loop(0, 64, zrow, 0)
    pltpu.sync_copy(zb, acc.at[pl.ds(sid * 128, 64)])
    pltpu.sync_copy(zb, acc.at[pl.ds(sid * 128 + 64, 64)])
    plsc.subcore_barrier()

    eps = E // NS
    cpb = eps // CH
    for t in range(2):
        b = 2 * c + t
        pltpu.sync_copy(dst2_hbm.at[pl.ds(b * S, S)], dstt)

        def base_of(ci):
            return b * E + sid * eps + ci * CH

        def prep(ci, k, wait_scatter):
            if wait_scatter:
                pltpu.make_async_copy(rows.at[k], acc.at[comb.at[k]],
                                      ssems[k]).wait()
            base = base_of(ci)
            pltpu.sync_copy(seg_hbm.at[pl.ds(base, CH)], segb.at[k])
            pltpu.async_copy(w_hbm.at[pl.ds(base, CH)], rows.at[k], rsems[k])

        def consume(k):
            for j in range(CH // L):
                sl = pl.ds(j * L, L)
                sv = segb[k, sl]
                cv = plsc.load_gather(dstt, [sv])
                comb[k, sl] = cv + (t * N)
            pltpu.make_async_copy(w_hbm.at[pl.ds(0, CH)], rows.at[k],
                                  rsems[k]).wait()
            pltpu.async_copy(rows.at[k], acc.at[comb.at[k]], ssems[k], add=True)

        prep(0, 0, False)
        prep(1, 1, False)

        def step(si, carry):
            consume(0)

            @pl.when(si < cpb // 2 - 1)
            def _():
                prep(2 * si + 2, 0, True)

            consume(1)

            @pl.when(si < cpb // 2 - 1)
            def _():
                prep(2 * si + 3, 1, True)

            return carry

        lax.fori_loop(0, cpb // 2, step, 0)
        pltpu.make_async_copy(rows.at[0], acc.at[comb.at[0]], ssem0).wait()
        pltpu.make_async_copy(rows.at[1], acc.at[comb.at[1]], ssem1).wait()

    plsc.subcore_barrier()
    pltpu.sync_copy(acc.at[pl.ds(sid * 128, 128)], rows.at[0])
    pltpu.sync_copy(rows.at[0], agg_hbm.at[pl.ds(2 * c * N + sid * 128, 128)])


def _sc_scatter(wflat, seg, dst2):
    mesh = plsc.VectorSubcoreMesh(core_axis_name="c", subcore_axis_name="s")
    return pl.kernel(
        _sc_scatter_body,
        out_type=jax.ShapeDtypeStruct((B * N, D), _F32),
        mesh=mesh,
        scratch_types=[
            pltpu.VMEM_SHARED((2 * N, D), _F32),
            pltpu.VMEM((S,), jnp.int32),
            pltpu.VMEM((2, CH), jnp.int32),
            pltpu.VMEM((2, CH), jnp.int32),
            pltpu.VMEM((2, CH, D), _F32),
            pltpu.VMEM((64, D), _F32),
            pltpu.SemaphoreType.DMA,
            pltpu.SemaphoreType.DMA,
            pltpu.SemaphoreType.DMA,
            pltpu.SemaphoreType.DMA,
        ],
        compiler_params=pltpu.CompilerParams(needs_layout_passes=False),
        name="sc_scatter_agg",
    )(wflat, seg, dst2)


def _attn_body(n_ref, a_ref, wq_ref, bq_ref, wk_ref, bk_ref, wv_ref, bv_ref,
               wc_ref, bc_ref, g2_ref, b2_ref, out_ref):
    xc = jnp.concatenate([n_ref[0], a_ref[0]], axis=1)
    q = jnp.dot(xc, wq_ref[...], preferred_element_type=_F32) + bq_ref[...]
    k = jnp.dot(xc, wk_ref[...], preferred_element_type=_F32) + bk_ref[...]
    v = jnp.dot(xc, wv_ref[...], preferred_element_type=_F32) + bv_ref[...]
    li = lax.broadcasted_iota(jnp.int32, (N, D), 1)
    att = jnp.zeros((N, D), _F32)
    inv_sqrt = 1.0 / (PH ** 0.5)
    for h in range(H):
        mh = (li // PH) == h
        qm = jnp.where(mh, q, 0.0)
        score = lax.dot_general(qm, k, (((1,), (1,)), ((), ())),
                                preferred_element_type=_F32) * inv_sqrt
        mx = jnp.max(score, axis=-1, keepdims=True)
        p = jnp.exp(score - mx)
        attw = p / jnp.sum(p, axis=-1, keepdims=True)
        vm = jnp.where(mh, v, 0.0)
        att = att + lax.dot_general(attw, vm, (((1,), (0,)), ((), ())),
                                    preferred_element_type=_F32)
    u = jnp.dot(att, wc_ref[...], preferred_element_type=_F32) + bc_ref[...]
    u = _gelu(u)
    out_ref[0] = _layernorm(u, g2_ref[...], b2_ref[...])


def _attention(nodes, agg, Wq, bq, Wk, bk, Wv, bv, Wc, bc, ln2_g, ln2_b):
    vec = lambda: pl.BlockSpec((D,), lambda i: (0,))
    mat2 = lambda: pl.BlockSpec((2 * D, D), lambda i: (0, 0))
    return pl.pallas_call(
        _attn_body,
        grid=(B,),
        in_specs=[
            pl.BlockSpec((1, N, D), lambda i: (i, 0, 0)),
            pl.BlockSpec((1, N, D), lambda i: (i, 0, 0)),
            mat2(), vec(), mat2(), vec(), mat2(), vec(),
            pl.BlockSpec((D, D), lambda i: (0, 0)), vec(),
            vec(), vec(),
        ],
        out_specs=pl.BlockSpec((1, N, D), lambda i: (i, 0, 0)),
        out_shape=jax.ShapeDtypeStruct((B, N, D), _F32),
        name="attention_update",
    )(nodes, agg, Wq, bq, Wk, bk, Wv, bv, Wc, bc, ln2_g, ln2_b)


def kernel(nodes, edge_features, edges, edge_weights, W_msg, b_msg,
           ln1_g, ln1_b, Wq, bq, Wk, bk, Wv, bv, Wc, bc, ln2_g, ln2_b):
    e32 = edges.astype(jnp.int32)
    src = e32[:, :, 0].reshape(B * E)
    dst = e32[:, :, 1].reshape(B * E)
    dst2 = e32[:, :S, 1].reshape(B * S)
    seg = edge_weights[:, :, 0].astype(jnp.int32).reshape(B * E)
    wcol = edge_weights[:, :, 1].reshape(B * E, 1)
    eff = edge_features.reshape(B * E, DE)
    nf = nodes.reshape(B * N, D)

    p1, p2 = _proj(nf, W_msg)
    gsum = _sc_gather(p1, p2, src, dst)
    wflat = _edge_mlp(gsum, eff, W_msg, b_msg, ln1_g, ln1_b, wcol)
    agg = _sc_scatter(wflat, seg, dst2)
    updated = _attention(nodes, agg.reshape(B, N, D),
                         Wq, bq, Wk, bk, Wv, bv, Wc, bc, ln2_g, ln2_b)
    return (updated, wflat.reshape(B, E, D), edges, edge_weights)

# --- scband reference (transcript-rebuilt; emitter-appended) ---
"""Pipeline reference for scband-graph-layer-57732950393383 (READ-ONLY COPY).

The authoritative reference and input builder live on the scoring server;
editing this copy changes nothing except your own understanding.
"""

import jax, jax.numpy as jnp
import numpy as np

B, N, E, D, DE, S, H = 4, 1024, 65536, 128, 16, 1024, 8

def _gelu(x):
    return 0.5 * x * (1.0 + jax.scipy.special.erf(x / jnp.sqrt(2.0)))

def _ln(x, g, b, eps=1e-3):
    m = jnp.mean(x, axis=-1, keepdims=True)
    v = jnp.var(x, axis=-1, keepdims=True)
    return (x - m) * jax.lax.rsqrt(v + eps) * g + b

def setup_inputs(seed: int = 0):
    key = jax.random.key(seed)
    ks = jax.random.split(key, 12)
    nodes = jax.random.normal(ks[0], (B, N, D), dtype=jnp.float32)
    edge_features = jax.random.normal(ks[1], (B, E, DE), dtype=jnp.float32)
    edges = jax.random.randint(ks[2], (B, E, 2), 0, N).astype(jnp.int64)
    seg = jnp.stack([jax.random.permutation(jax.random.fold_in(ks[3], b), jnp.arange(E) % S) for b in range(B)], 0)
    w1 = jax.random.uniform(ks[4], (B, E), dtype=jnp.float32)
    edge_weights = jnp.stack([seg.astype(jnp.float32), w1], axis=-1)
    def dense(k, fin, fout):
        return jax.random.normal(k, (fin, fout), dtype=jnp.float32) * 0.05, jnp.zeros((fout,), jnp.float32)
    W_msg, b_msg = dense(ks[5], 2 * D + DE, D)
    Wq, bq = dense(ks[6], 2 * D, D)
    Wk, bk = dense(ks[7], 2 * D, D)
    Wv, bv = dense(ks[8], 2 * D, D)
    Wc, bc = dense(ks[9], D, D)
    ln1_g = jnp.ones((D,), jnp.float32); ln1_b = jnp.zeros((D,), jnp.float32)
    ln2_g = jnp.ones((D,), jnp.float32); ln2_b = jnp.zeros((D,), jnp.float32)
    return dict(nodes=nodes, edge_features=edge_features, edges=edges, edge_weights=edge_weights, W_msg=W_msg, b_msg=b_msg, ln1_g=ln1_g, ln1_b=ln1_b, Wq=Wq, bq=bq, Wk=Wk, bk=bk, Wv=Wv, bv=bv, Wc=Wc, bc=bc, ln2_g=ln2_g, ln2_b=ln2_b)

def reference(nodes, edge_features, edges, edge_weights, W_msg, b_msg, ln1_g, ln1_b, Wq, bq, Wk, bk, Wv, bv, Wc, bc, ln2_g, ln2_b):
    ph = D // H
    gathered = jax.vmap(lambda n, e: n[e])(nodes, edges)
    messages = gathered.reshape(B, E, 2 * D)
    x = jnp.concatenate([messages, edge_features], axis=-1)
    msg = _ln(_gelu(x @ W_msg + b_msg), ln1_g, ln1_b)
    weighted = msg * edge_weights[..., 1:2]
    aggs = []
    for b in range(B):
        seg = edge_weights[b, :, 0].astype(jnp.int32)
        nseg = S
        merged = jax.ops.segment_sum(weighted[b], seg, num_segments=nseg)
        aggs.append(jax.ops.segment_sum(merged, edges[b, :nseg, 1].astype(jnp.int32), num_segments=N))
    aggregated = jnp.stack(aggs, 0)
    xc = jnp.concatenate([nodes, aggregated], axis=-1)
    def split_heads(t):
        return t.reshape(B, N, H, ph).transpose(0, 2, 1, 3)
    q = split_heads(xc @ Wq + bq)
    k = split_heads(xc @ Wk + bk)
    v = split_heads(xc @ Wv + bv)
    score = jnp.einsum('bhqd,bhkd->bhqk', q, k) / jnp.sqrt(jnp.float32(ph))
    attw = jax.nn.softmax(score, axis=-1)
    att = jnp.einsum('bhqk,bhkd->bhqd', attw, v).transpose(0, 2, 1, 3).reshape(B, N, D)
    updated = _ln(_gelu(att @ Wc + bc), ln2_g, ln2_b)
    return (updated, weighted, edges, edge_weights)

if __name__ == "__main__":
    import jax
    _d = setup_inputs()
    print(jax.jit(kernel)(*tuple(_d.values())))

</pallas_src>

<mosaic_0001>
#map = affine_map<(d0, d1) -> (0, 0)>
#map1 = affine_map<(d0, d1) -> (0)>
module attributes {stable_mosaic.version = 14 : i64} {
  func.func @sc_gather_sum(%arg0: i32, %arg1: i32, %arg2: memref<4096x128xf32, #tpu.memory_space<hbm>>, %arg3: memref<4096x128xf32, #tpu.memory_space<hbm>>, %arg4: memref<262144xi32, #tpu.memory_space<hbm>>, %arg5: memref<262144xi32, #tpu.memory_space<hbm>>, %arg6: memref<262144x128xf32, #tpu.memory_space<hbm>>, %arg7: memref<8192xi32, #tpu.memory_space<vmem>>, %arg8: memref<8192xi32, #tpu.memory_space<vmem>>, %arg9: memref<2x128x128xf32, #tpu.memory_space<vmem>>, %arg10: memref<2x128x128xf32, #tpu.memory_space<vmem>>, %arg11: memref<!tpu.dma_semaphore, #tpu.memory_space<semaphore_mem>>, %arg12: memref<!tpu.dma_semaphore, #tpu.memory_space<semaphore_mem>>, %arg13: memref<!tpu.dma_semaphore, #tpu.memory_space<semaphore_mem>>, %arg14: memref<!tpu.dma_semaphore, #tpu.memory_space<semaphore_mem>>) attributes {dimension_semantics = [#tpu.dimension_semantics<core_parallel>, #tpu.dimension_semantics<subcore_parallel>], iteration_bounds = array<i64: 2, 16>, scalar_prefetch = 0 : i64, scratch_operands = 8 : i64, tpu.core_type = #tpu.core_type<sc_vector_subcore>, window_params = [{transform_indices = #map}, {transform_indices = #map}, {transform_indices = #map1}, {transform_indices = #map1}, {transform_indices = #map}]} {
    %mul3A = arith.constant 16 : i32
    %mul3A_0 = arith.muli %arg0, %mul3A : i32
    %add3A = arith.addi %mul3A_0, %arg1 : i32
    %mul3A_1 = arith.constant 2048 : i32
    %mul3A_2 = arith.muli %add3A, %mul3A_1 : i32
    %add3A_3 = arith.constant 0 : i32
    %add3A_4 = arith.addi %add3A_3, %mul3A_2 : i32
    "tpu.region"() ({
      %run_scoped3A = tpu.sem_alloc : memref<!tpu.dma_semaphore, #tpu.memory_space<semaphore_mem>>
      %dma_start3A_108 = arith.constant 0 : i32
      %dma_start3A_109 = tpu.memref_slice %arg7[%dma_start3A_108] : memref<8192xi32, #tpu.memory_space<vmem>> -> memref<2048xi32, #tpu.memory_space<vmem>>
      %dma_start3A_110 = tpu.memref_slice %arg4[%add3A_4] : memref<262144xi32, #tpu.memory_space<hbm>> -> memref<2048xi32, #tpu.memory_space<hbm>>
      %dma_start3A_111 = arith.constant 0 : i32
      %dma_start3A_112 = tpu.memref_slice %arg7[%dma_start3A_111] : memref<8192xi32, #tpu.memory_space<vmem>> -> memref<2048xi32, #tpu.memory_space<vmem>>
      %dma_start3A_113 = tpu.memref_slice %arg4[%add3A_4] : memref<262144xi32, #tpu.memory_space<hbm>> -> memref<2048xi32, #tpu.memory_space<hbm>>
      tpu.enqueue_dma source(%dma_start3A_113 : memref<2048xi32, #tpu.memory_space<hbm>>) target(%dma_start3A_112 : memref<2048xi32, #tpu.memory_space<vmem>>) target_semaphore(%run_scoped3A : memref<!tpu.dma_semaphore, #tpu.memory_space<semaphore_mem>>)
      %dma_wait3A_114 = arith.constant 0 : i32
      %dma_wait3A_115 = tpu.memref_slice %arg7[%dma_wait3A_114] : memref<8192xi32, #tpu.memory_space<vmem>> -> memref<2048xi32, #tpu.memory_space<vmem>>
      %dma_wait3A_116 = tpu.memref_slice %arg4[%add3A_4] : memref<262144xi32, #tpu.memory_space<hbm>> -> memref<2048xi32, #tpu.memory_space<hbm>>
      %dma_wait3A_117 = arith.constant 0 : i32
      %dma_wait3A_118 = tpu.memref_slice %arg7[%dma_wait3A_117] : memref<8192xi32, #tpu.memory_space<vmem>> -> memref<2048xi32, #tpu.memory_space<vmem>>
      %dma_wait3A_119 = tpu.memref_slice %arg4[%add3A_4] : memref<262144xi32, #tpu.memory_space<hbm>> -> memref<2048xi32, #tpu.memory_space<hbm>>
      tpu.wait_dma2 semaphore(%run_scoped3A : memref<!tpu.dma_semaphore, #tpu.memory_space<semaphore_mem>>) src(%dma_wait3A_119 : memref<2048xi32, #tpu.memory_space<hbm>>) dst(%dma_wait3A_118 : memref<2048xi32, #tpu.memory_space<vmem>>)
      tpu.yield
    }) : () -> ()
    %mul3A_5 = arith.constant 2048 : i32
    %mul3A_6 = arith.muli %add3A, %mul3A_5 : i32
    %add3A_7 = arith.constant 0 : i32
    %add3A_8 = arith.addi %add3A_7, %mul3A_6 : i32
    "tpu.region"() ({
      %run_scoped3A = tpu.sem_alloc : memref<!tpu.dma_semaphore, #tpu.memory_space<semaphore_mem>>
      %dma_start3A_108 = arith.constant 0 : i32
      %dma_start3A_109 = tpu.memref_slice %arg8[%dma_start3A_108] : memref<8192xi32, #tpu.memory_space<vmem>> -> memref<2048xi32, #tpu.memory_space<vmem>>
      %dma_start3A_110 = tpu.memref_slice %arg5[%add3A_8] : memref<262144xi32, #tpu.memory_space<hbm>> -> memref<2048xi32, #tpu.memory_space<hbm>>
      %dma_start3A_111 = arith.constant 0 : i32
      %dma_start3A_112 = tpu.memref_slice %arg8[%dma_start3A_111] : memref<8192xi32, #tpu.memory_space<vmem>> -> memref<2048xi32, #tpu.memory_space<vmem>>
      %dma_start3A_113 = tpu.memref_slice %arg5[%add3A_8] : memref<262144xi32, #tpu.memory_space<hbm>> -> memref<2048xi32, #tpu.memory_space<hbm>>
      tpu.enqueue_dma source(%dma_start3A_113 : memref<2048xi32, #tpu.memory_space<hbm>>) target(%dma_start3A_112 : memref<2048xi32, #tpu.memory_space<vmem>>) target_semaphore(%run_scoped3A : memref<!tpu.dma_semaphore, #tpu.memory_space<semaphore_mem>>)
      %dma_wait3A_114 = arith.constant 0 : i32
      %dma_wait3A_115 = tpu.memref_slice %arg8[%dma_wait3A_114] : memref<8192xi32, #tpu.memory_space<vmem>> -> memref<2048xi32, #tpu.memory_space<vmem>>
      %dma_wait3A_116 = tpu.memref_slice %arg5[%add3A_8] : memref<262144xi32, #tpu.memory_space<hbm>> -> memref<2048xi32, #tpu.memory_space<hbm>>
      %dma_wait3A_117 = arith.constant 0 : i32
      %dma_wait3A_118 = tpu.memref_slice %arg8[%dma_wait3A_117] : memref<8192xi32, #tpu.memory_space<vmem>> -> memref<2048xi32, #tpu.memory_space<vmem>>
      %dma_wait3A_119 = tpu.memref_slice %arg5[%add3A_8] : memref<262144xi32, #tpu.memory_space<hbm>> -> memref<2048xi32, #tpu.memory_space<hbm>>
      tpu.wait_dma2 semaphore(%run_scoped3A : memref<!tpu.dma_semaphore, #tpu.memory_space<semaphore_mem>>) src(%dma_wait3A_119 : memref<2048xi32, #tpu.memory_space<hbm>>) dst(%dma_wait3A_118 : memref<2048xi32, #tpu.memory_space<vmem>>)
      tpu.yield
    }) : () -> ()
    %mul3A_9 = arith.constant 2048 : i32
    %mul3A_10 = arith.muli %add3A, %mul3A_9 : i32
    %add3A_11 = arith.constant 65536 : i32
    %add3A_12 = arith.addi %add3A_11, %mul3A_10 : i32
    "tpu.region"() ({
      %run_scoped3A = tpu.sem_alloc : memref<!tpu.dma_semaphore, #tpu.memory_space<semaphore_mem>>
      %dma_start3A_108 = arith.constant 2048 : i32
      %dma_start3A_109 = tpu.memref_slice %arg7[%dma_start3A_108] : memref<8192xi32, #tpu.memory_space<vmem>> -> memref<2048xi32, #tpu.memory_space<vmem>>
      %dma_start3A_110 = tpu.memref_slice %arg4[%add3A_12] : memref<262144xi32, #tpu.memory_space<hbm>> -> memref<2048xi32, #tpu.memory_space<hbm>>
      %dma_start3A_111 = arith.constant 2048 : i32
      %dma_start3A_112 = tpu.memref_slice %arg7[%dma_start3A_111] : memref<8192xi32, #tpu.memory_space<vmem>> -> memref<2048xi32, #tpu.memory_space<vmem>>
      %dma_start3A_113 = tpu.memref_slice %arg4[%add3A_12] : memref<262144xi32, #tpu.memory_space<hbm>> -> memref<2048xi32, #tpu.memory_space<hbm>>
      tpu.enqueue_dma source(%dma_start3A_113 : memref<2048xi32, #tpu.memory_space<hbm>>) target(%dma_start3A_112 : memref<2048xi32, #tpu.memory_space<vmem>>) target_semaphore(%run_scoped3A : memref<!tpu.dma_semaphore, #tpu.memory_space<semaphore_mem>>)
      %dma_wait3A_114 = arith.constant 2048 : i32
      %dma_wait3A_115 = tpu.memref_slice %arg7[%dma_wait3A_114] : memref<8192xi32, #tpu.memory_space<vmem>> -> memref<2048xi32, #tpu.memory_space<vmem>>
      %dma_wait3A_116 = tpu.memref_slice %arg4[%add3A_12] : memref<262144xi32, #tpu.memory_space<hbm>> -> memref<2048xi32, #tpu.memory_space<hbm>>
      %dma_wait3A_117 = arith.constant 2048 : i32
      %dma_wait3A_118 = tpu.memref_slice %arg7[%dma_wait3A_117] : memref<8192xi32, #tpu.memory_space<vmem>> -> memref<2048xi32, #tpu.memory_space<vmem>>
      %dma_wait3A_119 = tpu.memref_slice %arg4[%add3A_12] : memref<262144xi32, #tpu.memory_space<hbm>> -> memref<2048xi32, #tpu.memory_space<hbm>>
      tpu.wait_dma2 semaphore(%run_scoped3A : memref<!tpu.dma_semaphore, #tpu.memory_space<semaphore_mem>>) src(%dma_wait3A_119 : memref<2048xi32, #tpu.memory_space<hbm>>) dst(%dma_wait3A_118 : memref<2048xi32, #tpu.memory_space<vmem>>)
      tpu.yield
    }) : () -> ()
    %mul3A_13 = arith.constant 2048 : i32
    %mul3A_14 = arith.muli %add3A, %mul3A_13 : i32
    %add3A_15 = arith.constant 65536 : i32
    %add3A_16 = arith.addi %add3A_15, %mul3A_14 : i32
    "tpu.region"() ({
      %run_scoped3A = tpu.sem_alloc : memref<!tpu.dma_semaphore, #tpu.memory_space<semaphore_mem>>
      %dma_start3A_108 = arith.constant 2048 : i32
      %dma_start3A_109 = tpu.memref_slice %arg8[%dma_start3A_108] : memref<8192xi32, #tpu.memory_space<vmem>> -> memref<2048xi32, #tpu.memory_space<vmem>>
      %dma_start3A_110 = tpu.memref_slice %arg5[%add3A_16] : memref<262144xi32, #tpu.memory_space<hbm>> -> memref<2048xi32, #tpu.memory_space<hbm>>
      %dma_start3A_111 = arith.constant 2048 : i32
      %dma_start3A_112 = tpu.memref_slice %arg8[%dma_start3A_111] : memref<8192xi32, #tpu.memory_space<vmem>> -> memref<2048xi32, #tpu.memory_space<vmem>>
      %dma_start3A_113 = tpu.memref_slice %arg5[%add3A_16] : memref<262144xi32, #tpu.memory_space<hbm>> -> memref<2048xi32, #tpu.memory_space<hbm>>
      tpu.enqueue_dma source(%dma_start3A_113 : memref<2048xi32, #tpu.memory_space<hbm>>) target(%dma_start3A_112 : memref<2048xi32, #tpu.memory_space<vmem>>) target_semaphore(%run_scoped3A : memref<!tpu.dma_semaphore, #tpu.memory_space<semaphore_mem>>)
      %dma_wait3A_114 = arith.constant 2048 : i32
      %dma_wait3A_115 = tpu.memref_slice %arg8[%dma_wait3A_114] : memref<8192xi32, #tpu.memory_space<vmem>> -> memref<2048xi32, #tpu.memory_space<vmem>>
      %dma_wait3A_116 = tpu.memref_slice %arg5[%add3A_16] : memref<262144xi32, #tpu.memory_space<hbm>> -> memref<2048xi32, #tpu.memory_space<hbm>>
      %dma_wait3A_117 = arith.constant 2048 : i32
      %dma_wait3A_118 = tpu.memref_slice %arg8[%dma_wait3A_117] : memref<8192xi32, #tpu.memory_space<vmem>> -> memref<2048xi32, #tpu.memory_space<vmem>>
      %dma_wait3A_119 = tpu.memref_slice %arg5[%add3A_16] : memref<262144xi32, #tpu.memory_space<hbm>> -> memref<2048xi32, #tpu.memory_space<hbm>>
      tpu.wait_dma2 semaphore(%run_scoped3A : memref<!tpu.dma_semaphore, #tpu.memory_space<semaphore_mem>>) src(%dma_wait3A_119 : memref<2048xi32, #tpu.memory_space<hbm>>) dst(%dma_wait3A_118 : memref<2048xi32, #tpu.memory_space<vmem>>)
      tpu.yield
    }) : () -> ()
    %mul3A_17 = arith.constant 2048 : i32
    %mul3A_18 = arith.muli %add3A, %mul3A_17 : i32
    %add3A_19 = arith.constant 131072 : i32
    %add3A_20 = arith.addi %add3A_19, %mul3A_18 : i32
    "tpu.region"() ({
      %run_scoped3A = tpu.sem_alloc : memref<!tpu.dma_semaphore, #tpu.memory_space<semaphore_mem>>
      %dma_start3A_108 = arith.constant 4096 : i32
      %dma_start3A_109 = tpu.memref_slice %arg7[%dma_start3A_108] : memref<8192xi32, #tpu.memory_space<vmem>> -> memref<2048xi32, #tpu.memory_space<vmem>>
      %dma_start3A_110 = tpu.memref_slice %arg4[%add3A_20] : memref<262144xi32, #tpu.memory_space<hbm>> -> memref<2048xi32, #tpu.memory_space<hbm>>
      %dma_start3A_111 = arith.constant 4096 : i32
      %dma_start3A_112 = tpu.memref_slice %arg7[%dma_start3A_111] : memref<8192xi32, #tpu.memory_space<vmem>> -> memref<2048xi32, #tpu.memory_space<vmem>>
      %dma_start3A_113 = tpu.memref_slice %arg4[%add3A_20] : memref<262144xi32, #tpu.memory_space<hbm>> -> memref<2048xi32, #tpu.memory_space<hbm>>
      tpu.enqueue_dma source(%dma_start3A_113 : memref<2048xi32, #tpu.memory_space<hbm>>) target(%dma_start3A_112 : memref<2048xi32, #tpu.memory_space<vmem>>) target_semaphore(%run_scoped3A : memref<!tpu.dma_semaphore, #tpu.memory_space<semaphore_mem>>)
      %dma_wait3A_114 = arith.constant 4096 : i32
      %dma_wait3A_115 = tpu.memref_slice %arg7[%dma_wait3A_114] : memref<8192xi32, #tpu.memory_space<vmem>> -> memref<2048xi32, #tpu.memory_space<vmem>>
      %dma_wait3A_116 = tpu.memref_slice %arg4[%add3A_20] : memref<262144xi32, #tpu.memory_space<hbm>> -> memref<2048xi32, #tpu.memory_space<hbm>>
      %dma_wait3A_117 = arith.constant 4096 : i32
      %dma_wait3A_118 = tpu.memref_slice %arg7[%dma_wait3A_117] : memref<8192xi32, #tpu.memory_space<vmem>> -> memref<2048xi32, #tpu.memory_space<vmem>>
      %dma_wait3A_119 = tpu.memref_slice %arg4[%add3A_20] : memref<262144xi32, #tpu.memory_space<hbm>> -> memref<2048xi32, #tpu.memory_space<hbm>>
      tpu.wait_dma2 semaphore(%run_scoped3A : memref<!tpu.dma_semaphore, #tpu.memory_space<semaphore_mem>>) src(%dma_wait3A_119 : memref<2048xi32, #tpu.memory_space<hbm>>) dst(%dma_wait3A_118 : memref<2048xi32, #tpu.memory_space<vmem>>)
      tpu.yield
    }) : () -> ()
    %mul3A_21 = arith.constant 2048 : i32
    %mul3A_22 = arith.muli %add3A, %mul3A_21 : i32
    %add3A_23 = arith.constant 131072 : i32
    %add3A_24 = arith.addi %add3A_23, %mul3A_22 : i32
    "tpu.region"() ({
      %run_scoped3A = tpu.sem_alloc : memref<!tpu.dma_semaphore, #tpu.memory_space<semaphore_mem>>
      %dma_start3A_108 = arith.constant 4096 : i32
      %dma_start3A_109 = tpu.memref_slice %arg8[%dma_start3A_108] : memref<8192xi32, #tpu.memory_space<vmem>> -> memref<2048xi32, #tpu.memory_space<vmem>>
      %dma_start3A_110 = tpu.memref_slice %arg5[%add3A_24] : memref<262144xi32, #tpu.memory_space<hbm>> -> memref<2048xi32, #tpu.memory_space<hbm>>
      %dma_start3A_111 = arith.constant 4096 : i32
      %dma_start3A_112 = tpu.memref_slice %arg8[%dma_start3A_111] : memref<8192xi32, #tpu.memory_space<vmem>> -> memref<2048xi32, #tpu.memory_space<vmem>>
      %dma_start3A_113 = tpu.memref_slice %arg5[%add3A_24] : memref<262144xi32, #tpu.memory_space<hbm>> -> memref<2048xi32, #tpu.memory_space<hbm>>
      tpu.enqueue_dma source(%dma_start3A_113 : memref<2048xi32, #tpu.memory_space<hbm>>) target(%dma_start3A_112 : memref<2048xi32, #tpu.memory_space<vmem>>) target_semaphore(%run_scoped3A : memref<!tpu.dma_semaphore, #tpu.memory_space<semaphore_mem>>)
      %dma_wait3A_114 = arith.constant 4096 : i32
      %dma_wait3A_115 = tpu.memref_slice %arg8[%dma_wait3A_114] : memref<8192xi32, #tpu.memory_space<vmem>> -> memref<2048xi32, #tpu.memory_space<vmem>>
      %dma_wait3A_116 = tpu.memref_slice %arg5[%add3A_24] : memref<262144xi32, #tpu.memory_space<hbm>> -> memref<2048xi32, #tpu.memory_space<hbm>>
      %dma_wait3A_117 = arith.constant 4096 : i32
      %dma_wait3A_118 = tpu.memref_slice %arg8[%dma_wait3A_117] : memref<8192xi32, #tpu.memory_space<vmem>> -> memref<2048xi32, #tpu.memory_space<vmem>>
      %dma_wait3A_119 = tpu.memref_slice %arg5[%add3A_24] : memref<262144xi32, #tpu.memory_space<hbm>> -> memref<2048xi32, #tpu.memory_space<hbm>>
      tpu.wait_dma2 semaphore(%run_scoped3A : memref<!tpu.dma_semaphore, #tpu.memory_space<semaphore_mem>>) src(%dma_wait3A_119 : memref<2048xi32, #tpu.memory_space<hbm>>) dst(%dma_wait3A_118 : memref<2048xi32, #tpu.memory_space<vmem>>)
      tpu.yield
    }) : () -> ()
    %mul3A_25 = arith.constant 2048 : i32
    %mul3A_26 = arith.muli %add3A, %mul3A_25 : i32
    %add3A_27 = arith.constant 196608 : i32
    %add3A_28 = arith.addi %add3A_27, %mul3A_26 : i32
    "tpu.region"() ({
      %run_scoped3A = tpu.sem_alloc : memref<!tpu.dma_semaphore, #tpu.memory_space<semaphore_mem>>
      %dma_start3A_108 = arith.constant 6144 : i32
      %dma_start3A_109 = tpu.memref_slice %arg7[%dma_start3A_108] : memref<8192xi32, #tpu.memory_space<vmem>> -> memref<2048xi32, #tpu.memory_space<vmem>>
      %dma_start3A_110 = tpu.memref_slice %arg4[%add3A_28] : memref<262144xi32, #tpu.memory_space<hbm>> -> memref<2048xi32, #tpu.memory_space<hbm>>
      %dma_start3A_111 = arith.constant 6144 : i32
      %dma_start3A_112 = tpu.memref_slice %arg7[%dma_start3A_111] : memref<8192xi32, #tpu.memory_space<vmem>> -> memref<2048xi32, #tpu.memory_space<vmem>>
      %dma_start3A_113 = tpu.memref_slice %arg4[%add3A_28] : memref<262144xi32, #tpu.memory_space<hbm>> -> memref<2048xi32, #tpu.memory_space<hbm>>
      tpu.enqueue_dma source(%dma_start3A_113 : memref<2048xi32, #tpu.memory_space<hbm>>) target(%dma_start3A_112 : memref<2048xi32, #tpu.memory_space<vmem>>) target_semaphore(%run_scoped3A : memref<!tpu.dma_semaphore, #tpu.memory_space<semaphore_mem>>)
      %dma_wait3A_114 = arith.constant 6144 : i32
      %dma_wait3A_115 = tpu.memref_slice %arg7[%dma_wait3A_114] : memref<8192xi32, #tpu.memory_space<vmem>> -> memref<2048xi32, #tpu.memory_space<vmem>>
      %dma_wait3A_116 = tpu.memref_slice %arg4[%add3A_28] : memref<262144xi32, #tpu.memory_space<hbm>> -> memref<2048xi32, #tpu.memory_space<hbm>>
      %dma_wait3A_117 = arith.constant 6144 : i32
      %dma_wait3A_118 = tpu.memref_slice %arg7[%dma_wait3A_117] : memref<8192xi32, #tpu.memory_space<vmem>> -> memref<2048xi32, #tpu.memory_space<vmem>>
      %dma_wait3A_119 = tpu.memref_slice %arg4[%add3A_28] : memref<262144xi32, #tpu.memory_space<hbm>> -> memref<2048xi32, #tpu.memory_space<hbm>>
      tpu.wait_dma2 semaphore(%run_scoped3A : memref<!tpu.dma_semaphore, #tpu.memory_space<semaphore_mem>>) src(%dma_wait3A_119 : memref<2048xi32, #tpu.memory_space<hbm>>) dst(%dma_wait3A_118 : memref<2048xi32, #tpu.memory_space<vmem>>)
      tpu.yield
    }) : () -> ()
    %mul3A_29 = arith.constant 2048 : i32
    %mul3A_30 = arith.muli %add3A, %mul3A_29 : i32
    %add3A_31 = arith.constant 196608 : i32
    %add3A_32 = arith.addi %add3A_31, %mul3A_30 : i32
    "tpu.region"() ({
      %run_scoped3A = tpu.sem_alloc : memref<!tpu.dma_semaphore, #tpu.memory_space<semaphore_mem>>
      %dma_start3A_108 = arith.constant 6144 : i32
      %dma_start3A_109 = tpu.memref_slice %arg8[%dma_start3A_108] : memref<8192xi32, #tpu.memory_space<vmem>> -> memref<2048xi32, #tpu.memory_space<vmem>>
      %dma_start3A_110 = tpu.memref_slice %arg5[%add3A_32] : memref<262144xi32, #tpu.memory_space<hbm>> -> memref<2048xi32, #tpu.memory_space<hbm>>
      %dma_start3A_111 = arith.constant 6144 : i32
      %dma_start3A_112 = tpu.memref_slice %arg8[%dma_start3A_111] : memref<8192xi32, #tpu.memory_space<vmem>> -> memref<2048xi32, #tpu.memory_space<vmem>>
      %dma_start3A_113 = tpu.memref_slice %arg5[%add3A_32] : memref<262144xi32, #tpu.memory_space<hbm>> -> memref<2048xi32, #tpu.memory_space<hbm>>
      tpu.enqueue_dma source(%dma_start3A_113 : memref<2048xi32, #tpu.memory_space<hbm>>) target(%dma_start3A_112 : memref<2048xi32, #tpu.memory_space<vmem>>) target_semaphore(%run_scoped3A : memref<!tpu.dma_semaphore, #tpu.memory_space<semaphore_mem>>)
      %dma_wait3A_114 = arith.constant 6144 : i32
      %dma_wait3A_115 = tpu.memref_slice %arg8[%dma_wait3A_114] : memref<8192xi32, #tpu.memory_space<vmem>> -> memref<2048xi32, #tpu.memory_space<vmem>>
      %dma_wait3A_116 = tpu.memref_slice %arg5[%add3A_32] : memref<262144xi32, #tpu.memory_space<hbm>> -> memref<2048xi32, #tpu.memory_space<hbm>>
      %dma_wait3A_117 = arith.constant 6144 : i32
      %dma_wait3A_118 = tpu.memref_slice %arg8[%dma_wait3A_117] : memref<8192xi32, #tpu.memory_space<vmem>> -> memref<2048xi32, #tpu.memory_space<vmem>>
      %dma_wait3A_119 = tpu.memref_slice %arg5[%add3A_32] : memref<262144xi32, #tpu.memory_space<hbm>> -> memref<2048xi32, #tpu.memory_space<hbm>>
      tpu.wait_dma2 semaphore(%run_scoped3A : memref<!tpu.dma_semaphore, #tpu.memory_space<semaphore_mem>>) src(%dma_wait3A_119 : memref<2048xi32, #tpu.memory_space<hbm>>) dst(%dma_wait3A_118 : memref<2048xi32, #tpu.memory_space<vmem>>)
      tpu.yield
    }) : () -> ()
    %parallel_loop3A = arith.constant 128 : i32
    %parallel_loop3A_33 = arith.constant 512 : i32
    %parallel_loop3A_34 = arith.constant 1 : i32
    scf.for %parallel_loop3A_108 = %parallel_loop3A to %parallel_loop3A_33 step %parallel_loop3A_34  : i32 {
      %parallel_loop3A_109 = arith.constant 128 : i32
      %parallel_loop3A_110 = arith.divsi %parallel_loop3A_108, %parallel_loop3A_109 : i32
      %parallel_loop3A_111 = arith.constant 0 : i32
      %parallel_loop3A_112 = arith.cmpi sgt, %parallel_loop3A_108, %parallel_loop3A_111 : i32
      %parallel_loop3A_113 = arith.extui %parallel_loop3A_112 : i1 to i32
      %parallel_loop3A_114 = arith.constant 0 : i32
      %parallel_loop3A_115 = arith.cmpi slt, %parallel_loop3A_108, %parallel_loop3A_114 : i32
      %parallel_loop3A_116 = arith.extui %parallel_loop3A_115 : i1 to i32
      %parallel_loop3A_117 = arith.subi %parallel_loop3A_113, %parallel_loop3A_116 : i32
      %parallel_loop3A_118 = arith.constant 0 : i32
      %parallel_loop3A_119 = arith.cmpi sgt, %parallel_loop3A_109, %parallel_loop3A_118 : i32
      %parallel_loop3A_120 = arith.extui %parallel_loop3A_119 : i1 to i32
      %parallel_loop3A_121 = arith.constant 0 : i32
      %parallel_loop3A_122 = arith.cmpi slt, %parallel_loop3A_109, %parallel_loop3A_121 : i32
      %parallel_loop3A_123 = arith.extui %parallel_loop3A_122 : i1 to i32
      %parallel_loop3A_124 = arith.subi %parallel_loop3A_120, %parallel_loop3A_123 : i32
      %parallel_loop3A_125 = arith.cmpi ne, %parallel_loop3A_117, %parallel_loop3A_124 : i32
      %parallel_loop3A_126 = arith.remsi %parallel_loop3A_108, %parallel_loop3A_109 : i32
      %parallel_loop3A_127 = arith.constant 0 : i32
      %parallel_loop3A_128 = arith.cmpi ne, %parallel_loop3A_126, %parallel_loop3A_127 : i32
      %parallel_loop3A_129 = arith.andi %parallel_loop3A_125, %parallel_loop3A_128 : i1
      %parallel_loop3A_130 = arith.constant 1 : i32
      %parallel_loop3A_131 = arith.subi %parallel_loop3A_110, %parallel_loop3A_130 : i32
      %parallel_loop3A_132 = arith.select %parallel_loop3A_129, %parallel_loop3A_131, %parallel_loop3A_110 : i32
      %parallel_loop3A_133 = arith.constant 1024 : i32
      %parallel_loop3A_134 = arith.muli %parallel_loop3A_132, %parallel_loop3A_133 : i32
      %parallel_loop3A_135 = arith.constant 16 : i32
      %parallel_loop3A_136 = arith.muli %parallel_loop3A_108, %parallel_loop3A_135 : i32
      %parallel_loop3A_137 = arith.index_cast %parallel_loop3A_136 : i32 to index
      %parallel_loop3A_138 = tpu.vector_load %arg7[%parallel_loop3A_137] {strides = array<i32>} : memref<8192xi32, #tpu.memory_space<vmem>>, vector<16xi32>,
      %parallel_loop3A_139 = vector.broadcast %parallel_loop3A_134 : i32 to vector<16xi32>
      %parallel_loop3A_140 = arith.addi %parallel_loop3A_138, %parallel_loop3A_139 : vector<16xi32>
      %parallel_loop3A_141 = arith.index_cast %parallel_loop3A_136 : i32 to index
      %parallel_loop3A_142 = tpu.vector_load %arg7[%parallel_loop3A_141] {strides = array<i32>} : memref<8192xi32, #tpu.memory_space<vmem>>, vector<16xi32>,
      tpu.vector_store %arg7[%parallel_loop3A_141], %parallel_loop3A_140 {strides = array<i32>} : memref<8192xi32, #tpu.memory_space<vmem>>, vector<16xi32>,
      %parallel_loop3A_143 = arith.index_cast %parallel_loop3A_136 : i32 to index
      %parallel_loop3A_144 = tpu.vector_load %arg8[%parallel_loop3A_143] {strides = array<i32>} : memref<8192xi32, #tpu.memory_space<vmem>>, vector<16xi32>,
      %parallel_loop3A_145 = vector.broadcast %parallel_loop3A_134 : i32 to vector<16xi32>
      %parallel_loop3A_146 = arith.addi %parallel_loop3A_144, %parallel_loop3A_145 : vector<16xi32>
      %parallel_loop3A_147 = arith.index_cast %parallel_loop3A_136 : i32 to index
      %parallel_loop3A_148 = tpu.vector_load %arg8[%parallel_loop3A_147] {strides = array<i32>} : memref<8192xi32, #tpu.memory_space<vmem>>, vector<16xi32>,
      tpu.vector_store %arg8[%parallel_loop3A_147], %parallel_loop3A_146 {strides = array<i32>} : memref<8192xi32, #tpu.memory_space<vmem>>, vector<16xi32>,
    } {sc.loop_unroll_factor = 4 : i64, sc.parallel_access}
    %dma_start3A = arith.constant 0 : i32
    %dma_start3A_35 = arith.constant 0 : i32
    %dma_start3A_36 = arith.constant 0 : i32
    %dma_start3A_37 = tpu.memref_slice %arg9[%dma_start3A, %dma_start3A_35, %dma_start3A_36] : memref<2x128x128xf32, #tpu.memory_space<vmem>> -> memref<1x128x128xf32, #tpu.memory_space<vmem>>
    %dma_start3A_38 = tpu.memref_squeeze %dma_start3A_37 : memref<1x128x128xf32, #tpu.memory_space<vmem>> -> memref<128x128xf32, #tpu.memory_space<vmem>>
    %dma_start3A_39 = arith.constant 0 : i32
    %dma_start3A_40 = tpu.memref_slice %arg7[%dma_start3A_39] : memref<8192xi32, #tpu.memory_space<vmem>> -> memref<128xi32, #tpu.memory_space<vmem>>
    %dma_start3A_41 = arith.constant 0 : i32
    %dma_start3A_42 = arith.constant 0 : i32
    %dma_start3A_43 = tpu.memref_slice %arg2[%dma_start3A_41, %dma_start3A_42] : memref<4096x128xf32, #tpu.memory_space<hbm>> -> memref<4096x128xf32, #tpu.memory_space<hbm>>
    tpu.enqueue_indirect_dma source(%dma_start3A_43 : memref<4096x128xf32, #tpu.memory_space<hbm>>) target(%dma_start3A_38 : memref<128x128xf32, #tpu.memory_space<vmem>>) offsets(%dma_start3A_40 : memref<128xi32, #tpu.memory_space<vmem>>) semaphore(%arg11 : memref<!tpu.dma_semaphore, #tpu.memory_space<semaphore_mem>>)
    %dma_start3A_44 = arith.constant 0 : i32
    %dma_start3A_45 = arith.constant 0 : i32
    %dma_start3A_46 = arith.constant 0 : i32
    %dma_start3A_47 = tpu.memref_slice %arg10[%dma_start3A_44, %dma_start3A_45, %dma_start3A_46] : memref<2x128x128xf32, #tpu.memory_space<vmem>> -> memref<1x128x128xf32, #tpu.memory_space<vmem>>
    %dma_start3A_48 = tpu.memref_squeeze %dma_start3A_47 : memref<1x128x128xf32, #tpu.memory_space<vmem>> -> memref<128x128xf32, #tpu.memory_space<vmem>>
    %dma_start3A_49 = arith.constant 0 : i32
    %dma_start3A_50 = tpu.memref_slice %arg8[%dma_start3A_49] : memref<8192xi32, #tpu.memory_space<vmem>> -> memref<128xi32, #tpu.memory_space<vmem>>
    %dma_start3A_51 = arith.constant 0 : i32
    %dma_start3A_52 = arith.constant 0 : i32
    %dma_start3A_53 = tpu.memref_slice %arg3[%dma_start3A_51, %dma_start3A_52] : memref<4096x128xf32, #tpu.memory_space<hbm>> -> memref<4096x128xf32, #tpu.memory_space<hbm>>
    tpu.enqueue_indirect_dma source(%dma_start3A_53 : memref<4096x128xf32, #tpu.memory_space<hbm>>) target(%dma_start3A_48 : memref<128x128xf32, #tpu.memory_space<vmem>>) offsets(%dma_start3A_50 : memref<128xi32, #tpu.memory_space<vmem>>) semaphore(%arg11 : memref<!tpu.dma_semaphore, #tpu.memory_space<semaphore_mem>>)
    %dma_start3A_54 = arith.constant 1 : i32
    %dma_start3A_55 = arith.constant 0 : i32
    %dma_start3A_56 = arith.constant 0 : i32
    %dma_start3A_57 = tpu.memref_slice %arg9[%dma_start3A_54, %dma_start3A_55, %dma_start3A_56] : memref<2x128x128xf32, #tpu.memory_space<vmem>> -> memref<1x128x128xf32, #tpu.memory_space<vmem>>
    %dma_start3A_58 = tpu.memref_squeeze %dma_start3A_57 : memref<1x128x128xf32, #tpu.memory_space<vmem>> -> memref<128x128xf32, #tpu.memory_space<vmem>>
    %dma_start3A_59 = arith.constant 128 : i32
    %dma_start3A_60 = tpu.memref_slice %arg7[%dma_start3A_59] : memref<8192xi32, #tpu.memory_space<vmem>> -> memref<128xi32, #tpu.memory_space<vmem>>
    %dma_start3A_61 = arith.constant 0 : i32
    %dma_start3A_62 = arith.constant 0 : i32
    %dma_start3A_63 = tpu.memref_slice %arg2[%dma_start3A_61, %dma_start3A_62] : memref<4096x128xf32, #tpu.memory_space<hbm>> -> memref<4096x128xf32, #tpu.memory_space<hbm>>
    tpu.enqueue_indirect_dma source(%dma_start3A_63 : memref<4096x128xf32, #tpu.memory_space<hbm>>) target(%dma_start3A_58 : memref<128x128xf32, #tpu.memory_space<vmem>>) offsets(%dma_start3A_60 : memref<128xi32, #tpu.memory_space<vmem>>) semaphore(%arg12 : memref<!tpu.dma_semaphore, #tpu.memory_space<semaphore_mem>>)
    %dma_start3A_64 = arith.constant 1 : i32
    %dma_start3A_65 = arith.constant 0 : i32
    %dma_start3A_66 = arith.constant 0 : i32
    %dma_start3A_67 = tpu.memref_slice %arg10[%dma_start3A_64, %dma_start3A_65, %dma_start3A_66] : memref<2x128x128xf32, #tpu.memory_space<vmem>> -> memref<1x128x128xf32, #tpu.memory_space<vmem>>
    %dma_start3A_68 = tpu.memref_squeeze %dma_start3A_67 : memref<1x128x128xf32, #tpu.memory_space<vmem>> -> memref<128x128xf32, #tpu.memory_space<vmem>>
    %dma_start3A_69 = arith.constant 128 : i32
    %dma_start3A_70 = tpu.memref_slice %arg8[%dma_start3A_69] : memref<8192xi32, #tpu.memory_space<vmem>> -> memref<128xi32, #tpu.memory_space<vmem>>
    %dma_start3A_71 = arith.constant 0 : i32
    %dma_start3A_72 = arith.constant 0 : i32
    %dma_start3A_73 = tpu.memref_slice %arg3[%dma_start3A_71, %dma_start3A_72] : memref<4096x128xf32, #tpu.memory_space<hbm>> -> memref<4096x128xf32, #tpu.memory_space<hbm>>
    tpu.enqueue_indirect_dma source(%dma_start3A_73 : memref<4096x128xf32, #tpu.memory_space<hbm>>) target(%dma_start3A_68 : memref<128x128xf32, #tpu.memory_space<vmem>>) offsets(%dma_start3A_70 : memref<128xi32, #tpu.memory_space<vmem>>) semaphore(%arg12 : memref<!tpu.dma_semaphore, #tpu.memory_space<semaphore_mem>>)
    %scan3A = arith.constant 0 : i32
    %scan3A_74 = arith.constant 0 : i32
    %scan3A_75 = arith.constant 32 : i32
    %scan3A_76 = arith.addi %scan3A_74, %scan3A_75 : i32
    %scan3A_77 = arith.constant 1 : i32
    scf.for %scan3A_108 = %scan3A_74 to %scan3A_76 step %scan3A_77  : i32 {
      %mul3A_109 = arith.constant 2 : i32
      %mul3A_110 = arith.muli %mul3A_109, %scan3A_108 : i32
      %dma_wait3A_111 = arith.constant 0 : i32
      %dma_wait3A_112 = arith.constant 0 : i32
      %dma_wait3A_113 = arith.constant 0 : i32
      %dma_wait3A_114 = tpu.memref_slice %arg9[%dma_wait3A_111, %dma_wait3A_112, %dma_wait3A_113] : memref<2x128x128xf32, #tpu.memory_space<vmem>> -> memref<1x128x128xf32, #tpu.memory_space<vmem>>
      %dma_wait3A_115 = tpu.memref_squeeze %dma_wait3A_114 : memref<1x128x128xf32, #tpu.memory_space<vmem>> -> memref<128x128xf32, #tpu.memory_space<vmem>>
      %dma_wait3A_116 = arith.constant 0 : i32
      %dma_wait3A_117 = tpu.memref_slice %arg7[%dma_wait3A_116] : memref<8192xi32, #tpu.memory_space<vmem>> -> memref<128xi32, #tpu.memory_space<vmem>>
      %dma_wait3A_118 = arith.constant 0 : i32
      %dma_wait3A_119 = arith.constant 0 : i32
      %dma_wait3A_120 = tpu.memref_slice %arg2[%dma_wait3A_118, %dma_wait3A_119] : memref<4096x128xf32, #tpu.memory_space<hbm>> -> memref<4096x128xf32, #tpu.memory_space<hbm>>
      tpu.wait_indirect_dma semaphore(%arg11 : memref<!tpu.dma_semaphore, #tpu.memory_space<semaphore_mem>>) src(%dma_wait3A_120 : memref<4096x128xf32, #tpu.memory_space<hbm>>) dst(%dma_wait3A_115 : memref<128x128xf32, #tpu.memory_space<vmem>>)
      %dma_wait3A_121 = arith.constant 0 : i32
      %dma_wait3A_122 = arith.constant 0 : i32
      %dma_wait3A_123 = arith.constant 0 : i32
      %dma_wait3A_124 = tpu.memref_slice %arg10[%dma_wait3A_121, %dma_wait3A_122, %dma_wait3A_123] : memref<2x128x128xf32, #tpu.memory_space<vmem>> -> memref<1x128x128xf32, #tpu.memory_space<vmem>>
      %dma_wait3A_125 = tpu.memref_squeeze %dma_wait3A_124 : memref<1x128x128xf32, #tpu.memory_space<vmem>> -> memref<128x128xf32, #tpu.memory_space<vmem>>
      %dma_wait3A_126 = arith.constant 0 : i32
      %dma_wait3A_127 = tpu.memref_slice %arg8[%dma_wait3A_126] : memref<8192xi32, #tpu.memory_space<vmem>> -> memref<128xi32, #tpu.memory_space<vmem>>
      %dma_wait3A_128 = arith.constant 0 : i32
      %dma_wait3A_129 = arith.constant 0 : i32
      %dma_wait3A_130 = tpu.memref_slice %arg3[%dma_wait3A_128, %dma_wait3A_129] : memref<4096x128xf32, #tpu.memory_space<hbm>> -> memref<4096x128xf32, #tpu.memory_space<hbm>>
      tpu.wait_indirect_dma semaphore(%arg11 : memref<!tpu.dma_semaphore, #tpu.memory_space<semaphore_mem>>) src(%dma_wait3A_130 : memref<4096x128xf32, #tpu.memory_space<hbm>>) dst(%dma_wait3A_125 : memref<128x128xf32, #tpu.memory_space<vmem>>)
      %parallel_loop3A_131 = arith.constant 0 : i32
      %parallel_loop3A_132 = arith.constant 128 : i32
      %parallel_loop3A_133 = arith.constant 1 : i32
      scf.for %parallel_loop3A_254 = %parallel_loop3A_131 to %parallel_loop3A_132 step %parallel_loop3A_133  : i32 {
        %parallel_loop3A_255 = arith.constant 0 : i32
        %parallel_loop3A_256 = arith.index_cast %parallel_loop3A_255 : i32 to index
        %parallel_loop3A_257 = arith.index_cast %parallel_loop3A_254 : i32 to index
        %parallel_loop3A_258 = arith.constant 0 : index
        %parallel_loop3A_259 = tpu.vector_load %arg9[%parallel_loop3A_256, %parallel_loop3A_257, %parallel_loop3A_258] {strides = array<i32>} : memref<2x128x128xf32, #tpu.memory_space<vmem>>, vector<16xf32>,
        %parallel_loop3A_260 = arith.constant 0 : i32
        %parallel_loop3A_261 = arith.index_cast %parallel_loop3A_260 : i32 to index
        %parallel_loop3A_262 = arith.index_cast %parallel_loop3A_254 : i32 to index
        %parallel_loop3A_263 = arith.constant 0 : index
        %parallel_loop3A_264 = tpu.vector_load %arg10[%parallel_loop3A_261, %parallel_loop3A_262, %parallel_loop3A_263] {strides = array<i32>} : memref<2x128x128xf32, #tpu.memory_space<vmem>>, vector<16xf32>,
        %parallel_loop3A_265 = arith.addf %parallel_loop3A_259, %parallel_loop3A_264 : vector<16xf32>
        %parallel_loop3A_266 = arith.constant 0 : i32
        %parallel_loop3A_267 = arith.index_cast %parallel_loop3A_266 : i32 to index
        %parallel_loop3A_268 = arith.index_cast %parallel_loop3A_254 : i32 to index
        %parallel_loop3A_269 = arith.constant 0 : index
        %parallel_loop3A_270 = tpu.vector_load %arg9[%parallel_loop3A_267, %parallel_loop3A_268, %parallel_loop3A_269] {strides = array<i32>} : memref<2x128x128xf32, #tpu.memory_space<vmem>>, vector<16xf32>,
        tpu.vector_store %arg9[%parallel_loop3A_267, %parallel_loop3A_268, %parallel_loop3A_269], %parallel_loop3A_265 {strides = array<i32>} : memref<2x128x128xf32, #tpu.memory_space<vmem>>, vector<16xf32>,
        %parallel_loop3A_271 = arith.constant 0 : i32
        %parallel_loop3A_272 = arith.index_cast %parallel_loop3A_271 : i32 to index
        %parallel_loop3A_273 = arith.index_cast %parallel_loop3A_254 : i32 to index
        %parallel_loop3A_274 = arith.constant 16 : index
        %parallel_loop3A_275 = tpu.vector_load %arg9[%parallel_loop3A_272, %parallel_loop3A_273, %parallel_loop3A_274] {strides = array<i32>} : memref<2x128x128xf32, #tpu.memory_space<vmem>>, vector<16xf32>,
        %parallel_loop3A_276 = arith.constant 0 : i32
        %parallel_loop3A_277 = arith.index_cast %parallel_loop3A_276 : i32 to index
        %parallel_loop3A_278 = arith.index_cast %parallel_loop3A_254 : i32 to index
        %parallel_loop3A_279 = arith.constant 16 : index
        %parallel_loop3A_280 = tpu.vector_load %arg10[%parallel_loop3A_277, %parallel_loop3A_278, %parallel_loop3A_279] {strides = array<i32>} : memref<2x128x128xf32, #tpu.memory_space<vmem>>, vector<16xf32>,
        %parallel_loop3A_281 = arith.addf %parallel_loop3A_275, %parallel_loop3A_280 : vector<16xf32>
        %parallel_loop3A_282 = arith.constant 0 : i32
        %parallel_loop3A_283 = arith.index_cast %parallel_loop3A_282 : i32 to index
        %parallel_loop3A_284 = arith.index_cast %parallel_loop3A_254 : i32 to index
        %parallel_loop3A_285 = arith.constant 16 : index
        %parallel_loop3A_286 = tpu.vector_load %arg9[%parallel_loop3A_283, %parallel_loop3A_284, %parallel_loop3A_285] {strides = array<i32>} : memref<2x128x128xf32, #tpu.memory_space<vmem>>, vector<16xf32>,
        tpu.vector_store %arg9[%parallel_loop3A_283, %parallel_loop3A_284, %parallel_loop3A_285], %parallel_loop3A_281 {strides = array<i32>} : memref<2x128x128xf32, #tpu.memory_space<vmem>>, vector<16xf32>,
        %parallel_loop3A_287 = arith.constant 0 : i32
        %parallel_loop3A_288 = arith.index_cast %parallel_loop3A_287 : i32 to index
        %parallel_loop3A_289 = arith.index_cast %parallel_loop3A_254 : i32 to index
        %parallel_loop3A_290 = arith.constant 32 : index
        %parallel_loop3A_291 = tpu.vector_load %arg9[%parallel_loop3A_288, %parallel_loop3A_289, %parallel_loop3A_290] {strides = array<i32>} : memref<2x128x128xf32, #tpu.memory_space<vmem>>, vector<16xf32>,
        %parallel_loop3A_292 = arith.constant 0 : i32
        %parallel_loop3A_293 = arith.index_cast %parallel_loop3A_292 : i32 to index
        %parallel_loop3A_294 = arith.index_cast %parallel_loop3A_254 : i32 to index
        %parallel_loop3A_295 = arith.constant 32 : index
        %parallel_loop3A_296 = tpu.vector_load %arg10[%parallel_loop3A_293, %parallel_loop3A_294, %parallel_loop3A_295] {strides = array<i32>} : memref<2x128x128xf32, #tpu.memory_space<vmem>>, vector<16xf32>,
        %parallel_loop3A_297 = arith.addf %parallel_loop3A_291, %parallel_loop3A_296 : vector<16xf32>
        %parallel_loop3A_298 = arith.constant 0 : i32
        %parallel_loop3A_299 = arith.index_cast %parallel_loop3A_298 : i32 to index
        %parallel_loop3A_300 = arith.index_cast %parallel_loop3A_254 : i32 to index
        %parallel_loop3A_301 = arith.constant 32 : index
        %parallel_loop3A_302 = tpu.vector_load %arg9[%parallel_loop3A_299, %parallel_loop3A_300, %parallel_loop3A_301] {strides = array<i32>} : memref<2x128x128xf32, #tpu.memory_space<vmem>>, vector<16xf32>,
        tpu.vector_store %arg9[%parallel_loop3A_299, %parallel_loop3A_300, %parallel_loop3A_301], %parallel_loop3A_297 {strides = array<i32>} : memref<2x128x128xf32, #tpu.memory_space<vmem>>, vector<16xf32>,
        %parallel_loop3A_303 = arith.constant 0 : i32
        %parallel_loop3A_304 = arith.index_cast %parallel_loop3A_303 : i32 to index
        %parallel_loop3A_305 = arith.index_cast %parallel_loop3A_254 : i32 to index
        %parallel_loop3A_306 = arith.constant 48 : index
        %parallel_loop3A_307 = tpu.vector_load %arg9[%parallel_loop3A_304, %parallel_loop3A_305, %parallel_loop3A_306] {strides = array<i32>} : memref<2x128x128xf32, #tpu.memory_space<vmem>>, vector<16xf32>,
        %parallel_loop3A_308 = arith.constant 0 : i32
        %parallel_loop3A_309 = arith.index_cast %parallel_loop3A_308 : i32 to index
        %parallel_loop3A_310 = arith.index_cast %parallel_loop3A_254 : i32 to index
        %parallel_loop3A_311 = arith.constant 48 : index
        %parallel_loop3A_312 = tpu.vector_load %arg10[%parallel_loop3A_309, %parallel_loop3A_310, %parallel_loop3A_311] {strides = array<i32>} : memref<2x128x128xf32, #tpu.memory_space<vmem>>, vector<16xf32>,
        %parallel_loop3A_313 = arith.addf %parallel_loop3A_307, %parallel_loop3A_312 : vector<16xf32>
        %parallel_loop3A_314 = arith.constant 0 : i32
        %parallel_loop3A_315 = arith.index_cast %parallel_loop3A_314 : i32 to index
        %parallel_loop3A_316 = arith.index_cast %parallel_loop3A_254 : i32 to index
        %parallel_loop3A_317 = arith.constant 48 : index
        %parallel_loop3A_318 = tpu.vector_load %arg9[%parallel_loop3A_315, %parallel_loop3A_316, %parallel_loop3A_317] {strides = array<i32>} : memref<2x128x128xf32, #tpu.memory_space<vmem>>, vector<16xf32>,
        tpu.vector_store %arg9[%parallel_loop3A_315, %parallel_loop3A_316, %parallel_loop3A_317], %parallel_loop3A_313 {strides = array<i32>} : memref<2x128x128xf32, #tpu.memory_space<vmem>>, vector<16xf32>,
        %parallel_loop3A_319 = arith.constant 0 : i32
        %parallel_loop3A_320 = arith.index_cast %parallel_loop3A_319 : i32 to index
        %parallel_loop3A_321 = arith.index_cast %parallel_loop3A_254 : i32 to index
        %parallel_loop3A_322 = arith.constant 64 : index
        %parallel_loop3A_323 = tpu.vector_load %arg9[%parallel_loop3A_320, %parallel_loop3A_321, %parallel_loop3A_322] {strides = array<i32>} : memref<2x128x128xf32, #tpu.memory_space<vmem>>, vector<16xf32>,
        %parallel_loop3A_324 = arith.constant 0 : i32
        %parallel_loop3A_325 = arith.index_cast %parallel_loop3A_324 : i32 to index
        %parallel_loop3A_326 = arith.index_cast %parallel_loop3A_254 : i32 to index
        %parallel_loop3A_327 = arith.constant 64 : index
        %parallel_loop3A_328 = tpu.vector_load %arg10[%parallel_loop3A_325, %parallel_loop3A_326, %parallel_loop3A_327] {strides = array<i32>} : memref<2x128x128xf32, #tpu.memory_space<vmem>>, vector<16xf32>,
        %parallel_loop3A_329 = arith.addf %parallel_loop3A_323, %parallel_loop3A_328 : vector<16xf32>
        %parallel_loop3A_330 = arith.constant 0 : i32
        %parallel_loop3A_331 = arith.index_cast %parallel_loop3A_330 : i32 to index
        %parallel_loop3A_332 = arith.index_cast %parallel_loop3A_254 : i32 to index
        %parallel_loop3A_333 = arith.constant 64 : index
        %parallel_loop3A_334 = tpu.vector_load %arg9[%parallel_loop3A_331, %parallel_loop3A_332, %parallel_loop3A_333] {strides = array<i32>} : memref<2x128x128xf32, #tpu.memory_space<vmem>>, vector<16xf32>,
        tpu.vector_store %arg9[%parallel_loop3A_331, %parallel_loop3A_332, %parallel_loop3A_333], %parallel_loop3A_329 {strides = array<i32>} : memref<2x128x128xf32, #tpu.memory_space<vmem>>, vector<16xf32>,
        %parallel_loop3A_335 = arith.constant 0 : i32
        %parallel_loop3A_336 = arith.index_cast %parallel_loop3A_335 : i32 to index
        %parallel_loop3A_337 = arith.index_cast %parallel_loop3A_254 : i32 to index
        %parallel_loop3A_338 = arith.constant 80 : index
        %parallel_loop3A_339 = tpu.vector_load %arg9[%parallel_loop3A_336, %parallel_loop3A_337, %parallel_loop3A_338] {strides = array<i32>} : memref<2x128x128xf32, #tpu.memory_space<vmem>>, vector<16xf32>,
        %parallel_loop3A_340 = arith.constant 0 : i32
        %parallel_loop3A_341 = arith.index_cast %parallel_loop3A_340 : i32 to index
        %parallel_loop3A_342 = arith.index_cast %parallel_loop3A_254 : i32 to index
        %parallel_loop3A_343 = arith.constant 80 : index
        %parallel_loop3A_344 = tpu.vector_load %arg10[%parallel_loop3A_341, %parallel_loop3A_342, %parallel_loop3A_343] {strides = array<i32>} : memref<2x128x128xf32, #tpu.memory_space<vmem>>, vector<16xf32>,
        %parallel_loop3A_345 = arith.addf %parallel_loop3A_339, %parallel_loop3A_344 : vector<16xf32>
        %parallel_loop3A_346 = arith.constant 0 : i32
        %parallel_loop3A_347 = arith.index_cast %parallel_loop3A_346 : i32 to index
        %parallel_loop3A_348 = arith.index_cast %parallel_loop3A_254 : i32 to index
        %parallel_loop3A_349 = arith.constant 80 : index
        %parallel_loop3A_350 = tpu.vector_load %arg9[%parallel_loop3A_347, %parallel_loop3A_348, %parallel_loop3A_349] {strides = array<i32>} : memref<2x128x128xf32, #tpu.memory_space<vmem>>, vector<16xf32>,
        tpu.vector_store %arg9[%parallel_loop3A_347, %parallel_loop3A_348, %parallel_loop3A_349], %parallel_loop3A_345 {strides = array<i32>} : memref<2x128x128xf32, #tpu.memory_space<vmem>>, vector<16xf32>,
        %parallel_loop3A_351 = arith.constant 0 : i32
        %parallel_loop3A_352 = arith.index_cast %parallel_loop3A_351 : i32 to index
        %parallel_loop3A_353 = arith.index_cast %parallel_loop3A_254 : i32 to index
        %parallel_loop3A_354 = arith.constant 96 : index
        %parallel_loop3A_355 = tpu.vector_load %arg9[%parallel_loop3A_352, %parallel_loop3A_353, %parallel_loop3A_354] {strides = array<i32>} : memref<2x128x128xf32, #tpu.memory_space<vmem>>, vector<16xf32>,
        %parallel_loop3A_356 = arith.constant 0 : i32
        %parallel_loop3A_357 = arith.index_cast %parallel_loop3A_356 : i32 to index
        %parallel_loop3A_358 = arith.index_cast %parallel_loop3A_254 : i32 to index
        %parallel_loop3A_359 = arith.constant 96 : index
        %parallel_loop3A_360 = tpu.vector_load %arg10[%parallel_loop3A_357, %parallel_loop3A_358, %parallel_loop3A_359] {strides = array<i32>} : memref<2x128x128xf32, #tpu.memory_space<vmem>>, vector<16xf32>,
        %parallel_loop3A_361 = arith.addf %parallel_loop3A_355, %parallel_loop3A_360 : vector<16xf32>
        %parallel_loop3A_362 = arith.constant 0 : i32
        %parallel_loop3A_363 = arith.index_cast %parallel_loop3A_362 : i32 to index
        %parallel_loop3A_364 = arith.index_cast %parallel_loop3A_254 : i32 to index
        %parallel_loop3A_365 = arith.constant 96 : index
        %parallel_loop3A_366 = tpu.vector_load %arg9[%parallel_loop3A_363, %parallel_loop3A_364, %parallel_loop3A_365] {strides = array<i32>} : memref<2x128x128xf32, #tpu.memory_space<vmem>>, vector<16xf32>,
        tpu.vector_store %arg9[%parallel_loop3A_363, %parallel_loop3A_364, %parallel_loop3A_365], %parallel_loop3A_361 {strides = array<i32>} : memref<2x128x128xf32, #tpu.memory_space<vmem>>, vector<16xf32>,
        %parallel_loop3A_367 = arith.constant 0 : i32
        %parallel_loop3A_368 = arith.index_cast %parallel_loop3A_367 : i32 to index
        %parallel_loop3A_369 = arith.index_cast %parallel_loop3A_254 : i32 to index
        %parallel_loop3A_370 = arith.constant 112 : index
        %parallel_loop3A_371 = tpu.vector_load %arg9[%parallel_loop3A_368, %parallel_loop3A_369, %parallel_loop3A_370] {strides = array<i32>} : memref<2x128x128xf32, #tpu.memory_space<vmem>>, vector<16xf32>,
        %parallel_loop3A_372 = arith.constant 0 : i32
        %parallel_loop3A_373 = arith.index_cast %parallel_loop3A_372 : i32 to index
        %parallel_loop3A_374 = arith.index_cast %parallel_loop3A_254 : i32 to index
        %parallel_loop3A_375 = arith.constant 112 : index
        %parallel_loop3A_376 = tpu.vector_load %arg10[%parallel_loop3A_373, %parallel_loop3A_374, %parallel_loop3A_375] {strides = array<i32>} : memref<2x128x128xf32, #tpu.memory_space<vmem>>, vector<16xf32>,
        %parallel_loop3A_377 = arith.addf %parallel_loop3A_371, %parallel_loop3A_376 : vector<16xf32>
        %parallel_loop3A_378 = arith.constant 0 : i32
        %parallel_loop3A_379 = arith.index_cast %parallel_loop3A_378 : i32 to index
        %parallel_loop3A_380 = arith.index_cast %parallel_loop3A_254 : i32 to index
        %parallel_loop3A_381 = arith.constant 112 : index
        %parallel_loop3A_382 = tpu.vector_load %arg9[%parallel_loop3A_379, %parallel_loop3A_380, %parallel_loop3A_381] {strides = array<i32>} : memref<2x128x128xf32, #tpu.memory_space<vmem>>, vector<16xf32>,
        tpu.vector_store %arg9[%parallel_loop3A_379, %parallel_loop3A_380, %parallel_loop3A_381], %parallel_loop3A_377 {strides = array<i32>} : memref<2x128x128xf32, #tpu.memory_space<vmem>>, vector<16xf32>,
      } {sc.loop_unroll_factor = 2 : i64, sc.parallel_access}
      %jit3A = arith.constant 16 : i32
      %div3A = arith.divsi %mul3A_110, %jit3A : i32
      %sign3A = arith.constant 0 : i32
      %sign3A_134 = arith.cmpi sgt, %mul3A_110, %sign3A : i32
      %sign3A_135 = arith.extui %sign3A_134 : i1 to i32
      %sign3A_136 = arith.constant 0 : i32
      %sign3A_137 = arith.cmpi slt, %mul3A_110, %sign3A_136 : i32
      %sign3A_138 = arith.extui %sign3A_137 : i1 to i32
      %sign3A_139 = arith.subi %sign3A_135, %sign3A_138 : i32
      %sign3A_140 = arith.constant 0 : i32
      %sign3A_141 = arith.cmpi sgt, %jit3A, %sign3A_140 : i32
      %sign3A_142 = arith.extui %sign3A_141 : i1 to i32
      %sign3A_143 = arith.constant 0 : i32
      %sign3A_144 = arith.cmpi slt, %jit3A, %sign3A_143 : i32
      %sign3A_145 = arith.extui %sign3A_144 : i1 to i32
      %sign3A_146 = arith.subi %sign3A_142, %sign3A_145 : i32
      %ne3A = arith.cmpi ne, %sign3A_139, %sign3A_146 : i32
      %rem3A = arith.remsi %mul3A_110, %jit3A : i32
      %ne3A_147 = arith.constant 0 : i32
      %ne3A_148 = arith.cmpi ne, %rem3A, %ne3A_147 : i32
      %and3A = arith.andi %ne3A, %ne3A_148 : i1
      %sub3A = arith.constant 1 : i32
      %sub3A_149 = arith.subi %div3A, %sub3A : i32
      %select_n3A = arith.select %and3A, %sub3A_149, %div3A : i32
      %mul3A_150 = arith.constant 65536 : i32
      %mul3A_151 = arith.muli %select_n3A, %mul3A_150 : i32
      %mul3A_152 = arith.constant 2048 : i32
      %mul3A_153 = arith.muli %add3A, %mul3A_152 : i32
      %add3A_154 = arith.addi %mul3A_151, %mul3A_153 : i32
      %mul3A_155 = arith.constant 16 : i32
      %mul3A_156 = arith.muli %select_n3A, %mul3A_155 : i32
      %sub3A_157 = arith.subi %mul3A_110, %mul3A_156 : i32
      %mul3A_158 = arith.constant 128 : i32
      %mul3A_159 = arith.muli %sub3A_157, %mul3A_158 : i32
      %add3A_160 = arith.addi %add3A_154, %mul3A_159 : i32
      %dma_start3A_161 = arith.constant 0 : i32
      %dma_start3A_162 = arith.constant 0 : i32
      %dma_start3A_163 = arith.constant 0 : i32
      %dma_start3A_164 = tpu.memref_slice %arg9[%dma_start3A_161, %dma_start3A_162, %dma_start3A_163] : memref<2x128x128xf32, #tpu.memory_space<vmem>> -> memref<1x128x128xf32, #tpu.memory_space<vmem>>
      %dma_start3A_165 = tpu.memref_squeeze %dma_start3A_164 : memref<1x128x128xf32, #tpu.memory_space<vmem>> -> memref<128x128xf32, #tpu.memory_space<vmem>>
      %dma_start3A_166 = arith.constant 0 : i32
      %dma_start3A_167 = tpu.memref_slice %arg6[%add3A_160, %dma_start3A_166] : memref<262144x128xf32, #tpu.memory_space<hbm>> -> memref<128x128xf32, #tpu.memory_space<hbm>>
      %dma_start3A_168 = arith.constant 0 : i32
      %dma_start3A_169 = tpu.memref_slice %arg6[%add3A_160, %dma_start3A_168] : memref<262144x128xf32, #tpu.memory_space<hbm>> -> memref<128x128xf32, #tpu.memory_space<hbm>>
      %dma_start3A_170 = arith.constant 0 : i32
      %dma_start3A_171 = arith.constant 0 : i32
      %dma_start3A_172 = tpu.memref_slice %arg9[%dma_start3A_161, %dma_start3A_170, %dma_start3A_171] : memref<2x128x128xf32, #tpu.memory_space<vmem>> -> memref<1x128x128xf32, #tpu.memory_space<vmem>>
      %dma_start3A_173 = tpu.memref_squeeze %dma_start3A_172 : memref<1x128x128xf32, #tpu.memory_space<vmem>> -> memref<128x128xf32, #tpu.memory_space<vmem>>
      tpu.enqueue_dma source(%dma_start3A_173 : memref<128x128xf32, #tpu.memory_space<vmem>>) target(%dma_start3A_169 : memref<128x128xf32, #tpu.memory_space<hbm>>) target_semaphore(%arg13 : memref<!tpu.dma_semaphore, #tpu.memory_space<semaphore_mem>>)
      %lt3A = arith.constant 31 : i32
      %lt3A_174 = arith.cmpi slt, %scan3A_108, %lt3A : i32
      %convert_element_type3A = arith.extui %lt3A_174 : i1 to i32
      %cond3A = arith.constant 0 : i32
      %cond3A_175 = arith.cmpi ne, %convert_element_type3A, %cond3A : i32
      scf.if %cond3A_175 {
        %add3A_254 = arith.constant 2 : i32
        %add3A_255 = arith.addi %mul3A_110, %add3A_254 : i32
        %dma_wait3A_256 = arith.constant 0 : i32
        %dma_wait3A_257 = arith.constant 0 : i32
        %dma_wait3A_258 = arith.constant 0 : i32
        %dma_wait3A_259 = tpu.memref_slice %arg9[%dma_wait3A_256, %dma_wait3A_257, %dma_wait3A_258] : memref<2x128x128xf32, #tpu.memory_space<vmem>> -> memref<1x128x128xf32, #tpu.memory_space<vmem>>
        %dma_wait3A_260 = tpu.memref_squeeze %dma_wait3A_259 : memref<1x128x128xf32, #tpu.memory_space<vmem>> -> memref<128x128xf32, #tpu.memory_space<vmem>>
        %dma_wait3A_261 = arith.constant 0 : i32
        %dma_wait3A_262 = arith.constant 0 : i32
        %dma_wait3A_263 = tpu.memref_slice %arg6[%dma_wait3A_261, %dma_wait3A_262] : memref<262144x128xf32, #tpu.memory_space<hbm>> -> memref<128x128xf32, #tpu.memory_space<hbm>>
        %dma_wait3A_264 = arith.constant 0 : i32
        %dma_wait3A_265 = arith.constant 0 : i32
        %dma_wait3A_266 = tpu.memref_slice %arg6[%dma_wait3A_264, %dma_wait3A_265] : memref<262144x128xf32, #tpu.memory_space<hbm>> -> memref<128x128xf32, #tpu.memory_space<hbm>>
        %dma_wait3A_267 = arith.constant 0 : i32
        %dma_wait3A_268 = arith.constant 0 : i32
        %dma_wait3A_269 = tpu.memref_slice %arg9[%dma_wait3A_256, %dma_wait3A_267, %dma_wait3A_268] : memref<2x128x128xf32, #tpu.memory_space<vmem>> -> memref<1x128x128xf32, #tpu.memory_space<vmem>>
        %dma_wait3A_270 = tpu.memref_squeeze %dma_wait3A_269 : memref<1x128x128xf32, #tpu.memory_space<vmem>> -> memref<128x128xf32, #tpu.memory_space<vmem>>
        tpu.wait_dma2 semaphore(%arg13 : memref<!tpu.dma_semaphore, #tpu.memory_space<semaphore_mem>>) src(%dma_wait3A_270 : memref<128x128xf32, #tpu.memory_space<vmem>>) dst(%dma_wait3A_266 : memref<128x128xf32, #tpu.memory_space<hbm>>)
        %mul3A_271 = arith.constant 128 : i32
        %mul3A_272 = arith.muli %add3A_255, %mul3A_271 : i32
        %dma_start3A_273 = arith.constant 0 : i32
        %dma_start3A_274 = arith.constant 0 : i32
        %dma_start3A_275 = arith.constant 0 : i32
        %dma_start3A_276 = tpu.memref_slice %arg9[%dma_start3A_273, %dma_start3A_274, %dma_start3A_275] : memref<2x128x128xf32, #tpu.memory_space<vmem>> -> memref<1x128x128xf32, #tpu.memory_space<vmem>>
        %dma_start3A_277 = tpu.memref_squeeze %dma_start3A_276 : memref<1x128x128xf32, #tpu.memory_space<vmem>> -> memref<128x128xf32, #tpu.memory_space<vmem>>
        %dma_start3A_278 = tpu.memref_slice %arg7[%mul3A_272] : memref<8192xi32, #tpu.memory_space<vmem>> -> memref<128xi32, #tpu.memory_space<vmem>>
        %dma_start3A_279 = arith.constant 0 : i32
        %dma_start3A_280 = arith.constant 0 : i32
        %dma_start3A_281 = tpu.memref_slice %arg2[%dma_start3A_279, %dma_start3A_280] : memref<4096x128xf32, #tpu.memory_space<hbm>> -> memref<4096x128xf32, #tpu.memory_space<hbm>>
        tpu.enqueue_indirect_dma source(%dma_start3A_281 : memref<4096x128xf32, #tpu.memory_space<hbm>>) target(%dma_start3A_277 : memref<128x128xf32, #tpu.memory_space<vmem>>) offsets(%dma_start3A_278 : memref<128xi32, #tpu.memory_space<vmem>>) semaphore(%arg11 : memref<!tpu.dma_semaphore, #tpu.memory_space<semaphore_mem>>)
        %mul3A_282 = arith.constant 128 : i32
        %mul3A_283 = arith.muli %add3A_255, %mul3A_282 : i32
        %dma_start3A_284 = arith.constant 0 : i32
        %dma_start3A_285 = arith.constant 0 : i32
        %dma_start3A_286 = arith.constant 0 : i32
        %dma_start3A_287 = tpu.memref_slice %arg10[%dma_start3A_284, %dma_start3A_285, %dma_start3A_286] : memref<2x128x128xf32, #tpu.memory_space<vmem>> -> memref<1x128x128xf32, #tpu.memory_space<vmem>>
        %dma_start3A_288 = tpu.memref_squeeze %dma_start3A_287 : memref<1x128x128xf32, #tpu.memory_space<vmem>> -> memref<128x128xf32, #tpu.memory_space<vmem>>
        %dma_start3A_289 = tpu.memref_slice %arg8[%mul3A_283] : memref<8192xi32, #tpu.memory_space<vmem>> -> memref<128xi32, #tpu.memory_space<vmem>>
        %dma_start3A_290 = arith.constant 0 : i32
        %dma_start3A_291 = arith.constant 0 : i32
        %dma_start3A_292 = tpu.memref_slice %arg3[%dma_start3A_290, %dma_start3A_291] : memref<4096x128xf32, #tpu.memory_space<hbm>> -> memref<4096x128xf32, #tpu.memory_space<hbm>>
        tpu.enqueue_indirect_dma source(%dma_start3A_292 : memref<4096x128xf32, #tpu.memory_space<hbm>>) target(%dma_start3A_288 : memref<128x128xf32, #tpu.memory_space<vmem>>) offsets(%dma_start3A_289 : memref<128xi32, #tpu.memory_space<vmem>>) semaphore(%arg11 : memref<!tpu.dma_semaphore, #tpu.memory_space<semaphore_mem>>)
      } else {
      }
      %add3A_176 = arith.constant 1 : i32
      %add3A_177 = arith.addi %mul3A_110, %add3A_176 : i32
      %dma_wait3A_178 = arith.constant 1 : i32
      %dma_wait3A_179 = arith.constant 0 : i32
      %dma_wait3A_180 = arith.constant 0 : i32
      %dma_wait3A_181 = tpu.memref_slice %arg9[%dma_wait3A_178, %dma_wait3A_179, %dma_wait3A_180] : memref<2x128x128xf32, #tpu.memory_space<vmem>> -> memref<1x128x128xf32, #tpu.memory_space<vmem>>
      %dma_wait3A_182 = tpu.memref_squeeze %dma_wait3A_181 : memref<1x128x128xf32, #tpu.memory_space<vmem>> -> memref<128x128xf32, #tpu.memory_space<vmem>>
      %dma_wait3A_183 = arith.constant 0 : i32
      %dma_wait3A_184 = tpu.memref_slice %arg7[%dma_wait3A_183] : memref<8192xi32, #tpu.memory_space<vmem>> -> memref<128xi32, #tpu.memory_space<vmem>>
      %dma_wait3A_185 = arith.constant 0 : i32
      %dma_wait3A_186 = arith.constant 0 : i32
      %dma_wait3A_187 = tpu.memref_slice %arg2[%dma_wait3A_185, %dma_wait3A_186] : memref<4096x128xf32, #tpu.memory_space<hbm>> -> memref<4096x128xf32, #tpu.memory_space<hbm>>
      tpu.wait_indirect_dma semaphore(%arg12 : memref<!tpu.dma_semaphore, #tpu.memory_space<semaphore_mem>>) src(%dma_wait3A_187 : memref<4096x128xf32, #tpu.memory_space<hbm>>) dst(%dma_wait3A_182 : memref<128x128xf32, #tpu.memory_space<vmem>>)
      %dma_wait3A_188 = arith.constant 1 : i32
      %dma_wait3A_189 = arith.constant 0 : i32
      %dma_wait3A_190 = arith.constant 0 : i32
      %dma_wait3A_191 = tpu.memref_slice %arg10[%dma_wait3A_188, %dma_wait3A_189, %dma_wait3A_190] : memref<2x128x128xf32, #tpu.memory_space<vmem>> -> memref<1x128x128xf32, #tpu.memory_space<vmem>>
      %dma_wait3A_192 = tpu.memref_squeeze %dma_wait3A_191 : memref<1x128x128xf32, #tpu.memory_space<vmem>> -> memref<128x128xf32, #tpu.memory_space<vmem>>
      %dma_wait3A_193 = arith.constant 0 : i32
      %dma_wait3A_194 = tpu.memref_slice %arg8[%dma_wait3A_193] : memref<8192xi32, #tpu.memory_space<vmem>> -> memref<128xi32, #tpu.memory_space<vmem>>
      %dma_wait3A_195 = arith.constant 0 : i32
      %dma_wait3A_196 = arith.constant 0 : i32
      %dma_wait3A_197 = tpu.memref_slice %arg3[%dma_wait3A_195, %dma_wait3A_196] : memref<4096x128xf32, #tpu.memory_space<hbm>> -> memref<4096x128xf32, #tpu.memory_space<hbm>>
      tpu.wait_indirect_dma semaphore(%arg12 : memref<!tpu.dma_semaphore, #tpu.memory_space<semaphore_mem>>) src(%dma_wait3A_197 : memref<4096x128xf32, #tpu.memory_space<hbm>>) dst(%dma_wait3A_192 : memref<128x128xf32, #tpu.memory_space<vmem>>)
      %parallel_loop3A_198 = arith.constant 0 : i32
      %parallel_loop3A_199 = arith.constant 128 : i32
      %parallel_loop3A_200 = arith.constant 1 : i32
      scf.for %parallel_loop3A_254 = %parallel_loop3A_198 to %parallel_loop3A_199 step %parallel_loop3A_200  : i32 {
        %parallel_loop3A_255 = arith.constant 1 : i32
        %parallel_loop3A_256 = arith.index_cast %parallel_loop3A_255 : i32 to index
        %parallel_loop3A_257 = arith.index_cast %parallel_loop3A_254 : i32 to index
        %parallel_loop3A_258 = arith.constant 0 : index
        %parallel_loop3A_259 = tpu.vector_load %arg9[%parallel_loop3A_256, %parallel_loop3A_257, %parallel_loop3A_258] {strides = array<i32>} : memref<2x128x128xf32, #tpu.memory_space<vmem>>, vector<16xf32>,
        %parallel_loop3A_260 = arith.constant 1 : i32
        %parallel_loop3A_261 = arith.index_cast %parallel_loop3A_260 : i32 to index
        %parallel_loop3A_262 = arith.index_cast %parallel_loop3A_254 : i32 to index
        %parallel_loop3A_263 = arith.constant 0 : index
        %parallel_loop3A_264 = tpu.vector_load %arg10[%parallel_loop3A_261, %parallel_loop3A_262, %parallel_loop3A_263] {strides = array<i32>} : memref<2x128x128xf32, #tpu.memory_space<vmem>>, vector<16xf32>,
        %parallel_loop3A_265 = arith.addf %parallel_loop3A_259, %parallel_loop3A_264 : vector<16xf32>
        %parallel_loop3A_266 = arith.constant 1 : i32
        %parallel_loop3A_267 = arith.index_cast %parallel_loop3A_266 : i32 to index
        %parallel_loop3A_268 = arith.index_cast %parallel_loop3A_254 : i32 to index
        %parallel_loop3A_269 = arith.constant 0 : index
        %parallel_loop3A_270 = tpu.vector_load %arg9[%parallel_loop3A_267, %parallel_loop3A_268, %parallel_loop3A_269] {strides = array<i32>} : memref<2x128x128xf32, #tpu.memory_space<vmem>>, vector<16xf32>,
        tpu.vector_store %arg9[%parallel_loop3A_267, %parallel_loop3A_268, %parallel_loop3A_269], %parallel_loop3A_265 {strides = array<i32>} : memref<2x128x128xf32, #tpu.memory_space<vmem>>, vector<16xf32>,
        %parallel_loop3A_271 = arith.constant 1 : i32
        %parallel_loop3A_272 = arith.index_cast %parallel_loop3A_271 : i32 to index
        %parallel_loop3A_273 = arith.index_cast %parallel_loop3A_254 : i32 to index
        %parallel_loop3A_274 = arith.constant 16 : index
        %parallel_loop3A_275 = tpu.vector_load %arg9[%parallel_loop3A_272, %parallel_loop3A_273, %parallel_loop3A_274] {strides = array<i32>} : memref<2x128x128xf32, #tpu.memory_space<vmem>>, vector<16xf32>,
        %parallel_loop3A_276 = arith.constant 1 : i32
        %parallel_loop3A_277 = arith.index_cast %parallel_loop3A_276 : i32 to index
        %parallel_loop3A_278 = arith.index_cast %parallel_loop3A_254 : i32 to index
        %parallel_loop3A_279 = arith.constant 16 : index
        %parallel_loop3A_280 = tpu.vector_load %arg10[%parallel_loop3A_277, %parallel_loop3A_278, %parallel_loop3A_279] {strides = array<i32>} : memref<2x128x128xf32, #tpu.memory_space<vmem>>, vector<16xf32>,
        %parallel_loop3A_281 = arith.addf %parallel_loop3A_275, %parallel_loop3A_280 : vector<16xf32>
        %parallel_loop3A_282 = arith.constant 1 : i32
        %parallel_loop3A_283 = arith.index_cast %parallel_loop3A_282 : i32 to index
        %parallel_loop3A_284 = arith.index_cast %parallel_loop3A_254 : i32 to index
        %parallel_loop3A_285 = arith.constant 16 : index
        %parallel_loop3A_286 = tpu.vector_load %arg9[%parallel_loop3A_283, %parallel_loop3A_284, %parallel_loop3A_285] {strides = array<i32>} : memref<2x128x128xf32, #tpu.memory_space<vmem>>, vector<16xf32>,
        tpu.vector_store %arg9[%parallel_loop3A_283, %parallel_loop3A_284, %parallel_loop3A_285], %parallel_loop3A_281 {strides = array<i32>} : memref<2x128x128xf32, #tpu.memory_space<vmem>>, vector<16xf32>,
        %parallel_loop3A_287 = arith.constant 1 : i32
        %parallel_loop3A_288 = arith.index_cast %parallel_loop3A_287 : i32 to index
        %parallel_loop3A_289 = arith.index_cast %parallel_loop3A_254 : i32 to index
        %parallel_loop3A_290 = arith.constant 32 : index
        %parallel_loop3A_291 = tpu.vector_load %arg9[%parallel_loop3A_288, %parallel_loop3A_289, %parallel_loop3A_290] {strides = array<i32>} : memref<2x128x128xf32, #tpu.memory_space<vmem>>, vector<16xf32>,
        %parallel_loop3A_292 = arith.constant 1 : i32
        %parallel_loop3A_293 = arith.index_cast %parallel_loop3A_292 : i32 to index
        %parallel_loop3A_294 = arith.index_cast %parallel_loop3A_254 : i32 to index
        %parallel_loop3A_295 = arith.constant 32 : index
        %parallel_loop3A_296 = tpu.vector_load %arg10[%parallel_loop3A_293, %parallel_loop3A_294, %parallel_loop3A_295] {strides = array<i32>} : memref<2x128x128xf32, #tpu.memory_space<vmem>>, vector<16xf32>,
        %parallel_loop3A_297 = arith.addf %parallel_loop3A_291, %parallel_loop3A_296 : vector<16xf32>
        %parallel_loop3A_298 = arith.constant 1 : i32
        %parallel_loop3A_299 = arith.index_cast %parallel_loop3A_298 : i32 to index
        %parallel_loop3A_300 = arith.index_cast %parallel_loop3A_254 : i32 to index
        %parallel_loop3A_301 = arith.constant 32 : index
        %parallel_loop3A_302 = tpu.vector_load %arg9[%parallel_loop3A_299, %parallel_loop3A_300, %parallel_loop3A_301] {strides = array<i32>} : memref<2x128x128xf32, #tpu.memory_space<vmem>>, vector<16xf32>,
        tpu.vector_store %arg9[%parallel_loop3A_299, %parallel_loop3A_300, %parallel_loop3A_301], %parallel_loop3A_297 {strides = array<i32>} : memref<2x128x128xf32, #tpu.memory_space<vmem>>, vector<16xf32>,
        %parallel_loop3A_303 = arith.constant 1 : i32
        %parallel_loop3A_304 = arith.index_cast %parallel_loop3A_303 : i32 to index
        %parallel_loop3A_305 = arith.index_cast %parallel_loop3A_254 : i32 to index
        %parallel_loop3A_306 = arith.constant 48 : index
        %parallel_loop3A_307 = tpu.vector_load %arg9[%parallel_loop3A_304, %parallel_loop3A_305, %parallel_loop3A_306] {strides = array<i32>} : memref<2x128x128xf32, #tpu.memory_space<vmem>>, vector<16xf32>,
        %parallel_loop3A_308 = arith.constant 1 : i32
        %parallel_loop3A_309 = arith.index_cast %parallel_loop3A_308 : i32 to index
        %parallel_loop3A_310 = arith.index_cast %parallel_loop3A_254 : i32 to index
        %parallel_loop3A_311 = arith.constant 48 : index
        %parallel_loop3A_312 = tpu.vector_load %arg10[%parallel_loop3A_309, %parallel_loop3A_310, %parallel_loop3A_311] {strides = array<i32>} : memref<2x128x128xf32, #tpu.memory_space<vmem>>, vector<16xf32>,
        %parallel_loop3A_313 = arith.addf %parallel_loop3A_307, %parallel_loop3A_312 : vector<16xf32>
        %parallel_loop3A_314 = arith.constant 1 : i32
        %parallel_loop3A_315 = arith.index_cast %parallel_loop3A_314 : i32 to index
        %parallel_loop3A_316 = arith.index_cast %parallel_loop3A_254 : i32 to index
        %parallel_loop3A_317 = arith.constant 48 : index
        %parallel_loop3A_318 = tpu.vector_load %arg9[%parallel_loop3A_315, %parallel_loop3A_316, %parallel_loop3A_317] {strides = array<i32>} : memref<2x128x128xf32, #tpu.memory_space<vmem>>, vector<16xf32>,
        tpu.vector_store %arg9[%parallel_loop3A_315, %parallel_loop3A_316, %parallel_loop3A_317], %parallel_loop3A_313 {strides = array<i32>} : memref<2x128x128xf32, #tpu.memory_space<vmem>>, vector<16xf32>,
        %parallel_loop3A_319 = arith.constant 1 : i32
        %parallel_loop3A_320 = arith.index_cast %parallel_loop3A_319 : i32 to index
        %parallel_loop3A_321 = arith.index_cast %parallel_loop3A_254 : i32 to index
        %parallel_loop3A_322 = arith.constant 64 : index
        %parallel_loop3A_323 = tpu.vector_load %arg9[%parallel_loop3A_320, %parallel_loop3A_321, %parallel_loop3A_322] {strides = array<i32>} : memref<2x128x128xf32, #tpu.memory_space<vmem>>, vector<16xf32>,
        %parallel_loop3A_324 = arith.constant 1 : i32
        %parallel_loop3A_325 = arith.index_cast %parallel_loop3A_324 : i32 to index
        %parallel_loop3A_326 = arith.index_cast %parallel_loop3A_254 : i32 to index
        %parallel_loop3A_327 = arith.constant 64 : index
        %parallel_loop3A_328 = tpu.vector_load %arg10[%parallel_loop3A_325, %parallel_loop3A_326, %parallel_loop3A_327] {strides = array<i32>} : memref<2x128x128xf32, #tpu.memory_space<vmem>>, vector<16xf32>,
        %parallel_loop3A_329 = arith.addf %parallel_loop3A_323, %parallel_loop3A_328 : vector<16xf32>
        %parallel_loop3A_330 = arith.constant 1 : i32
        %parallel_loop3A_331 = arith.index_cast %parallel_loop3A_330 : i32 to index
        %parallel_loop3A_332 = arith.index_cast %parallel_loop3A_254 : i32 to index
        %parallel_loop3A_333 = arith.constant 64 : index
        %parallel_loop3A_334 = tpu.vector_load %arg9[%parallel_loop3A_331, %parallel_loop3A_332, %parallel_loop3A_333] {strides = array<i32>} : memref<2x128x128xf32, #tpu.memory_space<vmem>>, vector<16xf32>,
        tpu.vector_store %arg9[%parallel_loop3A_331, %parallel_loop3A_332, %parallel_loop3A_333], %parallel_loop3A_329 {strides = array<i32>} : memref<2x128x128xf32, #tpu.memory_space<vmem>>, vector<16xf32>,
        %parallel_loop3A_335 = arith.constant 1 : i32
        %parallel_loop3A_336 = arith.index_cast %parallel_loop3A_335 : i32 to index
        %parallel_loop3A_337 = arith.index_cast %parallel_loop3A_254 : i32 to index
        %parallel_loop3A_338 = arith.constant 80 : index
        %parallel_loop3A_339 = tpu.vector_load %arg9[%parallel_loop3A_336, %parallel_loop3A_337, %parallel_loop3A_338] {strides = array<i32>} : memref<2x128x128xf32, #tpu.memory_space<vmem>>, vector<16xf32>,
        %parallel_loop3A_340 = arith.constant 1 : i32
        %parallel_loop3A_341 = arith.index_cast %parallel_loop3A_340 : i32 to index
        %parallel_loop3A_342 = arith.index_cast %parallel_loop3A_254 : i32 to index
        %parallel_loop3A_343 = arith.constant 80 : index
        %parallel_loop3A_344 = tpu.vector_load %arg10[%parallel_loop3A_341, %parallel_loop3A_342, %parallel_loop3A_343] {strides = array<i32>} : memref<2x128x128xf32, #tpu.memory_space<vmem>>, vector<16xf32>,
        %parallel_loop3A_345 = arith.addf %parallel_loop3A_339, %parallel_loop3A_344 : vector<16xf32>
        %parallel_loop3A_346 = arith.constant 1 : i32
        %parallel_loop3A_347 = arith.index_cast %parallel_loop3A_346 : i32 to index
        %parallel_loop3A_348 = arith.index_cast %parallel_loop3A_254 : i32 to index
        %parallel_loop3A_349 = arith.constant 80 : index
        %parallel_loop3A_350 = tpu.vector_load %arg9[%parallel_loop3A_347, %parallel_loop3A_348, %parallel_loop3A_349] {strides = array<i32>} : memref<2x128x128xf32, #tpu.memory_space<vmem>>, vector<16xf32>,
        tpu.vector_store %arg9[%parallel_loop3A_347, %parallel_loop3A_348, %parallel_loop3A_349], %parallel_loop3A_345 {strides = array<i32>} : memref<2x128x128xf32, #tpu.memory_space<vmem>>, vector<16xf32>,
        %parallel_loop3A_351 = arith.constant 1 : i32
        %parallel_loop3A_352 = arith.index_cast %parallel_loop3A_351 : i32 to index
        %parallel_loop3A_353 = arith.index_cast %parallel_loop3A_254 : i32 to index
        %parallel_loop3A_354 = arith.constant 96 : index
        %parallel_loop3A_355 = tpu.vector_load %arg9[%parallel_loop3A_352, %parallel_loop3A_353, %parallel_loop3A_354] {strides = array<i32>} : memref<2x128x128xf32, #tpu.memory_space<vmem>>, vector<16xf32>,
        %parallel_loop3A_356 = arith.constant 1 : i32
        %parallel_loop3A_357 = arith.index_cast %parallel_loop3A_356 : i32 to index
        %parallel_loop3A_358 = arith.index_cast %parallel_loop3A_254 : i32 to index
        %parallel_loop3A_359 = arith.constant 96 : index
        %parallel_loop3A_360 = tpu.vector_load %arg10[%parallel_loop3A_357, %parallel_loop3A_358, %parallel_loop3A_359] {strides = array<i32>} : memref<2x128x128xf32, #tpu.memory_space<vmem>>, vector<16xf32>,
        %parallel_loop3A_361 = arith.addf %parallel_loop3A_355, %parallel_loop3A_360 : vector<16xf32>
        %parallel_loop3A_362 = arith.constant 1 : i32
        %parallel_loop3A_363 = arith.index_cast %parallel_loop3A_362 : i32 to index
        %parallel_loop3A_364 = arith.index_cast %parallel_loop3A_254 : i32 to index
        %parallel_loop3A_365 = arith.constant 96 : index
        %parallel_loop3A_366 = tpu.vector_load %arg9[%parallel_loop3A_363, %parallel_loop3A_364, %parallel_loop3A_365] {strides = array<i32>} : memref<2x128x128xf32, #tpu.memory_space<vmem>>, vector<16xf32>,
        tpu.vector_store %arg9[%parallel_loop3A_363, %parallel_loop3A_364, %parallel_loop3A_365], %parallel_loop3A_361 {strides = array<i32>} : memref<2x128x128xf32, #tpu.memory_space<vmem>>, vector<16xf32>,
        %parallel_loop3A_367 = arith.constant 1 : i32
        %parallel_loop3A_368 = arith.index_cast %parallel_loop3A_367 : i32 to index
        %parallel_loop3A_369 = arith.index_cast %parallel_loop3A_254 : i32 to index
        %parallel_loop3A_370 = arith.constant 112 : index
        %parallel_loop3A_371 = tpu.vector_load %arg9[%parallel_loop3A_368, %parallel_loop3A_369, %parallel_loop3A_370] {strides = array<i32>} : memref<2x128x128xf32, #tpu.memory_space<vmem>>, vector<16xf32>,
        %parallel_loop3A_372 = arith.constant 1 : i32
        %parallel_loop3A_373 = arith.index_cast %parallel_loop3A_372 : i32 to index
        %parallel_loop3A_374 = arith.index_cast %parallel_loop3A_254 : i32 to index
        %parallel_loop3A_375 = arith.constant 112 : index
        %parallel_loop3A_376 = tpu.vector_load %arg10[%parallel_loop3A_373, %parallel_loop3A_374, %parallel_loop3A_375] {strides = array<i32>} : memref<2x128x128xf32, #tpu.memory_space<vmem>>, vector<16xf32>,
        %parallel_loop3A_377 = arith.addf %parallel_loop3A_371, %parallel_loop3A_376 : vector<16xf32>
        %parallel_loop3A_378 = arith.constant 1 : i32
        %parallel_loop3A_379 = arith.index_cast %parallel_loop3A_378 : i32 to index
        %parallel_loop3A_380 = arith.index_cast %parallel_loop3A_254 : i32 to index
        %parallel_loop3A_381 = arith.constant 112 : index
        %parallel_loop3A_382 = tpu.vector_load %arg9[%parallel_loop3A_379, %parallel_loop3A_380, %parallel_loop3A_381] {strides = array<i32>} : memref<2x128x128xf32, #tpu.memory_space<vmem>>, vector<16xf32>,
        tpu.vector_store %arg9[%parallel_loop3A_379, %parallel_loop3A_380, %parallel_loop3A_381], %parallel_loop3A_377 {strides = array<i32>} : memref<2x128x128xf32, #tpu.memory_space<vmem>>, vector<16xf32>,
      } {sc.loop_unroll_factor = 2 : i64, sc.parallel_access}
      %jit3A_201 = arith.constant 16 : i32
      %div3A_202 = arith.divsi %add3A_177, %jit3A_201 : i32
      %sign3A_203 = arith.constant 0 : i32
      %sign3A_204 = arith.cmpi sgt, %add3A_177, %sign3A_203 : i32
      %sign3A_205 = arith.extui %sign3A_204 : i1 to i32
      %sign3A_206 = arith.constant 0 : i32
      %sign3A_207 = arith.cmpi slt, %add3A_177, %sign3A_206 : i32
      %sign3A_208 = arith.extui %sign3A_207 : i1 to i32
      %sign3A_209 = arith.subi %sign3A_205, %sign3A_208 : i32
      %sign3A_210 = arith.constant 0 : i32
      %sign3A_211 = arith.cmpi sgt, %jit3A_201, %sign3A_210 : i32
      %sign3A_212 = arith.extui %sign3A_211 : i1 to i32
      %sign3A_213 = arith.constant 0 : i32
      %sign3A_214 = arith.cmpi slt, %jit3A_201, %sign3A_213 : i32
      %sign3A_215 = arith.extui %sign3A_214 : i1 to i32
      %sign3A_216 = arith.subi %sign3A_212, %sign3A_215 : i32
      %ne3A_217 = arith.cmpi ne, %sign3A_209, %sign3A_216 : i32
      %rem3A_218 = arith.remsi %add3A_177, %jit3A_201 : i32
      %ne3A_219 = arith.constant 0 : i32
      %ne3A_220 = arith.cmpi ne, %rem3A_218, %ne3A_219 : i32
      %and3A_221 = arith.andi %ne3A_217, %ne3A_220 : i1
      %sub3A_222 = arith.constant 1 : i32
      %sub3A_223 = arith.subi %div3A_202, %sub3A_222 : i32
      %select_n3A_224 = arith.select %and3A_221, %sub3A_223, %div3A_202 : i32
      %mul3A_225 = arith.constant 65536 : i32
      %mul3A_226 = arith.muli %select_n3A_224, %mul3A_225 : i32
      %mul3A_227 = arith.constant 2048 : i32
      %mul3A_228 = arith.muli %add3A, %mul3A_227 : i32
      %add3A_229 = arith.addi %mul3A_226, %mul3A_228 : i32
      %mul3A_230 = arith.constant 16 : i32
      %mul3A_231 = arith.muli %select_n3A_224, %mul3A_230 : i32
      %sub3A_232 = arith.subi %add3A_177, %mul3A_231 : i32
      %mul3A_233 = arith.constant 128 : i32
      %mul3A_234 = arith.muli %sub3A_232, %mul3A_233 : i32
      %add3A_235 = arith.addi %add3A_229, %mul3A_234 : i32
      %dma_start3A_236 = arith.constant 1 : i32
      %dma_start3A_237 = arith.constant 0 : i32
      %dma_start3A_238 = arith.constant 0 : i32
      %dma_start3A_239 = tpu.memref_slice %arg9[%dma_start3A_236, %dma_start3A_237, %dma_start3A_238] : memref<2x128x128xf32, #tpu.memory_space<vmem>> -> memref<1x128x128xf32, #tpu.memory_space<vmem>>
      %dma_start3A_240 = tpu.memref_squeeze %dma_start3A_239 : memref<1x128x128xf32, #tpu.memory_space<vmem>> -> memref<128x128xf32, #tpu.memory_space<vmem>>
      %dma_start3A_241 = arith.constant 0 : i32
      %dma_start3A_242 = tpu.memref_slice %arg6[%add3A_235, %dma_start3A_241] : memref<262144x128xf32, #tpu.memory_space<hbm>> -> memref<128x128xf32, #tpu.memory_space<hbm>>
      %dma_start3A_243 = arith.constant 0 : i32
      %dma_start3A_244 = tpu.memref_slice %arg6[%add3A_235, %dma_start3A_243] : memref<262144x128xf32, #tpu.memory_space<hbm>> -> memref<128x128xf32, #tpu.memory_space<hbm>>
      %dma_start3A_245 = arith.constant 0 : i32
      %dma_start3A_246 = arith.constant 0 : i32
      %dma_start3A_247 = tpu.memref_slice %arg9[%dma_start3A_236, %dma_start3A_245, %dma_start3A_246] : memref<2x128x128xf32, #tpu.memory_space<vmem>> -> memref<1x128x128xf32, #tpu.memory_space<vmem>>
      %dma_start3A_248 = tpu.memref_squeeze %dma_start3A_247 : memref<1x128x128xf32, #tpu.memory_space<vmem>> -> memref<128x128xf32, #tpu.memory_space<vmem>>
      tpu.enqueue_dma source(%dma_start3A_248 : memref<128x128xf32, #tpu.memory_space<vmem>>) target(%dma_start3A_244 : memref<128x128xf32, #tpu.memory_space<hbm>>) target_semaphore(%arg14 : memref<!tpu.dma_semaphore, #tpu.memory_space<semaphore_mem>>)
      %lt3A_249 = arith.constant 31 : i32
      %lt3A_250 = arith.cmpi slt, %scan3A_108, %lt3A_249 : i32
      %convert_element_type3A_251 = arith.extui %lt3A_250 : i1 to i32
      %cond3A_252 = arith.constant 0 : i32
      %cond3A_253 = arith.cmpi ne, %convert_element_type3A_251, %cond3A_252 : i32
      scf.if %cond3A_253 {
        %add3A_254 = arith.constant 3 : i32
        %add3A_255 = arith.addi %mul3A_110, %add3A_254 : i32
        %dma_wait3A_256 = arith.constant 1 : i32
        %dma_wait3A_257 = arith.constant 0 : i32
        %dma_wait3A_258 = arith.constant 0 : i32
        %dma_wait3A_259 = tpu.memref_slice %arg9[%dma_wait3A_256, %dma_wait3A_257, %dma_wait3A_258] : memref<2x128x128xf32, #tpu.memory_space<vmem>> -> memref<1x128x128xf32, #tpu.memory_space<vmem>>
        %dma_wait3A_260 = tpu.memref_squeeze %dma_wait3A_259 : memref<1x128x128xf32, #tpu.memory_space<vmem>> -> memref<128x128xf32, #tpu.memory_space<vmem>>
        %dma_wait3A_261 = arith.constant 0 : i32
        %dma_wait3A_262 = arith.constant 0 : i32
        %dma_wait3A_263 = tpu.memref_slice %arg6[%dma_wait3A_261, %dma_wait3A_262] : memref<262144x128xf32, #tpu.memory_space<hbm>> -> memref<128x128xf32, #tpu.memory_space<hbm>>
        %dma_wait3A_264 = arith.constant 0 : i32
        %dma_wait3A_265 = arith.constant 0 : i32
        %dma_wait3A_266 = tpu.memref_slice %arg6[%dma_wait3A_264, %dma_wait3A_265] : memref<262144x128xf32, #tpu.memory_space<hbm>> -> memref<128x128xf32, #tpu.memory_space<hbm>>
        %dma_wait3A_267 = arith.constant 0 : i32
        %dma_wait3A_268 = arith.constant 0 : i32
        %dma_wait3A_269 = tpu.memref_slice %arg9[%dma_wait3A_256, %dma_wait3A_267, %dma_wait3A_268] : memref<2x128x128xf32, #tpu.memory_space<vmem>> -> memref<1x128x128xf32, #tpu.memory_space<vmem>>
        %dma_wait3A_270 = tpu.memref_squeeze %dma_wait3A_269 : memref<1x128x128xf32, #tpu.memory_space<vmem>> -> memref<128x128xf32, #tpu.memory_space<vmem>>
        tpu.wait_dma2 semaphore(%arg14 : memref<!tpu.dma_semaphore, #tpu.memory_space<semaphore_mem>>) src(%dma_wait3A_270 : memref<128x128xf32, #tpu.memory_space<vmem>>) dst(%dma_wait3A_266 : memref<128x128xf32, #tpu.memory_space<hbm>>)
        %mul3A_271 = arith.constant 128 : i32
        %mul3A_272 = arith.muli %add3A_255, %mul3A_271 : i32
        %dma_start3A_273 = arith.constant 1 : i32
        %dma_start3A_274 = arith.constant 0 : i32
        %dma_start3A_275 = arith.constant 0 : i32
        %dma_start3A_276 = tpu.memref_slice %arg9[%dma_start3A_273, %dma_start3A_274, %dma_start3A_275] : memref<2x128x128xf32, #tpu.memory_space<vmem>> -> memref<1x128x128xf32, #tpu.memory_space<vmem>>
        %dma_start3A_277 = tpu.memref_squeeze %dma_start3A_276 : memref<1x128x128xf32, #tpu.memory_space<vmem>> -> memref<128x128xf32, #tpu.memory_space<vmem>>
        %dma_start3A_278 = tpu.memref_slice %arg7[%mul3A_272] : memref<8192xi32, #tpu.memory_space<vmem>> -> memref<128xi32, #tpu.memory_space<vmem>>
        %dma_start3A_279 = arith.constant 0 : i32
        %dma_start3A_280 = arith.constant 0 : i32
        %dma_start3A_281 = tpu.memref_slice %arg2[%dma_start3A_279, %dma_start3A_280] : memref<4096x128xf32, #tpu.memory_space<hbm>> -> memref<4096x128xf32, #tpu.memory_space<hbm>>
        tpu.enqueue_indirect_dma source(%dma_start3A_281 : memref<4096x128xf32, #tpu.memory_space<hbm>>) target(%dma_start3A_277 : memref<128x128xf32, #tpu.memory_space<vmem>>) offsets(%dma_start3A_278 : memref<128xi32, #tpu.memory_space<vmem>>) semaphore(%arg12 : memref<!tpu.dma_semaphore, #tpu.memory_space<semaphore_mem>>)
        %mul3A_282 = arith.constant 128 : i32
        %mul3A_283 = arith.muli %add3A_255, %mul3A_282 : i32
        %dma_start3A_284 = arith.constant 1 : i32
        %dma_start3A_285 = arith.constant 0 : i32
        %dma_start3A_286 = arith.constant 0 : i32
        %dma_start3A_287 = tpu.memref_slice %arg10[%dma_start3A_284, %dma_start3A_285, %dma_start3A_286] : memref<2x128x128xf32, #tpu.memory_space<vmem>> -> memref<1x128x128xf32, #tpu.memory_space<vmem>>
        %dma_start3A_288 = tpu.memref_squeeze %dma_start3A_287 : memref<1x128x128xf32, #tpu.memory_space<vmem>> -> memref<128x128xf32, #tpu.memory_space<vmem>>
        %dma_start3A_289 = tpu.memref_slice %arg8[%mul3A_283] : memref<8192xi32, #tpu.memory_space<vmem>> -> memref<128xi32, #tpu.memory_space<vmem>>
        %dma_start3A_290 = arith.constant 0 : i32
        %dma_start3A_291 = arith.constant 0 : i32
        %dma_start3A_292 = tpu.memref_slice %arg3[%dma_start3A_290, %dma_start3A_291] : memref<4096x128xf32, #tpu.memory_space<hbm>> -> memref<4096x128xf32, #tpu.memory_space<hbm>>
        tpu.enqueue_indirect_dma source(%dma_start3A_292 : memref<4096x128xf32, #tpu.memory_space<hbm>>) target(%dma_start3A_288 : memref<128x128xf32, #tpu.memory_space<vmem>>) offsets(%dma_start3A_289 : memref<128xi32, #tpu.memory_space<vmem>>) semaphore(%arg12 : memref<!tpu.dma_semaphore, #tpu.memory_space<semaphore_mem>>)
      } else {
      }
    }
    %scan3A_78 = arith.constant 32 : i32
    %dma_wait3A = arith.constant 0 : i32
    %dma_wait3A_79 = arith.constant 0 : i32
    %dma_wait3A_80 = arith.constant 0 : i32
    %dma_wait3A_81 = tpu.memref_slice %arg9[%dma_wait3A, %dma_wait3A_79, %dma_wait3A_80] : memref<2x128x128xf32, #tpu.memory_space<vmem>> -> memref<1x128x128xf32, #tpu.memory_space<vmem>>
    %dma_wait3A_82 = tpu.memref_squeeze %dma_wait3A_81 : memref<1x128x128xf32, #tpu.memory_space<vmem>> -> memref<128x128xf32, #tpu.memory_space<vmem>>
    %dma_wait3A_83 = arith.constant 0 : i32
    %dma_wait3A_84 = arith.constant 0 : i32
    %dma_wait3A_85 = tpu.memref_slice %arg6[%dma_wait3A_83, %dma_wait3A_84] : memref<262144x128xf32, #tpu.memory_space<hbm>> -> memref<128x128xf32, #tpu.memory_space<hbm>>
    %dma_wait3A_86 = arith.constant 0 : i32
    %dma_wait3A_87 = arith.constant 0 : i32
    %dma_wait3A_88 = tpu.memref_slice %arg6[%dma_wait3A_86, %dma_wait3A_87] : memref<262144x128xf32, #tpu.memory_space<hbm>> -> memref<128x128xf32, #tpu.memory_space<hbm>>
    %dma_wait3A_89 = arith.constant 0 : i32
    %dma_wait3A_90 = arith.constant 0 : i32
    %dma_wait3A_91 = tpu.memref_slice %arg9[%dma_wait3A, %dma_wait3A_89, %dma_wait3A_90] : memref<2x128x128xf32, #tpu.memory_space<vmem>> -> memref<1x128x128xf32, #tpu.memory_space<vmem>>
    %dma_wait3A_92 = tpu.memref_squeeze %dma_wait3A_91 : memref<1x128x128xf32, #tpu.memory_space<vmem>> -> memref<128x128xf32, #tpu.memory_space<vmem>>
    tpu.wait_dma2 semaphore(%arg13 : memref<!tpu.dma_semaphore, #tpu.memory_space<semaphore_mem>>) src(%dma_wait3A_92 : memref<128x128xf32, #tpu.memory_space<vmem>>) dst(%dma_wait3A_88 : memref<128x128xf32, #tpu.memory_space<hbm>>)
    %dma_wait3A_93 = arith.constant 1 : i32
    %dma_wait3A_94 = arith.constant 0 : i32
    %dma_wait3A_95 = arith.constant 0 : i32
    %dma_wait3A_96 = tpu.memref_slice %arg9[%dma_wait3A_93, %dma_wait3A_94, %dma_wait3A_95] : memref<2x128x128xf32, #tpu.memory_space<vmem>> -> memref<1x128x128xf32, #tpu.memory_space<vmem>>
    %dma_wait3A_97 = tpu.memref_squeeze %dma_wait3A_96 : memref<1x128x128xf32, #tpu.memory_space<vmem>> -> memref<128x128xf32, #tpu.memory_space<vmem>>
    %dma_wait3A_98 = arith.constant 0 : i32
    %dma_wait3A_99 = arith.constant 0 : i32
    %dma_wait3A_100 = tpu.memref_slice %arg6[%dma_wait3A_98, %dma_wait3A_99] : memref<262144x128xf32, #tpu.memory_space<hbm>> -> memref<128x128xf32, #tpu.memory_space<hbm>>
    %dma_wait3A_101 = arith.constant 0 : i32
    %dma_wait3A_102 = arith.constant 0 : i32
    %dma_wait3A_103 = tpu.memref_slice %arg6[%dma_wait3A_101, %dma_wait3A_102] : memref<262144x128xf32, #tpu.memory_space<hbm>> -> memref<128x128xf32, #tpu.memory_space<hbm>>
    %dma_wait3A_104 = arith.constant 0 : i32
    %dma_wait3A_105 = arith.constant 0 : i32
    %dma_wait3A_106 = tpu.memref_slice %arg9[%dma_wait3A_93, %dma_wait3A_104, %dma_wait3A_105] : memref<2x128x128xf32, #tpu.memory_space<vmem>> -> memref<1x128x128xf32, #tpu.memory_space<vmem>>
    %dma_wait3A_107 = tpu.memref_squeeze %dma_wait3A_106 : memref<1x128x128xf32, #tpu.memory_space<vmem>> -> memref<128x128xf32, #tpu.memory_space<vmem>>
    tpu.wait_dma2 semaphore(%arg14 : memref<!tpu.dma_semaphore, #tpu.memory_space<semaphore_mem>>) src(%dma_wait3A_107 : memref<128x128xf32, #tpu.memory_space<vmem>>) dst(%dma_wait3A_103 : memref<128x128xf32, #tpu.memory_space<hbm>>)
    return
  }
}

#map = affine_map<(d0, d1) -> (0, 0)>
#map1 = affine_map<(d0, d1) -> (0)>
module attributes {stable_mosaic.version = 14 : i64} {
  func.func @sc_scatter_agg(%arg0: i32, %arg1: i32, %arg2: memref<262144x128xf32, #tpu.memory_space<hbm>>, %arg3: memref<262144xi32, #tpu.memory_space<hbm>>, %arg4: memref<4096xi32, #tpu.memory_space<hbm>>, %arg5: memref<4096x128xf32, #tpu.memory_space<hbm>>, %arg6: memref<2048x128xf32, #tpu.memory_space<vmem_shared>>, %arg7: memref<1024xi32, #tpu.memory_space<vmem>>, %arg8: memref<2x128xi32, #tpu.memory_space<vmem>>, %arg9: memref<2x128xi32, #tpu.memory_space<vmem>>, %arg10: memref<2x128x128xf32, #tpu.memory_space<vmem>>, %arg11: memref<64x128xf32, #tpu.memory_space<vmem>>, %arg12: memref<!tpu.dma_semaphore, #tpu.memory_space<semaphore_mem>>, %arg13: memref<!tpu.dma_semaphore, #tpu.memory_space<semaphore_mem>>, %arg14: memref<!tpu.dma_semaphore, #tpu.memory_space<semaphore_mem>>, %arg15: memref<!tpu.dma_semaphore, #tpu.memory_space<semaphore_mem>>) attributes {dimension_semantics = [#tpu.dimension_semantics<core_parallel>, #tpu.dimension_semantics<subcore_parallel>], iteration_bounds = array<i64: 2, 16>, scalar_prefetch = 0 : i64, scratch_operands = 10 : i64, tpu.core_type = #tpu.core_type<sc_vector_subcore>, window_params = [{transform_indices = #map}, {transform_indices = #map1}, {transform_indices = #map1}, {transform_indices = #map}]} {
    %scan3A = arith.constant 0 : i32
    %scan3A_0 = arith.constant 0 : i32
    %scan3A_1 = arith.constant 64 : i32
    %scan3A_2 = arith.addi %scan3A_0, %scan3A_1 : i32
    %scan3A_3 = arith.constant 1 : i32
    scf.for %scan3A_174 = %scan3A_0 to %scan3A_2 step %scan3A_3  : i32 {
      %broadcast_in_dim3A = arith.constant 0.000000e+00 : f32
      %broadcast_in_dim3A_175 = vector.broadcast %broadcast_in_dim3A : f32 to vector<16xf32>
      %swap3A = arith.index_cast %scan3A_174 : i32 to index
      %swap3A_176 = arith.constant 0 : index
      %swap3A_177 = tpu.vector_load %arg11[%swap3A, %swap3A_176] {strides = array<i32>} : memref<64x128xf32, #tpu.memory_space<vmem>>, vector<16xf32>,
      tpu.vector_store %arg11[%swap3A, %swap3A_176], %broadcast_in_dim3A_175 {strides = array<i32>} : memref<64x128xf32, #tpu.memory_space<vmem>>, vector<16xf32>,
      %broadcast_in_dim3A_178 = arith.constant 0.000000e+00 : f32
      %broadcast_in_dim3A_179 = vector.broadcast %broadcast_in_dim3A_178 : f32 to vector<16xf32>
      %swap3A_180 = arith.index_cast %scan3A_174 : i32 to index
      %swap3A_181 = arith.constant 16 : index
      %swap3A_182 = tpu.vector_load %arg11[%swap3A_180, %swap3A_181] {strides = array<i32>} : memref<64x128xf32, #tpu.memory_space<vmem>>, vector<16xf32>,
      tpu.vector_store %arg11[%swap3A_180, %swap3A_181], %broadcast_in_dim3A_179 {strides = array<i32>} : memref<64x128xf32, #tpu.memory_space<vmem>>, vector<16xf32>,
      %broadcast_in_dim3A_183 = arith.constant 0.000000e+00 : f32
      %broadcast_in_dim3A_184 = vector.broadcast %broadcast_in_dim3A_183 : f32 to vector<16xf32>
      %swap3A_185 = arith.index_cast %scan3A_174 : i32 to index
      %swap3A_186 = arith.constant 32 : index
      %swap3A_187 = tpu.vector_load %arg11[%swap3A_185, %swap3A_186] {strides = array<i32>} : memref<64x128xf32, #tpu.memory_space<vmem>>, vector<16xf32>,
      tpu.vector_store %arg11[%swap3A_185, %swap3A_186], %broadcast_in_dim3A_184 {strides = array<i32>} : memref<64x128xf32, #tpu.memory_space<vmem>>, vector<16xf32>,
      %broadcast_in_dim3A_188 = arith.constant 0.000000e+00 : f32
      %broadcast_in_dim3A_189 = vector.broadcast %broadcast_in_dim3A_188 : f32 to vector<16xf32>
      %swap3A_190 = arith.index_cast %scan3A_174 : i32 to index
      %swap3A_191 = arith.constant 48 : index
      %swap3A_192 = tpu.vector_load %arg11[%swap3A_190, %swap3A_191] {strides = array<i32>} : memref<64x128xf32, #tpu.memory_space<vmem>>, vector<16xf32>,
      tpu.vector_store %arg11[%swap3A_190, %swap3A_191], %broadcast_in_dim3A_189 {strides = array<i32>} : memref<64x128xf32, #tpu.memory_space<vmem>>, vector<16xf32>,
      %broadcast_in_dim3A_193 = arith.constant 0.000000e+00 : f32
      %broadcast_in_dim3A_194 = vector.broadcast %broadcast_in_dim3A_193 : f32 to vector<16xf32>
      %swap3A_195 = arith.index_cast %scan3A_174 : i32 to index
      %swap3A_196 = arith.constant 64 : index
      %swap3A_197 = tpu.vector_load %arg11[%swap3A_195, %swap3A_196] {strides = array<i32>} : memref<64x128xf32, #tpu.memory_space<vmem>>, vector<16xf32>,
      tpu.vector_store %arg11[%swap3A_195, %swap3A_196], %broadcast_in_dim3A_194 {strides = array<i32>} : memref<64x128xf32, #tpu.memory_space<vmem>>, vector<16xf32>,
      %broadcast_in_dim3A_198 = arith.constant 0.000000e+00 : f32
      %broadcast_in_dim3A_199 = vector.broadcast %broadcast_in_dim3A_198 : f32 to vector<16xf32>
      %swap3A_200 = arith.index_cast %scan3A_174 : i32 to index
      %swap3A_201 = arith.constant 80 : index
      %swap3A_202 = tpu.vector_load %arg11[%swap3A_200, %swap3A_201] {strides = array<i32>} : memref<64x128xf32, #tpu.memory_space<vmem>>, vector<16xf32>,
      tpu.vector_store %arg11[%swap3A_200, %swap3A_201], %broadcast_in_dim3A_199 {strides = array<i32>} : memref<64x128xf32, #tpu.memory_space<vmem>>, vector<16xf32>,
      %broadcast_in_dim3A_203 = arith.constant 0.000000e+00 : f32
      %broadcast_in_dim3A_204 = vector.broadcast %broadcast_in_dim3A_203 : f32 to vector<16xf32>
      %swap3A_205 = arith.index_cast %scan3A_174 : i32 to index
      %swap3A_206 = arith.constant 96 : index
      %swap3A_207 = tpu.vector_load %arg11[%swap3A_205, %swap3A_206] {strides = array<i32>} : memref<64x128xf32, #tpu.memory_space<vmem>>, vector<16xf32>,
      tpu.vector_store %arg11[%swap3A_205, %swap3A_206], %broadcast_in_dim3A_204 {strides = array<i32>} : memref<64x128xf32, #tpu.memory_space<vmem>>, vector<16xf32>,
      %broadcast_in_dim3A_208 = arith.constant 0.000000e+00 : f32
      %broadcast_in_dim3A_209 = vector.broadcast %broadcast_in_dim3A_208 : f32 to vector<16xf32>
      %swap3A_210 = arith.index_cast %scan3A_174 : i32 to index
      %swap3A_211 = arith.constant 112 : index
      %swap3A_212 = tpu.vector_load %arg11[%swap3A_210, %swap3A_211] {strides = array<i32>} : memref<64x128xf32, #tpu.memory_space<vmem>>, vector<16xf32>,
      tpu.vector_store %arg11[%swap3A_210, %swap3A_211], %broadcast_in_dim3A_209 {strides = array<i32>} : memref<64x128xf32, #tpu.memory_space<vmem>>, vector<16xf32>,
    }
    %scan3A_4 = arith.constant 64 : i32
    %mul3A = arith.constant 128 : i32
    %mul3A_5 = arith.muli %arg1, %mul3A : i32
    "tpu.region"() ({
      %run_scoped3A_174 = tpu.sem_alloc : memref<!tpu.dma_semaphore, #tpu.memory_space<semaphore_mem>>
      %dma_start3A_175 = arith.constant 0 : i32
      %dma_start3A_176 = tpu.memref_slice %arg6[%mul3A_5, %dma_start3A_175] : memref<2048x128xf32, #tpu.memory_space<vmem_shared>> -> memref<64x128xf32, #tpu.memory_space<vmem_shared>>
      %dma_start3A_177 = arith.constant 0 : i32
      %dma_start3A_178 = tpu.memref_slice %arg6[%mul3A_5, %dma_start3A_177] : memref<2048x128xf32, #tpu.memory_space<vmem_shared>> -> memref<64x128xf32, #tpu.memory_space<vmem_shared>>
      tpu.enqueue_dma source(%arg11 : memref<64x128xf32, #tpu.memory_space<vmem>>) target(%dma_start3A_178 : memref<64x128xf32, #tpu.memory_space<vmem_shared>>) target_semaphore(%run_scoped3A_174 : memref<!tpu.dma_semaphore, #tpu.memory_space<semaphore_mem>>)
      %dma_wait3A_179 = arith.constant 0 : i32
      %dma_wait3A_180 = tpu.memref_slice %arg6[%mul3A_5, %dma_wait3A_179] : memref<2048x128xf32, #tpu.memory_space<vmem_shared>> -> memref<64x128xf32, #tpu.memory_space<vmem_shared>>
      %dma_wait3A_181 = arith.constant 0 : i32
      %dma_wait3A_182 = tpu.memref_slice %arg6[%mul3A_5, %dma_wait3A_181] : memref<2048x128xf32, #tpu.memory_space<vmem_shared>> -> memref<64x128xf32, #tpu.memory_space<vmem_shared>>
      tpu.wait_dma2 semaphore(%run_scoped3A_174 : memref<!tpu.dma_semaphore, #tpu.memory_space<semaphore_mem>>) src(%arg11 : memref<64x128xf32, #tpu.memory_space<vmem>>) dst(%dma_wait3A_182 : memref<64x128xf32, #tpu.memory_space<vmem_shared>>)
      tpu.yield
    }) : () -> ()
    %mul3A_6 = arith.constant 128 : i32
    %mul3A_7 = arith.muli %arg1, %mul3A_6 : i32
    %add3A = arith.constant 64 : i32
    %add3A_8 = arith.addi %mul3A_7, %add3A : i32
    "tpu.region"() ({
      %run_scoped3A_174 = tpu.sem_alloc : memref<!tpu.dma_semaphore, #tpu.memory_space<semaphore_mem>>
      %dma_start3A_175 = arith.constant 0 : i32
      %dma_start3A_176 = tpu.memref_slice %arg6[%add3A_8, %dma_start3A_175] : memref<2048x128xf32, #tpu.memory_space<vmem_shared>> -> memref<64x128xf32, #tpu.memory_space<vmem_shared>>
      %dma_start3A_177 = arith.constant 0 : i32
      %dma_start3A_178 = tpu.memref_slice %arg6[%add3A_8, %dma_start3A_177] : memref<2048x128xf32, #tpu.memory_space<vmem_shared>> -> memref<64x128xf32, #tpu.memory_space<vmem_shared>>
      tpu.enqueue_dma source(%arg11 : memref<64x128xf32, #tpu.memory_space<vmem>>) target(%dma_start3A_178 : memref<64x128xf32, #tpu.memory_space<vmem_shared>>) target_semaphore(%run_scoped3A_174 : memref<!tpu.dma_semaphore, #tpu.memory_space<semaphore_mem>>)
      %dma_wait3A_179 = arith.constant 0 : i32
      %dma_wait3A_180 = tpu.memref_slice %arg6[%add3A_8, %dma_wait3A_179] : memref<2048x128xf32, #tpu.memory_space<vmem_shared>> -> memref<64x128xf32, #tpu.memory_space<vmem_shared>>
      %dma_wait3A_181 = arith.constant 0 : i32
      %dma_wait3A_182 = tpu.memref_slice %arg6[%add3A_8, %dma_wait3A_181] : memref<2048x128xf32, #tpu.memory_space<vmem_shared>> -> memref<64x128xf32, #tpu.memory_space<vmem_shared>>
      tpu.wait_dma2 semaphore(%run_scoped3A_174 : memref<!tpu.dma_semaphore, #tpu.memory_space<semaphore_mem>>) src(%arg11 : memref<64x128xf32, #tpu.memory_space<vmem>>) dst(%dma_wait3A_182 : memref<64x128xf32, #tpu.memory_space<vmem_shared>>)
      tpu.yield
    }) : () -> ()
    %barrier3A = arith.constant 0 : index
    tpu.barrier barrier_id(%barrier3A)
    %mul3A_9 = arith.constant 2 : i32
    %mul3A_10 = arith.muli %mul3A_9, %arg0 : i32
    %add3A_11 = arith.constant 0 : i32
    %add3A_12 = arith.addi %mul3A_10, %add3A_11 : i32
    %mul3A_13 = arith.constant 1024 : i32
    %mul3A_14 = arith.muli %add3A_12, %mul3A_13 : i32
    "tpu.region"() ({
      %run_scoped3A_174 = tpu.sem_alloc : memref<!tpu.dma_semaphore, #tpu.memory_space<semaphore_mem>>
      %dma_start3A_175 = tpu.memref_slice %arg4[%mul3A_14] : memref<4096xi32, #tpu.memory_space<hbm>> -> memref<1024xi32, #tpu.memory_space<hbm>>
      %dma_start3A_176 = tpu.memref_slice %arg4[%mul3A_14] : memref<4096xi32, #tpu.memory_space<hbm>> -> memref<1024xi32, #tpu.memory_space<hbm>>
      tpu.enqueue_dma source(%dma_start3A_176 : memref<1024xi32, #tpu.memory_space<hbm>>) target(%arg7 : memref<1024xi32, #tpu.memory_space<vmem>>) target_semaphore(%run_scoped3A_174 : memref<!tpu.dma_semaphore, #tpu.memory_space<semaphore_mem>>)
      %dma_wait3A_177 = tpu.memref_slice %arg4[%mul3A_14] : memref<4096xi32, #tpu.memory_space<hbm>> -> memref<1024xi32, #tpu.memory_space<hbm>>
      %dma_wait3A_178 = tpu.memref_slice %arg4[%mul3A_14] : memref<4096xi32, #tpu.memory_space<hbm>> -> memref<1024xi32, #tpu.memory_space<hbm>>
      tpu.wait_dma2 semaphore(%run_scoped3A_174 : memref<!tpu.dma_semaphore, #tpu.memory_space<semaphore_mem>>) src(%dma_wait3A_178 : memref<1024xi32, #tpu.memory_space<hbm>>) dst(%arg7 : memref<1024xi32, #tpu.memory_space<vmem>>)
      tpu.yield
    }) : () -> ()
    %mul3A_15 = arith.constant 65536 : i32
    %mul3A_16 = arith.muli %add3A_12, %mul3A_15 : i32
    %mul3A_17 = arith.constant 4096 : i32
    %mul3A_18 = arith.muli %arg1, %mul3A_17 : i32
    %add3A_19 = arith.addi %mul3A_16, %mul3A_18 : i32
    %add3A_20 = arith.constant 0 : i32
    %add3A_21 = arith.addi %add3A_19, %add3A_20 : i32
    %run_scoped3A = arith.constant 0 : i32
    "tpu.region"() ({
      %run_scoped3A_174 = tpu.sem_alloc : memref<!tpu.dma_semaphore, #tpu.memory_space<semaphore_mem>>
      %dma_start3A_175 = arith.constant 0 : i32
      %dma_start3A_176 = tpu.memref_slice %arg8[%run_scoped3A, %dma_start3A_175] : memref<2x128xi32, #tpu.memory_space<vmem>> -> memref<1x128xi32, #tpu.memory_space<vmem>>
      %dma_start3A_177 = tpu.memref_squeeze %dma_start3A_176 : memref<1x128xi32, #tpu.memory_space<vmem>> -> memref<128xi32, #tpu.memory_space<vmem>>
      %dma_start3A_178 = tpu.memref_slice %arg3[%add3A_21] : memref<262144xi32, #tpu.memory_space<hbm>> -> memref<128xi32, #tpu.memory_space<hbm>>
      %dma_start3A_179 = arith.constant 0 : i32
      %dma_start3A_180 = tpu.memref_slice %arg8[%run_scoped3A, %dma_start3A_179] : memref<2x128xi32, #tpu.memory_space<vmem>> -> memref<1x128xi32, #tpu.memory_space<vmem>>
      %dma_start3A_181 = tpu.memref_squeeze %dma_start3A_180 : memref<1x128xi32, #tpu.memory_space<vmem>> -> memref<128xi32, #tpu.memory_space<vmem>>
      %dma_start3A_182 = tpu.memref_slice %arg3[%add3A_21] : memref<262144xi32, #tpu.memory_space<hbm>> -> memref<128xi32, #tpu.memory_space<hbm>>
      tpu.enqueue_dma source(%dma_start3A_182 : memref<128xi32, #tpu.memory_space<hbm>>) target(%dma_start3A_181 : memref<128xi32, #tpu.memory_space<vmem>>) target_semaphore(%run_scoped3A_174 : memref<!tpu.dma_semaphore, #tpu.memory_space<semaphore_mem>>)
      %dma_wait3A_183 = arith.constant 0 : i32
      %dma_wait3A_184 = tpu.memref_slice %arg8[%run_scoped3A, %dma_wait3A_183] : memref<2x128xi32, #tpu.memory_space<vmem>> -> memref<1x128xi32, #tpu.memory_space<vmem>>
      %dma_wait3A_185 = tpu.memref_squeeze %dma_wait3A_184 : memref<1x128xi32, #tpu.memory_space<vmem>> -> memref<128xi32, #tpu.memory_space<vmem>>
      %dma_wait3A_186 = tpu.memref_slice %arg3[%add3A_21] : memref<262144xi32, #tpu.memory_space<hbm>> -> memref<128xi32, #tpu.memory_space<hbm>>
      %dma_wait3A_187 = arith.constant 0 : i32
      %dma_wait3A_188 = tpu.memref_slice %arg8[%run_scoped3A, %dma_wait3A_187] : memref<2x128xi32, #tpu.memory_space<vmem>> -> memref<1x128xi32, #tpu.memory_space<vmem>>
      %dma_wait3A_189 = tpu.memref_squeeze %dma_wait3A_188 : memref<1x128xi32, #tpu.memory_space<vmem>> -> memref<128xi32, #tpu.memory_space<vmem>>
      %dma_wait3A_190 = tpu.memref_slice %arg3[%add3A_21] : memref<262144xi32, #tpu.memory_space<hbm>> -> memref<128xi32, #tpu.memory_space<hbm>>
      tpu.wait_dma2 semaphore(%run_scoped3A_174 : memref<!tpu.dma_semaphore, #tpu.memory_space<semaphore_mem>>) src(%dma_wait3A_190 : memref<128xi32, #tpu.memory_space<hbm>>) dst(%dma_wait3A_189 : memref<128xi32, #tpu.memory_space<vmem>>)
      tpu.yield
    }) : () -> ()
    %dma_start3A = arith.constant 0 : i32
    %dma_start3A_22 = arith.constant 0 : i32
    %dma_start3A_23 = arith.constant 0 : i32
    %dma_start3A_24 = tpu.memref_slice %arg10[%dma_start3A, %dma_start3A_22, %dma_start3A_23] : memref<2x128x128xf32, #tpu.memory_space<vmem>> -> memref<1x128x128xf32, #tpu.memory_space<vmem>>
    %dma_start3A_25 = tpu.memref_squeeze %dma_start3A_24 : memref<1x128x128xf32, #tpu.memory_space<vmem>> -> memref<128x128xf32, #tpu.memory_space<vmem>>
    %dma_start3A_26 = arith.constant 0 : i32
    %dma_start3A_27 = tpu.memref_slice %arg2[%add3A_21, %dma_start3A_26] : memref<262144x128xf32, #tpu.memory_space<hbm>> -> memref<128x128xf32, #tpu.memory_space<hbm>>
    %dma_start3A_28 = arith.constant 0 : i32
    %dma_start3A_29 = arith.constant 0 : i32
    %dma_start3A_30 = tpu.memref_slice %arg10[%dma_start3A, %dma_start3A_28, %dma_start3A_29] : memref<2x128x128xf32, #tpu.memory_space<vmem>> -> memref<1x128x128xf32, #tpu.memory_space<vmem>>
    %dma_start3A_31 = tpu.memref_squeeze %dma_start3A_30 : memref<1x128x128xf32, #tpu.memory_space<vmem>> -> memref<128x128xf32, #tpu.memory_space<vmem>>
    %dma_start3A_32 = arith.constant 0 : i32
    %dma_start3A_33 = tpu.memref_slice %arg2[%add3A_21, %dma_start3A_32] : memref<262144x128xf32, #tpu.memory_space<hbm>> -> memref<128x128xf32, #tpu.memory_space<hbm>>
    tpu.enqueue_dma source(%dma_start3A_33 : memref<128x128xf32, #tpu.memory_space<hbm>>) target(%dma_start3A_31 : memref<128x128xf32, #tpu.memory_space<vmem>>) target_semaphore(%arg12 : memref<!tpu.dma_semaphore, #tpu.memory_space<semaphore_mem>>)
    %mul3A_34 = arith.constant 65536 : i32
    %mul3A_35 = arith.muli %add3A_12, %mul3A_34 : i32
    %mul3A_36 = arith.constant 4096 : i32
    %mul3A_37 = arith.muli %arg1, %mul3A_36 : i32
    %add3A_38 = arith.addi %mul3A_35, %mul3A_37 : i32
    %add3A_39 = arith.constant 128 : i32
    %add3A_40 = arith.addi %add3A_38, %add3A_39 : i32
    %run_scoped3A_41 = arith.constant 1 : i32
    "tpu.region"() ({
      %run_scoped3A_174 = tpu.sem_alloc : memref<!tpu.dma_semaphore, #tpu.memory_space<semaphore_mem>>
      %dma_start3A_175 = arith.constant 0 : i32
      %dma_start3A_176 = tpu.memref_slice %arg8[%run_scoped3A_41, %dma_start3A_175] : memref<2x128xi32, #tpu.memory_space<vmem>> -> memref<1x128xi32, #tpu.memory_space<vmem>>
      %dma_start3A_177 = tpu.memref_squeeze %dma_start3A_176 : memref<1x128xi32, #tpu.memory_space<vmem>> -> memref<128xi32, #tpu.memory_space<vmem>>
      %dma_start3A_178 = tpu.memref_slice %arg3[%add3A_40] : memref<262144xi32, #tpu.memory_space<hbm>> -> memref<128xi32, #tpu.memory_space<hbm>>
      %dma_start3A_179 = arith.constant 0 : i32
      %dma_start3A_180 = tpu.memref_slice %arg8[%run_scoped3A_41, %dma_start3A_179] : memref<2x128xi32, #tpu.memory_space<vmem>> -> memref<1x128xi32, #tpu.memory_space<vmem>>
      %dma_start3A_181 = tpu.memref_squeeze %dma_start3A_180 : memref<1x128xi32, #tpu.memory_space<vmem>> -> memref<128xi32, #tpu.memory_space<vmem>>
      %dma_start3A_182 = tpu.memref_slice %arg3[%add3A_40] : memref<262144xi32, #tpu.memory_space<hbm>> -> memref<128xi32, #tpu.memory_space<hbm>>
      tpu.enqueue_dma source(%dma_start3A_182 : memref<128xi32, #tpu.memory_space<hbm>>) target(%dma_start3A_181 : memref<128xi32, #tpu.memory_space<vmem>>) target_semaphore(%run_scoped3A_174 : memref<!tpu.dma_semaphore, #tpu.memory_space<semaphore_mem>>)
      %dma_wait3A_183 = arith.constant 0 : i32
      %dma_wait3A_184 = tpu.memref_slice %arg8[%run_scoped3A_41, %dma_wait3A_183] : memref<2x128xi32, #tpu.memory_space<vmem>> -> memref<1x128xi32, #tpu.memory_space<vmem>>
      %dma_wait3A_185 = tpu.memref_squeeze %dma_wait3A_184 : memref<1x128xi32, #tpu.memory_space<vmem>> -> memref<128xi32, #tpu.memory_space<vmem>>
      %dma_wait3A_186 = tpu.memref_slice %arg3[%add3A_40] : memref<262144xi32, #tpu.memory_space<hbm>> -> memref<128xi32, #tpu.memory_space<hbm>>
      %dma_wait3A_187 = arith.constant 0 : i32
      %dma_wait3A_188 = tpu.memref_slice %arg8[%run_scoped3A_41, %dma_wait3A_187] : memref<2x128xi32, #tpu.memory_space<vmem>> -> memref<1x128xi32, #tpu.memory_space<vmem>>
      %dma_wait3A_189 = tpu.memref_squeeze %dma_wait3A_188 : memref<1x128xi32, #tpu.memory_space<vmem>> -> memref<128xi32, #tpu.memory_space<vmem>>
      %dma_wait3A_190 = tpu.memref_slice %arg3[%add3A_40] : memref<262144xi32, #tpu.memory_space<hbm>> -> memref<128xi32, #tpu.memory_space<hbm>>
      tpu.wait_dma2 semaphore(%run_scoped3A_174 : memref<!tpu.dma_semaphore, #tpu.memory_space<semaphore_mem>>) src(%dma_wait3A_190 : memref<128xi32, #tpu.memory_space<hbm>>) dst(%dma_wait3A_189 : memref<128xi32, #tpu.memory_space<vmem>>)
      tpu.yield
    }) : () -> ()
    %dma_start3A_42 = arith.constant 1 : i32
    %dma_start3A_43 = arith.constant 0 : i32
    %dma_start3A_44 = arith.constant 0 : i32
    %dma_start3A_45 = tpu.memref_slice %arg10[%dma_start3A_42, %dma_start3A_43, %dma_start3A_44] : memref<2x128x128xf32, #tpu.memory_space<vmem>> -> memref<1x128x128xf32, #tpu.memory_space<vmem>>
    %dma_start3A_46 = tpu.memref_squeeze %dma_start3A_45 : memref<1x128x128xf32, #tpu.memory_space<vmem>> -> memref<128x128xf32, #tpu.memory_space<vmem>>
    %dma_start3A_47 = arith.constant 0 : i32
    %dma_start3A_48 = tpu.memref_slice %arg2[%add3A_40, %dma_start3A_47] : memref<262144x128xf32, #tpu.memory_space<hbm>> -> memref<128x128xf32, #tpu.memory_space<hbm>>
    %dma_start3A_49 = arith.constant 0 : i32
    %dma_start3A_50 = arith.constant 0 : i32
    %dma_start3A_51 = tpu.memref_slice %arg10[%dma_start3A_42, %dma_start3A_49, %dma_start3A_50] : memref<2x128x128xf32, #tpu.memory_space<vmem>> -> memref<1x128x128xf32, #tpu.memory_space<vmem>>
    %dma_start3A_52 = tpu.memref_squeeze %dma_start3A_51 : memref<1x128x128xf32, #tpu.memory_space<vmem>> -> memref<128x128xf32, #tpu.memory_space<vmem>>
    %dma_start3A_53 = arith.constant 0 : i32
    %dma_start3A_54 = tpu.memref_slice %arg2[%add3A_40, %dma_start3A_53] : memref<262144x128xf32, #tpu.memory_space<hbm>> -> memref<128x128xf32, #tpu.memory_space<hbm>>
    tpu.enqueue_dma source(%dma_start3A_54 : memref<128x128xf32, #tpu.memory_space<hbm>>) target(%dma_start3A_52 : memref<128x128xf32, #tpu.memory_space<vmem>>) target_semaphore(%arg13 : memref<!tpu.dma_semaphore, #tpu.memory_space<semaphore_mem>>)
    %scan3A_55 = arith.constant 0 : i32
    %scan3A_56 = arith.constant 0 : i32
    %scan3A_57 = arith.constant 16 : i32
    %scan3A_58 = arith.addi %scan3A_56, %scan3A_57 : i32
    %scan3A_59 = arith.constant 1 : i32
    scf.for %scan3A_174 = %scan3A_56 to %scan3A_58 step %scan3A_59  : i32 {
      %get3A = arith.constant 0 : i32
      %get3A_175 = arith.index_cast %get3A : i32 to index
      %get3A_176 = arith.constant 0 : index
      %get3A_177 = tpu.vector_load %arg8[%get3A_175, %get3A_176] {strides = array<i32>} : memref<2x128xi32, #tpu.memory_space<vmem>>, vector<16xi32>,
      %gather3A = tpu.vector_load_idx %arg7[%get3A_177] : memref<1024xi32, #tpu.memory_space<vmem>>[vector<16xi32>], vector<16xi32>,
      %add3A_178 = arith.constant 0 : i32
      %add3A_179 = vector.broadcast %add3A_178 : i32 to vector<16xi32>
      %add3A_180 = arith.addi %gather3A, %add3A_179 : vector<16xi32>
      %swap3A = arith.constant 0 : i32
      %swap3A_181 = arith.index_cast %swap3A : i32 to index
      %swap3A_182 = arith.constant 0 : index
      %swap3A_183 = tpu.vector_load %arg9[%swap3A_181, %swap3A_182] {strides = array<i32>} : memref<2x128xi32, #tpu.memory_space<vmem>>, vector<16xi32>,
      tpu.vector_store %arg9[%swap3A_181, %swap3A_182], %add3A_180 {strides = array<i32>} : memref<2x128xi32, #tpu.memory_space<vmem>>, vector<16xi32>,
      %get3A_184 = arith.constant 0 : i32
      %get3A_185 = arith.index_cast %get3A_184 : i32 to index
      %get3A_186 = arith.constant 16 : index
      %get3A_187 = tpu.vector_load %arg8[%get3A_185, %get3A_186] {strides = array<i32>} : memref<2x128xi32, #tpu.memory_space<vmem>>, vector<16xi32>,
      %gather3A_188 = tpu.vector_load_idx %arg7[%get3A_187] : memref<1024xi32, #tpu.memory_space<vmem>>[vector<16xi32>], vector<16xi32>,
      %add3A_189 = arith.constant 0 : i32
      %add3A_190 = vector.broadcast %add3A_189 : i32 to vector<16xi32>
      %add3A_191 = arith.addi %gather3A_188, %add3A_190 : vector<16xi32>
      %swap3A_192 = arith.constant 0 : i32
      %swap3A_193 = arith.index_cast %swap3A_192 : i32 to index
      %swap3A_194 = arith.constant 16 : index
      %swap3A_195 = tpu.vector_load %arg9[%swap3A_193, %swap3A_194] {strides = array<i32>} : memref<2x128xi32, #tpu.memory_space<vmem>>, vector<16xi32>,
      tpu.vector_store %arg9[%swap3A_193, %swap3A_194], %add3A_191 {strides = array<i32>} : memref<2x128xi32, #tpu.memory_space<vmem>>, vector<16xi32>,
      %get3A_196 = arith.constant 0 : i32
      %get3A_197 = arith.index_cast %get3A_196 : i32 to index
      %get3A_198 = arith.constant 32 : index
      %get3A_199 = tpu.vector_load %arg8[%get3A_197, %get3A_198] {strides = array<i32>} : memref<2x128xi32, #tpu.memory_space<vmem>>, vector<16xi32>,
      %gather3A_200 = tpu.vector_load_idx %arg7[%get3A_199] : memref<1024xi32, #tpu.memory_space<vmem>>[vector<16xi32>], vector<16xi32>,
      %add3A_201 = arith.constant 0 : i32
      %add3A_202 = vector.broadcast %add3A_201 : i32 to vector<16xi32>
      %add3A_203 = arith.addi %gather3A_200, %add3A_202 : vector<16xi32>
      %swap3A_204 = arith.constant 0 : i32
      %swap3A_205 = arith.index_cast %swap3A_204 : i32 to index
      %swap3A_206 = arith.constant 32 : index
      %swap3A_207 = tpu.vector_load %arg9[%swap3A_205, %swap3A_206] {strides = array<i32>} : memref<2x128xi32, #tpu.memory_space<vmem>>, vector<16xi32>,
      tpu.vector_store %arg9[%swap3A_205, %swap3A_206], %add3A_203 {strides = array<i32>} : memref<2x128xi32, #tpu.memory_space<vmem>>, vector<16xi32>,
      %get3A_208 = arith.constant 0 : i32
      %get3A_209 = arith.index_cast %get3A_208 : i32 to index
      %get3A_210 = arith.constant 48 : index
      %get3A_211 = tpu.vector_load %arg8[%get3A_209, %get3A_210] {strides = array<i32>} : memref<2x128xi32, #tpu.memory_space<vmem>>, vector<16xi32>,
      %gather3A_212 = tpu.vector_load_idx %arg7[%get3A_211] : memref<1024xi32, #tpu.memory_space<vmem>>[vector<16xi32>], vector<16xi32>,
      %add3A_213 = arith.constant 0 : i32
      %add3A_214 = vector.broadcast %add3A_213 : i32 to vector<16xi32>
      %add3A_215 = arith.addi %gather3A_212, %add3A_214 : vector<16xi32>
      %swap3A_216 = arith.constant 0 : i32
      %swap3A_217 = arith.index_cast %swap3A_216 : i32 to index
      %swap3A_218 = arith.constant 48 : index
      %swap3A_219 = tpu.vector_load %arg9[%swap3A_217, %swap3A_218] {strides = array<i32>} : memref<2x128xi32, #tpu.memory_space<vmem>>, vector<16xi32>,
      tpu.vector_store %arg9[%swap3A_217, %swap3A_218], %add3A_215 {strides = array<i32>} : memref<2x128xi32, #tpu.memory_space<vmem>>, vector<16xi32>,
      %get3A_220 = arith.constant 0 : i32
      %get3A_221 = arith.index_cast %get3A_220 : i32 to index
      %get3A_222 = arith.constant 64 : index
      %get3A_223 = tpu.vector_load %arg8[%get3A_221, %get3A_222] {strides = array<i32>} : memref<2x128xi32, #tpu.memory_space<vmem>>, vector<16xi32>,
      %gather3A_224 = tpu.vector_load_idx %arg7[%get3A_223] : memref<1024xi32, #tpu.memory_space<vmem>>[vector<16xi32>], vector<16xi32>,
      %add3A_225 = arith.constant 0 : i32
      %add3A_226 = vector.broadcast %add3A_225 : i32 to vector<16xi32>
      %add3A_227 = arith.addi %gather3A_224, %add3A_226 : vector<16xi32>
      %swap3A_228 = arith.constant 0 : i32
      %swap3A_229 = arith.index_cast %swap3A_228 : i32 to index
      %swap3A_230 = arith.constant 64 : index
      %swap3A_231 = tpu.vector_load %arg9[%swap3A_229, %swap3A_230] {strides = array<i32>} : memref<2x128xi32, #tpu.memory_space<vmem>>, vector<16xi32>,
      tpu.vector_store %arg9[%swap3A_229, %swap3A_230], %add3A_227 {strides = array<i32>} : memref<2x128xi32, #tpu.memory_space<vmem>>, vector<16xi32>,
      %get3A_232 = arith.constant 0 : i32
      %get3A_233 = arith.index_cast %get3A_232 : i32 to index
      %get3A_234 = arith.constant 80 : index
      %get3A_235 = tpu.vector_load %arg8[%get3A_233, %get3A_234] {strides = array<i32>} : memref<2x128xi32, #tpu.memory_space<vmem>>, vector<16xi32>,
      %gather3A_236 = tpu.vector_load_idx %arg7[%get3A_235] : memref<1024xi32, #tpu.memory_space<vmem>>[vector<16xi32>], vector<16xi32>,
      %add3A_237 = arith.constant 0 : i32
      %add3A_238 = vector.broadcast %add3A_237 : i32 to vector<16xi32>
      %add3A_239 = arith.addi %gather3A_236, %add3A_238 : vector<16xi32>
      %swap3A_240 = arith.constant 0 : i32
      %swap3A_241 = arith.index_cast %swap3A_240 : i32 to index
      %swap3A_242 = arith.constant 80 : index
      %swap3A_243 = tpu.vector_load %arg9[%swap3A_241, %swap3A_242] {strides = array<i32>} : memref<2x128xi32, #tpu.memory_space<vmem>>, vector<16xi32>,
      tpu.vector_store %arg9[%swap3A_241, %swap3A_242], %add3A_239 {strides = array<i32>} : memref<2x128xi32, #tpu.memory_space<vmem>>, vector<16xi32>,
      %get3A_244 = arith.constant 0 : i32
      %get3A_245 = arith.index_cast %get3A_244 : i32 to index
      %get3A_246 = arith.constant 96 : index
      %get3A_247 = tpu.vector_load %arg8[%get3A_245, %get3A_246] {strides = array<i32>} : memref<2x128xi32, #tpu.memory_space<vmem>>, vector<16xi32>,
      %gather3A_248 = tpu.vector_load_idx %arg7[%get3A_247] : memref<1024xi32, #tpu.memory_space<vmem>>[vector<16xi32>], vector<16xi32>,
      %add3A_249 = arith.constant 0 : i32
      %add3A_250 = vector.broadcast %add3A_249 : i32 to vector<16xi32>
      %add3A_251 = arith.addi %gather3A_248, %add3A_250 : vector<16xi32>
      %swap3A_252 = arith.constant 0 : i32
      %swap3A_253 = arith.index_cast %swap3A_252 : i32 to index
      %swap3A_254 = arith.constant 96 : index
      %swap3A_255 = tpu.vector_load %arg9[%swap3A_253, %swap3A_254] {strides = array<i32>} : memref<2x128xi32, #tpu.memory_space<vmem>>, vector<16xi32>,
      tpu.vector_store %arg9[%swap3A_253, %swap3A_254], %add3A_251 {strides = array<i32>} : memref<2x128xi32, #tpu.memory_space<vmem>>, vector<16xi32>,
      %get3A_256 = arith.constant 0 : i32
      %get3A_257 = arith.index_cast %get3A_256 : i32 to index
      %get3A_258 = arith.constant 112 : index
      %get3A_259 = tpu.vector_load %arg8[%get3A_257, %get3A_258] {strides = array<i32>} : memref<2x128xi32, #tpu.memory_space<vmem>>, vector<16xi32>,
      %gather3A_260 = tpu.vector_load_idx %arg7[%get3A_259] : memref<1024xi32, #tpu.memory_space<vmem>>[vector<16xi32>], vector<16xi32>,
      %add3A_261 = arith.constant 0 : i32
      %add3A_262 = vector.broadcast %add3A_261 : i32 to vector<16xi32>
      %add3A_263 = arith.addi %gather3A_260, %add3A_262 : vector<16xi32>
      %swap3A_264 = arith.constant 0 : i32
      %swap3A_265 = arith.index_cast %swap3A_264 : i32 to index
      %swap3A_266 = arith.constant 112 : index
      %swap3A_267 = tpu.vector_load %arg9[%swap3A_265, %swap3A_266] {strides = array<i32>} : memref<2x128xi32, #tpu.memory_space<vmem>>, vector<16xi32>,
      tpu.vector_store %arg9[%swap3A_265, %swap3A_266], %add3A_263 {strides = array<i32>} : memref<2x128xi32, #tpu.memory_space<vmem>>, vector<16xi32>,
      %dma_wait3A_268 = arith.constant 0 : i32
      %dma_wait3A_269 = arith.constant 0 : i32
      %dma_wait3A_270 = arith.constant 0 : i32
      %dma_wait3A_271 = tpu.memref_slice %arg10[%dma_wait3A_268, %dma_wait3A_269, %dma_wait3A_270] : memref<2x128x128xf32, #tpu.memory_space<vmem>> -> memref<1x128x128xf32, #tpu.memory_space<vmem>>
      %dma_wait3A_272 = tpu.memref_squeeze %dma_wait3A_271 : memref<1x128x128xf32, #tpu.memory_space<vmem>> -> memref<128x128xf32, #tpu.memory_space<vmem>>
      %dma_wait3A_273 = arith.constant 0 : i32
      %dma_wait3A_274 = arith.constant 0 : i32
      %dma_wait3A_275 = tpu.memref_slice %arg2[%dma_wait3A_273, %dma_wait3A_274] : memref<262144x128xf32, #tpu.memory_space<hbm>> -> memref<128x128xf32, #tpu.memory_space<hbm>>
      %dma_wait3A_276 = arith.constant 0 : i32
      %dma_wait3A_277 = arith.constant 0 : i32
      %dma_wait3A_278 = tpu.memref_slice %arg10[%dma_wait3A_268, %dma_wait3A_276, %dma_wait3A_277] : memref<2x128x128xf32, #tpu.memory_space<vmem>> -> memref<1x128x128xf32, #tpu.memory_space<vmem>>
      %dma_wait3A_279 = tpu.memref_squeeze %dma_wait3A_278 : memref<1x128x128xf32, #tpu.memory_space<vmem>> -> memref<128x128xf32, #tpu.memory_space<vmem>>
      %dma_wait3A_280 = arith.constant 0 : i32
      %dma_wait3A_281 = arith.constant 0 : i32
      %dma_wait3A_282 = tpu.memref_slice %arg2[%dma_wait3A_280, %dma_wait3A_281] : memref<262144x128xf32, #tpu.memory_space<hbm>> -> memref<128x128xf32, #tpu.memory_space<hbm>>
      tpu.wait_dma2 semaphore(%arg12 : memref<!tpu.dma_semaphore, #tpu.memory_space<semaphore_mem>>) src(%dma_wait3A_282 : memref<128x128xf32, #tpu.memory_space<hbm>>) dst(%dma_wait3A_279 : memref<128x128xf32, #tpu.memory_space<vmem>>)
      %dma_start3A_283 = arith.constant 0 : i32
      %dma_start3A_284 = arith.constant 0 : i32
      %dma_start3A_285 = arith.constant 0 : i32
      %dma_start3A_286 = arith.constant 0 : i32
      %dma_start3A_287 = tpu.memref_slice %arg10[%dma_start3A_283, %dma_start3A_285, %dma_start3A_286] : memref<2x128x128xf32, #tpu.memory_space<vmem>> -> memref<1x128x128xf32, #tpu.memory_space<vmem>>
      %dma_start3A_288 = tpu.memref_squeeze %dma_start3A_287 : memref<1x128x128xf32, #tpu.memory_space<vmem>> -> memref<128x128xf32, #tpu.memory_space<vmem>>
      %dma_start3A_289 = arith.constant 0 : i32
      %dma_start3A_290 = tpu.memref_slice %arg9[%dma_start3A_284, %dma_start3A_289] : memref<2x128xi32, #tpu.memory_space<vmem>> -> memref<1x128xi32, #tpu.memory_space<vmem>>
      %dma_start3A_291 = tpu.memref_squeeze %dma_start3A_290 : memref<1x128xi32, #tpu.memory_space<vmem>> -> memref<128xi32, #tpu.memory_space<vmem>>
      %dma_start3A_292 = arith.constant 0 : i32
      %dma_start3A_293 = arith.constant 0 : i32
      %dma_start3A_294 = tpu.memref_slice %arg6[%dma_start3A_292, %dma_start3A_293] : memref<2048x128xf32, #tpu.memory_space<vmem_shared>> -> memref<2048x128xf32, #tpu.memory_space<vmem_shared>>
      tpu.enqueue_indirect_dma source(%dma_start3A_288 : memref<128x128xf32, #tpu.memory_space<vmem>>) target(%dma_start3A_294 : memref<2048x128xf32, #tpu.memory_space<vmem_shared>>) offsets(%dma_start3A_291 : memref<128xi32, #tpu.memory_space<vmem>>) semaphore(%arg14 : memref<!tpu.dma_semaphore, #tpu.memory_space<semaphore_mem>>) {add = true}
      %lt3A = arith.constant 15 : i32
      %lt3A_295 = arith.cmpi slt, %scan3A_174, %lt3A : i32
      %convert_element_type3A = arith.extui %lt3A_295 : i1 to i32
      %cond3A = arith.constant 0 : i32
      %cond3A_296 = arith.cmpi ne, %convert_element_type3A, %cond3A : i32
      scf.if %cond3A_296 {
        %mul3A_425 = arith.constant 2 : i32
        %mul3A_426 = arith.muli %mul3A_425, %scan3A_174 : i32
        %add3A_427 = arith.constant 2 : i32
        %add3A_428 = arith.addi %mul3A_426, %add3A_427 : i32
        %dma_wait3A_429 = arith.constant 0 : i32
        %dma_wait3A_430 = arith.constant 0 : i32
        %dma_wait3A_431 = arith.constant 0 : i32
        %dma_wait3A_432 = arith.constant 0 : i32
        %dma_wait3A_433 = tpu.memref_slice %arg10[%dma_wait3A_429, %dma_wait3A_431, %dma_wait3A_432] : memref<2x128x128xf32, #tpu.memory_space<vmem>> -> memref<1x128x128xf32, #tpu.memory_space<vmem>>
        %dma_wait3A_434 = tpu.memref_squeeze %dma_wait3A_433 : memref<1x128x128xf32, #tpu.memory_space<vmem>> -> memref<128x128xf32, #tpu.memory_space<vmem>>
        %dma_wait3A_435 = arith.constant 0 : i32
        %dma_wait3A_436 = tpu.memref_slice %arg9[%dma_wait3A_430, %dma_wait3A_435] : memref<2x128xi32, #tpu.memory_space<vmem>> -> memref<1x128xi32, #tpu.memory_space<vmem>>
        %dma_wait3A_437 = tpu.memref_squeeze %dma_wait3A_436 : memref<1x128xi32, #tpu.memory_space<vmem>> -> memref<128xi32, #tpu.memory_space<vmem>>
        %dma_wait3A_438 = arith.constant 0 : i32
        %dma_wait3A_439 = arith.constant 0 : i32
        %dma_wait3A_440 = tpu.memref_slice %arg6[%dma_wait3A_438, %dma_wait3A_439] : memref<2048x128xf32, #tpu.memory_space<vmem_shared>> -> memref<2048x128xf32, #tpu.memory_space<vmem_shared>>
        tpu.wait_indirect_dma semaphore(%arg14 : memref<!tpu.dma_semaphore, #tpu.memory_space<semaphore_mem>>) src(%dma_wait3A_434 : memref<128x128xf32, #tpu.memory_space<vmem>>) dst(%dma_wait3A_440 : memref<2048x128xf32, #tpu.memory_space<vmem_shared>>)
        %mul3A_441 = arith.constant 65536 : i32
        %mul3A_442 = arith.muli %add3A_12, %mul3A_441 : i32
        %mul3A_443 = arith.constant 4096 : i32
        %mul3A_444 = arith.muli %arg1, %mul3A_443 : i32
        %add3A_445 = arith.addi %mul3A_442, %mul3A_444 : i32
        %mul3A_446 = arith.constant 128 : i32
        %mul3A_447 = arith.muli %add3A_428, %mul3A_446 : i32
        %add3A_448 = arith.addi %add3A_445, %mul3A_447 : i32
        %run_scoped3A_449 = arith.constant 0 : i32
        "tpu.region"() ({
          %run_scoped3A_463 = tpu.sem_alloc : memref<!tpu.dma_semaphore, #tpu.memory_space<semaphore_mem>>
          %dma_start3A_464 = arith.constant 0 : i32
          %dma_start3A_465 = tpu.memref_slice %arg8[%run_scoped3A_449, %dma_start3A_464] : memref<2x128xi32, #tpu.memory_space<vmem>> -> memref<1x128xi32, #tpu.memory_space<vmem>>
          %dma_start3A_466 = tpu.memref_squeeze %dma_start3A_465 : memref<1x128xi32, #tpu.memory_space<vmem>> -> memref<128xi32, #tpu.memory_space<vmem>>
          %dma_start3A_467 = tpu.memref_slice %arg3[%add3A_448] : memref<262144xi32, #tpu.memory_space<hbm>> -> memref<128xi32, #tpu.memory_space<hbm>>
          %dma_start3A_468 = arith.constant 0 : i32
          %dma_start3A_469 = tpu.memref_slice %arg8[%run_scoped3A_449, %dma_start3A_468] : memref<2x128xi32, #tpu.memory_space<vmem>> -> memref<1x128xi32, #tpu.memory_space<vmem>>
          %dma_start3A_470 = tpu.memref_squeeze %dma_start3A_469 : memref<1x128xi32, #tpu.memory_space<vmem>> -> memref<128xi32, #tpu.memory_space<vmem>>
          %dma_start3A_471 = tpu.memref_slice %arg3[%add3A_448] : memref<262144xi32, #tpu.memory_space<hbm>> -> memref<128xi32, #tpu.memory_space<hbm>>
          tpu.enqueue_dma source(%dma_start3A_471 : memref<128xi32, #tpu.memory_space<hbm>>) target(%dma_start3A_470 : memref<128xi32, #tpu.memory_space<vmem>>) target_semaphore(%run_scoped3A_463 : memref<!tpu.dma_semaphore, #tpu.memory_space<semaphore_mem>>)
          %dma_wait3A_472 = arith.constant 0 : i32
          %dma_wait3A_473 = tpu.memref_slice %arg8[%run_scoped3A_449, %dma_wait3A_472] : memref<2x128xi32, #tpu.memory_space<vmem>> -> memref<1x128xi32, #tpu.memory_space<vmem>>
          %dma_wait3A_474 = tpu.memref_squeeze %dma_wait3A_473 : memref<1x128xi32, #tpu.memory_space<vmem>> -> memref<128xi32, #tpu.memory_space<vmem>>
          %dma_wait3A_475 = tpu.memref_slice %arg3[%add3A_448] : memref<262144xi32, #tpu.memory_space<hbm>> -> memref<128xi32, #tpu.memory_space<hbm>>
          %dma_wait3A_476 = arith.constant 0 : i32
          %dma_wait3A_477 = tpu.memref_slice %arg8[%run_scoped3A_449, %dma_wait3A_476] : memref<2x128xi32, #tpu.memory_space<vmem>> -> memref<1x128xi32, #tpu.memory_space<vmem>>
          %dma_wait3A_478 = tpu.memref_squeeze %dma_wait3A_477 : memref<1x128xi32, #tpu.memory_space<vmem>> -> memref<128xi32, #tpu.memory_space<vmem>>
          %dma_wait3A_479 = tpu.memref_slice %arg3[%add3A_448] : memref<262144xi32, #tpu.memory_space<hbm>> -> memref<128xi32, #tpu.memory_space<hbm>>
          tpu.wait_dma2 semaphore(%run_scoped3A_463 : memref<!tpu.dma_semaphore, #tpu.memory_space<semaphore_mem>>) src(%dma_wait3A_479 : memref<128xi32, #tpu.memory_space<hbm>>) dst(%dma_wait3A_478 : memref<128xi32, #tpu.memory_space<vmem>>)
          tpu.yield
        }) : () -> ()
        %dma_start3A_450 = arith.constant 0 : i32
        %dma_start3A_451 = arith.constant 0 : i32
        %dma_start3A_452 = arith.constant 0 : i32
        %dma_start3A_453 = tpu.memref_slice %arg10[%dma_start3A_450, %dma_start3A_451, %dma_start3A_452] : memref<2x128x128xf32, #tpu.memory_space<vmem>> -> memref<1x128x128xf32, #tpu.memory_space<vmem>>
        %dma_start3A_454 = tpu.memref_squeeze %dma_start3A_453 : memref<1x128x128xf32, #tpu.memory_space<vmem>> -> memref<128x128xf32, #tpu.memory_space<vmem>>
        %dma_start3A_455 = arith.constant 0 : i32
        %dma_start3A_456 = tpu.memref_slice %arg2[%add3A_448, %dma_start3A_455] : memref<262144x128xf32, #tpu.memory_space<hbm>> -> memref<128x128xf32, #tpu.memory_space<hbm>>
        %dma_start3A_457 = arith.constant 0 : i32
        %dma_start3A_458 = arith.constant 0 : i32
        %dma_start3A_459 = tpu.memref_slice %arg10[%dma_start3A_450, %dma_start3A_457, %dma_start3A_458] : memref<2x128x128xf32, #tpu.memory_space<vmem>> -> memref<1x128x128xf32, #tpu.memory_space<vmem>>
        %dma_start3A_460 = tpu.memref_squeeze %dma_start3A_459 : memref<1x128x128xf32, #tpu.memory_space<vmem>> -> memref<128x128xf32, #tpu.memory_space<vmem>>
        %dma_start3A_461 = arith.constant 0 : i32
        %dma_start3A_462 = tpu.memref_slice %arg2[%add3A_448, %dma_start3A_461] : memref<262144x128xf32, #tpu.memory_space<hbm>> -> memref<128x128xf32, #tpu.memory_space<hbm>>
        tpu.enqueue_dma source(%dma_start3A_462 : memref<128x128xf32, #tpu.memory_space<hbm>>) target(%dma_start3A_460 : memref<128x128xf32, #tpu.memory_space<vmem>>) target_semaphore(%arg12 : memref<!tpu.dma_semaphore, #tpu.memory_space<semaphore_mem>>)
      } else {
      }
      %get3A_297 = arith.constant 1 : i32
      %get3A_298 = arith.index_cast %get3A_297 : i32 to index
      %get3A_299 = arith.constant 0 : index
      %get3A_300 = tpu.vector_load %arg8[%get3A_298, %get3A_299] {strides = array<i32>} : memref<2x128xi32, #tpu.memory_space<vmem>>, vector<16xi32>,
      %gather3A_301 = tpu.vector_load_idx %arg7[%get3A_300] : memref<1024xi32, #tpu.memory_space<vmem>>[vector<16xi32>], vector<16xi32>,
      %add3A_302 = arith.constant 0 : i32
      %add3A_303 = vector.broadcast %add3A_302 : i32 to vector<16xi32>
      %add3A_304 = arith.addi %gather3A_301, %add3A_303 : vector<16xi32>
      %swap3A_305 = arith.constant 1 : i32
      %swap3A_306 = arith.index_cast %swap3A_305 : i32 to index
      %swap3A_307 = arith.constant 0 : index
      %swap3A_308 = tpu.vector_load %arg9[%swap3A_306, %swap3A_307] {strides = array<i32>} : memref<2x128xi32, #tpu.memory_space<vmem>>, vector<16xi32>,
      tpu.vector_store %arg9[%swap3A_306, %swap3A_307], %add3A_304 {strides = array<i32>} : memref<2x128xi32, #tpu.memory_space<vmem>>, vector<16xi32>,
      %get3A_309 = arith.constant 1 : i32
      %get3A_310 = arith.index_cast %get3A_309 : i32 to index
      %get3A_311 = arith.constant 16 : index
      %get3A_312 = tpu.vector_load %arg8[%get3A_310, %get3A_311] {strides = array<i32>} : memref<2x128xi32, #tpu.memory_space<vmem>>, vector<16xi32>,
      %gather3A_313 = tpu.vector_load_idx %arg7[%get3A_312] : memref<1024xi32, #tpu.memory_space<vmem>>[vector<16xi32>], vector<16xi32>,
      %add3A_314 = arith.constant 0 : i32
      %add3A_315 = vector.broadcast %add3A_314 : i32 to vector<16xi32>
      %add3A_316 = arith.addi %gather3A_313, %add3A_315 : vector<16xi32>
      %swap3A_317 = arith.constant 1 : i32
      %swap3A_318 = arith.index_cast %swap3A_317 : i32 to index
      %swap3A_319 = arith.constant 16 : index
      %swap3A_320 = tpu.vector_load %arg9[%swap3A_318, %swap3A_319] {strides = array<i32>} : memref<2x128xi32, #tpu.memory_space<vmem>>, vector<16xi32>,
      tpu.vector_store %arg9[%swap3A_318, %swap3A_319], %add3A_316 {strides = array<i32>} : memref<2x128xi32, #tpu.memory_space<vmem>>, vector<16xi32>,
      %get3A_321 = arith.constant 1 : i32
      %get3A_322 = arith.index_cast %get3A_321 : i32 to index
      %get3A_323 = arith.constant 32 : index
      %get3A_324 = tpu.vector_load %arg8[%get3A_322, %get3A_323] {strides = array<i32>} : memref<2x128xi32, #tpu.memory_space<vmem>>, vector<16xi32>,
      %gather3A_325 = tpu.vector_load_idx %arg7[%get3A_324] : memref<1024xi32, #tpu.memory_space<vmem>>[vector<16xi32>], vector<16xi32>,
      %add3A_326 = arith.constant 0 : i32
      %add3A_327 = vector.broadcast %add3A_326 : i32 to vector<16xi32>
      %add3A_328 = arith.addi %gather3A_325, %add3A_327 : vector<16xi32>
      %swap3A_329 = arith.constant 1 : i32
      %swap3A_330 = arith.index_cast %swap3A_329 : i32 to index
      %swap3A_331 = arith.constant 32 : index
      %swap3A_332 = tpu.vector_load %arg9[%swap3A_330, %swap3A_331] {strides = array<i32>} : memref<2x128xi32, #tpu.memory_space<vmem>>, vector<16xi32>,
      tpu.vector_store %arg9[%swap3A_330, %swap3A_331], %add3A_328 {strides = array<i32>} : memref<2x128xi32, #tpu.memory_space<vmem>>, vector<16xi32>,
      %get3A_333 = arith.constant 1 : i32
      %get3A_334 = arith.index_cast %get3A_333 : i32 to index
      %get3A_335 = arith.constant 48 : index
      %get3A_336 = tpu.vector_load %arg8[%get3A_334, %get3A_335] {strides = array<i32>} : memref<2x128xi32, #tpu.memory_space<vmem>>, vector<16xi32>,
      %gather3A_337 = tpu.vector_load_idx %arg7[%get3A_336] : memref<1024xi32, #tpu.memory_space<vmem>>[vector<16xi32>], vector<16xi32>,
      %add3A_338 = arith.constant 0 : i32
      %add3A_339 = vector.broadcast %add3A_338 : i32 to vector<16xi32>
      %add3A_340 = arith.addi %gather3A_337, %add3A_339 : vector<16xi32>
      %swap3A_341 = arith.constant 1 : i32
      %swap3A_342 = arith.index_cast %swap3A_341 : i32 to index
      %swap3A_343 = arith.constant 48 : index
      %swap3A_344 = tpu.vector_load %arg9[%swap3A_342, %swap3A_343] {strides = array<i32>} : memref<2x128xi32, #tpu.memory_space<vmem>>, vector<16xi32>,
      tpu.vector_store %arg9[%swap3A_342, %swap3A_343], %add3A_340 {strides = array<i32>} : memref<2x128xi32, #tpu.memory_space<vmem>>, vector<16xi32>,
      %get3A_345 = arith.constant 1 : i32
      %get3A_346 = arith.index_cast %get3A_345 : i32 to index
      %get3A_347 = arith.constant 64 : index
      %get3A_348 = tpu.vector_load %arg8[%get3A_346, %get3A_347] {strides = array<i32>} : memref<2x128xi32, #tpu.memory_space<vmem>>, vector<16xi32>,
      %gather3A_349 = tpu.vector_load_idx %arg7[%get3A_348] : memref<1024xi32, #tpu.memory_space<vmem>>[vector<16xi32>], vector<16xi32>,
      %add3A_350 = arith.constant 0 : i32
      %add3A_351 = vector.broadcast %add3A_350 : i32 to vector<16xi32>
      %add3A_352 = arith.addi %gather3A_349, %add3A_351 : vector<16xi32>
      %swap3A_353 = arith.constant 1 : i32
      %swap3A_354 = arith.index_cast %swap3A_353 : i32 to index
      %swap3A_355 = arith.constant 64 : index
      %swap3A_356 = tpu.vector_load %arg9[%swap3A_354, %swap3A_355] {strides = array<i32>} : memref<2x128xi32, #tpu.memory_space<vmem>>, vector<16xi32>,
      tpu.vector_store %arg9[%swap3A_354, %swap3A_355], %add3A_352 {strides = array<i32>} : memref<2x128xi32, #tpu.memory_space<vmem>>, vector<16xi32>,
      %get3A_357 = arith.constant 1 : i32
      %get3A_358 = arith.index_cast %get3A_357 : i32 to index
      %get3A_359 = arith.constant 80 : index
      %get3A_360 = tpu.vector_load %arg8[%get3A_358, %get3A_359] {strides = array<i32>} : memref<2x128xi32, #tpu.memory_space<vmem>>, vector<16xi32>,
      %gather3A_361 = tpu.vector_load_idx %arg7[%get3A_360] : memref<1024xi32, #tpu.memory_space<vmem>>[vector<16xi32>], vector<16xi32>,
      %add3A_362 = arith.constant 0 : i32
      %add3A_363 = vector.broadcast %add3A_362 : i32 to vector<16xi32>
      %add3A_364 = arith.addi %gather3A_361, %add3A_363 : vector<16xi32>
      %swap3A_365 = arith.constant 1 : i32
      %swap3A_366 = arith.index_cast %swap3A_365 : i32 to index
      %swap3A_367 = arith.constant 80 : index
      %swap3A_368 = tpu.vector_load %arg9[%swap3A_366, %swap3A_367] {strides = array<i32>} : memref<2x128xi32, #tpu.memory_space<vmem>>, vector<16xi32>,
      tpu.vector_store %arg9[%swap3A_366, %swap3A_367], %add3A_364 {strides = array<i32>} : memref<2x128xi32, #tpu.memory_space<vmem>>, vector<16xi32>,
      %get3A_369 = arith.constant 1 : i32
      %get3A_370 = arith.index_cast %get3A_369 : i32 to index
      %get3A_371 = arith.constant 96 : index
      %get3A_372 = tpu.vector_load %arg8[%get3A_370, %get3A_371] {strides = array<i32>} : memref<2x128xi32, #tpu.memory_space<vmem>>, vector<16xi32>,
      %gather3A_373 = tpu.vector_load_idx %arg7[%get3A_372] : memref<1024xi32, #tpu.memory_space<vmem>>[vector<16xi32>], vector<16xi32>,
      %add3A_374 = arith.constant 0 : i32
      %add3A_375 = vector.broadcast %add3A_374 : i32 to vector<16xi32>
      %add3A_376 = arith.addi %gather3A_373, %add3A_375 : vector<16xi32>
      %swap3A_377 = arith.constant 1 : i32
      %swap3A_378 = arith.index_cast %swap3A_377 : i32 to index
      %swap3A_379 = arith.constant 96 : index
      %swap3A_380 = tpu.vector_load %arg9[%swap3A_378, %swap3A_379] {strides = array<i32>} : memref<2x128xi32, #tpu.memory_space<vmem>>, vector<16xi32>,
      tpu.vector_store %arg9[%swap3A_378, %swap3A_379], %add3A_376 {strides = array<i32>} : memref<2x128xi32, #tpu.memory_space<vmem>>, vector<16xi32>,
      %get3A_381 = arith.constant 1 : i32
      %get3A_382 = arith.index_cast %get3A_381 : i32 to index
      %get3A_383 = arith.constant 112 : index
      %get3A_384 = tpu.vector_load %arg8[%get3A_382, %get3A_383] {strides = array<i32>} : memref<2x128xi32, #tpu.memory_space<vmem>>, vector<16xi32>,
      %gather3A_385 = tpu.vector_load_idx %arg7[%get3A_384] : memref<1024xi32, #tpu.memory_space<vmem>>[vector<16xi32>], vector<16xi32>,
      %add3A_386 = arith.constant 0 : i32
      %add3A_387 = vector.broadcast %add3A_386 : i32 to vector<16xi32>
      %add3A_388 = arith.addi %gather3A_385, %add3A_387 : vector<16xi32>
      %swap3A_389 = arith.constant 1 : i32
      %swap3A_390 = arith.index_cast %swap3A_389 : i32 to index
      %swap3A_391 = arith.constant 112 : index
      %swap3A_392 = tpu.vector_load %arg9[%swap3A_390, %swap3A_391] {strides = array<i32>} : memref<2x128xi32, #tpu.memory_space<vmem>>, vector<16xi32>,
      tpu.vector_store %arg9[%swap3A_390, %swap3A_391], %add3A_388 {strides = array<i32>} : memref<2x128xi32, #tpu.memory_space<vmem>>, vector<16xi32>,
      %dma_wait3A_393 = arith.constant 1 : i32
      %dma_wait3A_394 = arith.constant 0 : i32
      %dma_wait3A_395 = arith.constant 0 : i32
      %dma_wait3A_396 = tpu.memref_slice %arg10[%dma_wait3A_393, %dma_wait3A_394, %dma_wait3A_395] : memref<2x128x128xf32, #tpu.memory_space<vmem>> -> memref<1x128x128xf32, #tpu.memory_space<vmem>>
      %dma_wait3A_397 = tpu.memref_squeeze %dma_wait3A_396 : memref<1x128x128xf32, #tpu.memory_space<vmem>> -> memref<128x128xf32, #tpu.memory_space<vmem>>
      %dma_wait3A_398 = arith.constant 0 : i32
      %dma_wait3A_399 = arith.constant 0 : i32
      %dma_wait3A_400 = tpu.memref_slice %arg2[%dma_wait3A_398, %dma_wait3A_399] : memref<262144x128xf32, #tpu.memory_space<hbm>> -> memref<128x128xf32, #tpu.memory_space<hbm>>
      %dma_wait3A_401 = arith.constant 0 : i32
      %dma_wait3A_402 = arith.constant 0 : i32
      %dma_wait3A_403 = tpu.memref_slice %arg10[%dma_wait3A_393, %dma_wait3A_401, %dma_wait3A_402] : memref<2x128x128xf32, #tpu.memory_space<vmem>> -> memref<1x128x128xf32, #tpu.memory_space<vmem>>
      %dma_wait3A_404 = tpu.memref_squeeze %dma_wait3A_403 : memref<1x128x128xf32, #tpu.memory_space<vmem>> -> memref<128x128xf32, #tpu.memory_space<vmem>>
      %dma_wait3A_405 = arith.constant 0 : i32
      %dma_wait3A_406 = arith.constant 0 : i32
      %dma_wait3A_407 = tpu.memref_slice %arg2[%dma_wait3A_405, %dma_wait3A_406] : memref<262144x128xf32, #tpu.memory_space<hbm>> -> memref<128x128xf32, #tpu.memory_space<hbm>>
      tpu.wait_dma2 semaphore(%arg13 : memref<!tpu.dma_semaphore, #tpu.memory_space<semaphore_mem>>) src(%dma_wait3A_407 : memref<128x128xf32, #tpu.memory_space<hbm>>) dst(%dma_wait3A_404 : memref<128x128xf32, #tpu.memory_space<vmem>>)
      %dma_start3A_408 = arith.constant 1 : i32
      %dma_start3A_409 = arith.constant 1 : i32
      %dma_start3A_410 = arith.constant 0 : i32
      %dma_start3A_411 = arith.constant 0 : i32
      %dma_start3A_412 = tpu.memref_slice %arg10[%dma_start3A_408, %dma_start3A_410, %dma_start3A_411] : memref<2x128x128xf32, #tpu.memory_space<vmem>> -> memref<1x128x128xf32, #tpu.memory_space<vmem>>
      %dma_start3A_413 = tpu.memref_squeeze %dma_start3A_412 : memref<1x128x128xf32, #tpu.memory_space<vmem>> -> memref<128x128xf32, #tpu.memory_space<vmem>>
      %dma_start3A_414 = arith.constant 0 : i32
      %dma_start3A_415 = tpu.memref_slice %arg9[%dma_start3A_409, %dma_start3A_414] : memref<2x128xi32, #tpu.memory_space<vmem>> -> memref<1x128xi32, #tpu.memory_space<vmem>>
      %dma_start3A_416 = tpu.memref_squeeze %dma_start3A_415 : memref<1x128xi32, #tpu.memory_space<vmem>> -> memref<128xi32, #tpu.memory_space<vmem>>
      %dma_start3A_417 = arith.constant 0 : i32
      %dma_start3A_418 = arith.constant 0 : i32
      %dma_start3A_419 = tpu.memref_slice %arg6[%dma_start3A_417, %dma_start3A_418] : memref<2048x128xf32, #tpu.memory_space<vmem_shared>> -> memref<2048x128xf32, #tpu.memory_space<vmem_shared>>
      tpu.enqueue_indirect_dma source(%dma_start3A_413 : memref<128x128xf32, #tpu.memory_space<vmem>>) target(%dma_start3A_419 : memref<2048x128xf32, #tpu.memory_space<vmem_shared>>) offsets(%dma_start3A_416 : memref<128xi32, #tpu.memory_space<vmem>>) semaphore(%arg15 : memref<!tpu.dma_semaphore, #tpu.memory_space<semaphore_mem>>) {add = true}
      %lt3A_420 = arith.constant 15 : i32
      %lt3A_421 = arith.cmpi slt, %scan3A_174, %lt3A_420 : i32
      %convert_element_type3A_422 = arith.extui %lt3A_421 : i1 to i32
      %cond3A_423 = arith.constant 0 : i32
      %cond3A_424 = arith.cmpi ne, %convert_element_type3A_422, %cond3A_423 : i32
      scf.if %cond3A_424 {
        %mul3A_425 = arith.constant 2 : i32
        %mul3A_426 = arith.muli %mul3A_425, %scan3A_174 : i32
        %add3A_427 = arith.constant 3 : i32
        %add3A_428 = arith.addi %mul3A_426, %add3A_427 : i32
        %dma_wait3A_429 = arith.constant 1 : i32
        %dma_wait3A_430 = arith.constant 1 : i32
        %dma_wait3A_431 = arith.constant 0 : i32
        %dma_wait3A_432 = arith.constant 0 : i32
        %dma_wait3A_433 = tpu.memref_slice %arg10[%dma_wait3A_429, %dma_wait3A_431, %dma_wait3A_432] : memref<2x128x128xf32, #tpu.memory_space<vmem>> -> memref<1x128x128xf32, #tpu.memory_space<vmem>>
        %dma_wait3A_434 = tpu.memref_squeeze %dma_wait3A_433 : memref<1x128x128xf32, #tpu.memory_space<vmem>> -> memref<128x128xf32, #tpu.memory_space<vmem>>
        %dma_wait3A_435 = arith.constant 0 : i32
        %dma_wait3A_436 = tpu.memref_slice %arg9[%dma_wait3A_430, %dma_wait3A_435] : memref<2x128xi32, #tpu.memory_space<vmem>> -> memref<1x128xi32, #tpu.memory_space<vmem>>
        %dma_wait3A_437 = tpu.memref_squeeze %dma_wait3A_436 : memref<1x128xi32, #tpu.memory_space<vmem>> -> memref<128xi32, #tpu.memory_space<vmem>>
        %dma_wait3A_438 = arith.constant 0 : i32
        %dma_wait3A_439 = arith.constant 0 : i32
        %dma_wait3A_440 = tpu.memref_slice %arg6[%dma_wait3A_438, %dma_wait3A_439] : memref<2048x128xf32, #tpu.memory_space<vmem_shared>> -> memref<2048x128xf32, #tpu.memory_space<vmem_shared>>
        tpu.wait_indirect_dma semaphore(%arg15 : memref<!tpu.dma_semaphore, #tpu.memory_space<semaphore_mem>>) src(%dma_wait3A_434 : memref<128x128xf32, #tpu.memory_space<vmem>>) dst(%dma_wait3A_440 : memref<2048x128xf32, #tpu.memory_space<vmem_shared>>)
        %mul3A_441 = arith.constant 65536 : i32
        %mul3A_442 = arith.muli %add3A_12, %mul3A_441 : i32
        %mul3A_443 = arith.constant 4096 : i32
        %mul3A_444 = arith.muli %arg1, %mul3A_443 : i32
        %add3A_445 = arith.addi %mul3A_442, %mul3A_444 : i32
        %mul3A_446 = arith.constant 128 : i32
        %mul3A_447 = arith.muli %add3A_428, %mul3A_446 : i32
        %add3A_448 = arith.addi %add3A_445, %mul3A_447 : i32
        %run_scoped3A_449 = arith.constant 1 : i32
        "tpu.region"() ({
          %run_scoped3A_463 = tpu.sem_alloc : memref<!tpu.dma_semaphore, #tpu.memory_space<semaphore_mem>>
          %dma_start3A_464 = arith.constant 0 : i32
          %dma_start3A_465 = tpu.memref_slice %arg8[%run_scoped3A_449, %dma_start3A_464] : memref<2x128xi32, #tpu.memory_space<vmem>> -> memref<1x128xi32, #tpu.memory_space<vmem>>
          %dma_start3A_466 = tpu.memref_squeeze %dma_start3A_465 : memref<1x128xi32, #tpu.memory_space<vmem>> -> memref<128xi32, #tpu.memory_space<vmem>>
          %dma_start3A_467 = tpu.memref_slice %arg3[%add3A_448] : memref<262144xi32, #tpu.memory_space<hbm>> -> memref<128xi32, #tpu.memory_space<hbm>>
          %dma_start3A_468 = arith.constant 0 : i32
          %dma_start3A_469 = tpu.memref_slice %arg8[%run_scoped3A_449, %dma_start3A_468] : memref<2x128xi32, #tpu.memory_space<vmem>> -> memref<1x128xi32, #tpu.memory_space<vmem>>
          %dma_start3A_470 = tpu.memref_squeeze %dma_start3A_469 : memref<1x128xi32, #tpu.memory_space<vmem>> -> memref<128xi32, #tpu.memory_space<vmem>>
          %dma_start3A_471 = tpu.memref_slice %arg3[%add3A_448] : memref<262144xi32, #tpu.memory_space<hbm>> -> memref<128xi32, #tpu.memory_space<hbm>>
          tpu.enqueue_dma source(%dma_start3A_471 : memref<128xi32, #tpu.memory_space<hbm>>) target(%dma_start3A_470 : memref<128xi32, #tpu.memory_space<vmem>>) target_semaphore(%run_scoped3A_463 : memref<!tpu.dma_semaphore, #tpu.memory_space<semaphore_mem>>)
          %dma_wait3A_472 = arith.constant 0 : i32
          %dma_wait3A_473 = tpu.memref_slice %arg8[%run_scoped3A_449, %dma_wait3A_472] : memref<2x128xi32, #tpu.memory_space<vmem>> -> memref<1x128xi32, #tpu.memory_space<vmem>>
          %dma_wait3A_474 = tpu.memref_squeeze %dma_wait3A_473 : memref<1x128xi32, #tpu.memory_space<vmem>> -> memref<128xi32, #tpu.memory_space<vmem>>
          %dma_wait3A_475 = tpu.memref_slice %arg3[%add3A_448] : memref<262144xi32, #tpu.memory_space<hbm>> -> memref<128xi32, #tpu.memory_space<hbm>>
          %dma_wait3A_476 = arith.constant 0 : i32
          %dma_wait3A_477 = tpu.memref_slice %arg8[%run_scoped3A_449, %dma_wait3A_476] : memref<2x128xi32, #tpu.memory_space<vmem>> -> memref<1x128xi32, #tpu.memory_space<vmem>>
          %dma_wait3A_478 = tpu.memref_squeeze %dma_wait3A_477 : memref<1x128xi32, #tpu.memory_space<vmem>> -> memref<128xi32, #tpu.memory_space<vmem>>
          %dma_wait3A_479 = tpu.memref_slice %arg3[%add3A_448] : memref<262144xi32, #tpu.memory_space<hbm>> -> memref<128xi32, #tpu.memory_space<hbm>>
          tpu.wait_dma2 semaphore(%run_scoped3A_463 : memref<!tpu.dma_semaphore, #tpu.memory_space<semaphore_mem>>) src(%dma_wait3A_479 : memref<128xi32, #tpu.memory_space<hbm>>) dst(%dma_wait3A_478 : memref<128xi32, #tpu.memory_space<vmem>>)
          tpu.yield
        }) : () -> ()
        %dma_start3A_450 = arith.constant 1 : i32
        %dma_start3A_451 = arith.constant 0 : i32
        %dma_start3A_452 = arith.constant 0 : i32
        %dma_start3A_453 = tpu.memref_slice %arg10[%dma_start3A_450, %dma_start3A_451, %dma_start3A_452] : memref<2x128x128xf32, #tpu.memory_space<vmem>> -> memref<1x128x128xf32, #tpu.memory_space<vmem>>
        %dma_start3A_454 = tpu.memref_squeeze %dma_start3A_453 : memref<1x128x128xf32, #tpu.memory_space<vmem>> -> memref<128x128xf32, #tpu.memory_space<vmem>>
        %dma_start3A_455 = arith.constant 0 : i32
        %dma_start3A_456 = tpu.memref_slice %arg2[%add3A_448, %dma_start3A_455] : memref<262144x128xf32, #tpu.memory_space<hbm>> -> memref<128x128xf32, #tpu.memory_space<hbm>>
        %dma_start3A_457 = arith.constant 0 : i32
        %dma_start3A_458 = arith.constant 0 : i32
        %dma_start3A_459 = tpu.memref_slice %arg10[%dma_start3A_450, %dma_start3A_457, %dma_start3A_458] : memref<2x128x128xf32, #tpu.memory_space<vmem>> -> memref<1x128x128xf32, #tpu.memory_space<vmem>>
        %dma_start3A_460 = tpu.memref_squeeze %dma_start3A_459 : memref<1x128x128xf32, #tpu.memory_space<vmem>> -> memref<128x128xf32, #tpu.memory_space<vmem>>
        %dma_start3A_461 = arith.constant 0 : i32
        %dma_start3A_462 = tpu.memref_slice %arg2[%add3A_448, %dma_start3A_461] : memref<262144x128xf32, #tpu.memory_space<hbm>> -> memref<128x128xf32, #tpu.memory_space<hbm>>
        tpu.enqueue_dma source(%dma_start3A_462 : memref<128x128xf32, #tpu.memory_space<hbm>>) target(%dma_start3A_460 : memref<128x128xf32, #tpu.memory_space<vmem>>) target_semaphore(%arg13 : memref<!tpu.dma_semaphore, #tpu.memory_space<semaphore_mem>>)
      } else {
      }
    }
    %scan3A_60 = arith.constant 16 : i32
    %dma_wait3A = arith.constant 0 : i32
    %dma_wait3A_61 = arith.constant 0 : i32
    %dma_wait3A_62 = arith.constant 0 : i32
    %dma_wait3A_63 = arith.constant 0 : i32
    %dma_wait3A_64 = tpu.memref_slice %arg10[%dma_wait3A, %dma_wait3A_62, %dma_wait3A_63] : memref<2x128x128xf32, #tpu.memory_space<vmem>> -> memref<1x128x128xf32, #tpu.memory_space<vmem>>
    %dma_wait3A_65 = tpu.memref_squeeze %dma_wait3A_64 : memref<1x128x128xf32, #tpu.memory_space<vmem>> -> memref<128x128xf32, #tpu.memory_space<vmem>>
    %dma_wait3A_66 = arith.constant 0 : i32
    %dma_wait3A_67 = tpu.memref_slice %arg9[%dma_wait3A_61, %dma_wait3A_66] : memref<2x128xi32, #tpu.memory_space<vmem>> -> memref<1x128xi32, #tpu.memory_space<vmem>>
    %dma_wait3A_68 = tpu.memref_squeeze %dma_wait3A_67 : memref<1x128xi32, #tpu.memory_space<vmem>> -> memref<128xi32, #tpu.memory_space<vmem>>
    %dma_wait3A_69 = arith.constant 0 : i32
    %dma_wait3A_70 = arith.constant 0 : i32
    %dma_wait3A_71 = tpu.memref_slice %arg6[%dma_wait3A_69, %dma_wait3A_70] : memref<2048x128xf32, #tpu.memory_space<vmem_shared>> -> memref<2048x128xf32, #tpu.memory_space<vmem_shared>>
    tpu.wait_indirect_dma semaphore(%arg14 : memref<!tpu.dma_semaphore, #tpu.memory_space<semaphore_mem>>) src(%dma_wait3A_65 : memref<128x128xf32, #tpu.memory_space<vmem>>) dst(%dma_wait3A_71 : memref<2048x128xf32, #tpu.memory_space<vmem_shared>>)
    %dma_wait3A_72 = arith.constant 1 : i32
    %dma_wait3A_73 = arith.constant 1 : i32
    %dma_wait3A_74 = arith.constant 0 : i32
    %dma_wait3A_75 = arith.constant 0 : i32
    %dma_wait3A_76 = tpu.memref_slice %arg10[%dma_wait3A_72, %dma_wait3A_74, %dma_wait3A_75] : memref<2x128x128xf32, #tpu.memory_space<vmem>> -> memref<1x128x128xf32, #tpu.memory_space<vmem>>
    %dma_wait3A_77 = tpu.memref_squeeze %dma_wait3A_76 : memref<1x128x128xf32, #tpu.memory_space<vmem>> -> memref<128x128xf32, #tpu.memory_space<vmem>>
    %dma_wait3A_78 = arith.constant 0 : i32
    %dma_wait3A_79 = tpu.memref_slice %arg9[%dma_wait3A_73, %dma_wait3A_78] : memref<2x128xi32, #tpu.memory_space<vmem>> -> memref<1x128xi32, #tpu.memory_space<vmem>>
    %dma_wait3A_80 = tpu.memref_squeeze %dma_wait3A_79 : memref<1x128xi32, #tpu.memory_space<vmem>> -> memref<128xi32, #tpu.memory_space<vmem>>
    %dma_wait3A_81 = arith.constant 0 : i32
    %dma_wait3A_82 = arith.constant 0 : i32
    %dma_wait3A_83 = tpu.memref_slice %arg6[%dma_wait3A_81, %dma_wait3A_82] : memref<2048x128xf32, #tpu.memory_space<vmem_shared>> -> memref<2048x128xf32, #tpu.memory_space<vmem_shared>>
    tpu.wait_indirect_dma semaphore(%arg15 : memref<!tpu.dma_semaphore, #tpu.memory_space<semaphore_mem>>) src(%dma_wait3A_77 : memref<128x128xf32, #tpu.memory_space<vmem>>) dst(%dma_wait3A_83 : memref<2048x128xf32, #tpu.memory_space<vmem_shared>>)
    %mul3A_84 = arith.constant 2 : i32
    %mul3A_85 = arith.muli %mul3A_84, %arg0 : i32
    %add3A_86 = arith.constant 1 : i32
    %add3A_87 = arith.addi %mul3A_85, %add3A_86 : i32
    %mul3A_88 = arith.constant 1024 : i32
    %mul3A_89 = arith.muli %add3A_87, %mul3A_88 : i32
    "tpu.region"() ({
      %run_scoped3A_174 = tpu.sem_alloc : memref<!tpu.dma_semaphore, #tpu.memory_space<semaphore_mem>>
      %dma_start3A_175 = tpu.memref_slice %arg4[%mul3A_89] : memref<4096xi32, #tpu.memory_space<hbm>> -> memref<1024xi32, #tpu.memory_space<hbm>>
      %dma_start3A_176 = tpu.memref_slice %arg4[%mul3A_89] : memref<4096xi32, #tpu.memory_space<hbm>> -> memref<1024xi32, #tpu.memory_space<hbm>>
      tpu.enqueue_dma source(%dma_start3A_176 : memref<1024xi32, #tpu.memory_space<hbm>>) target(%arg7 : memref<1024xi32, #tpu.memory_space<vmem>>) target_semaphore(%run_scoped3A_174 : memref<!tpu.dma_semaphore, #tpu.memory_space<semaphore_mem>>)
      %dma_wait3A_177 = tpu.memref_slice %arg4[%mul3A_89] : memref<4096xi32, #tpu.memory_space<hbm>> -> memref<1024xi32, #tpu.memory_space<hbm>>
      %dma_wait3A_178 = tpu.memref_slice %arg4[%mul3A_89] : memref<4096xi32, #tpu.memory_space<hbm>> -> memref<1024xi32, #tpu.memory_space<hbm>>
      tpu.wait_dma2 semaphore(%run_scoped3A_174 : memref<!tpu.dma_semaphore, #tpu.memory_space<semaphore_mem>>) src(%dma_wait3A_178 : memref<1024xi32, #tpu.memory_space<hbm>>) dst(%arg7 : memref<1024xi32, #tpu.memory_space<vmem>>)
      tpu.yield
    }) : () -> ()
    %mul3A_90 = arith.constant 65536 : i32
    %mul3A_91 = arith.muli %add3A_87, %mul3A_90 : i32
    %mul3A_92 = arith.constant 4096 : i32
    %mul3A_93 = arith.muli %arg1, %mul3A_92 : i32
    %add3A_94 = arith.addi %mul3A_91, %mul3A_93 : i32
    %add3A_95 = arith.constant 0 : i32
    %add3A_96 = arith.addi %add3A_94, %add3A_95 : i32
    %run_scoped3A_97 = arith.constant 0 : i32
    "tpu.region"() ({
      %run_scoped3A_174 = tpu.sem_alloc : memref<!tpu.dma_semaphore, #tpu.memory_space<semaphore_mem>>
      %dma_start3A_175 = arith.constant 0 : i32
      %dma_start3A_176 = tpu.memref_slice %arg8[%run_scoped3A_97, %dma_start3A_175] : memref<2x128xi32, #tpu.memory_space<vmem>> -> memref<1x128xi32, #tpu.memory_space<vmem>>
      %dma_start3A_177 = tpu.memref_squeeze %dma_start3A_176 : memref<1x128xi32, #tpu.memory_space<vmem>> -> memref<128xi32, #tpu.memory_space<vmem>>
      %dma_start3A_178 = tpu.memref_slice %arg3[%add3A_96] : memref<262144xi32, #tpu.memory_space<hbm>> -> memref<128xi32, #tpu.memory_space<hbm>>
      %dma_start3A_179 = arith.constant 0 : i32
      %dma_start3A_180 = tpu.memref_slice %arg8[%run_scoped3A_97, %dma_start3A_179] : memref<2x128xi32, #tpu.memory_space<vmem>> -> memref<1x128xi32, #tpu.memory_space<vmem>>
      %dma_start3A_181 = tpu.memref_squeeze %dma_start3A_180 : memref<1x128xi32, #tpu.memory_space<vmem>> -> memref<128xi32, #tpu.memory_space<vmem>>
      %dma_start3A_182 = tpu.memref_slice %arg3[%add3A_96] : memref<262144xi32, #tpu.memory_space<hbm>> -> memref<128xi32, #tpu.memory_space<hbm>>
      tpu.enqueue_dma source(%dma_start3A_182 : memref<128xi32, #tpu.memory_space<hbm>>) target(%dma_start3A_181 : memref<128xi32, #tpu.memory_space<vmem>>) target_semaphore(%run_scoped3A_174 : memref<!tpu.dma_semaphore, #tpu.memory_space<semaphore_mem>>)
      %dma_wait3A_183 = arith.constant 0 : i32
      %dma_wait3A_184 = tpu.memref_slice %arg8[%run_scoped3A_97, %dma_wait3A_183] : memref<2x128xi32, #tpu.memory_space<vmem>> -> memref<1x128xi32, #tpu.memory_space<vmem>>
      %dma_wait3A_185 = tpu.memref_squeeze %dma_wait3A_184 : memref<1x128xi32, #tpu.memory_space<vmem>> -> memref<128xi32, #tpu.memory_space<vmem>>
      %dma_wait3A_186 = tpu.memref_slice %arg3[%add3A_96] : memref<262144xi32, #tpu.memory_space<hbm>> -> memref<128xi32, #tpu.memory_space<hbm>>
      %dma_wait3A_187 = arith.constant 0 : i32
      %dma_wait3A_188 = tpu.memref_slice %arg8[%run_scoped3A_97, %dma_wait3A_187] : memref<2x128xi32, #tpu.memory_space<vmem>> -> memref<1x128xi32, #tpu.memory_space<vmem>>
      %dma_wait3A_189 = tpu.memref_squeeze %dma_wait3A_188 : memref<1x128xi32, #tpu.memory_space<vmem>> -> memref<128xi32, #tpu.memory_space<vmem>>
      %dma_wait3A_190 = tpu.memref_slice %arg3[%add3A_96] : memref<262144xi32, #tpu.memory_space<hbm>> -> memref<128xi32, #tpu.memory_space<hbm>>
      tpu.wait_dma2 semaphore(%run_scoped3A_174 : memref<!tpu.dma_semaphore, #tpu.memory_space<semaphore_mem>>) src(%dma_wait3A_190 : memref<128xi32, #tpu.memory_space<hbm>>) dst(%dma_wait3A_189 : memref<128xi32, #tpu.memory_space<vmem>>)
      tpu.yield
    }) : () -> ()
    %dma_start3A_98 = arith.constant 0 : i32
    %dma_start3A_99 = arith.constant 0 : i32
    %dma_start3A_100 = arith.constant 0 : i32
    %dma_start3A_101 = tpu.memref_slice %arg10[%dma_start3A_98, %dma_start3A_99, %dma_start3A_100] : memref<2x128x128xf32, #tpu.memory_space<vmem>> -> memref<1x128x128xf32, #tpu.memory_space<vmem>>
    %dma_start3A_102 = tpu.memref_squeeze %dma_start3A_101 : memref<1x128x128xf32, #tpu.memory_space<vmem>> -> memref<128x128xf32, #tpu.memory_space<vmem>>
    %dma_start3A_103 = arith.constant 0 : i32
    %dma_start3A_104 = tpu.memref_slice %arg2[%add3A_96, %dma_start3A_103] : memref<262144x128xf32, #tpu.memory_space<hbm>> -> memref<128x128xf32, #tpu.memory_space<hbm>>
    %dma_start3A_105 = arith.constant 0 : i32
    %dma_start3A_106 = arith.constant 0 : i32
    %dma_start3A_107 = tpu.memref_slice %arg10[%dma_start3A_98, %dma_start3A_105, %dma_start3A_106] : memref<2x128x128xf32, #tpu.memory_space<vmem>> -> memref<1x128x128xf32, #tpu.memory_space<vmem>>
    %dma_start3A_108 = tpu.memref_squeeze %dma_start3A_107 : memref<1x128x128xf32, #tpu.memory_space<vmem>> -> memref<128x128xf32, #tpu.memory_space<vmem>>
    %dma_start3A_109 = arith.constant 0 : i32
    %dma_start3A_110 = tpu.memref_slice %arg2[%add3A_96, %dma_start3A_109] : memref<262144x128xf32, #tpu.memory_space<hbm>> -> memref<128x128xf32, #tpu.memory_space<hbm>>
    tpu.enqueue_dma source(%dma_start3A_110 : memref<128x128xf32, #tpu.memory_space<hbm>>) target(%dma_start3A_108 : memref<128x128xf32, #tpu.memory_space<vmem>>) target_semaphore(%arg12 : memref<!tpu.dma_semaphore, #tpu.memory_space<semaphore_mem>>)
    %mul3A_111 = arith.constant 65536 : i32
    %mul3A_112 = arith.muli %add3A_87, %mul3A_111 : i32
    %mul3A_113 = arith.constant 4096 : i32
    %mul3A_114 = arith.muli %arg1, %mul3A_113 : i32
    %add3A_115 = arith.addi %mul3A_112, %mul3A_114 : i32
    %add3A_116 = arith.constant 128 : i32
    %add3A_117 = arith.addi %add3A_115, %add3A_116 : i32
    %run_scoped3A_118 = arith.constant 1 : i32
    "tpu.region"() ({
      %run_scoped3A_174 = tpu.sem_alloc : memref<!tpu.dma_semaphore, #tpu.memory_space<semaphore_mem>>
      %dma_start3A_175 = arith.constant 0 : i32
      %dma_start3A_176 = tpu.memref_slice %arg8[%run_scoped3A_118, %dma_start3A_175] : memref<2x128xi32, #tpu.memory_space<vmem>> -> memref<1x128xi32, #tpu.memory_space<vmem>>
      %dma_start3A_177 = tpu.memref_squeeze %dma_start3A_176 : memref<1x128xi32, #tpu.memory_space<vmem>> -> memref<128xi32, #tpu.memory_space<vmem>>
      %dma_start3A_178 = tpu.memref_slice %arg3[%add3A_117] : memref<262144xi32, #tpu.memory_space<hbm>> -> memref<128xi32, #tpu.memory_space<hbm>>
      %dma_start3A_179 = arith.constant 0 : i32
      %dma_start3A_180 = tpu.memref_slice %arg8[%run_scoped3A_118, %dma_start3A_179] : memref<2x128xi32, #tpu.memory_space<vmem>> -> memref<1x128xi32, #tpu.memory_space<vmem>>
      %dma_start3A_181 = tpu.memref_squeeze %dma_start3A_180 : memref<1x128xi32, #tpu.memory_space<vmem>> -> memref<128xi32, #tpu.memory_space<vmem>>
      %dma_start3A_182 = tpu.memref_slice %arg3[%add3A_117] : memref<262144xi32, #tpu.memory_space<hbm>> -> memref<128xi32, #tpu.memory_space<hbm>>
      tpu.enqueue_dma source(%dma_start3A_182 : memref<128xi32, #tpu.memory_space<hbm>>) target(%dma_start3A_181 : memref<128xi32, #tpu.memory_space<vmem>>) target_semaphore(%run_scoped3A_174 : memref<!tpu.dma_semaphore, #tpu.memory_space<semaphore_mem>>)
      %dma_wait3A_183 = arith.constant 0 : i32
      %dma_wait3A_184 = tpu.memref_slice %arg8[%run_scoped3A_118, %dma_wait3A_183] : memref<2x128xi32, #tpu.memory_space<vmem>> -> memref<1x128xi32, #tpu.memory_space<vmem>>
      %dma_wait3A_185 = tpu.memref_squeeze %dma_wait3A_184 : memref<1x128xi32, #tpu.memory_space<vmem>> -> memref<128xi32, #tpu.memory_space<vmem>>
      %dma_wait3A_186 = tpu.memref_slice %arg3[%add3A_117] : memref<262144xi32, #tpu.memory_space<hbm>> -> memref<128xi32, #tpu.memory_space<hbm>>
      %dma_wait3A_187 = arith.constant 0 : i32
      %dma_wait3A_188 = tpu.memref_slice %arg8[%run_scoped3A_118, %dma_wait3A_187] : memref<2x128xi32, #tpu.memory_space<vmem>> -> memref<1x128xi32, #tpu.memory_space<vmem>>
      %dma_wait3A_189 = tpu.memref_squeeze %dma_wait3A_188 : memref<1x128xi32, #tpu.memory_space<vmem>> -> memref<128xi32, #tpu.memory_space<vmem>>
      %dma_wait3A_190 = tpu.memref_slice %arg3[%add3A_117] : memref<262144xi32, #tpu.memory_space<hbm>> -> memref<128xi32, #tpu.memory_space<hbm>>
      tpu.wait_dma2 semaphore(%run_scoped3A_174 : memref<!tpu.dma_semaphore, #tpu.memory_space<semaphore_mem>>) src(%dma_wait3A_190 : memref<128xi32, #tpu.memory_space<hbm>>) dst(%dma_wait3A_189 : memref<128xi32, #tpu.memory_space<vmem>>)
      tpu.yield
    }) : () -> ()
    %dma_start3A_119 = arith.constant 1 : i32
    %dma_start3A_120 = arith.constant 0 : i32
    %dma_start3A_121 = arith.constant 0 : i32
    %dma_start3A_122 = tpu.memref_slice %arg10[%dma_start3A_119, %dma_start3A_120, %dma_start3A_121] : memref<2x128x128xf32, #tpu.memory_space<vmem>> -> memref<1x128x128xf32, #tpu.memory_space<vmem>>
    %dma_start3A_123 = tpu.memref_squeeze %dma_start3A_122 : memref<1x128x128xf32, #tpu.memory_space<vmem>> -> memref<128x128xf32, #tpu.memory_space<vmem>>
    %dma_start3A_124 = arith.constant 0 : i32
    %dma_start3A_125 = tpu.memref_slice %arg2[%add3A_117, %dma_start3A_124] : memref<262144x128xf32, #tpu.memory_space<hbm>> -> memref<128x128xf32, #tpu.memory_space<hbm>>
    %dma_start3A_126 = arith.constant 0 : i32
    %dma_start3A_127 = arith.constant 0 : i32
    %dma_start3A_128 = tpu.memref_slice %arg10[%dma_start3A_119, %dma_start3A_126, %dma_start3A_127] : memref<2x128x128xf32, #tpu.memory_space<vmem>> -> memref<1x128x128xf32, #tpu.memory_space<vmem>>
    %dma_start3A_129 = tpu.memref_squeeze %dma_start3A_128 : memref<1x128x128xf32, #tpu.memory_space<vmem>> -> memref<128x128xf32, #tpu.memory_space<vmem>>
    %dma_start3A_130 = arith.constant 0 : i32
    %dma_start3A_131 = tpu.memref_slice %arg2[%add3A_117, %dma_start3A_130] : memref<262144x128xf32, #tpu.memory_space<hbm>> -> memref<128x128xf32, #tpu.memory_space<hbm>>
    tpu.enqueue_dma source(%dma_start3A_131 : memref<128x128xf32, #tpu.memory_space<hbm>>) target(%dma_start3A_129 : memref<128x128xf32, #tpu.memory_space<vmem>>) target_semaphore(%arg13 : memref<!tpu.dma_semaphore, #tpu.memory_space<semaphore_mem>>)
    %scan3A_132 = arith.constant 0 : i32
    %scan3A_133 = arith.constant 0 : i32
    %scan3A_134 = arith.constant 16 : i32
    %scan3A_135 = arith.addi %scan3A_133, %scan3A_134 : i32
    %scan3A_136 = arith.constant 1 : i32
    scf.for %scan3A_174 = %scan3A_133 to %scan3A_135 step %scan3A_136  : i32 {
      %get3A = arith.constant 0 : i32
      %get3A_175 = arith.index_cast %get3A : i32 to index
      %get3A_176 = arith.constant 0 : index
      %get3A_177 = tpu.vector_load %arg8[%get3A_175, %get3A_176] {strides = array<i32>} : memref<2x128xi32, #tpu.memory_space<vmem>>, vector<16xi32>,
      %gather3A = tpu.vector_load_idx %arg7[%get3A_177] : memref<1024xi32, #tpu.memory_space<vmem>>[vector<16xi32>], vector<16xi32>,
      %add3A_178 = arith.constant 1024 : i32
      %add3A_179 = vector.broadcast %add3A_178 : i32 to vector<16xi32>
      %add3A_180 = arith.addi %gather3A, %add3A_179 : vector<16xi32>
      %swap3A = arith.constant 0 : i32
      %swap3A_181 = arith.index_cast %swap3A : i32 to index
      %swap3A_182 = arith.constant 0 : index
      %swap3A_183 = tpu.vector_load %arg9[%swap3A_181, %swap3A_182] {strides = array<i32>} : memref<2x128xi32, #tpu.memory_space<vmem>>, vector<16xi32>,
      tpu.vector_store %arg9[%swap3A_181, %swap3A_182], %add3A_180 {strides = array<i32>} : memref<2x128xi32, #tpu.memory_space<vmem>>, vector<16xi32>,
      %get3A_184 = arith.constant 0 : i32
      %get3A_185 = arith.index_cast %get3A_184 : i32 to index
      %get3A_186 = arith.constant 16 : index
      %get3A_187 = tpu.vector_load %arg8[%get3A_185, %get3A_186] {strides = array<i32>} : memref<2x128xi32, #tpu.memory_space<vmem>>, vector<16xi32>,
      %gather3A_188 = tpu.vector_load_idx %arg7[%get3A_187] : memref<1024xi32, #tpu.memory_space<vmem>>[vector<16xi32>], vector<16xi32>,
      %add3A_189 = arith.constant 1024 : i32
      %add3A_190 = vector.broadcast %add3A_189 : i32 to vector<16xi32>
      %add3A_191 = arith.addi %gather3A_188, %add3A_190 : vector<16xi32>
      %swap3A_192 = arith.constant 0 : i32
      %swap3A_193 = arith.index_cast %swap3A_192 : i32 to index
      %swap3A_194 = arith.constant 16 : index
      %swap3A_195 = tpu.vector_load %arg9[%swap3A_193, %swap3A_194] {strides = array<i32>} : memref<2x128xi32, #tpu.memory_space<vmem>>, vector<16xi32>,
      tpu.vector_store %arg9[%swap3A_193, %swap3A_194], %add3A_191 {strides = array<i32>} : memref<2x128xi32, #tpu.memory_space<vmem>>, vector<16xi32>,
      %get3A_196 = arith.constant 0 : i32
      %get3A_197 = arith.index_cast %get3A_196 : i32 to index
      %get3A_198 = arith.constant 32 : index
      %get3A_199 = tpu.vector_load %arg8[%get3A_197, %get3A_198] {strides = array<i32>} : memref<2x128xi32, #tpu.memory_space<vmem>>, vector<16xi32>,
      %gather3A_200 = tpu.vector_load_idx %arg7[%get3A_199] : memref<1024xi32, #tpu.memory_space<vmem>>[vector<16xi32>], vector<16xi32>,
      %add3A_201 = arith.constant 1024 : i32
      %add3A_202 = vector.broadcast %add3A_201 : i32 to vector<16xi32>
      %add3A_203 = arith.addi %gather3A_200, %add3A_202 : vector<16xi32>
      %swap3A_204 = arith.constant 0 : i32
      %swap3A_205 = arith.index_cast %swap3A_204 : i32 to index
      %swap3A_206 = arith.constant 32 : index
      %swap3A_207 = tpu.vector_load %arg9[%swap3A_205, %swap3A_206] {strides = array<i32>} : memref<2x128xi32, #tpu.memory_space<vmem>>, vector<16xi32>,
      tpu.vector_store %arg9[%swap3A_205, %swap3A_206], %add3A_203 {strides = array<i32>} : memref<2x128xi32, #tpu.memory_space<vmem>>, vector<16xi32>,
      %get3A_208 = arith.constant 0 : i32
      %get3A_209 = arith.index_cast %get3A_208 : i32 to index
      %get3A_210 = arith.constant 48 : index
      %get3A_211 = tpu.vector_load %arg8[%get3A_209, %get3A_210] {strides = array<i32>} : memref<2x128xi32, #tpu.memory_space<vmem>>, vector<16xi32>,
      %gather3A_212 = tpu.vector_load_idx %arg7[%get3A_211] : memref<1024xi32, #tpu.memory_space<vmem>>[vector<16xi32>], vector<16xi32>,
      %add3A_213 = arith.constant 1024 : i32
      %add3A_214 = vector.broadcast %add3A_213 : i32 to vector<16xi32>
      %add3A_215 = arith.addi %gather3A_212, %add3A_214 : vector<16xi32>
      %swap3A_216 = arith.constant 0 : i32
      %swap3A_217 = arith.index_cast %swap3A_216 : i32 to index
      %swap3A_218 = arith.constant 48 : index
      %swap3A_219 = tpu.vector_load %arg9[%swap3A_217, %swap3A_218] {strides = array<i32>} : memref<2x128xi32, #tpu.memory_space<vmem>>, vector<16xi32>,
      tpu.vector_store %arg9[%swap3A_217, %swap3A_218], %add3A_215 {strides = array<i32>} : memref<2x128xi32, #tpu.memory_space<vmem>>, vector<16xi32>,
      %get3A_220 = arith.constant 0 : i32
      %get3A_221 = arith.index_cast %get3A_220 : i32 to index
      %get3A_222 = arith.constant 64 : index
      %get3A_223 = tpu.vector_load %arg8[%get3A_221, %get3A_222] {strides = array<i32>} : memref<2x128xi32, #tpu.memory_space<vmem>>, vector<16xi32>,
      %gather3A_224 = tpu.vector_load_idx %arg7[%get3A_223] : memref<1024xi32, #tpu.memory_space<vmem>>[vector<16xi32>], vector<16xi32>,
      %add3A_225 = arith.constant 1024 : i32
      %add3A_226 = vector.broadcast %add3A_225 : i32 to vector<16xi32>
      %add3A_227 = arith.addi %gather3A_224, %add3A_226 : vector<16xi32>
      %swap3A_228 = arith.constant 0 : i32
      %swap3A_229 = arith.index_cast %swap3A_228 : i32 to index
      %swap3A_230 = arith.constant 64 : index
      %swap3A_231 = tpu.vector_load %arg9[%swap3A_229, %swap3A_230] {strides = array<i32>} : memref<2x128xi32, #tpu.memory_space<vmem>>, vector<16xi32>,
      tpu.vector_store %arg9[%swap3A_229, %swap3A_230], %add3A_227 {strides = array<i32>} : memref<2x128xi32, #tpu.memory_space<vmem>>, vector<16xi32>,
      %get3A_232 = arith.constant 0 : i32
      %get3A_233 = arith.index_cast %get3A_232 : i32 to index
      %get3A_234 = arith.constant 80 : index
      %get3A_235 = tpu.vector_load %arg8[%get3A_233, %get3A_234] {strides = array<i32>} : memref<2x128xi32, #tpu.memory_space<vmem>>, vector<16xi32>,
      %gather3A_236 = tpu.vector_load_idx %arg7[%get3A_235] : memref<1024xi32, #tpu.memory_space<vmem>>[vector<16xi32>], vector<16xi32>,
      %add3A_237 = arith.constant 1024 : i32
      %add3A_238 = vector.broadcast %add3A_237 : i32 to vector<16xi32>
      %add3A_239 = arith.addi %gather3A_236, %add3A_238 : vector<16xi32>
      %swap3A_240 = arith.constant 0 : i32
      %swap3A_241 = arith.index_cast %swap3A_240 : i32 to index
      %swap3A_242 = arith.constant 80 : index
      %swap3A_243 = tpu.vector_load %arg9[%swap3A_241, %swap3A_242] {strides = array<i32>} : memref<2x128xi32, #tpu.memory_space<vmem>>, vector<16xi32>,
      tpu.vector_store %arg9[%swap3A_241, %swap3A_242], %add3A_239 {strides = array<i32>} : memref<2x128xi32, #tpu.memory_space<vmem>>, vector<16xi32>,
      %get3A_244 = arith.constant 0 : i32
      %get3A_245 = arith.index_cast %get3A_244 : i32 to index
      %get3A_246 = arith.constant 96 : index
      %get3A_247 = tpu.vector_load %arg8[%get3A_245, %get3A_246] {strides = array<i32>} : memref<2x128xi32, #tpu.memory_space<vmem>>, vector<16xi32>,
      %gather3A_248 = tpu.vector_load_idx %arg7[%get3A_247] : memref<1024xi32, #tpu.memory_space<vmem>>[vector<16xi32>], vector<16xi32>,
      %add3A_249 = arith.constant 1024 : i32
      %add3A_250 = vector.broadcast %add3A_249 : i32 to vector<16xi32>
      %add3A_251 = arith.addi %gather3A_248, %add3A_250 : vector<16xi32>
      %swap3A_252 = arith.constant 0 : i32
      %swap3A_253 = arith.index_cast %swap3A_252 : i32 to index
      %swap3A_254 = arith.constant 96 : index
      %swap3A_255 = tpu.vector_load %arg9[%swap3A_253, %swap3A_254] {strides = array<i32>} : memref<2x128xi32, #tpu.memory_space<vmem>>, vector<16xi32>,
      tpu.vector_store %arg9[%swap3A_253, %swap3A_254], %add3A_251 {strides = array<i32>} : memref<2x128xi32, #tpu.memory_space<vmem>>, vector<16xi32>,
      %get3A_256 = arith.constant 0 : i32
      %get3A_257 = arith.index_cast %get3A_256 : i32 to index
      %get3A_258 = arith.constant 112 : index
      %get3A_259 = tpu.vector_load %arg8[%get3A_257, %get3A_258] {strides = array<i32>} : memref<2x128xi32, #tpu.memory_space<vmem>>, vector<16xi32>,
      %gather3A_260 = tpu.vector_load_idx %arg7[%get3A_259] : memref<1024xi32, #tpu.memory_space<vmem>>[vector<16xi32>], vector<16xi32>,
      %add3A_261 = arith.constant 1024 : i32
      %add3A_262 = vector.broadcast %add3A_261 : i32 to vector<16xi32>
      %add3A_263 = arith.addi %gather3A_260, %add3A_262 : vector<16xi32>
      %swap3A_264 = arith.constant 0 : i32
      %swap3A_265 = arith.index_cast %swap3A_264 : i32 to index
      %swap3A_266 = arith.constant 112 : index
      %swap3A_267 = tpu.vector_load %arg9[%swap3A_265, %swap3A_266] {strides = array<i32>} : memref<2x128xi32, #tpu.memory_space<vmem>>, vector<16xi32>,
      tpu.vector_store %arg9[%swap3A_265, %swap3A_266], %add3A_263 {strides = array<i32>} : memref<2x128xi32, #tpu.memory_space<vmem>>, vector<16xi32>,
      %dma_wait3A_268 = arith.constant 0 : i32
      %dma_wait3A_269 = arith.constant 0 : i32
      %dma_wait3A_270 = arith.constant 0 : i32
      %dma_wait3A_271 = tpu.memref_slice %arg10[%dma_wait3A_268, %dma_wait3A_269, %dma_wait3A_270] : memref<2x128x128xf32, #tpu.memory_space<vmem>> -> memref<1x128x128xf32, #tpu.memory_space<vmem>>
      %dma_wait3A_272 = tpu.memref_squeeze %dma_wait3A_271 : memref<1x128x128xf32, #tpu.memory_space<vmem>> -> memref<128x128xf32, #tpu.memory_space<vmem>>
      %dma_wait3A_273 = arith.constant 0 : i32
      %dma_wait3A_274 = arith.constant 0 : i32
      %dma_wait3A_275 = tpu.memref_slice %arg2[%dma_wait3A_273, %dma_wait3A_274] : memref<262144x128xf32, #tpu.memory_space<hbm>> -> memref<128x128xf32, #tpu.memory_space<hbm>>
      %dma_wait3A_276 = arith.constant 0 : i32
      %dma_wait3A_277 = arith.constant 0 : i32
      %dma_wait3A_278 = tpu.memref_slice %arg10[%dma_wait3A_268, %dma_wait3A_276, %dma_wait3A_277] : memref<2x128x128xf32, #tpu.memory_space<vmem>> -> memref<1x128x128xf32, #tpu.memory_space<vmem>>
      %dma_wait3A_279 = tpu.memref_squeeze %dma_wait3A_278 : memref<1x128x128xf32, #tpu.memory_space<vmem>> -> memref<128x128xf32, #tpu.memory_space<vmem>>
      %dma_wait3A_280 = arith.constant 0 : i32
      %dma_wait3A_281 = arith.constant 0 : i32
      %dma_wait3A_282 = tpu.memref_slice %arg2[%dma_wait3A_280, %dma_wait3A_281] : memref<262144x128xf32, #tpu.memory_space<hbm>> -> memref<128x128xf32, #tpu.memory_space<hbm>>
      tpu.wait_dma2 semaphore(%arg12 : memref<!tpu.dma_semaphore, #tpu.memory_space<semaphore_mem>>) src(%dma_wait3A_282 : memref<128x128xf32, #tpu.memory_space<hbm>>) dst(%dma_wait3A_279 : memref<128x128xf32, #tpu.memory_space<vmem>>)
      %dma_start3A_283 = arith.constant 0 : i32
      %dma_start3A_284 = arith.constant 0 : i32
      %dma_start3A_285 = arith.constant 0 : i32
      %dma_start3A_286 = arith.constant 0 : i32
      %dma_start3A_287 = tpu.memref_slice %arg10[%dma_start3A_283, %dma_start3A_285, %dma_start3A_286] : memref<2x128x128xf32, #tpu.memory_space<vmem>> -> memref<1x128x128xf32, #tpu.memory_space<vmem>>
      %dma_start3A_288 = tpu.memref_squeeze %dma_start3A_287 : memref<1x128x128xf32, #tpu.memory_space<vmem>> -> memref<128x128xf32, #tpu.memory_space<vmem>>
      %dma_start3A_289 = arith.constant 0 : i32
      %dma_start3A_290 = tpu.memref_slice %arg9[%dma_start3A_284, %dma_start3A_289] : memref<2x128xi32, #tpu.memory_space<vmem>> -> memref<1x128xi32, #tpu.memory_space<vmem>>
      %dma_start3A_291 = tpu.memref_squeeze %dma_start3A_290 : memref<1x128xi32, #tpu.memory_space<vmem>> -> memref<128xi32, #tpu.memory_space<vmem>>
      %dma_start3A_292 = arith.constant 0 : i32
      %dma_start3A_293 = arith.constant 0 : i32
      %dma_start3A_294 = tpu.memref_slice %arg6[%dma_start3A_292, %dma_start3A_293] : memref<2048x128xf32, #tpu.memory_space<vmem_shared>> -> memref<2048x128xf32, #tpu.memory_space<vmem_shared>>
      tpu.enqueue_indirect_dma source(%dma_start3A_288 : memref<128x128xf32, #tpu.memory_space<vmem>>) target(%dma_start3A_294 : memref<2048x128xf32, #tpu.memory_space<vmem_shared>>) offsets(%dma_start3A_291 : memref<128xi32, #tpu.memory_space<vmem>>) semaphore(%arg14 : memref<!tpu.dma_semaphore, #tpu.memory_space<semaphore_mem>>) {add = true}
      %lt3A = arith.constant 15 : i32
      %lt3A_295 = arith.cmpi slt, %scan3A_174, %lt3A : i32
      %convert_element_type3A = arith.extui %lt3A_295 : i1 to i32
      %cond3A = arith.constant 0 : i32
      %cond3A_296 = arith.cmpi ne, %convert_element_type3A, %cond3A : i32
      scf.if %cond3A_296 {
        %mul3A_425 = arith.constant 2 : i32
        %mul3A_426 = arith.muli %mul3A_425, %scan3A_174 : i32
        %add3A_427 = arith.constant 2 : i32
        %add3A_428 = arith.addi %mul3A_426, %add3A_427 : i32
        %dma_wait3A_429 = arith.constant 0 : i32
        %dma_wait3A_430 = arith.constant 0 : i32
        %dma_wait3A_431 = arith.constant 0 : i32
        %dma_wait3A_432 = arith.constant 0 : i32
        %dma_wait3A_433 = tpu.memref_slice %arg10[%dma_wait3A_429, %dma_wait3A_431, %dma_wait3A_432] : memref<2x128x128xf32, #tpu.memory_space<vmem>> -> memref<1x128x128xf32, #tpu.memory_space<vmem>>
        %dma_wait3A_434 = tpu.memref_squeeze %dma_wait3A_433 : memref<1x128x128xf32, #tpu.memory_space<vmem>> -> memref<128x128xf32, #tpu.memory_space<vmem>>
        %dma_wait3A_435 = arith.constant 0 : i32
        %dma_wait3A_436 = tpu.memref_slice %arg9[%dma_wait3A_430, %dma_wait3A_435] : memref<2x128xi32, #tpu.memory_space<vmem>> -> memref<1x128xi32, #tpu.memory_space<vmem>>
        %dma_wait3A_437 = tpu.memref_squeeze %dma_wait3A_436 : memref<1x128xi32, #tpu.memory_space<vmem>> -> memref<128xi32, #tpu.memory_space<vmem>>
        %dma_wait3A_438 = arith.constant 0 : i32
        %dma_wait3A_439 = arith.constant 0 : i32
        %dma_wait3A_440 = tpu.memref_slice %arg6[%dma_wait3A_438, %dma_wait3A_439] : memref<2048x128xf32, #tpu.memory_space<vmem_shared>> -> memref<2048x128xf32, #tpu.memory_space<vmem_shared>>
        tpu.wait_indirect_dma semaphore(%arg14 : memref<!tpu.dma_semaphore, #tpu.memory_space<semaphore_mem>>) src(%dma_wait3A_434 : memref<128x128xf32, #tpu.memory_space<vmem>>) dst(%dma_wait3A_440 : memref<2048x128xf32, #tpu.memory_space<vmem_shared>>)
        %mul3A_441 = arith.constant 65536 : i32
        %mul3A_442 = arith.muli %add3A_87, %mul3A_441 : i32
        %mul3A_443 = arith.constant 4096 : i32
        %mul3A_444 = arith.muli %arg1, %mul3A_443 : i32
        %add3A_445 = arith.addi %mul3A_442, %mul3A_444 : i32
        %mul3A_446 = arith.constant 128 : i32
        %mul3A_447 = arith.muli %add3A_428, %mul3A_446 : i32
        %add3A_448 = arith.addi %add3A_445, %mul3A_447 : i32
        %run_scoped3A_449 = arith.constant 0 : i32
        "tpu.region"() ({
          %run_scoped3A_463 = tpu.sem_alloc : memref<!tpu.dma_semaphore, #tpu.memory_space<semaphore_mem>>
          %dma_start3A_464 = arith.constant 0 : i32
          %dma_start3A_465 = tpu.memref_slice %arg8[%run_scoped3A_449, %dma_start3A_464] : memref<2x128xi32, #tpu.memory_space<vmem>> -> memref<1x128xi32, #tpu.memory_space<vmem>>
          %dma_start3A_466 = tpu.memref_squeeze %dma_start3A_465 : memref<1x128xi32, #tpu.memory_space<vmem>> -> memref<128xi32, #tpu.memory_space<vmem>>
          %dma_start3A_467 = tpu.memref_slice %arg3[%add3A_448] : memref<262144xi32, #tpu.memory_space<hbm>> -> memref<128xi32, #tpu.memory_space<hbm>>
          %dma_start3A_468 = arith.constant 0 : i32
          %dma_start3A_469 = tpu.memref_slice %arg8[%run_scoped3A_449, %dma_start3A_468] : memref<2x128xi32, #tpu.memory_space<vmem>> -> memref<1x128xi32, #tpu.memory_space<vmem>>
          %dma_start3A_470 = tpu.memref_squeeze %dma_start3A_469 : memref<1x128xi32, #tpu.memory_space<vmem>> -> memref<128xi32, #tpu.memory_space<vmem>>
          %dma_start3A_471 = tpu.memref_slice %arg3[%add3A_448] : memref<262144xi32, #tpu.memory_space<hbm>> -> memref<128xi32, #tpu.memory_space<hbm>>
          tpu.enqueue_dma source(%dma_start3A_471 : memref<128xi32, #tpu.memory_space<hbm>>) target(%dma_start3A_470 : memref<128xi32, #tpu.memory_space<vmem>>) target_semaphore(%run_scoped3A_463 : memref<!tpu.dma_semaphore, #tpu.memory_space<semaphore_mem>>)
          %dma_wait3A_472 = arith.constant 0 : i32
          %dma_wait3A_473 = tpu.memref_slice %arg8[%run_scoped3A_449, %dma_wait3A_472] : memref<2x128xi32, #tpu.memory_space<vmem>> -> memref<1x128xi32, #tpu.memory_space<vmem>>
          %dma_wait3A_474 = tpu.memref_squeeze %dma_wait3A_473 : memref<1x128xi32, #tpu.memory_space<vmem>> -> memref<128xi32, #tpu.memory_space<vmem>>
          %dma_wait3A_475 = tpu.memref_slice %arg3[%add3A_448] : memref<262144xi32, #tpu.memory_space<hbm>> -> memref<128xi32, #tpu.memory_space<hbm>>
          %dma_wait3A_476 = arith.constant 0 : i32
          %dma_wait3A_477 = tpu.memref_slice %arg8[%run_scoped3A_449, %dma_wait3A_476] : memref<2x128xi32, #tpu.memory_space<vmem>> -> memref<1x128xi32, #tpu.memory_space<vmem>>
          %dma_wait3A_478 = tpu.memref_squeeze %dma_wait3A_477 : memref<1x128xi32, #tpu.memory_space<vmem>> -> memref<128xi32, #tpu.memory_space<vmem>>
          %dma_wait3A_479 = tpu.memref_slice %arg3[%add3A_448] : memref<262144xi32, #tpu.memory_space<hbm>> -> memref<128xi32, #tpu.memory_space<hbm>>
          tpu.wait_dma2 semaphore(%run_scoped3A_463 : memref<!tpu.dma_semaphore, #tpu.memory_space<semaphore_mem>>) src(%dma_wait3A_479 : memref<128xi32, #tpu.memory_space<hbm>>) dst(%dma_wait3A_478 : memref<128xi32, #tpu.memory_space<vmem>>)
          tpu.yield
        }) : () -> ()
        %dma_start3A_450 = arith.constant 0 : i32
        %dma_start3A_451 = arith.constant 0 : i32
        %dma_start3A_452 = arith.constant 0 : i32
        %dma_start3A_453 = tpu.memref_slice %arg10[%dma_start3A_450, %dma_start3A_451, %dma_start3A_452] : memref<2x128x128xf32, #tpu.memory_space<vmem>> -> memref<1x128x128xf32, #tpu.memory_space<vmem>>
        %dma_start3A_454 = tpu.memref_squeeze %dma_start3A_453 : memref<1x128x128xf32, #tpu.memory_space<vmem>> -> memref<128x128xf32, #tpu.memory_space<vmem>>
        %dma_start3A_455 = arith.constant 0 : i32
        %dma_start3A_456 = tpu.memref_slice %arg2[%add3A_448, %dma_start3A_455] : memref<262144x128xf32, #tpu.memory_space<hbm>> -> memref<128x128xf32, #tpu.memory_space<hbm>>
        %dma_start3A_457 = arith.constant 0 : i32
        %dma_start3A_458 = arith.constant 0 : i32
        %dma_start3A_459 = tpu.memref_slice %arg10[%dma_start3A_450, %dma_start3A_457, %dma_start3A_458] : memref<2x128x128xf32, #tpu.memory_space<vmem>> -> memref<1x128x128xf32, #tpu.memory_space<vmem>>
        %dma_start3A_460 = tpu.memref_squeeze %dma_start3A_459 : memref<1x128x128xf32, #tpu.memory_space<vmem>> -> memref<128x128xf32, #tpu.memory_space<vmem>>
        %dma_start3A_461 = arith.constant 0 : i32
        %dma_start3A_462 = tpu.memref_slice %arg2[%add3A_448, %dma_start3A_461] : memref<262144x128xf32, #tpu.memory_space<hbm>> -> memref<128x128xf32, #tpu.memory_space<hbm>>
        tpu.enqueue_dma source(%dma_start3A_462 : memref<128x128xf32, #tpu.memory_space<hbm>>) target(%dma_start3A_460 : memref<128x128xf32, #tpu.memory_space<vmem>>) target_semaphore(%arg12 : memref<!tpu.dma_semaphore, #tpu.memory_space<semaphore_mem>>)
      } else {
      }
      %get3A_297 = arith.constant 1 : i32
      %get3A_298 = arith.index_cast %get3A_297 : i32 to index
      %get3A_299 = arith.constant 0 : index
      %get3A_300 = tpu.vector_load %arg8[%get3A_298, %get3A_299] {strides = array<i32>} : memref<2x128xi32, #tpu.memory_space<vmem>>, vector<16xi32>,
      %gather3A_301 = tpu.vector_load_idx %arg7[%get3A_300] : memref<1024xi32, #tpu.memory_space<vmem>>[vector<16xi32>], vector<16xi32>,
      %add3A_302 = arith.constant 1024 : i32
      %add3A_303 = vector.broadcast %add3A_302 : i32 to vector<16xi32>
      %add3A_304 = arith.addi %gather3A_301, %add3A_303 : vector<16xi32>
      %swap3A_305 = arith.constant 1 : i32
      %swap3A_306 = arith.index_cast %swap3A_305 : i32 to index
      %swap3A_307 = arith.constant 0 : index
      %swap3A_308 = tpu.vector_load %arg9[%swap3A_306, %swap3A_307] {strides = array<i32>} : memref<2x128xi32, #tpu.memory_space<vmem>>, vector<16xi32>,
      tpu.vector_store %arg9[%swap3A_306, %swap3A_307], %add3A_304 {strides = array<i32>} : memref<2x128xi32, #tpu.memory_space<vmem>>, vector<16xi32>,
      %get3A_309 = arith.constant 1 : i32
      %get3A_310 = arith.index_cast %get3A_309 : i32 to index
      %get3A_311 = arith.constant 16 : index
      %get3A_312 = tpu.vector_load %arg8[%get3A_310, %get3A_311] {strides = array<i32>} : memref<2x128xi32, #tpu.memory_space<vmem>>, vector<16xi32>,
      %gather3A_313 = tpu.vector_load_idx %arg7[%get3A_312] : memref<1024xi32, #tpu.memory_space<vmem>>[vector<16xi32>], vector<16xi32>,
      %add3A_314 = arith.constant 1024 : i32
      %add3A_315 = vector.broadcast %add3A_314 : i32 to vector<16xi32>
      %add3A_316 = arith.addi %gather3A_313, %add3A_315 : vector<16xi32>
      %swap3A_317 = arith.constant 1 : i32
      %swap3A_318 = arith.index_cast %swap3A_317 : i32 to index
      %swap3A_319 = arith.constant 16 : index
      %swap3A_320 = tpu.vector_load %arg9[%swap3A_318, %swap3A_319] {strides = array<i32>} : memref<2x128xi32, #tpu.memory_space<vmem>>, vector<16xi32>,
      tpu.vector_store %arg9[%swap3A_318, %swap3A_319], %add3A_316 {strides = array<i32>} : memref<2x128xi32, #tpu.memory_space<vmem>>, vector<16xi32>,
      %get3A_321 = arith.constant 1 : i32
      %get3A_322 = arith.index_cast %get3A_321 : i32 to index
      %get3A_323 = arith.constant 32 : index
      %get3A_324 = tpu.vector_load %arg8[%get3A_322, %get3A_323] {strides = array<i32>} : memref<2x128xi32, #tpu.memory_space<vmem>>, vector<16xi32>,
      %gather3A_325 = tpu.vector_load_idx %arg7[%get3A_324] : memref<1024xi32, #tpu.memory_space<vmem>>[vector<16xi32>], vector<16xi32>,
      %add3A_326 = arith.constant 1024 : i32
      %add3A_327 = vector.broadcast %add3A_326 : i32 to vector<16xi32>
      %add3A_328 = arith.addi %gather3A_325, %add3A_327 : vector<16xi32>
      %swap3A_329 = arith.constant 1 : i32
      %swap3A_330 = arith.index_cast %swap3A_329 : i32 to index
      %swap3A_331 = arith.constant 32 : index
      %swap3A_332 = tpu.vector_load %arg9[%swap3A_330, %swap3A_331] {strides = array<i32>} : memref<2x128xi32, #tpu.memory_space<vmem>>, vector<16xi32>,
      tpu.vector_store %arg9[%swap3A_330, %swap3A_331], %add3A_328 {strides = array<i32>} : memref<2x128xi32, #tpu.memory_space<vmem>>, vector<16xi32>,
      %get3A_333 = arith.constant 1 : i32
      %get3A_334 = arith.index_cast %get3A_333 : i32 to index
      %get3A_335 = arith.constant 48 : index
      %get3A_336 = tpu.vector_load %arg8[%get3A_334, %get3A_335] {strides = array<i32>} : memref<2x128xi32, #tpu.memory_space<vmem>>, vector<16xi32>,
      %gather3A_337 = tpu.vector_load_idx %arg7[%get3A_336] : memref<1024xi32, #tpu.memory_space<vmem>>[vector<16xi32>], vector<16xi32>,
      %add3A_338 = arith.constant 1024 : i32
      %add3A_339 = vector.broadcast %add3A_338 : i32 to vector<16xi32>
      %add3A_340 = arith.addi %gather3A_337, %add3A_339 : vector<16xi32>
      %swap3A_341 = arith.constant 1 : i32
      %swap3A_342 = arith.index_cast %swap3A_341 : i32 to index
      %swap3A_343 = arith.constant 48 : index
      %swap3A_344 = tpu.vector_load %arg9[%swap3A_342, %swap3A_343] {strides = array<i32>} : memref<2x128xi32, #tpu.memory_space<vmem>>, vector<16xi32>,
      tpu.vector_store %arg9[%swap3A_342, %swap3A_343], %add3A_340 {strides = array<i32>} : memref<2x128xi32, #tpu.memory_space<vmem>>, vector<16xi32>,
      %get3A_345 = arith.constant 1 : i32
      %get3A_346 = arith.index_cast %get3A_345 : i32 to index
      %get3A_347 = arith.constant 64 : index
      %get3A_348 = tpu.vector_load %arg8[%get3A_346, %get3A_347] {strides = array<i32>} : memref<2x128xi32, #tpu.memory_space<vmem>>, vector<16xi32>,
      %gather3A_349 = tpu.vector_load_idx %arg7[%get3A_348] : memref<1024xi32, #tpu.memory_space<vmem>>[vector<16xi32>], vector<16xi32>,
      %add3A_350 = arith.constant 1024 : i32
      %add3A_351 = vector.broadcast %add3A_350 : i32 to vector<16xi32>
      %add3A_352 = arith.addi %gather3A_349, %add3A_351 : vector<16xi32>
      %swap3A_353 = arith.constant 1 : i32
      %swap3A_354 = arith.index_cast %swap3A_353 : i32 to index
      %swap3A_355 = arith.constant 64 : index
      %swap3A_356 = tpu.vector_load %arg9[%swap3A_354, %swap3A_355] {strides = array<i32>} : memref<2x128xi32, #tpu.memory_space<vmem>>, vector<16xi32>,
      tpu.vector_store %arg9[%swap3A_354, %swap3A_355], %add3A_352 {strides = array<i32>} : memref<2x128xi32, #tpu.memory_space<vmem>>, vector<16xi32>,
      %get3A_357 = arith.constant 1 : i32
      %get3A_358 = arith.index_cast %get3A_357 : i32 to index
      %get3A_359 = arith.constant 80 : index
      %get3A_360 = tpu.vector_load %arg8[%get3A_358, %get3A_359] {strides = array<i32>} : memref<2x128xi32, #tpu.memory_space<vmem>>, vector<16xi32>,
      %gather3A_361 = tpu.vector_load_idx %arg7[%get3A_360] : memref<1024xi32, #tpu.memory_space<vmem>>[vector<16xi32>], vector<16xi32>,
      %add3A_362 = arith.constant 1024 : i32
      %add3A_363 = vector.broadcast %add3A_362 : i32 to vector<16xi32>
      %add3A_364 = arith.addi %gather3A_361, %add3A_363 : vector<16xi32>
      %swap3A_365 = arith.constant 1 : i32
      %swap3A_366 = arith.index_cast %swap3A_365 : i32 to index
      %swap3A_367 = arith.constant 80 : index
      %swap3A_368 = tpu.vector_load %arg9[%swap3A_366, %swap3A_367] {strides = array<i32>} : memref<2x128xi32, #tpu.memory_space<vmem>>, vector<16xi32>,
      tpu.vector_store %arg9[%swap3A_366, %swap3A_367], %add3A_364 {strides = array<i32>} : memref<2x128xi32, #tpu.memory_space<vmem>>, vector<16xi32>,
      %get3A_369 = arith.constant 1 : i32
      %get3A_370 = arith.index_cast %get3A_369 : i32 to index
      %get3A_371 = arith.constant 96 : index
      %get3A_372 = tpu.vector_load %arg8[%get3A_370, %get3A_371] {strides = array<i32>} : memref<2x128xi32, #tpu.memory_space<vmem>>, vector<16xi32>,
      %gather3A_373 = tpu.vector_load_idx %arg7[%get3A_372] : memref<1024xi32, #tpu.memory_space<vmem>>[vector<16xi32>], vector<16xi32>,
      %add3A_374 = arith.constant 1024 : i32
      %add3A_375 = vector.broadcast %add3A_374 : i32 to vector<16xi32>
      %add3A_376 = arith.addi %gather3A_373, %add3A_375 : vector<16xi32>
      %swap3A_377 = arith.constant 1 : i32
      %swap3A_378 = arith.index_cast %swap3A_377 : i32 to index
      %swap3A_379 = arith.constant 96 : index
      %swap3A_380 = tpu.vector_load %arg9[%swap3A_378, %swap3A_379] {strides = array<i32>} : memref<2x128xi32, #tpu.memory_space<vmem>>, vector<16xi32>,
      tpu.vector_store %arg9[%swap3A_378, %swap3A_379], %add3A_376 {strides = array<i32>} : memref<2x128xi32, #tpu.memory_space<vmem>>, vector<16xi32>,
      %get3A_381 = arith.constant 1 : i32
      %get3A_382 = arith.index_cast %get3A_381 : i32 to index
      %get3A_383 = arith.constant 112 : index
      %get3A_384 = tpu.vector_load %arg8[%get3A_382, %get3A_383] {strides = array<i32>} : memref<2x128xi32, #tpu.memory_space<vmem>>, vector<16xi32>,
      %gather3A_385 = tpu.vector_load_idx %arg7[%get3A_384] : memref<1024xi32, #tpu.memory_space<vmem>>[vector<16xi32>], vector<16xi32>,
      %add3A_386 = arith.constant 1024 : i32
      %add3A_387 = vector.broadcast %add3A_386 : i32 to vector<16xi32>
      %add3A_388 = arith.addi %gather3A_385, %add3A_387 : vector<16xi32>
      %swap3A_389 = arith.constant 1 : i32
      %swap3A_390 = arith.index_cast %swap3A_389 : i32 to index
      %swap3A_391 = arith.constant 112 : index
      %swap3A_392 = tpu.vector_load %arg9[%swap3A_390, %swap3A_391] {strides = array<i32>} : memref<2x128xi32, #tpu.memory_space<vmem>>, vector<16xi32>,
      tpu.vector_store %arg9[%swap3A_390, %swap3A_391], %add3A_388 {strides = array<i32>} : memref<2x128xi32, #tpu.memory_space<vmem>>, vector<16xi32>,
      %dma_wait3A_393 = arith.constant 1 : i32
      %dma_wait3A_394 = arith.constant 0 : i32
      %dma_wait3A_395 = arith.constant 0 : i32
      %dma_wait3A_396 = tpu.memref_slice %arg10[%dma_wait3A_393, %dma_wait3A_394, %dma_wait3A_395] : memref<2x128x128xf32, #tpu.memory_space<vmem>> -> memref<1x128x128xf32, #tpu.memory_space<vmem>>
      %dma_wait3A_397 = tpu.memref_squeeze %dma_wait3A_396 : memref<1x128x128xf32, #tpu.memory_space<vmem>> -> memref<128x128xf32, #tpu.memory_space<vmem>>
      %dma_wait3A_398 = arith.constant 0 : i32
      %dma_wait3A_399 = arith.constant 0 : i32
      %dma_wait3A_400 = tpu.memref_slice %arg2[%dma_wait3A_398, %dma_wait3A_399] : memref<262144x128xf32, #tpu.memory_space<hbm>> -> memref<128x128xf32, #tpu.memory_space<hbm>>
      %dma_wait3A_401 = arith.constant 0 : i32
      %dma_wait3A_402 = arith.constant 0 : i32
      %dma_wait3A_403 = tpu.memref_slice %arg10[%dma_wait3A_393, %dma_wait3A_401, %dma_wait3A_402] : memref<2x128x128xf32, #tpu.memory_space<vmem>> -> memref<1x128x128xf32, #tpu.memory_space<vmem>>
      %dma_wait3A_404 = tpu.memref_squeeze %dma_wait3A_403 : memref<1x128x128xf32, #tpu.memory_space<vmem>> -> memref<128x128xf32, #tpu.memory_space<vmem>>
      %dma_wait3A_405 = arith.constant 0 : i32
      %dma_wait3A_406 = arith.constant 0 : i32
      %dma_wait3A_407 = tpu.memref_slice %arg2[%dma_wait3A_405, %dma_wait3A_406] : memref<262144x128xf32, #tpu.memory_space<hbm>> -> memref<128x128xf32, #tpu.memory_space<hbm>>
      tpu.wait_dma2 semaphore(%arg13 : memref<!tpu.dma_semaphore, #tpu.memory_space<semaphore_mem>>) src(%dma_wait3A_407 : memref<128x128xf32, #tpu.memory_space<hbm>>) dst(%dma_wait3A_404 : memref<128x128xf32, #tpu.memory_space<vmem>>)
      %dma_start3A_408 = arith.constant 1 : i32
      %dma_start3A_409 = arith.constant 1 : i32
      %dma_start3A_410 = arith.constant 0 : i32
      %dma_start3A_411 = arith.constant 0 : i32
      %dma_start3A_412 = tpu.memref_slice %arg10[%dma_start3A_408, %dma_start3A_410, %dma_start3A_411] : memref<2x128x128xf32, #tpu.memory_space<vmem>> -> memref<1x128x128xf32, #tpu.memory_space<vmem>>
      %dma_start3A_413 = tpu.memref_squeeze %dma_start3A_412 : memref<1x128x128xf32, #tpu.memory_space<vmem>> -> memref<128x128xf32, #tpu.memory_space<vmem>>
      %dma_start3A_414 = arith.constant 0 : i32
      %dma_start3A_415 = tpu.memref_slice %arg9[%dma_start3A_409, %dma_start3A_414] : memref<2x128xi32, #tpu.memory_space<vmem>> -> memref<1x128xi32, #tpu.memory_space<vmem>>
      %dma_start3A_416 = tpu.memref_squeeze %dma_start3A_415 : memref<1x128xi32, #tpu.memory_space<vmem>> -> memref<128xi32, #tpu.memory_space<vmem>>
      %dma_start3A_417 = arith.constant 0 : i32
      %dma_start3A_418 = arith.constant 0 : i32
      %dma_start3A_419 = tpu.memref_slice %arg6[%dma_start3A_417, %dma_start3A_418] : memref<2048x128xf32, #tpu.memory_space<vmem_shared>> -> memref<2048x128xf32, #tpu.memory_space<vmem_shared>>
      tpu.enqueue_indirect_dma source(%dma_start3A_413 : memref<128x128xf32, #tpu.memory_space<vmem>>) target(%dma_start3A_419 : memref<2048x128xf32, #tpu.memory_space<vmem_shared>>) offsets(%dma_start3A_416 : memref<128xi32, #tpu.memory_space<vmem>>) semaphore(%arg15 : memref<!tpu.dma_semaphore, #tpu.memory_space<semaphore_mem>>) {add = true}
      %lt3A_420 = arith.constant 15 : i32
      %lt3A_421 = arith.cmpi slt, %scan3A_174, %lt3A_420 : i32
      %convert_element_type3A_422 = arith.extui %lt3A_421 : i1 to i32
      %cond3A_423 = arith.constant 0 : i32
      %cond3A_424 = arith.cmpi ne, %convert_element_type3A_422, %cond3A_423 : i32
      scf.if %cond3A_424 {
        %mul3A_425 = arith.constant 2 : i32
        %mul3A_426 = arith.muli %mul3A_425, %scan3A_174 : i32
        %add3A_427 = arith.constant 3 : i32
        %add3A_428 = arith.addi %mul3A_426, %add3A_427 : i32
        %dma_wait3A_429 = arith.constant 1 : i32
        %dma_wait3A_430 = arith.constant 1 : i32
        %dma_wait3A_431 = arith.constant 0 : i32
        %dma_wait3A_432 = arith.constant 0 : i32
        %dma_wait3A_433 = tpu.memref_slice %arg10[%dma_wait3A_429, %dma_wait3A_431, %dma_wait3A_432] : memref<2x128x128xf32, #tpu.memory_space<vmem>> -> memref<1x128x128xf32, #tpu.memory_space<vmem>>
        %dma_wait3A_434 = tpu.memref_squeeze %dma_wait3A_433 : memref<1x128x128xf32, #tpu.memory_space<vmem>> -> memref<128x128xf32, #tpu.memory_space<vmem>>
        %dma_wait3A_435 = arith.constant 0 : i32
        %dma_wait3A_436 = tpu.memref_slice %arg9[%dma_wait3A_430, %dma_wait3A_435] : memref<2x128xi32, #tpu.memory_space<vmem>> -> memref<1x128xi32, #tpu.memory_space<vmem>>
        %dma_wait3A_437 = tpu.memref_squeeze %dma_wait3A_436 : memref<1x128xi32, #tpu.memory_space<vmem>> -> memref<128xi32, #tpu.memory_space<vmem>>
        %dma_wait3A_438 = arith.constant 0 : i32
        %dma_wait3A_439 = arith.constant 0 : i32
        %dma_wait3A_440 = tpu.memref_slice %arg6[%dma_wait3A_438, %dma_wait3A_439] : memref<2048x128xf32, #tpu.memory_space<vmem_shared>> -> memref<2048x128xf32, #tpu.memory_space<vmem_shared>>
        tpu.wait_indirect_dma semaphore(%arg15 : memref<!tpu.dma_semaphore, #tpu.memory_space<semaphore_mem>>) src(%dma_wait3A_434 : memref<128x128xf32, #tpu.memory_space<vmem>>) dst(%dma_wait3A_440 : memref<2048x128xf32, #tpu.memory_space<vmem_shared>>)
        %mul3A_441 = arith.constant 65536 : i32
        %mul3A_442 = arith.muli %add3A_87, %mul3A_441 : i32
        %mul3A_443 = arith.constant 4096 : i32
        %mul3A_444 = arith.muli %arg1, %mul3A_443 : i32
        %add3A_445 = arith.addi %mul3A_442, %mul3A_444 : i32
        %mul3A_446 = arith.constant 128 : i32
        %mul3A_447 = arith.muli %add3A_428, %mul3A_446 : i32
        %add3A_448 = arith.addi %add3A_445, %mul3A_447 : i32
        %run_scoped3A_449 = arith.constant 1 : i32
        "tpu.region"() ({
          %run_scoped3A_463 = tpu.sem_alloc : memref<!tpu.dma_semaphore, #tpu.memory_space<semaphore_mem>>
          %dma_start3A_464 = arith.constant 0 : i32
          %dma_start3A_465 = tpu.memref_slice %arg8[%run_scoped3A_449, %dma_start3A_464] : memref<2x128xi32, #tpu.memory_space<vmem>> -> memref<1x128xi32, #tpu.memory_space<vmem>>
          %dma_start3A_466 = tpu.memref_squeeze %dma_start3A_465 : memref<1x128xi32, #tpu.memory_space<vmem>> -> memref<128xi32, #tpu.memory_space<vmem>>
          %dma_start3A_467 = tpu.memref_slice %arg3[%add3A_448] : memref<262144xi32, #tpu.memory_space<hbm>> -> memref<128xi32, #tpu.memory_space<hbm>>
          %dma_start3A_468 = arith.constant 0 : i32
          %dma_start3A_469 = tpu.memref_slice %arg8[%run_scoped3A_449, %dma_start3A_468] : memref<2x128xi32, #tpu.memory_space<vmem>> -> memref<1x128xi32, #tpu.memory_space<vmem>>
          %dma_start3A_470 = tpu.memref_squeeze %dma_start3A_469 : memref<1x128xi32, #tpu.memory_space<vmem>> -> memref<128xi32, #tpu.memory_space<vmem>>
          %dma_start3A_471 = tpu.memref_slice %arg3[%add3A_448] : memref<262144xi32, #tpu.memory_space<hbm>> -> memref<128xi32, #tpu.memory_space<hbm>>
          tpu.enqueue_dma source(%dma_start3A_471 : memref<128xi32, #tpu.memory_space<hbm>>) target(%dma_start3A_470 : memref<128xi32, #tpu.memory_space<vmem>>) target_semaphore(%run_scoped3A_463 : memref<!tpu.dma_semaphore, #tpu.memory_space<semaphore_mem>>)
          %dma_wait3A_472 = arith.constant 0 : i32
          %dma_wait3A_473 = tpu.memref_slice %arg8[%run_scoped3A_449, %dma_wait3A_472] : memref<2x128xi32, #tpu.memory_space<vmem>> -> memref<1x128xi32, #tpu.memory_space<vmem>>
          %dma_wait3A_474 = tpu.memref_squeeze %dma_wait3A_473 : memref<1x128xi32, #tpu.memory_space<vmem>> -> memref<128xi32, #tpu.memory_space<vmem>>
          %dma_wait3A_475 = tpu.memref_slice %arg3[%add3A_448] : memref<262144xi32, #tpu.memory_space<hbm>> -> memref<128xi32, #tpu.memory_space<hbm>>
          %dma_wait3A_476 = arith.constant 0 : i32
          %dma_wait3A_477 = tpu.memref_slice %arg8[%run_scoped3A_449, %dma_wait3A_476] : memref<2x128xi32, #tpu.memory_space<vmem>> -> memref<1x128xi32, #tpu.memory_space<vmem>>
          %dma_wait3A_478 = tpu.memref_squeeze %dma_wait3A_477 : memref<1x128xi32, #tpu.memory_space<vmem>> -> memref<128xi32, #tpu.memory_space<vmem>>
          %dma_wait3A_479 = tpu.memref_slice %arg3[%add3A_448] : memref<262144xi32, #tpu.memory_space<hbm>> -> memref<128xi32, #tpu.memory_space<hbm>>
          tpu.wait_dma2 semaphore(%run_scoped3A_463 : memref<!tpu.dma_semaphore, #tpu.memory_space<semaphore_mem>>) src(%dma_wait3A_479 : memref<128xi32, #tpu.memory_space<hbm>>) dst(%dma_wait3A_478 : memref<128xi32, #tpu.memory_space<vmem>>)
          tpu.yield
        }) : () -> ()
        %dma_start3A_450 = arith.constant 1 : i32
        %dma_start3A_451 = arith.constant 0 : i32
        %dma_start3A_452 = arith.constant 0 : i32
        %dma_start3A_453 = tpu.memref_slice %arg10[%dma_start3A_450, %dma_start3A_451, %dma_start3A_452] : memref<2x128x128xf32, #tpu.memory_space<vmem>> -> memref<1x128x128xf32, #tpu.memory_space<vmem>>
        %dma_start3A_454 = tpu.memref_squeeze %dma_start3A_453 : memref<1x128x128xf32, #tpu.memory_space<vmem>> -> memref<128x128xf32, #tpu.memory_space<vmem>>
        %dma_start3A_455 = arith.constant 0 : i32
        %dma_start3A_456 = tpu.memref_slice %arg2[%add3A_448, %dma_start3A_455] : memref<262144x128xf32, #tpu.memory_space<hbm>> -> memref<128x128xf32, #tpu.memory_space<hbm>>
        %dma_start3A_457 = arith.constant 0 : i32
        %dma_start3A_458 = arith.constant 0 : i32
        %dma_start3A_459 = tpu.memref_slice %arg10[%dma_start3A_450, %dma_start3A_457, %dma_start3A_458] : memref<2x128x128xf32, #tpu.memory_space<vmem>> -> memref<1x128x128xf32, #tpu.memory_space<vmem>>
        %dma_start3A_460 = tpu.memref_squeeze %dma_start3A_459 : memref<1x128x128xf32, #tpu.memory_space<vmem>> -> memref<128x128xf32, #tpu.memory_space<vmem>>
        %dma_start3A_461 = arith.constant 0 : i32
        %dma_start3A_462 = tpu.memref_slice %arg2[%add3A_448, %dma_start3A_461] : memref<262144x128xf32, #tpu.memory_space<hbm>> -> memref<128x128xf32, #tpu.memory_space<hbm>>
        tpu.enqueue_dma source(%dma_start3A_462 : memref<128x128xf32, #tpu.memory_space<hbm>>) target(%dma_start3A_460 : memref<128x128xf32, #tpu.memory_space<vmem>>) target_semaphore(%arg13 : memref<!tpu.dma_semaphore, #tpu.memory_space<semaphore_mem>>)
      } else {
      }
    }
    %scan3A_137 = arith.constant 16 : i32
    %dma_wait3A_138 = arith.constant 0 : i32
    %dma_wait3A_139 = arith.constant 0 : i32
    %dma_wait3A_140 = arith.constant 0 : i32
    %dma_wait3A_141 = arith.constant 0 : i32
    %dma_wait3A_142 = tpu.memref_slice %arg10[%dma_wait3A_138, %dma_wait3A_140, %dma_wait3A_141] : memref<2x128x128xf32, #tpu.memory_space<vmem>> -> memref<1x128x128xf32, #tpu.memory_space<vmem>>
    %dma_wait3A_143 = tpu.memref_squeeze %dma_wait3A_142 : memref<1x128x128xf32, #tpu.memory_space<vmem>> -> memref<128x128xf32, #tpu.memory_space<vmem>>
    %dma_wait3A_144 = arith.constant 0 : i32
    %dma_wait3A_145 = tpu.memref_slice %arg9[%dma_wait3A_139, %dma_wait3A_144] : memref<2x128xi32, #tpu.memory_space<vmem>> -> memref<1x128xi32, #tpu.memory_space<vmem>>
    %dma_wait3A_146 = tpu.memref_squeeze %dma_wait3A_145 : memref<1x128xi32, #tpu.memory_space<vmem>> -> memref<128xi32, #tpu.memory_space<vmem>>
    %dma_wait3A_147 = arith.constant 0 : i32
    %dma_wait3A_148 = arith.constant 0 : i32
    %dma_wait3A_149 = tpu.memref_slice %arg6[%dma_wait3A_147, %dma_wait3A_148] : memref<2048x128xf32, #tpu.memory_space<vmem_shared>> -> memref<2048x128xf32, #tpu.memory_space<vmem_shared>>
    tpu.wait_indirect_dma semaphore(%arg14 : memref<!tpu.dma_semaphore, #tpu.memory_space<semaphore_mem>>) src(%dma_wait3A_143 : memref<128x128xf32, #tpu.memory_space<vmem>>) dst(%dma_wait3A_149 : memref<2048x128xf32, #tpu.memory_space<vmem_shared>>)
    %dma_wait3A_150 = arith.constant 1 : i32
    %dma_wait3A_151 = arith.constant 1 : i32
    %dma_wait3A_152 = arith.constant 0 : i32
    %dma_wait3A_153 = arith.constant 0 : i32
    %dma_wait3A_154 = tpu.memref_slice %arg10[%dma_wait3A_150, %dma_wait3A_152, %dma_wait3A_153] : memref<2x128x128xf32, #tpu.memory_space<vmem>> -> memref<1x128x128xf32, #tpu.memory_space<vmem>>
    %dma_wait3A_155 = tpu.memref_squeeze %dma_wait3A_154 : memref<1x128x128xf32, #tpu.memory_space<vmem>> -> memref<128x128xf32, #tpu.memory_space<vmem>>
    %dma_wait3A_156 = arith.constant 0 : i32
    %dma_wait3A_157 = tpu.memref_slice %arg9[%dma_wait3A_151, %dma_wait3A_156] : memref<2x128xi32, #tpu.memory_space<vmem>> -> memref<1x128xi32, #tpu.memory_space<vmem>>
    %dma_wait3A_158 = tpu.memref_squeeze %dma_wait3A_157 : memref<1x128xi32, #tpu.memory_space<vmem>> -> memref<128xi32, #tpu.memory_space<vmem>>
    %dma_wait3A_159 = arith.constant 0 : i32
    %dma_wait3A_160 = arith.constant 0 : i32
    %dma_wait3A_161 = tpu.memref_slice %arg6[%dma_wait3A_159, %dma_wait3A_160] : memref<2048x128xf32, #tpu.memory_space<vmem_shared>> -> memref<2048x128xf32, #tpu.memory_space<vmem_shared>>
    tpu.wait_indirect_dma semaphore(%arg15 : memref<!tpu.dma_semaphore, #tpu.memory_space<semaphore_mem>>) src(%dma_wait3A_155 : memref<128x128xf32, #tpu.memory_space<vmem>>) dst(%dma_wait3A_161 : memref<2048x128xf32, #tpu.memory_space<vmem_shared>>)
    %barrier3A_162 = arith.constant 0 : index
    tpu.barrier barrier_id(%barrier3A_162)
    %mul3A_163 = arith.constant 128 : i32
    %mul3A_164 = arith.muli %arg1, %mul3A_163 : i32
    %run_scoped3A_165 = arith.constant 0 : i32
    "tpu.region"() ({
      %run_scoped3A_174 = tpu.sem_alloc : memref<!tpu.dma_semaphore, #tpu.memory_space<semaphore_mem>>
      %dma_start3A_175 = arith.constant 0 : i32
      %dma_start3A_176 = arith.constant 0 : i32
      %dma_start3A_177 = tpu.memref_slice %arg10[%run_scoped3A_165, %dma_start3A_175, %dma_start3A_176] : memref<2x128x128xf32, #tpu.memory_space<vmem>> -> memref<1x128x128xf32, #tpu.memory_space<vmem>>
      %dma_start3A_178 = tpu.memref_squeeze %dma_start3A_177 : memref<1x128x128xf32, #tpu.memory_space<vmem>> -> memref<128x128xf32, #tpu.memory_space<vmem>>
      %dma_start3A_179 = arith.constant 0 : i32
      %dma_start3A_180 = tpu.memref_slice %arg6[%mul3A_164, %dma_start3A_179] : memref<2048x128xf32, #tpu.memory_space<vmem_shared>> -> memref<128x128xf32, #tpu.memory_space<vmem_shared>>
      %dma_start3A_181 = arith.constant 0 : i32
      %dma_start3A_182 = arith.constant 0 : i32
      %dma_start3A_183 = tpu.memref_slice %arg10[%run_scoped3A_165, %dma_start3A_181, %dma_start3A_182] : memref<2x128x128xf32, #tpu.memory_space<vmem>> -> memref<1x128x128xf32, #tpu.memory_space<vmem>>
      %dma_start3A_184 = tpu.memref_squeeze %dma_start3A_183 : memref<1x128x128xf32, #tpu.memory_space<vmem>> -> memref<128x128xf32, #tpu.memory_space<vmem>>
      %dma_start3A_185 = arith.constant 0 : i32
      %dma_start3A_186 = tpu.memref_slice %arg6[%mul3A_164, %dma_start3A_185] : memref<2048x128xf32, #tpu.memory_space<vmem_shared>> -> memref<128x128xf32, #tpu.memory_space<vmem_shared>>
      tpu.enqueue_dma source(%dma_start3A_186 : memref<128x128xf32, #tpu.memory_space<vmem_shared>>) target(%dma_start3A_184 : memref<128x128xf32, #tpu.memory_space<vmem>>) target_semaphore(%run_scoped3A_174 : memref<!tpu.dma_semaphore, #tpu.memory_space<semaphore_mem>>)
      %dma_wait3A_187 = arith.constant 0 : i32
      %dma_wait3A_188 = arith.constant 0 : i32
      %dma_wait3A_189 = tpu.memref_slice %arg10[%run_scoped3A_165, %dma_wait3A_187, %dma_wait3A_188] : memref<2x128x128xf32, #tpu.memory_space<vmem>> -> memref<1x128x128xf32, #tpu.memory_space<vmem>>
      %dma_wait3A_190 = tpu.memref_squeeze %dma_wait3A_189 : memref<1x128x128xf32, #tpu.memory_space<vmem>> -> memref<128x128xf32, #tpu.memory_space<vmem>>
      %dma_wait3A_191 = arith.constant 0 : i32
      %dma_wait3A_192 = tpu.memref_slice %arg6[%mul3A_164, %dma_wait3A_191] : memref<2048x128xf32, #tpu.memory_space<vmem_shared>> -> memref<128x128xf32, #tpu.memory_space<vmem_shared>>
      %dma_wait3A_193 = arith.constant 0 : i32
      %dma_wait3A_194 = arith.constant 0 : i32
      %dma_wait3A_195 = tpu.memref_slice %arg10[%run_scoped3A_165, %dma_wait3A_193, %dma_wait3A_194] : memref<2x128x128xf32, #tpu.memory_space<vmem>> -> memref<1x128x128xf32, #tpu.memory_space<vmem>>
      %dma_wait3A_196 = tpu.memref_squeeze %dma_wait3A_195 : memref<1x128x128xf32, #tpu.memory_space<vmem>> -> memref<128x128xf32, #tpu.memory_space<vmem>>
      %dma_wait3A_197 = arith.constant 0 : i32
      %dma_wait3A_198 = tpu.memref_slice %arg6[%mul3A_164, %dma_wait3A_197] : memref<2048x128xf32, #tpu.memory_space<vmem_shared>> -> memref<128x128xf32, #tpu.memory_space<vmem_shared>>
      tpu.wait_dma2 semaphore(%run_scoped3A_174 : memref<!tpu.dma_semaphore, #tpu.memory_space<semaphore_mem>>) src(%dma_wait3A_198 : memref<128x128xf32, #tpu.memory_space<vmem_shared>>) dst(%dma_wait3A_196 : memref<128x128xf32, #tpu.memory_space<vmem>>)
      tpu.yield
    }) : () -> ()
    %mul3A_166 = arith.constant 2 : i32
    %mul3A_167 = arith.muli %mul3A_166, %arg0 : i32
    %mul3A_168 = arith.constant 1024 : i32
    %mul3A_169 = arith.muli %mul3A_167, %mul3A_168 : i32
    %mul3A_170 = arith.constant 128 : i32
    %mul3A_171 = arith.muli %arg1, %mul3A_170 : i32
    %add3A_172 = arith.addi %mul3A_169, %mul3A_171 : i32
    %run_scoped3A_173 = arith.constant 0 : i32
    "tpu.region"() ({
      %run_scoped3A_174 = tpu.sem_alloc : memref<!tpu.dma_semaphore, #tpu.memory_space<semaphore_mem>>
      %dma_start3A_175 = arith.constant 0 : i32
      %dma_start3A_176 = arith.constant 0 : i32
      %dma_start3A_177 = tpu.memref_slice %arg10[%run_scoped3A_173, %dma_start3A_175, %dma_start3A_176] : memref<2x128x128xf32, #tpu.memory_space<vmem>> -> memref<1x128x128xf32, #tpu.memory_space<vmem>>
      %dma_start3A_178 = tpu.memref_squeeze %dma_start3A_177 : memref<1x128x128xf32, #tpu.memory_space<vmem>> -> memref<128x128xf32, #tpu.memory_space<vmem>>
      %dma_start3A_179 = arith.constant 0 : i32
      %dma_start3A_180 = tpu.memref_slice %arg5[%add3A_172, %dma_start3A_179] : memref<4096x128xf32, #tpu.memory_space<hbm>> -> memref<128x128xf32, #tpu.memory_space<hbm>>
      %dma_start3A_181 = arith.constant 0 : i32
      %dma_start3A_182 = tpu.memref_slice %arg5[%add3A_172, %dma_start3A_181] : memref<4096x128xf32, #tpu.memory_space<hbm>> -> memref<128x128xf32, #tpu.memory_space<hbm>>
      %dma_start3A_183 = arith.constant 0 : i32
      %dma_start3A_184 = arith.constant 0 : i32
      %dma_start3A_185 = tpu.memref_slice %arg10[%run_scoped3A_173, %dma_start3A_183, %dma_start3A_184] : memref<2x128x128xf32, #tpu.memory_space<vmem>> -> memref<1x128x128xf32, #tpu.memory_space<vmem>>
      %dma_start3A_186 = tpu.memref_squeeze %dma_start3A_185 : memref<1x128x128xf32, #tpu.memory_space<vmem>> -> memref<128x128xf32, #tpu.memory_space<vmem>>
      tpu.enqueue_dma source(%dma_start3A_186 : memref<128x128xf32, #tpu.memory_space<vmem>>) target(%dma_start3A_182 : memref<128x128xf32, #tpu.memory_space<hbm>>) target_semaphore(%run_scoped3A_174 : memref<!tpu.dma_semaphore, #tpu.memory_space<semaphore_mem>>)
      %dma_wait3A_187 = arith.constant 0 : i32
      %dma_wait3A_188 = arith.constant 0 : i32
      %dma_wait3A_189 = tpu.memref_slice %arg10[%run_scoped3A_173, %dma_wait3A_187, %dma_wait3A_188] : memref<2x128x128xf32, #tpu.memory_space<vmem>> -> memref<1x128x128xf32, #tpu.memory_space<vmem>>
      %dma_wait3A_190 = tpu.memref_squeeze %dma_wait3A_189 : memref<1x128x128xf32, #tpu.memory_space<vmem>> -> memref<128x128xf32, #tpu.memory_space<vmem>>
      %dma_wait3A_191 = arith.constant 0 : i32
      %dma_wait3A_192 = tpu.memref_slice %arg5[%add3A_172, %dma_wait3A_191] : memref<4096x128xf32, #tpu.memory_space<hbm>> -> memref<128x128xf32, #tpu.memory_space<hbm>>
      %dma_wait3A_193 = arith.constant 0 : i32
      %dma_wait3A_194 = tpu.memref_slice %arg5[%add3A_172, %dma_wait3A_193] : memref<4096x128xf32, #tpu.memory_space<hbm>> -> memref<128x128xf32, #tpu.memory_space<hbm>>
      %dma_wait3A_195 = arith.constant 0 : i32
      %dma_wait3A_196 = arith.constant 0 : i32
      %dma_wait3A_197 = tpu.memref_slice %arg10[%run_scoped3A_173, %dma_wait3A_195, %dma_wait3A_196] : memref<2x128x128xf32, #tpu.memory_space<vmem>> -> memref<1x128x128xf32, #tpu.memory_space<vmem>>
      %dma_wait3A_198 = tpu.memref_squeeze %dma_wait3A_197 : memref<1x128x128xf32, #tpu.memory_space<vmem>> -> memref<128x128xf32, #tpu.memory_space<vmem>>
      tpu.wait_dma2 semaphore(%run_scoped3A_174 : memref<!tpu.dma_semaphore, #tpu.memory_space<semaphore_mem>>) src(%dma_wait3A_198 : memref<128x128xf32, #tpu.memory_space<vmem>>) dst(%dma_wait3A_194 : memref<128x128xf32, #tpu.memory_space<hbm>>)
      tpu.yield
    }) : () -> ()
    return
  }
}

module attributes {stable_mosaic.version = 14 : i64} {
  func.func @proj_nodes(%arg0: memref<4096x128xf32, #tpu.memory_space<vmem>>, %arg1: memref<272x128xf32, #tpu.memory_space<vmem>>, %arg2: memref<4096x128xf32, #tpu.memory_space<vmem>>, %arg3: memref<4096x128xf32, #tpu.memory_space<vmem>>) attributes {dimension_semantics = [], scalar_prefetch = 0 : i64, scratch_operands = 0 : i64, tpu.core_type = #tpu.core_type<tc>} {
    %get3A = arith.constant 0 : index
    %get3A_0 = arith.constant 0 : index
    %get3A_1 = vector.load %arg0[%get3A, %get3A_0] : memref<4096x128xf32, #tpu.memory_space<vmem>>, vector<4096x128xf32>
    %get3A_2 = arith.constant 0 : index
    %get3A_3 = arith.constant 0 : index
    %get3A_4 = vector.load %arg1[%get3A_2, %get3A_3] : memref<272x128xf32, #tpu.memory_space<vmem>>, vector<128x128xf32>
    %get3A_5 = arith.constant 128 : index
    %get3A_6 = arith.constant 0 : index
    %get3A_7 = vector.load %arg1[%get3A_5, %get3A_6] : memref<272x128xf32, #tpu.memory_space<vmem>>, vector<128x128xf32>
    %dot_general3A = arith.constant dense<0.000000e+00> : vector<4096x128xf32>
    %dot_general3A_8 = tpu.matmul %get3A_1, %get3A_4, %dot_general3A {dimension_numbers = #tpu.dot_dimension_numbers<[1], [0], [0], [1], [0, 0, 1, 1], [], []>, transpose_lhs_hint = false} : vector<4096x128xf32>, vector<128x128xf32>, vector<4096x128xf32> -> vector<4096x128xf32>
    %swap3A = arith.constant 0 : index
    %swap3A_9 = arith.constant 0 : index
    %swap3A_10 = vector.load %arg2[%swap3A, %swap3A_9] : memref<4096x128xf32, #tpu.memory_space<vmem>>, vector<4096x128xf32>
    tpu.vector_store %arg2[%swap3A, %swap3A_9], %dot_general3A_8 {strides = array<i32>} : memref<4096x128xf32, #tpu.memory_space<vmem>>, vector<4096x128xf32>,
    %dot_general3A_11 = arith.constant dense<0.000000e+00> : vector<4096x128xf32>
    %dot_general3A_12 = tpu.matmul %get3A_1, %get3A_7, %dot_general3A_11 {dimension_numbers = #tpu.dot_dimension_numbers<[1], [0], [0], [1], [0, 0, 1, 1], [], []>, transpose_lhs_hint = false} : vector<4096x128xf32>, vector<128x128xf32>, vector<4096x128xf32> -> vector<4096x128xf32>
    %swap3A_13 = arith.constant 0 : index
    %swap3A_14 = arith.constant 0 : index
    %swap3A_15 = vector.load %arg3[%swap3A_13, %swap3A_14] : memref<4096x128xf32, #tpu.memory_space<vmem>>, vector<4096x128xf32>
    tpu.vector_store %arg3[%swap3A_13, %swap3A_14], %dot_general3A_12 {strides = array<i32>} : memref<4096x128xf32, #tpu.memory_space<vmem>>, vector<4096x128xf32>,
    return
  }
}

module attributes {stable_mosaic.version = 14 : i64} {
  func.func @edge_mlp(%arg0: i32, %arg1: memref<4096x128xf32, #tpu.memory_space<vmem>>, %arg2: memref<4096x16xf32, #tpu.memory_space<vmem>>, %arg3: memref<272x128xf32, #tpu.memory_space<vmem>>, %arg4: memref<128xf32, #tpu.memory_space<vmem>>, %arg5: memref<128xf32, #tpu.memory_space<vmem>>, %arg6: memref<128xf32, #tpu.memory_space<vmem>>, %arg7: memref<4096x1xf32, #tpu.memory_space<vmem>>, %arg8: memref<4096x128xf32, #tpu.memory_space<vmem>>) attributes {dimension_semantics = [#tpu.dimension_semantics<arbitrary>], iteration_bounds = array<i64: 64>, scalar_prefetch = 0 : i64, scratch_operands = 0 : i64, tpu.core_type = #tpu.core_type<tc>, window_params = [{transform_indices = @transform_0, window_bounds = array<i64: 4096, 128>}, {transform_indices = @transform_1, window_bounds = array<i64: 4096, 16>}, {pipeline_mode = #tpu.pipeline_mode<synchronous>, transform_indices = @transform_2, window_bounds = array<i64: 272, 128>}, {pipeline_mode = #tpu.pipeline_mode<synchronous>, transform_indices = @transform_3, window_bounds = array<i64: 128>}, {pipeline_mode = #tpu.pipeline_mode<synchronous>, transform_indices = @transform_4, window_bounds = array<i64: 128>}, {pipeline_mode = #tpu.pipeline_mode<synchronous>, transform_indices = @transform_5, window_bounds = array<i64: 128>}, {transform_indices = @transform_6, window_bounds = array<i64: 4096, 1>}, {transform_indices = @transform_7, window_bounds = array<i64: 4096, 128>}]} {
    %get3A = arith.constant 256 : index
    %get3A_0 = arith.constant 0 : index
    %get3A_1 = vector.load %arg3[%get3A, %get3A_0] : memref<272x128xf32, #tpu.memory_space<vmem>>, vector<16x128xf32>
    %get3A_2 = arith.constant 0 : index
    %get3A_3 = arith.constant 0 : index
    %get3A_4 = vector.load %arg1[%get3A_2, %get3A_3] : memref<4096x128xf32, #tpu.memory_space<vmem>>, vector<4096x128xf32>
    %get3A_5 = arith.constant 0 : index
    %get3A_6 = arith.constant 0 : index
    %get3A_7 = vector.load %arg2[%get3A_5, %get3A_6] : memref<4096x16xf32, #tpu.memory_space<vmem>>, vector<4096x16xf32>
    %dot_general3A = arith.constant dense<0.000000e+00> : vector<4096x128xf32>
    %dot_general3A_8 = tpu.matmul %get3A_7, %get3A_1, %dot_general3A {dimension_numbers = #tpu.dot_dimension_numbers<[1], [0], [0], [1], [0, 0, 1, 1], [], []>, transpose_lhs_hint = false} : vector<4096x16xf32>, vector<16x128xf32>, vector<4096x128xf32> -> vector<4096x128xf32>
    %add3A = arith.addf %get3A_4, %dot_general3A_8 : vector<4096x128xf32>
    %get3A_9 = arith.constant 0 : index
    %get3A_10 = vector.load %arg4[%get3A_9] : memref<128xf32, #tpu.memory_space<vmem>>, vector<128xf32>
    %broadcast_in_dim3A = vector.shape_cast %get3A_10 : vector<128xf32> to vector<1x128xf32>
    %add3A_11 = vector.broadcast %broadcast_in_dim3A : vector<1x128xf32> to vector<4096x128xf32>
    %add3A_12 = arith.addf %add3A, %add3A_11 : vector<4096x128xf32>
    %mul3A = arith.constant 5.000000e-01 : f32
    %mul3A_13 = vector.broadcast %mul3A : f32 to vector<4096x128xf32>
    %mul3A_14 = arith.mulf %mul3A_13, %add3A_12 : vector<4096x128xf32>
    %sqrt3A = arith.constant 2.000000e+00 : f32
    %sqrt3A_15 = math.sqrt %sqrt3A : f32
    %div3A = vector.broadcast %sqrt3A_15 : f32 to vector<4096x128xf32>
    %div3A_16 = arith.divf %add3A_12, %div3A : vector<4096x128xf32>
    %erf3A = math.erf %div3A_16 : vector<4096x128xf32>
    %add3A_17 = arith.constant 1.000000e+00 : f32
    %add3A_18 = vector.broadcast %add3A_17 : f32 to vector<4096x128xf32>
    %add3A_19 = arith.addf %add3A_18, %erf3A : vector<4096x128xf32>
    %mul3A_20 = arith.mulf %mul3A_14, %add3A_19 : vector<4096x128xf32>
    %get3A_21 = arith.constant 0 : index
    %get3A_22 = vector.load %arg5[%get3A_21] : memref<128xf32, #tpu.memory_space<vmem>>, vector<128xf32>
    %get3A_23 = arith.constant 0 : index
    %get3A_24 = vector.load %arg6[%get3A_23] : memref<128xf32, #tpu.memory_space<vmem>>, vector<128xf32>
    %reduce_sum3A = arith.constant dense<0.000000e+00> : vector<4096xf32>
    %reduce_sum3A_25 = vector.multi_reduction <add>, %mul3A_20, %reduce_sum3A [1] : vector<4096x128xf32> to vector<4096xf32>
    %broadcast_in_dim3A_26 = vector.shape_cast %reduce_sum3A_25 : vector<4096xf32> to vector<4096x1xf32>
    %div3A_27 = arith.constant 1.280000e+02 : f32
    %div3A_28 = vector.broadcast %div3A_27 : f32 to vector<4096x1xf32>
    %div3A_29 = arith.divf %broadcast_in_dim3A_26, %div3A_28 : vector<4096x1xf32>
    %sub3A = vector.broadcast %div3A_29 : vector<4096x1xf32> to vector<4096x128xf32>
    %sub3A_30 = arith.subf %mul3A_20, %sub3A : vector<4096x128xf32>
    %mul3A_31 = arith.mulf %sub3A_30, %sub3A_30 : vector<4096x128xf32>
    %reduce_sum3A_32 = arith.constant dense<0.000000e+00> : vector<4096xf32>
    %reduce_sum3A_33 = vector.multi_reduction <add>, %mul3A_31, %reduce_sum3A_32 [1] : vector<4096x128xf32> to vector<4096xf32>
    %broadcast_in_dim3A_34 = vector.shape_cast %reduce_sum3A_33 : vector<4096xf32> to vector<4096x1xf32>
    %div3A_35 = arith.constant 1.280000e+02 : f32
    %div3A_36 = vector.broadcast %div3A_35 : f32 to vector<4096x1xf32>
    %div3A_37 = arith.divf %broadcast_in_dim3A_34, %div3A_36 : vector<4096x1xf32>
    %add3A_38 = arith.constant 1.000000e-03 : f32
    %add3A_39 = vector.broadcast %add3A_38 : f32 to vector<4096x1xf32>
    %add3A_40 = arith.addf %div3A_37, %add3A_39 : vector<4096x1xf32>
    %rsqrt3A = math.rsqrt %add3A_40 : vector<4096x1xf32>
    %mul3A_41 = vector.broadcast %rsqrt3A : vector<4096x1xf32> to vector<4096x128xf32>
    %mul3A_42 = arith.mulf %sub3A_30, %mul3A_41 : vector<4096x128xf32>
    %broadcast_in_dim3A_43 = vector.shape_cast %get3A_22 : vector<128xf32> to vector<1x128xf32>
    %mul3A_44 = vector.broadcast %broadcast_in_dim3A_43 : vector<1x128xf32> to vector<4096x128xf32>
    %mul3A_45 = arith.mulf %mul3A_42, %mul3A_44 : vector<4096x128xf32>
    %broadcast_in_dim3A_46 = vector.shape_cast %get3A_24 : vector<128xf32> to vector<1x128xf32>
    %add3A_47 = vector.broadcast %broadcast_in_dim3A_46 : vector<1x128xf32> to vector<4096x128xf32>
    %add3A_48 = arith.addf %mul3A_45, %add3A_47 : vector<4096x128xf32>
    %get3A_49 = arith.constant 0 : index
    %get3A_50 = arith.constant 0 : index
    %get3A_51 = vector.load %arg7[%get3A_49, %get3A_50] : memref<4096x1xf32, #tpu.memory_space<vmem>>, vector<4096x1xf32>
    %mul3A_52 = vector.broadcast %get3A_51 : vector<4096x1xf32> to vector<4096x128xf32>
    %mul3A_53 = arith.mulf %add3A_48, %mul3A_52 : vector<4096x128xf32>
    %swap3A = arith.constant 0 : index
    %swap3A_54 = arith.constant 0 : index
    %swap3A_55 = vector.load %arg8[%swap3A, %swap3A_54] : memref<4096x128xf32, #tpu.memory_space<vmem>>, vector<4096x128xf32>
    tpu.vector_store %arg8[%swap3A, %swap3A_54], %mul3A_53 {strides = array<i32>} : memref<4096x128xf32, #tpu.memory_space<vmem>>, vector<4096x128xf32>,
    return
  }
  func.func @transform_0(%arg0: i32) -> (i32, i32) {
    %c0_i32 = arith.constant 0 : i32
    %c0_i32_0 = arith.constant 0 : i32
    return %arg0, %c0_i32 : i32, i32
  }
  func.func @transform_1(%arg0: i32) -> (i32, i32) {
    %c0_i32 = arith.constant 0 : i32
    %c0_i32_0 = arith.constant 0 : i32
    return %arg0, %c0_i32 : i32, i32
  }
  func.func @transform_2(%arg0: i32) -> (i32, i32) {
    %c0_i32 = arith.constant 0 : i32
    %c0_i32_0 = arith.constant 0 : i32
    %c0_i32_1 = arith.constant 0 : i32
    return %c0_i32, %c0_i32_0 : i32, i32
  }
  func.func @transform_3(%arg0: i32) -> i32 {
    %c0_i32 = arith.constant 0 : i32
    %c0_i32_0 = arith.constant 0 : i32
    return %c0_i32 : i32
  }
  func.func @transform_4(%arg0: i32) -> i32 {
    %c0_i32 = arith.constant 0 : i32
    %c0_i32_0 = arith.constant 0 : i32
    return %c0_i32 : i32
  }
  func.func @transform_5(%arg0: i32) -> i32 {
    %c0_i32 = arith.constant 0 : i32
    %c0_i32_0 = arith.constant 0 : i32
    return %c0_i32 : i32
  }
  func.func @transform_6(%arg0: i32) -> (i32, i32) {
    %c0_i32 = arith.constant 0 : i32
    %c0_i32_0 = arith.constant 0 : i32
    return %arg0, %c0_i32 : i32, i32
  }
  func.func @transform_7(%arg0: i32) -> (i32, i32) {
    %c0_i32 = arith.constant 0 : i32
    %c0_i32_0 = arith.constant 0 : i32
    return %arg0, %c0_i32 : i32, i32
  }
}

module attributes {stable_mosaic.version = 14 : i64} {
  func.func @attention_update(%arg0: i32, %arg1: memref<1x1024x128xf32, #tpu.memory_space<vmem>>, %arg2: memref<1x1024x128xf32, #tpu.memory_space<vmem>>, %arg3: memref<256x128xf32, #tpu.memory_space<vmem>>, %arg4: memref<128xf32, #tpu.memory_space<vmem>>, %arg5: memref<256x128xf32, #tpu.memory_space<vmem>>, %arg6: memref<128xf32, #tpu.memory_space<vmem>>, %arg7: memref<256x128xf32, #tpu.memory_space<vmem>>, %arg8: memref<128xf32, #tpu.memory_space<vmem>>, %arg9: memref<128x128xf32, #tpu.memory_space<vmem>>, %arg10: memref<128xf32, #tpu.memory_space<vmem>>, %arg11: memref<128xf32, #tpu.memory_space<vmem>>, %arg12: memref<128xf32, #tpu.memory_space<vmem>>, %arg13: memref<1x1024x128xf32, #tpu.memory_space<vmem>>) attributes {dimension_semantics = [#tpu.dimension_semantics<arbitrary>], iteration_bounds = array<i64: 4>, scalar_prefetch = 0 : i64, scratch_operands = 0 : i64, tpu.core_type = #tpu.core_type<tc>, window_params = [{transform_indices = @transform_0, window_bounds = array<i64: 1, 1024, 128>}, {transform_indices = @transform_1, window_bounds = array<i64: 1, 1024, 128>}, {pipeline_mode = #tpu.pipeline_mode<synchronous>, transform_indices = @transform_2, window_bounds = array<i64: 256, 128>}, {pipeline_mode = #tpu.pipeline_mode<synchronous>, transform_indices = @transform_3, window_bounds = array<i64: 128>}, {pipeline_mode = #tpu.pipeline_mode<synchronous>, transform_indices = @transform_4, window_bounds = array<i64: 256, 128>}, {pipeline_mode = #tpu.pipeline_mode<synchronous>, transform_indices = @transform_5, window_bounds = array<i64: 128>}, {pipeline_mode = #tpu.pipeline_mode<synchronous>, transform_indices = @transform_6, window_bounds = array<i64: 256, 128>}, {pipeline_mode = #tpu.pipeline_mode<synchronous>, transform_indices = @transform_7, window_bounds = array<i64: 128>}, {pipeline_mode = #tpu.pipeline_mode<synchronous>, transform_indices = @transform_8, window_bounds = array<i64: 128, 128>}, {pipeline_mode = #tpu.pipeline_mode<synchronous>, transform_indices = @transform_9, window_bounds = array<i64: 128>}, {pipeline_mode = #tpu.pipeline_mode<synchronous>, transform_indices = @transform_10, window_bounds = array<i64: 128>}, {pipeline_mode = #tpu.pipeline_mode<synchronous>, transform_indices = @transform_11, window_bounds = array<i64: 128>}, {transform_indices = @transform_12, window_bounds = array<i64: 1, 1024, 128>}]} {
    %get3A = arith.constant 0 : index
    %get3A_0 = arith.constant 0 : index
    %get3A_1 = arith.constant 0 : index
    %get3A_2 = vector.load %arg1[%get3A, %get3A_0, %get3A_1] : memref<1x1024x128xf32, #tpu.memory_space<vmem>>, vector<1x1024x128xf32>
    %get3A_3 = vector.shape_cast %get3A_2 : vector<1x1024x128xf32> to vector<1024x128xf32>
    %get3A_4 = arith.constant 0 : index
    %get3A_5 = arith.constant 0 : index
    %get3A_6 = arith.constant 0 : index
    %get3A_7 = vector.load %arg2[%get3A_4, %get3A_5, %get3A_6] : memref<1x1024x128xf32, #tpu.memory_space<vmem>>, vector<1x1024x128xf32>
    %get3A_8 = vector.shape_cast %get3A_7 : vector<1x1024x128xf32> to vector<1024x128xf32>
    %concatenate3A = tpu.concatenate %get3A_3, %get3A_8 in 1 : vector<1024x128xf32>, vector<1024x128xf32> -> vector<1024x256xf32>
    %get3A_9 = arith.constant 0 : index
    %get3A_10 = arith.constant 0 : index
    %get3A_11 = vector.load %arg3[%get3A_9, %get3A_10] : memref<256x128xf32, #tpu.memory_space<vmem>>, vector<256x128xf32>
    %dot_general3A = arith.constant dense<0.000000e+00> : vector<1024x128xf32>
    %dot_general3A_12 = tpu.matmul %concatenate3A, %get3A_11, %dot_general3A {dimension_numbers = #tpu.dot_dimension_numbers<[1], [0], [0], [1], [0, 0, 1, 1], [], []>, transpose_lhs_hint = false} : vector<1024x256xf32>, vector<256x128xf32>, vector<1024x128xf32> -> vector<1024x128xf32>
    %get3A_13 = arith.constant 0 : index
    %get3A_14 = vector.load %arg4[%get3A_13] : memref<128xf32, #tpu.memory_space<vmem>>, vector<128xf32>
    %broadcast_in_dim3A = vector.shape_cast %get3A_14 : vector<128xf32> to vector<1x128xf32>
    %add3A = vector.broadcast %broadcast_in_dim3A : vector<1x128xf32> to vector<1024x128xf32>
    %add3A_15 = arith.addf %dot_general3A_12, %add3A : vector<1024x128xf32>
    %get3A_16 = arith.constant 0 : index
    %get3A_17 = arith.constant 0 : index
    %get3A_18 = vector.load %arg5[%get3A_16, %get3A_17] : memref<256x128xf32, #tpu.memory_space<vmem>>, vector<256x128xf32>
    %dot_general3A_19 = arith.constant dense<0.000000e+00> : vector<1024x128xf32>
    %dot_general3A_20 = tpu.matmul %concatenate3A, %get3A_18, %dot_general3A_19 {dimension_numbers = #tpu.dot_dimension_numbers<[1], [0], [0], [1], [0, 0, 1, 1], [], []>, transpose_lhs_hint = false} : vector<1024x256xf32>, vector<256x128xf32>, vector<1024x128xf32> -> vector<1024x128xf32>
    %get3A_21 = arith.constant 0 : index
    %get3A_22 = vector.load %arg6[%get3A_21] : memref<128xf32, #tpu.memory_space<vmem>>, vector<128xf32>
    %broadcast_in_dim3A_23 = vector.shape_cast %get3A_22 : vector<128xf32> to vector<1x128xf32>
    %add3A_24 = vector.broadcast %broadcast_in_dim3A_23 : vector<1x128xf32> to vector<1024x128xf32>
    %add3A_25 = arith.addf %dot_general3A_20, %add3A_24 : vector<1024x128xf32>
    %get3A_26 = arith.constant 0 : index
    %get3A_27 = arith.constant 0 : index
    %get3A_28 = vector.load %arg7[%get3A_26, %get3A_27] : memref<256x128xf32, #tpu.memory_space<vmem>>, vector<256x128xf32>
    %dot_general3A_29 = arith.constant dense<0.000000e+00> : vector<1024x128xf32>
    %dot_general3A_30 = tpu.matmul %concatenate3A, %get3A_28, %dot_general3A_29 {dimension_numbers = #tpu.dot_dimension_numbers<[1], [0], [0], [1], [0, 0, 1, 1], [], []>, transpose_lhs_hint = false} : vector<1024x256xf32>, vector<256x128xf32>, vector<1024x128xf32> -> vector<1024x128xf32>
    %get3A_31 = arith.constant 0 : index
    %get3A_32 = vector.load %arg8[%get3A_31] : memref<128xf32, #tpu.memory_space<vmem>>, vector<128xf32>
    %broadcast_in_dim3A_33 = vector.shape_cast %get3A_32 : vector<128xf32> to vector<1x128xf32>
    %add3A_34 = vector.broadcast %broadcast_in_dim3A_33 : vector<1x128xf32> to vector<1024x128xf32>
    %add3A_35 = arith.addf %dot_general3A_30, %add3A_34 : vector<1024x128xf32>
    %iota3A = tpu.iota {dimensions = array<i32: 1>} : vector<1024x128xi32>
    %broadcast_in_dim3A_36 = arith.constant 0.000000e+00 : f32
    %broadcast_in_dim3A_37 = vector.broadcast %broadcast_in_dim3A_36 : f32 to vector<1024x128xf32>
    %jit3A = arith.constant 16 : i32
    %div3A = vector.broadcast %jit3A : i32 to vector<1024x128xi32>
    %div3A_38 = arith.divsi %iota3A, %div3A : vector<1024x128xi32>
    %sign3A = arith.constant 0 : i32
    %sign3A_39 = vector.broadcast %sign3A : i32 to vector<1024x128xi32>
    %sign3A_40 = arith.cmpi sgt, %iota3A, %sign3A_39 : vector<1024x128xi32>
    %sign3A_41 = arith.extui %sign3A_40 : vector<1024x128xi1> to vector<1024x128xi32>
    %sign3A_42 = arith.constant 0 : i32
    %sign3A_43 = vector.broadcast %sign3A_42 : i32 to vector<1024x128xi32>
    %sign3A_44 = arith.cmpi slt, %iota3A, %sign3A_43 : vector<1024x128xi32>
    %sign3A_45 = arith.extui %sign3A_44 : vector<1024x128xi1> to vector<1024x128xi32>
    %sign3A_46 = arith.subi %sign3A_41, %sign3A_45 : vector<1024x128xi32>
    %sign3A_47 = arith.constant 0 : i32
    %sign3A_48 = arith.cmpi sgt, %jit3A, %sign3A_47 : i32
    %sign3A_49 = arith.extui %sign3A_48 : i1 to i32
    %sign3A_50 = arith.constant 0 : i32
    %sign3A_51 = arith.cmpi slt, %jit3A, %sign3A_50 : i32
    %sign3A_52 = arith.extui %sign3A_51 : i1 to i32
    %sign3A_53 = arith.subi %sign3A_49, %sign3A_52 : i32
    %ne3A = vector.broadcast %sign3A_53 : i32 to vector<1024x128xi32>
    %ne3A_54 = arith.cmpi ne, %sign3A_46, %ne3A : vector<1024x128xi32>
    %rem3A = vector.broadcast %jit3A : i32 to vector<1024x128xi32>
    %rem3A_55 = arith.remsi %iota3A, %rem3A : vector<1024x128xi32>
    %ne3A_56 = arith.constant 0 : i32
    %ne3A_57 = vector.broadcast %ne3A_56 : i32 to vector<1024x128xi32>
    %ne3A_58 = arith.cmpi ne, %rem3A_55, %ne3A_57 : vector<1024x128xi32>
    %and3A = arith.andi %ne3A_54, %ne3A_58 : vector<1024x128xi1>
    %sub3A = arith.constant 1 : i32
    %sub3A_59 = vector.broadcast %sub3A : i32 to vector<1024x128xi32>
    %sub3A_60 = arith.subi %div3A_38, %sub3A_59 : vector<1024x128xi32>
    %select_n3A = arith.select %and3A, %sub3A_60, %div3A_38 : vector<1024x128xi1>, vector<1024x128xi32>
    %eq3A = arith.constant 0 : i32
    %eq3A_61 = vector.broadcast %eq3A : i32 to vector<1024x128xi32>
    %eq3A_62 = arith.cmpi eq, %select_n3A, %eq3A_61 : vector<1024x128xi32>
    %jit3A_63 = arith.constant 0.000000e+00 : f32
    %broadcast_in_dim3A_64 = vector.broadcast %jit3A_63 : f32 to vector<1024x128xf32>
    %select_n3A_65 = arith.select %eq3A_62, %add3A_15, %broadcast_in_dim3A_64 : vector<1024x128xi1>, vector<1024x128xf32>
    %dot_general3A_66 = arith.constant dense<0.000000e+00> : vector<1024x1024xf32>
    %dot_general3A_67 = tpu.matmul %select_n3A_65, %add3A_25, %dot_general3A_66 {dimension_numbers = #tpu.dot_dimension_numbers<[1], [1], [0], [0], [0, 0, 1, 0], [], []>, transpose_lhs_hint = false} : vector<1024x128xf32>, vector<1024x128xf32>, vector<1024x1024xf32> -> vector<1024x1024xf32>
    %mul3A = arith.constant 2.500000e-01 : f32
    %mul3A_68 = vector.broadcast %mul3A : f32 to vector<1024x1024xf32>
    %mul3A_69 = arith.mulf %dot_general3A_67, %mul3A_68 : vector<1024x1024xf32>
    %reduce_max3A = arith.constant dense<0xFF800000> : vector<1024xf32>
    %reduce_max3A_70 = vector.multi_reduction <maximumf>, %mul3A_69, %reduce_max3A [1] : vector<1024x1024xf32> to vector<1024xf32>
    %broadcast_in_dim3A_71 = vector.shape_cast %reduce_max3A_70 : vector<1024xf32> to vector<1024x1xf32>
    %sub3A_72 = vector.broadcast %broadcast_in_dim3A_71 : vector<1024x1xf32> to vector<1024x1024xf32>
    %sub3A_73 = arith.subf %mul3A_69, %sub3A_72 : vector<1024x1024xf32>
    %exp3A = math.exp %sub3A_73 : vector<1024x1024xf32>
    %reduce_sum3A = arith.constant dense<0.000000e+00> : vector<1024xf32>
    %reduce_sum3A_74 = vector.multi_reduction <add>, %exp3A, %reduce_sum3A [1] : vector<1024x1024xf32> to vector<1024xf32>
    %broadcast_in_dim3A_75 = vector.shape_cast %reduce_sum3A_74 : vector<1024xf32> to vector<1024x1xf32>
    %div3A_76 = vector.broadcast %broadcast_in_dim3A_75 : vector<1024x1xf32> to vector<1024x1024xf32>
    %div3A_77 = arith.divf %exp3A, %div3A_76 : vector<1024x1024xf32>
    %jit3A_78 = arith.constant 0.000000e+00 : f32
    %broadcast_in_dim3A_79 = vector.broadcast %jit3A_78 : f32 to vector<1024x128xf32>
    %select_n3A_80 = arith.select %eq3A_62, %add3A_35, %broadcast_in_dim3A_79 : vector<1024x128xi1>, vector<1024x128xf32>
    %dot_general3A_81 = arith.constant dense<0.000000e+00> : vector<1024x128xf32>
    %dot_general3A_82 = tpu.matmul %div3A_77, %select_n3A_80, %dot_general3A_81 {dimension_numbers = #tpu.dot_dimension_numbers<[1], [0], [0], [1], [0, 0, 1, 1], [], []>, transpose_lhs_hint = false} : vector<1024x1024xf32>, vector<1024x128xf32>, vector<1024x128xf32> -> vector<1024x128xf32>
    %add3A_83 = arith.addf %broadcast_in_dim3A_37, %dot_general3A_82 : vector<1024x128xf32>
    %jit3A_84 = arith.constant 16 : i32
    %div3A_85 = vector.broadcast %jit3A_84 : i32 to vector<1024x128xi32>
    %div3A_86 = arith.divsi %iota3A, %div3A_85 : vector<1024x128xi32>
    %sign3A_87 = arith.constant 0 : i32
    %sign3A_88 = vector.broadcast %sign3A_87 : i32 to vector<1024x128xi32>
    %sign3A_89 = arith.cmpi sgt, %iota3A, %sign3A_88 : vector<1024x128xi32>
    %sign3A_90 = arith.extui %sign3A_89 : vector<1024x128xi1> to vector<1024x128xi32>
    %sign3A_91 = arith.constant 0 : i32
    %sign3A_92 = vector.broadcast %sign3A_91 : i32 to vector<1024x128xi32>
    %sign3A_93 = arith.cmpi slt, %iota3A, %sign3A_92 : vector<1024x128xi32>
    %sign3A_94 = arith.extui %sign3A_93 : vector<1024x128xi1> to vector<1024x128xi32>
    %sign3A_95 = arith.subi %sign3A_90, %sign3A_94 : vector<1024x128xi32>
    %sign3A_96 = arith.constant 0 : i32
    %sign3A_97 = arith.cmpi sgt, %jit3A_84, %sign3A_96 : i32
    %sign3A_98 = arith.extui %sign3A_97 : i1 to i32
    %sign3A_99 = arith.constant 0 : i32
    %sign3A_100 = arith.cmpi slt, %jit3A_84, %sign3A_99 : i32
    %sign3A_101 = arith.extui %sign3A_100 : i1 to i32
    %sign3A_102 = arith.subi %sign3A_98, %sign3A_101 : i32
    %ne3A_103 = vector.broadcast %sign3A_102 : i32 to vector<1024x128xi32>
    %ne3A_104 = arith.cmpi ne, %sign3A_95, %ne3A_103 : vector<1024x128xi32>
    %rem3A_105 = vector.broadcast %jit3A_84 : i32 to vector<1024x128xi32>
    %rem3A_106 = arith.remsi %iota3A, %rem3A_105 : vector<1024x128xi32>
    %ne3A_107 = arith.constant 0 : i32
    %ne3A_108 = vector.broadcast %ne3A_107 : i32 to vector<1024x128xi32>
    %ne3A_109 = arith.cmpi ne, %rem3A_106, %ne3A_108 : vector<1024x128xi32>
    %and3A_110 = arith.andi %ne3A_104, %ne3A_109 : vector<1024x128xi1>
    %sub3A_111 = arith.constant 1 : i32
    %sub3A_112 = vector.broadcast %sub3A_111 : i32 to vector<1024x128xi32>
    %sub3A_113 = arith.subi %div3A_86, %sub3A_112 : vector<1024x128xi32>
    %select_n3A_114 = arith.select %and3A_110, %sub3A_113, %div3A_86 : vector<1024x128xi1>, vector<1024x128xi32>
    %eq3A_115 = arith.constant 1 : i32
    %eq3A_116 = vector.broadcast %eq3A_115 : i32 to vector<1024x128xi32>
    %eq3A_117 = arith.cmpi eq, %select_n3A_114, %eq3A_116 : vector<1024x128xi32>
    %jit3A_118 = arith.constant 0.000000e+00 : f32
    %broadcast_in_dim3A_119 = vector.broadcast %jit3A_118 : f32 to vector<1024x128xf32>
    %select_n3A_120 = arith.select %eq3A_117, %add3A_15, %broadcast_in_dim3A_119 : vector<1024x128xi1>, vector<1024x128xf32>
    %dot_general3A_121 = arith.constant dense<0.000000e+00> : vector<1024x1024xf32>
    %dot_general3A_122 = tpu.matmul %select_n3A_120, %add3A_25, %dot_general3A_121 {dimension_numbers = #tpu.dot_dimension_numbers<[1], [1], [0], [0], [0, 0, 1, 0], [], []>, transpose_lhs_hint = false} : vector<1024x128xf32>, vector<1024x128xf32>, vector<1024x1024xf32> -> vector<1024x1024xf32>
    %mul3A_123 = arith.constant 2.500000e-01 : f32
    %mul3A_124 = vector.broadcast %mul3A_123 : f32 to vector<1024x1024xf32>
    %mul3A_125 = arith.mulf %dot_general3A_122, %mul3A_124 : vector<1024x1024xf32>
    %reduce_max3A_126 = arith.constant dense<0xFF800000> : vector<1024xf32>
    %reduce_max3A_127 = vector.multi_reduction <maximumf>, %mul3A_125, %reduce_max3A_126 [1] : vector<1024x1024xf32> to vector<1024xf32>
    %broadcast_in_dim3A_128 = vector.shape_cast %reduce_max3A_127 : vector<1024xf32> to vector<1024x1xf32>
    %sub3A_129 = vector.broadcast %broadcast_in_dim3A_128 : vector<1024x1xf32> to vector<1024x1024xf32>
    %sub3A_130 = arith.subf %mul3A_125, %sub3A_129 : vector<1024x1024xf32>
    %exp3A_131 = math.exp %sub3A_130 : vector<1024x1024xf32>
    %reduce_sum3A_132 = arith.constant dense<0.000000e+00> : vector<1024xf32>
    %reduce_sum3A_133 = vector.multi_reduction <add>, %exp3A_131, %reduce_sum3A_132 [1] : vector<1024x1024xf32> to vector<1024xf32>
    %broadcast_in_dim3A_134 = vector.shape_cast %reduce_sum3A_133 : vector<1024xf32> to vector<1024x1xf32>
    %div3A_135 = vector.broadcast %broadcast_in_dim3A_134 : vector<1024x1xf32> to vector<1024x1024xf32>
    %div3A_136 = arith.divf %exp3A_131, %div3A_135 : vector<1024x1024xf32>
    %jit3A_137 = arith.constant 0.000000e+00 : f32
    %broadcast_in_dim3A_138 = vector.broadcast %jit3A_137 : f32 to vector<1024x128xf32>
    %select_n3A_139 = arith.select %eq3A_117, %add3A_35, %broadcast_in_dim3A_138 : vector<1024x128xi1>, vector<1024x128xf32>
    %dot_general3A_140 = arith.constant dense<0.000000e+00> : vector<1024x128xf32>
    %dot_general3A_141 = tpu.matmul %div3A_136, %select_n3A_139, %dot_general3A_140 {dimension_numbers = #tpu.dot_dimension_numbers<[1], [0], [0], [1], [0, 0, 1, 1], [], []>, transpose_lhs_hint = false} : vector<1024x1024xf32>, vector<1024x128xf32>, vector<1024x128xf32> -> vector<1024x128xf32>
    %add3A_142 = arith.addf %add3A_83, %dot_general3A_141 : vector<1024x128xf32>
    %jit3A_143 = arith.constant 16 : i32
    %div3A_144 = vector.broadcast %jit3A_143 : i32 to vector<1024x128xi32>
    %div3A_145 = arith.divsi %iota3A, %div3A_144 : vector<1024x128xi32>
    %sign3A_146 = arith.constant 0 : i32
    %sign3A_147 = vector.broadcast %sign3A_146 : i32 to vector<1024x128xi32>
    %sign3A_148 = arith.cmpi sgt, %iota3A, %sign3A_147 : vector<1024x128xi32>
    %sign3A_149 = arith.extui %sign3A_148 : vector<1024x128xi1> to vector<1024x128xi32>
    %sign3A_150 = arith.constant 0 : i32
    %sign3A_151 = vector.broadcast %sign3A_150 : i32 to vector<1024x128xi32>
    %sign3A_152 = arith.cmpi slt, %iota3A, %sign3A_151 : vector<1024x128xi32>
    %sign3A_153 = arith.extui %sign3A_152 : vector<1024x128xi1> to vector<1024x128xi32>
    %sign3A_154 = arith.subi %sign3A_149, %sign3A_153 : vector<1024x128xi32>
    %sign3A_155 = arith.constant 0 : i32
    %sign3A_156 = arith.cmpi sgt, %jit3A_143, %sign3A_155 : i32
    %sign3A_157 = arith.extui %sign3A_156 : i1 to i32
    %sign3A_158 = arith.constant 0 : i32
    %sign3A_159 = arith.cmpi slt, %jit3A_143, %sign3A_158 : i32
    %sign3A_160 = arith.extui %sign3A_159 : i1 to i32
    %sign3A_161 = arith.subi %sign3A_157, %sign3A_160 : i32
    %ne3A_162 = vector.broadcast %sign3A_161 : i32 to vector<1024x128xi32>
    %ne3A_163 = arith.cmpi ne, %sign3A_154, %ne3A_162 : vector<1024x128xi32>
    %rem3A_164 = vector.broadcast %jit3A_143 : i32 to vector<1024x128xi32>
    %rem3A_165 = arith.remsi %iota3A, %rem3A_164 : vector<1024x128xi32>
    %ne3A_166 = arith.constant 0 : i32
    %ne3A_167 = vector.broadcast %ne3A_166 : i32 to vector<1024x128xi32>
    %ne3A_168 = arith.cmpi ne, %rem3A_165, %ne3A_167 : vector<1024x128xi32>
    %and3A_169 = arith.andi %ne3A_163, %ne3A_168 : vector<1024x128xi1>
    %sub3A_170 = arith.constant 1 : i32
    %sub3A_171 = vector.broadcast %sub3A_170 : i32 to vector<1024x128xi32>
    %sub3A_172 = arith.subi %div3A_145, %sub3A_171 : vector<1024x128xi32>
    %select_n3A_173 = arith.select %and3A_169, %sub3A_172, %div3A_145 : vector<1024x128xi1>, vector<1024x128xi32>
    %eq3A_174 = arith.constant 2 : i32
    %eq3A_175 = vector.broadcast %eq3A_174 : i32 to vector<1024x128xi32>
    %eq3A_176 = arith.cmpi eq, %select_n3A_173, %eq3A_175 : vector<1024x128xi32>
    %jit3A_177 = arith.constant 0.000000e+00 : f32
    %broadcast_in_dim3A_178 = vector.broadcast %jit3A_177 : f32 to vector<1024x128xf32>
    %select_n3A_179 = arith.select %eq3A_176, %add3A_15, %broadcast_in_dim3A_178 : vector<1024x128xi1>, vector<1024x128xf32>
    %dot_general3A_180 = arith.constant dense<0.000000e+00> : vector<1024x1024xf32>
    %dot_general3A_181 = tpu.matmul %select_n3A_179, %add3A_25, %dot_general3A_180 {dimension_numbers = #tpu.dot_dimension_numbers<[1], [1], [0], [0], [0, 0, 1, 0], [], []>, transpose_lhs_hint = false} : vector<1024x128xf32>, vector<1024x128xf32>, vector<1024x1024xf32> -> vector<1024x1024xf32>
    %mul3A_182 = arith.constant 2.500000e-01 : f32
    %mul3A_183 = vector.broadcast %mul3A_182 : f32 to vector<1024x1024xf32>
    %mul3A_184 = arith.mulf %dot_general3A_181, %mul3A_183 : vector<1024x1024xf32>
    %reduce_max3A_185 = arith.constant dense<0xFF800000> : vector<1024xf32>
    %reduce_max3A_186 = vector.multi_reduction <maximumf>, %mul3A_184, %reduce_max3A_185 [1] : vector<1024x1024xf32> to vector<1024xf32>
    %broadcast_in_dim3A_187 = vector.shape_cast %reduce_max3A_186 : vector<1024xf32> to vector<1024x1xf32>
    %sub3A_188 = vector.broadcast %broadcast_in_dim3A_187 : vector<1024x1xf32> to vector<1024x1024xf32>
    %sub3A_189 = arith.subf %mul3A_184, %sub3A_188 : vector<1024x1024xf32>
    %exp3A_190 = math.exp %sub3A_189 : vector<1024x1024xf32>
    %reduce_sum3A_191 = arith.constant dense<0.000000e+00> : vector<1024xf32>
    %reduce_sum3A_192 = vector.multi_reduction <add>, %exp3A_190, %reduce_sum3A_191 [1] : vector<1024x1024xf32> to vector<1024xf32>
    %broadcast_in_dim3A_193 = vector.shape_cast %reduce_sum3A_192 : vector<1024xf32> to vector<1024x1xf32>
    %div3A_194 = vector.broadcast %broadcast_in_dim3A_193 : vector<1024x1xf32> to vector<1024x1024xf32>
    %div3A_195 = arith.divf %exp3A_190, %div3A_194 : vector<1024x1024xf32>
    %jit3A_196 = arith.constant 0.000000e+00 : f32
    %broadcast_in_dim3A_197 = vector.broadcast %jit3A_196 : f32 to vector<1024x128xf32>
    %select_n3A_198 = arith.select %eq3A_176, %add3A_35, %broadcast_in_dim3A_197 : vector<1024x128xi1>, vector<1024x128xf32>
    %dot_general3A_199 = arith.constant dense<0.000000e+00> : vector<1024x128xf32>
    %dot_general3A_200 = tpu.matmul %div3A_195, %select_n3A_198, %dot_general3A_199 {dimension_numbers = #tpu.dot_dimension_numbers<[1], [0], [0], [1], [0, 0, 1, 1], [], []>, transpose_lhs_hint = false} : vector<1024x1024xf32>, vector<1024x128xf32>, vector<1024x128xf32> -> vector<1024x128xf32>
    %add3A_201 = arith.addf %add3A_142, %dot_general3A_200 : vector<1024x128xf32>
    %jit3A_202 = arith.constant 16 : i32
    %div3A_203 = vector.broadcast %jit3A_202 : i32 to vector<1024x128xi32>
    %div3A_204 = arith.divsi %iota3A, %div3A_203 : vector<1024x128xi32>
    %sign3A_205 = arith.constant 0 : i32
    %sign3A_206 = vector.broadcast %sign3A_205 : i32 to vector<1024x128xi32>
    %sign3A_207 = arith.cmpi sgt, %iota3A, %sign3A_206 : vector<1024x128xi32>
    %sign3A_208 = arith.extui %sign3A_207 : vector<1024x128xi1> to vector<1024x128xi32>
    %sign3A_209 = arith.constant 0 : i32
    %sign3A_210 = vector.broadcast %sign3A_209 : i32 to vector<1024x128xi32>
    %sign3A_211 = arith.cmpi slt, %iota3A, %sign3A_210 : vector<1024x128xi32>
    %sign3A_212 = arith.extui %sign3A_211 : vector<1024x128xi1> to vector<1024x128xi32>
    %sign3A_213 = arith.subi %sign3A_208, %sign3A_212 : vector<1024x128xi32>
    %sign3A_214 = arith.constant 0 : i32
    %sign3A_215 = arith.cmpi sgt, %jit3A_202, %sign3A_214 : i32
    %sign3A_216 = arith.extui %sign3A_215 : i1 to i32
    %sign3A_217 = arith.constant 0 : i32
    %sign3A_218 = arith.cmpi slt, %jit3A_202, %sign3A_217 : i32
    %sign3A_219 = arith.extui %sign3A_218 : i1 to i32
    %sign3A_220 = arith.subi %sign3A_216, %sign3A_219 : i32
    %ne3A_221 = vector.broadcast %sign3A_220 : i32 to vector<1024x128xi32>
    %ne3A_222 = arith.cmpi ne, %sign3A_213, %ne3A_221 : vector<1024x128xi32>
    %rem3A_223 = vector.broadcast %jit3A_202 : i32 to vector<1024x128xi32>
    %rem3A_224 = arith.remsi %iota3A, %rem3A_223 : vector<1024x128xi32>
    %ne3A_225 = arith.constant 0 : i32
    %ne3A_226 = vector.broadcast %ne3A_225 : i32 to vector<1024x128xi32>
    %ne3A_227 = arith.cmpi ne, %rem3A_224, %ne3A_226 : vector<1024x128xi32>
    %and3A_228 = arith.andi %ne3A_222, %ne3A_227 : vector<1024x128xi1>
    %sub3A_229 = arith.constant 1 : i32
    %sub3A_230 = vector.broadcast %sub3A_229 : i32 to vector<1024x128xi32>
    %sub3A_231 = arith.subi %div3A_204, %sub3A_230 : vector<1024x128xi32>
    %select_n3A_232 = arith.select %and3A_228, %sub3A_231, %div3A_204 : vector<1024x128xi1>, vector<1024x128xi32>
    %eq3A_233 = arith.constant 3 : i32
    %eq3A_234 = vector.broadcast %eq3A_233 : i32 to vector<1024x128xi32>
    %eq3A_235 = arith.cmpi eq, %select_n3A_232, %eq3A_234 : vector<1024x128xi32>
    %jit3A_236 = arith.constant 0.000000e+00 : f32
    %broadcast_in_dim3A_237 = vector.broadcast %jit3A_236 : f32 to vector<1024x128xf32>
    %select_n3A_238 = arith.select %eq3A_235, %add3A_15, %broadcast_in_dim3A_237 : vector<1024x128xi1>, vector<1024x128xf32>
    %dot_general3A_239 = arith.constant dense<0.000000e+00> : vector<1024x1024xf32>
    %dot_general3A_240 = tpu.matmul %select_n3A_238, %add3A_25, %dot_general3A_239 {dimension_numbers = #tpu.dot_dimension_numbers<[1], [1], [0], [0], [0, 0, 1, 0], [], []>, transpose_lhs_hint = false} : vector<1024x128xf32>, vector<1024x128xf32>, vector<1024x1024xf32> -> vector<1024x1024xf32>
    %mul3A_241 = arith.constant 2.500000e-01 : f32
    %mul3A_242 = vector.broadcast %mul3A_241 : f32 to vector<1024x1024xf32>
    %mul3A_243 = arith.mulf %dot_general3A_240, %mul3A_242 : vector<1024x1024xf32>
    %reduce_max3A_244 = arith.constant dense<0xFF800000> : vector<1024xf32>
    %reduce_max3A_245 = vector.multi_reduction <maximumf>, %mul3A_243, %reduce_max3A_244 [1] : vector<1024x1024xf32> to vector<1024xf32>
    %broadcast_in_dim3A_246 = vector.shape_cast %reduce_max3A_245 : vector<1024xf32> to vector<1024x1xf32>
    %sub3A_247 = vector.broadcast %broadcast_in_dim3A_246 : vector<1024x1xf32> to vector<1024x1024xf32>
    %sub3A_248 = arith.subf %mul3A_243, %sub3A_247 : vector<1024x1024xf32>
    %exp3A_249 = math.exp %sub3A_248 : vector<1024x1024xf32>
    %reduce_sum3A_250 = arith.constant dense<0.000000e+00> : vector<1024xf32>
    %reduce_sum3A_251 = vector.multi_reduction <add>, %exp3A_249, %reduce_sum3A_250 [1] : vector<1024x1024xf32> to vector<1024xf32>
    %broadcast_in_dim3A_252 = vector.shape_cast %reduce_sum3A_251 : vector<1024xf32> to vector<1024x1xf32>
    %div3A_253 = vector.broadcast %broadcast_in_dim3A_252 : vector<1024x1xf32> to vector<1024x1024xf32>
    %div3A_254 = arith.divf %exp3A_249, %div3A_253 : vector<1024x1024xf32>
    %jit3A_255 = arith.constant 0.000000e+00 : f32
    %broadcast_in_dim3A_256 = vector.broadcast %jit3A_255 : f32 to vector<1024x128xf32>
    %select_n3A_257 = arith.select %eq3A_235, %add3A_35, %broadcast_in_dim3A_256 : vector<1024x128xi1>, vector<1024x128xf32>
    %dot_general3A_258 = arith.constant dense<0.000000e+00> : vector<1024x128xf32>
    %dot_general3A_259 = tpu.matmul %div3A_254, %select_n3A_257, %dot_general3A_258 {dimension_numbers = #tpu.dot_dimension_numbers<[1], [0], [0], [1], [0, 0, 1, 1], [], []>, transpose_lhs_hint = false} : vector<1024x1024xf32>, vector<1024x128xf32>, vector<1024x128xf32> -> vector<1024x128xf32>
    %add3A_260 = arith.addf %add3A_201, %dot_general3A_259 : vector<1024x128xf32>
    %jit3A_261 = arith.constant 16 : i32
    %div3A_262 = vector.broadcast %jit3A_261 : i32 to vector<1024x128xi32>
    %div3A_263 = arith.divsi %iota3A, %div3A_262 : vector<1024x128xi32>
    %sign3A_264 = arith.constant 0 : i32
    %sign3A_265 = vector.broadcast %sign3A_264 : i32 to vector<1024x128xi32>
    %sign3A_266 = arith.cmpi sgt, %iota3A, %sign3A_265 : vector<1024x128xi32>
    %sign3A_267 = arith.extui %sign3A_266 : vector<1024x128xi1> to vector<1024x128xi32>
    %sign3A_268 = arith.constant 0 : i32
    %sign3A_269 = vector.broadcast %sign3A_268 : i32 to vector<1024x128xi32>
    %sign3A_270 = arith.cmpi slt, %iota3A, %sign3A_269 : vector<1024x128xi32>
    %sign3A_271 = arith.extui %sign3A_270 : vector<1024x128xi1> to vector<1024x128xi32>
    %sign3A_272 = arith.subi %sign3A_267, %sign3A_271 : vector<1024x128xi32>
    %sign3A_273 = arith.constant 0 : i32
    %sign3A_274 = arith.cmpi sgt, %jit3A_261, %sign3A_273 : i32
    %sign3A_275 = arith.extui %sign3A_274 : i1 to i32
    %sign3A_276 = arith.constant 0 : i32
    %sign3A_277 = arith.cmpi slt, %jit3A_261, %sign3A_276 : i32
    %sign3A_278 = arith.extui %sign3A_277 : i1 to i32
    %sign3A_279 = arith.subi %sign3A_275, %sign3A_278 : i32
    %ne3A_280 = vector.broadcast %sign3A_279 : i32 to vector<1024x128xi32>
    %ne3A_281 = arith.cmpi ne, %sign3A_272, %ne3A_280 : vector<1024x128xi32>
    %rem3A_282 = vector.broadcast %jit3A_261 : i32 to vector<1024x128xi32>
    %rem3A_283 = arith.remsi %iota3A, %rem3A_282 : vector<1024x128xi32>
    %ne3A_284 = arith.constant 0 : i32
    %ne3A_285 = vector.broadcast %ne3A_284 : i32 to vector<1024x128xi32>
    %ne3A_286 = arith.cmpi ne, %rem3A_283, %ne3A_285 : vector<1024x128xi32>
    %and3A_287 = arith.andi %ne3A_281, %ne3A_286 : vector<1024x128xi1>
    %sub3A_288 = arith.constant 1 : i32
    %sub3A_289 = vector.broadcast %sub3A_288 : i32 to vector<1024x128xi32>
    %sub3A_290 = arith.subi %div3A_263, %sub3A_289 : vector<1024x128xi32>
    %select_n3A_291 = arith.select %and3A_287, %sub3A_290, %div3A_263 : vector<1024x128xi1>, vector<1024x128xi32>
    %eq3A_292 = arith.constant 4 : i32
    %eq3A_293 = vector.broadcast %eq3A_292 : i32 to vector<1024x128xi32>
    %eq3A_294 = arith.cmpi eq, %select_n3A_291, %eq3A_293 : vector<1024x128xi32>
    %jit3A_295 = arith.constant 0.000000e+00 : f32
    %broadcast_in_dim3A_296 = vector.broadcast %jit3A_295 : f32 to vector<1024x128xf32>
    %select_n3A_297 = arith.select %eq3A_294, %add3A_15, %broadcast_in_dim3A_296 : vector<1024x128xi1>, vector<1024x128xf32>
    %dot_general3A_298 = arith.constant dense<0.000000e+00> : vector<1024x1024xf32>
    %dot_general3A_299 = tpu.matmul %select_n3A_297, %add3A_25, %dot_general3A_298 {dimension_numbers = #tpu.dot_dimension_numbers<[1], [1], [0], [0], [0, 0, 1, 0], [], []>, transpose_lhs_hint = false} : vector<1024x128xf32>, vector<1024x128xf32>, vector<1024x1024xf32> -> vector<1024x1024xf32>
    %mul3A_300 = arith.constant 2.500000e-01 : f32
    %mul3A_301 = vector.broadcast %mul3A_300 : f32 to vector<1024x1024xf32>
    %mul3A_302 = arith.mulf %dot_general3A_299, %mul3A_301 : vector<1024x1024xf32>
    %reduce_max3A_303 = arith.constant dense<0xFF800000> : vector<1024xf32>
    %reduce_max3A_304 = vector.multi_reduction <maximumf>, %mul3A_302, %reduce_max3A_303 [1] : vector<1024x1024xf32> to vector<1024xf32>
    %broadcast_in_dim3A_305 = vector.shape_cast %reduce_max3A_304 : vector<1024xf32> to vector<1024x1xf32>
    %sub3A_306 = vector.broadcast %broadcast_in_dim3A_305 : vector<1024x1xf32> to vector<1024x1024xf32>
    %sub3A_307 = arith.subf %mul3A_302, %sub3A_306 : vector<1024x1024xf32>
    %exp3A_308 = math.exp %sub3A_307 : vector<1024x1024xf32>
    %reduce_sum3A_309 = arith.constant dense<0.000000e+00> : vector<1024xf32>
    %reduce_sum3A_310 = vector.multi_reduction <add>, %exp3A_308, %reduce_sum3A_309 [1] : vector<1024x1024xf32> to vector<1024xf32>
    %broadcast_in_dim3A_311 = vector.shape_cast %reduce_sum3A_310 : vector<1024xf32> to vector<1024x1xf32>
    %div3A_312 = vector.broadcast %broadcast_in_dim3A_311 : vector<1024x1xf32> to vector<1024x1024xf32>
    %div3A_313 = arith.divf %exp3A_308, %div3A_312 : vector<1024x1024xf32>
    %jit3A_314 = arith.constant 0.000000e+00 : f32
    %broadcast_in_dim3A_315 = vector.broadcast %jit3A_314 : f32 to vector<1024x128xf32>
    %select_n3A_316 = arith.select %eq3A_294, %add3A_35, %broadcast_in_dim3A_315 : vector<1024x128xi1>, vector<1024x128xf32>
    %dot_general3A_317 = arith.constant dense<0.000000e+00> : vector<1024x128xf32>
    %dot_general3A_318 = tpu.matmul %div3A_313, %select_n3A_316, %dot_general3A_317 {dimension_numbers = #tpu.dot_dimension_numbers<[1], [0], [0], [1], [0, 0, 1, 1], [], []>, transpose_lhs_hint = false} : vector<1024x1024xf32>, vector<1024x128xf32>, vector<1024x128xf32> -> vector<1024x128xf32>
    %add3A_319 = arith.addf %add3A_260, %dot_general3A_318 : vector<1024x128xf32>
    %jit3A_320 = arith.constant 16 : i32
    %div3A_321 = vector.broadcast %jit3A_320 : i32 to vector<1024x128xi32>
    %div3A_322 = arith.divsi %iota3A, %div3A_321 : vector<1024x128xi32>
    %sign3A_323 = arith.constant 0 : i32
    %sign3A_324 = vector.broadcast %sign3A_323 : i32 to vector<1024x128xi32>
    %sign3A_325 = arith.cmpi sgt, %iota3A, %sign3A_324 : vector<1024x128xi32>
    %sign3A_326 = arith.extui %sign3A_325 : vector<1024x128xi1> to vector<1024x128xi32>
    %sign3A_327 = arith.constant 0 : i32
    %sign3A_328 = vector.broadcast %sign3A_327 : i32 to vector<1024x128xi32>
    %sign3A_329 = arith.cmpi slt, %iota3A, %sign3A_328 : vector<1024x128xi32>
    %sign3A_330 = arith.extui %sign3A_329 : vector<1024x128xi1> to vector<1024x128xi32>
    %sign3A_331 = arith.subi %sign3A_326, %sign3A_330 : vector<1024x128xi32>
    %sign3A_332 = arith.constant 0 : i32
    %sign3A_333 = arith.cmpi sgt, %jit3A_320, %sign3A_332 : i32
    %sign3A_334 = arith.extui %sign3A_333 : i1 to i32
    %sign3A_335 = arith.constant 0 : i32
    %sign3A_336 = arith.cmpi slt, %jit3A_320, %sign3A_335 : i32
    %sign3A_337 = arith.extui %sign3A_336 : i1 to i32
    %sign3A_338 = arith.subi %sign3A_334, %sign3A_337 : i32
    %ne3A_339 = vector.broadcast %sign3A_338 : i32 to vector<1024x128xi32>
    %ne3A_340 = arith.cmpi ne, %sign3A_331, %ne3A_339 : vector<1024x128xi32>
    %rem3A_341 = vector.broadcast %jit3A_320 : i32 to vector<1024x128xi32>
    %rem3A_342 = arith.remsi %iota3A, %rem3A_341 : vector<1024x128xi32>
    %ne3A_343 = arith.constant 0 : i32
    %ne3A_344 = vector.broadcast %ne3A_343 : i32 to vector<1024x128xi32>
    %ne3A_345 = arith.cmpi ne, %rem3A_342, %ne3A_344 : vector<1024x128xi32>
    %and3A_346 = arith.andi %ne3A_340, %ne3A_345 : vector<1024x128xi1>
    %sub3A_347 = arith.constant 1 : i32
    %sub3A_348 = vector.broadcast %sub3A_347 : i32 to vector<1024x128xi32>
    %sub3A_349 = arith.subi %div3A_322, %sub3A_348 : vector<1024x128xi32>
    %select_n3A_350 = arith.select %and3A_346, %sub3A_349, %div3A_322 : vector<1024x128xi1>, vector<1024x128xi32>
    %eq3A_351 = arith.constant 5 : i32
    %eq3A_352 = vector.broadcast %eq3A_351 : i32 to vector<1024x128xi32>
    %eq3A_353 = arith.cmpi eq, %select_n3A_350, %eq3A_352 : vector<1024x128xi32>
    %jit3A_354 = arith.constant 0.000000e+00 : f32
    %broadcast_in_dim3A_355 = vector.broadcast %jit3A_354 : f32 to vector<1024x128xf32>
    %select_n3A_356 = arith.select %eq3A_353, %add3A_15, %broadcast_in_dim3A_355 : vector<1024x128xi1>, vector<1024x128xf32>
    %dot_general3A_357 = arith.constant dense<0.000000e+00> : vector<1024x1024xf32>
    %dot_general3A_358 = tpu.matmul %select_n3A_356, %add3A_25, %dot_general3A_357 {dimension_numbers = #tpu.dot_dimension_numbers<[1], [1], [0], [0], [0, 0, 1, 0], [], []>, transpose_lhs_hint = false} : vector<1024x128xf32>, vector<1024x128xf32>, vector<1024x1024xf32> -> vector<1024x1024xf32>
    %mul3A_359 = arith.constant 2.500000e-01 : f32
    %mul3A_360 = vector.broadcast %mul3A_359 : f32 to vector<1024x1024xf32>
    %mul3A_361 = arith.mulf %dot_general3A_358, %mul3A_360 : vector<1024x1024xf32>
    %reduce_max3A_362 = arith.constant dense<0xFF800000> : vector<1024xf32>
    %reduce_max3A_363 = vector.multi_reduction <maximumf>, %mul3A_361, %reduce_max3A_362 [1] : vector<1024x1024xf32> to vector<1024xf32>
    %broadcast_in_dim3A_364 = vector.shape_cast %reduce_max3A_363 : vector<1024xf32> to vector<1024x1xf32>
    %sub3A_365 = vector.broadcast %broadcast_in_dim3A_364 : vector<1024x1xf32> to vector<1024x1024xf32>
    %sub3A_366 = arith.subf %mul3A_361, %sub3A_365 : vector<1024x1024xf32>
    %exp3A_367 = math.exp %sub3A_366 : vector<1024x1024xf32>
    %reduce_sum3A_368 = arith.constant dense<0.000000e+00> : vector<1024xf32>
    %reduce_sum3A_369 = vector.multi_reduction <add>, %exp3A_367, %reduce_sum3A_368 [1] : vector<1024x1024xf32> to vector<1024xf32>
    %broadcast_in_dim3A_370 = vector.shape_cast %reduce_sum3A_369 : vector<1024xf32> to vector<1024x1xf32>
    %div3A_371 = vector.broadcast %broadcast_in_dim3A_370 : vector<1024x1xf32> to vector<1024x1024xf32>
    %div3A_372 = arith.divf %exp3A_367, %div3A_371 : vector<1024x1024xf32>
    %jit3A_373 = arith.constant 0.000000e+00 : f32
    %broadcast_in_dim3A_374 = vector.broadcast %jit3A_373 : f32 to vector<1024x128xf32>
    %select_n3A_375 = arith.select %eq3A_353, %add3A_35, %broadcast_in_dim3A_374 : vector<1024x128xi1>, vector<1024x128xf32>
    %dot_general3A_376 = arith.constant dense<0.000000e+00> : vector<1024x128xf32>
    %dot_general3A_377 = tpu.matmul %div3A_372, %select_n3A_375, %dot_general3A_376 {dimension_numbers = #tpu.dot_dimension_numbers<[1], [0], [0], [1], [0, 0, 1, 1], [], []>, transpose_lhs_hint = false} : vector<1024x1024xf32>, vector<1024x128xf32>, vector<1024x128xf32> -> vector<1024x128xf32>
    %add3A_378 = arith.addf %add3A_319, %dot_general3A_377 : vector<1024x128xf32>
    %jit3A_379 = arith.constant 16 : i32
    %div3A_380 = vector.broadcast %jit3A_379 : i32 to vector<1024x128xi32>
    %div3A_381 = arith.divsi %iota3A, %div3A_380 : vector<1024x128xi32>
    %sign3A_382 = arith.constant 0 : i32
    %sign3A_383 = vector.broadcast %sign3A_382 : i32 to vector<1024x128xi32>
    %sign3A_384 = arith.cmpi sgt, %iota3A, %sign3A_383 : vector<1024x128xi32>
    %sign3A_385 = arith.extui %sign3A_384 : vector<1024x128xi1> to vector<1024x128xi32>
    %sign3A_386 = arith.constant 0 : i32
    %sign3A_387 = vector.broadcast %sign3A_386 : i32 to vector<1024x128xi32>
    %sign3A_388 = arith.cmpi slt, %iota3A, %sign3A_387 : vector<1024x128xi32>
    %sign3A_389 = arith.extui %sign3A_388 : vector<1024x128xi1> to vector<1024x128xi32>
    %sign3A_390 = arith.subi %sign3A_385, %sign3A_389 : vector<1024x128xi32>
    %sign3A_391 = arith.constant 0 : i32
    %sign3A_392 = arith.cmpi sgt, %jit3A_379, %sign3A_391 : i32
    %sign3A_393 = arith.extui %sign3A_392 : i1 to i32
    %sign3A_394 = arith.constant 0 : i32
    %sign3A_395 = arith.cmpi slt, %jit3A_379, %sign3A_394 : i32
    %sign3A_396 = arith.extui %sign3A_395 : i1 to i32
    %sign3A_397 = arith.subi %sign3A_393, %sign3A_396 : i32
    %ne3A_398 = vector.broadcast %sign3A_397 : i32 to vector<1024x128xi32>
    %ne3A_399 = arith.cmpi ne, %sign3A_390, %ne3A_398 : vector<1024x128xi32>
    %rem3A_400 = vector.broadcast %jit3A_379 : i32 to vector<1024x128xi32>
    %rem3A_401 = arith.remsi %iota3A, %rem3A_400 : vector<1024x128xi32>
    %ne3A_402 = arith.constant 0 : i32
    %ne3A_403 = vector.broadcast %ne3A_402 : i32 to vector<1024x128xi32>
    %ne3A_404 = arith.cmpi ne, %rem3A_401, %ne3A_403 : vector<1024x128xi32>
    %and3A_405 = arith.andi %ne3A_399, %ne3A_404 : vector<1024x128xi1>
    %sub3A_406 = arith.constant 1 : i32
    %sub3A_407 = vector.broadcast %sub3A_406 : i32 to vector<1024x128xi32>
    %sub3A_408 = arith.subi %div3A_381, %sub3A_407 : vector<1024x128xi32>
    %select_n3A_409 = arith.select %and3A_405, %sub3A_408, %div3A_381 : vector<1024x128xi1>, vector<1024x128xi32>
    %eq3A_410 = arith.constant 6 : i32
    %eq3A_411 = vector.broadcast %eq3A_410 : i32 to vector<1024x128xi32>
    %eq3A_412 = arith.cmpi eq, %select_n3A_409, %eq3A_411 : vector<1024x128xi32>
    %jit3A_413 = arith.constant 0.000000e+00 : f32
    %broadcast_in_dim3A_414 = vector.broadcast %jit3A_413 : f32 to vector<1024x128xf32>
    %select_n3A_415 = arith.select %eq3A_412, %add3A_15, %broadcast_in_dim3A_414 : vector<1024x128xi1>, vector<1024x128xf32>
    %dot_general3A_416 = arith.constant dense<0.000000e+00> : vector<1024x1024xf32>
    %dot_general3A_417 = tpu.matmul %select_n3A_415, %add3A_25, %dot_general3A_416 {dimension_numbers = #tpu.dot_dimension_numbers<[1], [1], [0], [0], [0, 0, 1, 0], [], []>, transpose_lhs_hint = false} : vector<1024x128xf32>, vector<1024x128xf32>, vector<1024x1024xf32> -> vector<1024x1024xf32>
    %mul3A_418 = arith.constant 2.500000e-01 : f32
    %mul3A_419 = vector.broadcast %mul3A_418 : f32 to vector<1024x1024xf32>
    %mul3A_420 = arith.mulf %dot_general3A_417, %mul3A_419 : vector<1024x1024xf32>
    %reduce_max3A_421 = arith.constant dense<0xFF800000> : vector<1024xf32>
    %reduce_max3A_422 = vector.multi_reduction <maximumf>, %mul3A_420, %reduce_max3A_421 [1] : vector<1024x1024xf32> to vector<1024xf32>
    %broadcast_in_dim3A_423 = vector.shape_cast %reduce_max3A_422 : vector<1024xf32> to vector<1024x1xf32>
    %sub3A_424 = vector.broadcast %broadcast_in_dim3A_423 : vector<1024x1xf32> to vector<1024x1024xf32>
    %sub3A_425 = arith.subf %mul3A_420, %sub3A_424 : vector<1024x1024xf32>
    %exp3A_426 = math.exp %sub3A_425 : vector<1024x1024xf32>
    %reduce_sum3A_427 = arith.constant dense<0.000000e+00> : vector<1024xf32>
    %reduce_sum3A_428 = vector.multi_reduction <add>, %exp3A_426, %reduce_sum3A_427 [1] : vector<1024x1024xf32> to vector<1024xf32>
    %broadcast_in_dim3A_429 = vector.shape_cast %reduce_sum3A_428 : vector<1024xf32> to vector<1024x1xf32>
    %div3A_430 = vector.broadcast %broadcast_in_dim3A_429 : vector<1024x1xf32> to vector<1024x1024xf32>
    %div3A_431 = arith.divf %exp3A_426, %div3A_430 : vector<1024x1024xf32>
    %jit3A_432 = arith.constant 0.000000e+00 : f32
    %broadcast_in_dim3A_433 = vector.broadcast %jit3A_432 : f32 to vector<1024x128xf32>
    %select_n3A_434 = arith.select %eq3A_412, %add3A_35, %broadcast_in_dim3A_433 : vector<1024x128xi1>, vector<1024x128xf32>
    %dot_general3A_435 = arith.constant dense<0.000000e+00> : vector<1024x128xf32>
    %dot_general3A_436 = tpu.matmul %div3A_431, %select_n3A_434, %dot_general3A_435 {dimension_numbers = #tpu.dot_dimension_numbers<[1], [0], [0], [1], [0, 0, 1, 1], [], []>, transpose_lhs_hint = false} : vector<1024x1024xf32>, vector<1024x128xf32>, vector<1024x128xf32> -> vector<1024x128xf32>
    %add3A_437 = arith.addf %add3A_378, %dot_general3A_436 : vector<1024x128xf32>
    %jit3A_438 = arith.constant 16 : i32
    %div3A_439 = vector.broadcast %jit3A_438 : i32 to vector<1024x128xi32>
    %div3A_440 = arith.divsi %iota3A, %div3A_439 : vector<1024x128xi32>
    %sign3A_441 = arith.constant 0 : i32
    %sign3A_442 = vector.broadcast %sign3A_441 : i32 to vector<1024x128xi32>
    %sign3A_443 = arith.cmpi sgt, %iota3A, %sign3A_442 : vector<1024x128xi32>
    %sign3A_444 = arith.extui %sign3A_443 : vector<1024x128xi1> to vector<1024x128xi32>
    %sign3A_445 = arith.constant 0 : i32
    %sign3A_446 = vector.broadcast %sign3A_445 : i32 to vector<1024x128xi32>
    %sign3A_447 = arith.cmpi slt, %iota3A, %sign3A_446 : vector<1024x128xi32>
    %sign3A_448 = arith.extui %sign3A_447 : vector<1024x128xi1> to vector<1024x128xi32>
    %sign3A_449 = arith.subi %sign3A_444, %sign3A_448 : vector<1024x128xi32>
    %sign3A_450 = arith.constant 0 : i32
    %sign3A_451 = arith.cmpi sgt, %jit3A_438, %sign3A_450 : i32
    %sign3A_452 = arith.extui %sign3A_451 : i1 to i32
    %sign3A_453 = arith.constant 0 : i32
    %sign3A_454 = arith.cmpi slt, %jit3A_438, %sign3A_453 : i32
    %sign3A_455 = arith.extui %sign3A_454 : i1 to i32
    %sign3A_456 = arith.subi %sign3A_452, %sign3A_455 : i32
    %ne3A_457 = vector.broadcast %sign3A_456 : i32 to vector<1024x128xi32>
    %ne3A_458 = arith.cmpi ne, %sign3A_449, %ne3A_457 : vector<1024x128xi32>
    %rem3A_459 = vector.broadcast %jit3A_438 : i32 to vector<1024x128xi32>
    %rem3A_460 = arith.remsi %iota3A, %rem3A_459 : vector<1024x128xi32>
    %ne3A_461 = arith.constant 0 : i32
    %ne3A_462 = vector.broadcast %ne3A_461 : i32 to vector<1024x128xi32>
    %ne3A_463 = arith.cmpi ne, %rem3A_460, %ne3A_462 : vector<1024x128xi32>
    %and3A_464 = arith.andi %ne3A_458, %ne3A_463 : vector<1024x128xi1>
    %sub3A_465 = arith.constant 1 : i32
    %sub3A_466 = vector.broadcast %sub3A_465 : i32 to vector<1024x128xi32>
    %sub3A_467 = arith.subi %div3A_440, %sub3A_466 : vector<1024x128xi32>
    %select_n3A_468 = arith.select %and3A_464, %sub3A_467, %div3A_440 : vector<1024x128xi1>, vector<1024x128xi32>
    %eq3A_469 = arith.constant 7 : i32
    %eq3A_470 = vector.broadcast %eq3A_469 : i32 to vector<1024x128xi32>
    %eq3A_471 = arith.cmpi eq, %select_n3A_468, %eq3A_470 : vector<1024x128xi32>
    %jit3A_472 = arith.constant 0.000000e+00 : f32
    %broadcast_in_dim3A_473 = vector.broadcast %jit3A_472 : f32 to vector<1024x128xf32>
    %select_n3A_474 = arith.select %eq3A_471, %add3A_15, %broadcast_in_dim3A_473 : vector<1024x128xi1>, vector<1024x128xf32>
    %dot_general3A_475 = arith.constant dense<0.000000e+00> : vector<1024x1024xf32>
    %dot_general3A_476 = tpu.matmul %select_n3A_474, %add3A_25, %dot_general3A_475 {dimension_numbers = #tpu.dot_dimension_numbers<[1], [1], [0], [0], [0, 0, 1, 0], [], []>, transpose_lhs_hint = false} : vector<1024x128xf32>, vector<1024x128xf32>, vector<1024x1024xf32> -> vector<1024x1024xf32>
    %mul3A_477 = arith.constant 2.500000e-01 : f32
    %mul3A_478 = vector.broadcast %mul3A_477 : f32 to vector<1024x1024xf32>
    %mul3A_479 = arith.mulf %dot_general3A_476, %mul3A_478 : vector<1024x1024xf32>
    %reduce_max3A_480 = arith.constant dense<0xFF800000> : vector<1024xf32>
    %reduce_max3A_481 = vector.multi_reduction <maximumf>, %mul3A_479, %reduce_max3A_480 [1] : vector<1024x1024xf32> to vector<1024xf32>
    %broadcast_in_dim3A_482 = vector.shape_cast %reduce_max3A_481 : vector<1024xf32> to vector<1024x1xf32>
    %sub3A_483 = vector.broadcast %broadcast_in_dim3A_482 : vector<1024x1xf32> to vector<1024x1024xf32>
    %sub3A_484 = arith.subf %mul3A_479, %sub3A_483 : vector<1024x1024xf32>
    %exp3A_485 = math.exp %sub3A_484 : vector<1024x1024xf32>
    %reduce_sum3A_486 = arith.constant dense<0.000000e+00> : vector<1024xf32>
    %reduce_sum3A_487 = vector.multi_reduction <add>, %exp3A_485, %reduce_sum3A_486 [1] : vector<1024x1024xf32> to vector<1024xf32>
    %broadcast_in_dim3A_488 = vector.shape_cast %reduce_sum3A_487 : vector<1024xf32> to vector<1024x1xf32>
    %div3A_489 = vector.broadcast %broadcast_in_dim3A_488 : vector<1024x1xf32> to vector<1024x1024xf32>
    %div3A_490 = arith.divf %exp3A_485, %div3A_489 : vector<1024x1024xf32>
    %jit3A_491 = arith.constant 0.000000e+00 : f32
    %broadcast_in_dim3A_492 = vector.broadcast %jit3A_491 : f32 to vector<1024x128xf32>
    %select_n3A_493 = arith.select %eq3A_471, %add3A_35, %broadcast_in_dim3A_492 : vector<1024x128xi1>, vector<1024x128xf32>
    %dot_general3A_494 = arith.constant dense<0.000000e+00> : vector<1024x128xf32>
    %dot_general3A_495 = tpu.matmul %div3A_490, %select_n3A_493, %dot_general3A_494 {dimension_numbers = #tpu.dot_dimension_numbers<[1], [0], [0], [1], [0, 0, 1, 1], [], []>, transpose_lhs_hint = false} : vector<1024x1024xf32>, vector<1024x128xf32>, vector<1024x128xf32> -> vector<1024x128xf32>
    %add3A_496 = arith.addf %add3A_437, %dot_general3A_495 : vector<1024x128xf32>
    %get3A_497 = arith.constant 0 : index
    %get3A_498 = arith.constant 0 : index
    %get3A_499 = vector.load %arg9[%get3A_497, %get3A_498] : memref<128x128xf32, #tpu.memory_space<vmem>>, vector<128x128xf32>
    %dot_general3A_500 = arith.constant dense<0.000000e+00> : vector<1024x128xf32>
    %dot_general3A_501 = tpu.matmul %add3A_496, %get3A_499, %dot_general3A_500 {dimension_numbers = #tpu.dot_dimension_numbers<[1], [0], [0], [1], [0, 0, 1, 1], [], []>, transpose_lhs_hint = false} : vector<1024x128xf32>, vector<128x128xf32>, vector<1024x128xf32> -> vector<1024x128xf32>
    %get3A_502 = arith.constant 0 : index
    %get3A_503 = vector.load %arg10[%get3A_502] : memref<128xf32, #tpu.memory_space<vmem>>, vector<128xf32>
    %broadcast_in_dim3A_504 = vector.shape_cast %get3A_503 : vector<128xf32> to vector<1x128xf32>
    %add3A_505 = vector.broadcast %broadcast_in_dim3A_504 : vector<1x128xf32> to vector<1024x128xf32>
    %add3A_506 = arith.addf %dot_general3A_501, %add3A_505 : vector<1024x128xf32>
    %mul3A_507 = arith.constant 5.000000e-01 : f32
    %mul3A_508 = vector.broadcast %mul3A_507 : f32 to vector<1024x128xf32>
    %mul3A_509 = arith.mulf %mul3A_508, %add3A_506 : vector<1024x128xf32>
    %sqrt3A = arith.constant 2.000000e+00 : f32
    %sqrt3A_510 = math.sqrt %sqrt3A : f32
    %div3A_511 = vector.broadcast %sqrt3A_510 : f32 to vector<1024x128xf32>
    %div3A_512 = arith.divf %add3A_506, %div3A_511 : vector<1024x128xf32>
    %erf3A = math.erf %div3A_512 : vector<1024x128xf32>
    %add3A_513 = arith.constant 1.000000e+00 : f32
    %add3A_514 = vector.broadcast %add3A_513 : f32 to vector<1024x128xf32>
    %add3A_515 = arith.addf %add3A_514, %erf3A : vector<1024x128xf32>
    %mul3A_516 = arith.mulf %mul3A_509, %add3A_515 : vector<1024x128xf32>
    %get3A_517 = arith.constant 0 : index
    %get3A_518 = vector.load %arg11[%get3A_517] : memref<128xf32, #tpu.memory_space<vmem>>, vector<128xf32>
    %get3A_519 = arith.constant 0 : index
    %get3A_520 = vector.load %arg12[%get3A_519] : memref<128xf32, #tpu.memory_space<vmem>>, vector<128xf32>
    %reduce_sum3A_521 = arith.constant dense<0.000000e+00> : vector<1024xf32>
    %reduce_sum3A_522 = vector.multi_reduction <add>, %mul3A_516, %reduce_sum3A_521 [1] : vector<1024x128xf32> to vector<1024xf32>
    %broadcast_in_dim3A_523 = vector.shape_cast %reduce_sum3A_522 : vector<1024xf32> to vector<1024x1xf32>
    %div3A_524 = arith.constant 1.280000e+02 : f32
    %div3A_525 = vector.broadcast %div3A_524 : f32 to vector<1024x1xf32>
    %div3A_526 = arith.divf %broadcast_in_dim3A_523, %div3A_525 : vector<1024x1xf32>
    %sub3A_527 = vector.broadcast %div3A_526 : vector<1024x1xf32> to vector<1024x128xf32>
    %sub3A_528 = arith.subf %mul3A_516, %sub3A_527 : vector<1024x128xf32>
    %mul3A_529 = arith.mulf %sub3A_528, %sub3A_528 : vector<1024x128xf32>
    %reduce_sum3A_530 = arith.constant dense<0.000000e+00> : vector<1024xf32>
    %reduce_sum3A_531 = vector.multi_reduction <add>, %mul3A_529, %reduce_sum3A_530 [1] : vector<1024x128xf32> to vector<1024xf32>
    %broadcast_in_dim3A_532 = vector.shape_cast %reduce_sum3A_531 : vector<1024xf32> to vector<1024x1xf32>
    %div3A_533 = arith.constant 1.280000e+02 : f32
    %div3A_534 = vector.broadcast %div3A_533 : f32 to vector<1024x1xf32>
    %div3A_535 = arith.divf %broadcast_in_dim3A_532, %div3A_534 : vector<1024x1xf32>
    %add3A_536 = arith.constant 1.000000e-03 : f32
    %add3A_537 = vector.broadcast %add3A_536 : f32 to vector<1024x1xf32>
    %add3A_538 = arith.addf %div3A_535, %add3A_537 : vector<1024x1xf32>
    %rsqrt3A = math.rsqrt %add3A_538 : vector<1024x1xf32>
    %mul3A_539 = vector.broadcast %rsqrt3A : vector<1024x1xf32> to vector<1024x128xf32>
    %mul3A_540 = arith.mulf %sub3A_528, %mul3A_539 : vector<1024x128xf32>
    %broadcast_in_dim3A_541 = vector.shape_cast %get3A_518 : vector<128xf32> to vector<1x128xf32>
    %mul3A_542 = vector.broadcast %broadcast_in_dim3A_541 : vector<1x128xf32> to vector<1024x128xf32>
    %mul3A_543 = arith.mulf %mul3A_540, %mul3A_542 : vector<1024x128xf32>
    %broadcast_in_dim3A_544 = vector.shape_cast %get3A_520 : vector<128xf32> to vector<1x128xf32>
    %add3A_545 = vector.broadcast %broadcast_in_dim3A_544 : vector<1x128xf32> to vector<1024x128xf32>
    %add3A_546 = arith.addf %mul3A_543, %add3A_545 : vector<1024x128xf32>
    %swap3A = arith.constant 0 : index
    %swap3A_547 = arith.constant 0 : index
    %swap3A_548 = arith.constant 0 : index
    %swap3A_549 = vector.load %arg13[%swap3A, %swap3A_547, %swap3A_548] : memref<1x1024x128xf32, #tpu.memory_space<vmem>>, vector<1x1024x128xf32>
    %swap3A_550 = vector.shape_cast %swap3A_549 : vector<1x1024x128xf32> to vector<1024x128xf32>
    %swap3A_551 = vector.shape_cast %add3A_546 : vector<1024x128xf32> to vector<1x1024x128xf32>
    tpu.vector_store %arg13[%swap3A, %swap3A_547, %swap3A_548], %swap3A_551 {strides = array<i32>} : memref<1x1024x128xf32, #tpu.memory_space<vmem>>, vector<1x1024x128xf32>,
    return
  }
  func.func @transform_0(%arg0: i32) -> (i32, i32, i32) {
    %c0_i32 = arith.constant 0 : i32
    %c0_i32_0 = arith.constant 0 : i32
    %c0_i32_1 = arith.constant 0 : i32
    return %arg0, %c0_i32, %c0_i32_0 : i32, i32, i32
  }
  func.func @transform_1(%arg0: i32) -> (i32, i32, i32) {
    %c0_i32 = arith.constant 0 : i32
    %c0_i32_0 = arith.constant 0 : i32
    %c0_i32_1 = arith.constant 0 : i32
    return %arg0, %c0_i32, %c0_i32_0 : i32, i32, i32
  }
  func.func @transform_2(%arg0: i32) -> (i32, i32) {
    %c0_i32 = arith.constant 0 : i32
    %c0_i32_0 = arith.constant 0 : i32
    %c0_i32_1 = arith.constant 0 : i32
    return %c0_i32, %c0_i32_0 : i32, i32
  }
  func.func @transform_3(%arg0: i32) -> i32 {
    %c0_i32 = arith.constant 0 : i32
    %c0_i32_0 = arith.constant 0 : i32
    return %c0_i32 : i32
  }
  func.func @transform_4(%arg0: i32) -> (i32, i32) {
    %c0_i32 = arith.constant 0 : i32
    %c0_i32_0 = arith.constant 0 : i32
    %c0_i32_1 = arith.constant 0 : i32
    return %c0_i32, %c0_i32_0 : i32, i32
  }
  func.func @transform_5(%arg0: i32) -> i32 {
    %c0_i32 = arith.constant 0 : i32
    %c0_i32_0 = arith.constant 0 : i32
    return %c0_i32 : i32
  }
  func.func @transform_6(%arg0: i32) -> (i32, i32) {
    %c0_i32 = arith.constant 0 : i32
    %c0_i32_0 = arith.constant 0 : i32
    %c0_i32_1 = arith.constant 0 : i32
    return %c0_i32, %c0_i32_0 : i32, i32
  }
  func.func @transform_7(%arg0: i32) -> i32 {
    %c0_i32 = arith.constant 0 : i32
    %c0_i32_0 = arith.constant 0 : i32
    return %c0_i32 : i32
  }
  func.func @transform_8(%arg0: i32) -> (i32, i32) {
    %c0_i32 = arith.constant 0 : i32
    %c0_i32_0 = arith.constant 0 : i32
    %c0_i32_1 = arith.constant 0 : i32
    return %c0_i32, %c0_i32_0 : i32, i32
  }
  func.func @transform_9(%arg0: i32) -> i32 {
    %c0_i32 = arith.constant 0 : i32
    %c0_i32_0 = arith.constant 0 : i32
    return %c0_i32 : i32
  }
  func.func @transform_10(%arg0: i32) -> i32 {
    %c0_i32 = arith.constant 0 : i32
    %c0_i32_0 = arith.constant 0 : i32
    return %c0_i32 : i32
  }
  func.func @transform_11(%arg0: i32) -> i32 {
    %c0_i32 = arith.constant 0 : i32
    %c0_i32_0 = arith.constant 0 : i32
    return %c0_i32 : i32
  }
  func.func @transform_12(%arg0: i32) -> (i32, i32, i32) {
    %c0_i32 = arith.constant 0 : i32
    %c0_i32_0 = arith.constant 0 : i32
    %c0_i32_1 = arith.constant 0 : i32
    return %arg0, %c0_i32, %c0_i32_0 : i32, i32, i32
  }
}

</mosaic_0001>

<sc_bundles>
// kernel: sc_gather_sum.3.cloned.1.call-start
scs
__scs_entry_jumppad:
0x0: {  	(pc) =	sbr.rel $0x88, $3  }
0x1: {  	(tag) =	ssettag $0x0;
	lr =	simm.s32 $0x1  }
0x2: {  	[smem:$0x3F8F] =	sst lr;
	_ =	strace $0xD0000000  }
0x3: {  	_ = 	snop  }
0x4: {  	_ = 	snop  }
0x5: {  	_ = 	snop  }
0x6: {  	_ = 	snop  }
0x7: {  	_ = 	snop  }
__scs_overlays_trampoline_lowered:
0x8: {  	[smem:$0x3F9E] =	sst s0  }
0x9: {  	[smem:$0x3F9F] =	sst s1  }
0xa: {  	[smem:$0x3FA0] =	sst s2  }
0xb: {  	[smem:$0x3FA1] =	sst s3  }
0xc: {  	[smem:$0x3FA2] =	sst s4  }
0xd: {  	[smem:$0x3FA3] =	sst s5  }
0xe: {  	[smem:$0x3FA4] =	sst s6  }
0xf: {  	[smem:$0x3FA5] =	sst s7  }
0x10: {  	[smem:$0x3FA6] =	sst s8  }
0x11: {  	[smem:$0x3FA7] =	sst s9;
	s0 =	simm.s32 @!p0 $0x0  }
0x12: {  	s1 =	sld [smem:$0x3F8D];
	s0 =	simm.s32 @p0 $0x1  }
0x13: {  	[smem:$0x3FA8] =	sst s0;
	s0 =	simm.s32 @!p1 $0x0  }
0x14: {  	s2 =	sld [smem:$0x3F8C];
	s0 =	simm.s32 @p1 $0x1  }
0x15: {  	[smem:$0x3FA9] =	sst s0;
	s0 =	simm.s32 @!p2 $0x0  }
0x16: {  	s3 =	sld [smem:$0x3FDB];
	s0 =	simm.s32 @p2 $0x1  }
0x17: {  	s4 =	simm.s32 $0x1BF5;
	[smem:$0x3FAB] =	sst s0  }
0x18: {  	s0 =	sld [smem:$0x3F8E];
	_ =	swait.ge [sflag:s4], $0x0  }
0x19: {  	s7 =	sld [smem:$0x3F8F]  }
0x1a: {  	s8 =	sadd.s32 $0xFFFFE003, lr  }
0x1b: {  	s9 =	sadd.s32 $0xFFFFFEF7, lr;
	s5 =	simm.s32 $0xFFFFFFFF;
	p2 =	slt.u32 s8, $0xFFFFF086  }
0x1c: {  	p1 =	slt.u32 s9, $0xF7A;
	s5 =	simm.s32 @!p2 $0x0  }
0x1d: {  	s5 =	simm.s32 @p1 $0x1;
	p0 =	seq.s32 s7, s2  }
0x1e: {  	s7 =	smul.u32 @!p0 $0xF7A, s2;
	p2 =	seq.s32 @!p0 s5, $0x0  }
0x1f: {  	s9 =	smul.u32 $0xF7A, s1;
	s8 =	simm.s32 @!p0 $0x1BF5;
	p2 =	por !p2, p0  }
0x20: {  	[sflag:s8] =	ssyncset.s32 @!p0 $0xFFFFF086;
	s6 =	sadd.s32 @!p0 s3, s7;
	s7 =	simm.s32 @!p0 $0x108  }
0x21: {  	s3 =	sadd.s32 s3, s9;
	s6 =	sadd.s32 @!p0 $0x88, s6;
	s7 =	simm.s32 @p2 $0x1082  }
0x22: {  	[simem:s7], [sflag:s8] =	dma.local @!p0 [hbm:s6], $0xF7A  }
0x23: {  	s9 =	sor.u32 $0xD0000000, s2;
	s6 =	simm.s32 $0x108;
	_ =	swait.ge @!p0 [sflag:s8], $0x0  }
0x24: {  	s3 =	sadd.s32 $0x88, s3;
	s6 =	simm.s32 @!p1 $0x1082;
	[sflag:s4] =	ssyncset.s32 $0xFFFFF086  }
0x25: {  	[simem:s6], [sflag:s4] =	dma.local [hbm:s3], $0xF7A  }
0x26: {  	[smem:$0x3F8F] =	sst s1;
	(tag) =	ssettag s2;
	_ =	strace s9  }
0x27: {  	s1 =	sld [smem:$0x3F9F]  }
0x28: {  	s2 =	sld [smem:$0x3FA0]  }
0x29: {  	s4 =	sld [smem:$0x3FA2]  }
0x2a: {  	p0 =	seq.s32 s5, $0x0;
	s5 =	sld [smem:$0x3FA3]  }
0x2b: {  	s6 =	sld [smem:$0x3FA4]  }
0x2c: {  	s7 =	sld [smem:$0x3FA5]  }
0x2d: {  	s3 =	simm.s32 $0x108;
	s8 =	sld [smem:$0x3FA6]  }
0x2e: {  	s3 =	simm.s32 @!p0 $0x1082;
	s9 =	sld [smem:$0x3FA7]  }
0x2f: {  	lr =	sadd.s32 s0, s3;
	s0 =	sld [smem:$0x3F9E]  }
0x30: {  	s3 =	sld [smem:$0x3FA1]  }
0x31: {  	[smem:$0x3FAA] =	sst s10  }
0x32: {  	s10 =	sld [smem:$0x3FA8];
	_ =	sdelay $0x3  }
0x33: {  	p0 =	seq.s32 s10, $0x1;
	s10 =	sld [smem:$0x3FAA];
	_ =	sdelay $0x3  }
0x34: {  	[smem:$0x3FAA] =	sst s10  }
0x35: {  	s10 =	sld [smem:$0x3FA9];
	_ =	sdelay $0x3  }
0x36: {  	p1 =	seq.s32 s10, $0x1;
	s10 =	sld [smem:$0x3FAA];
	_ =	sdelay $0x3  }
0x37: {  	[smem:$0x3FAA] =	sst s10  }
0x38: {  	s10 =	sld [smem:$0x3FAB]  }
0x39: {  	_ = 	snop;
	(pc) =	sbr.ind lr, $3  }
0x3a: {  	_ = 	snop  }
0x3b: {  	_ = 	snop  }
0x3c: {  	p2 =	seq.s32 s10, $0x1;
	s10 =	sld [smem:$0x3FAA]  }
0x3d: {  	_ =	shalt  }
0x3e: {  	_ =	shalt  }
0x3f: {  	_ =	shalt  }
0x40: {  	_ =	shalt  }
0x41: {  	_ =	shalt  }
0x42: {  	_ =	shalt  }
0x43: {  	_ =	shalt  }
0x44: {  	_ =	shalt  }
0x45: {  	_ =	shalt  }
0x46: {  	_ =	shalt  }
0x47: {  	_ =	shalt  }
0x48: {  	_ =	shalt  }
0x49: {  	_ =	shalt  }
0x4a: {  	_ =	shalt  }
0x4b: {  	_ =	shalt  }
0x4c: {  	_ =	shalt  }
0x4d: {  	_ =	shalt  }
0x4e: {  	_ =	shalt  }
0x4f: {  	_ =	shalt  }
0x50: {  	_ =	shalt  }
0x51: {  	_ =	shalt  }
0x52: {  	_ =	shalt  }
0x53: {  	_ =	shalt  }
0x54: {  	_ =	shalt  }
0x55: {  	_ =	shalt  }
0x56: {  	_ =	shalt  }
0x57: {  	_ =	shalt  }
0x58: {  	_ =	shalt  }
0x59: {  	_ =	shalt  }
0x5a: {  	_ =	shalt  }
0x5b: {  	_ =	shalt  }
0x5c: {  	_ =	shalt  }
0x5d: {  	_ =	shalt  }
0x5e: {  	_ =	shalt  }
0x5f: {  	_ =	shalt  }
0x60: {  	_ =	shalt  }
0x61: {  	_ =	shalt  }
0x62: {  	_ =	shalt  }
0x63: {  	_ =	shalt  }
0x64: {  	_ =	shalt  }
0x65: {  	_ =	shalt  }
0x66: {  	_ =	shalt  }
0x67: {  	_ =	shalt  }
0x68: {  	_ =	shalt  }
0x69: {  	_ =	shalt  }
0x6a: {  	_ =	shalt  }
0x6b: {  	_ =	shalt  }
0x6c: {  	_ =	shalt  }
0x6d: {  	_ =	shalt  }
0x6e: {  	_ =	shalt  }
0x6f: {  	_ =	shalt  }
0x70: {  	_ =	shalt  }
0x71: {  	_ =	shalt  }
0x72: {  	_ =	shalt  }
0x73: {  	_ =	shalt  }
0x74: {  	_ =	shalt  }
0x75: {  	_ =	shalt  }
0x76: {  	_ =	shalt  }
0x77: {  	_ =	shalt  }
0x78: {  	_ =	shalt  }
0x79: {  	_ =	shalt  }
0x7a: {  	_ =	shalt  }
0x7b: {  	_ =	shalt  }
0x7c: {  	_ =	shalt  }
0x7d: {  	_ =	shalt  }
0x7e: {  	_ =	shalt  }
0x7f: {  	_ =	shalt  }
0x80: {  	_ =	shalt  }
0x81: {  	_ =	shalt  }
0x82: {  	_ =	shalt  }
0x83: {  	_ =	shalt  }
0x84: {  	_ =	shalt  }
0x85: {  	_ =	shalt  }
0x86: {  	_ =	shalt  }
0x87: {  	_ =	shalt  }
.Lfunc_end0:
.L_simem_size_0:
called_computation_lowered:
.L_overlay_start_0:
0x88: {  	s2 =	sld [smem:$0x3FD9]  }
0x89: {  	s3 =	sld [smem:$0x3FFE];
	_ =	sdelay $0x1  }
0x8a: {  	s1 =	srdreg.scid  }
0x8b: {  	s0 =	sand.u32 $0x1, s1  }
0x8c: {  	s14 =	sshll.u32 s0, $0xA;
	s2 =	sadd.s32 s3, s2  }
0x8d: {  	s2 =	sadd.s32 s2, s14  }
0x8e: {  	[smem:$0x3FB6] =	sst s2  }
0x8f: {  	_ = 	snop  }
0x90: {  	s2 =	sld [smem:$0x3FD0];
	_ =	sdelay $0x2  }
0x91: {  	s15 =	simm.s32 $0xA;
	s4 =	simm.s32 $0x10  }
0x92: {  	[smem:s4], [sflag:s15] =	dma.local [hbm:s2], $0x1  }
0x93: {  	_ =	swait.eq [sflag:s15], $0x1  }
0x94: {  	s16 =	sld [smem:$0x10]  }
0x95: {  	s17 =	sld [smem:$0x11];
	[sflag:s15] =	ssyncset.done $0x0  }
0x96: {  	s5 =	sld [smem:$0x12];
	[sflag:s15] =	ssyncadd.s32 $0xFFFFFFFF  }
0x97: {  	s18 =	sld [smem:$0x13];
	(tm) =	ssettm $0x1  }
0x98: {  	s6 =	sld [smem:$0x3FFB];
	_ =	sdelay $0x3  }
0x99: {  	_ =	strace s6  }
0x9a: {  	s6 =	sld [smem:$0x3FFC];
	_ =	sdelay $0x3  }
0x9b: {  	_ =	strace s6  }
0x9c: {  	s6 =	sld [smem:$0x3FFD];
	_ =	sdelay $0x3  }
0x9d: {  	_ =	strace s6  }
0x9e: {  	_ =	strace $0x8FFFFFFF  }
0x9f: {  	s19 =	sld [smem:$0x3FDB];
	_ =	sdelay $0x1  }
0xa0: {  	s7 =	simm.s32 $_scs_section_size  }
0xa1: {  	s8 =	simm.s32 $_size__tile_overlayer_lowered;
	s9 =	simm.s32 $_tile_overlayer_lowered  }
0xa2: {  	s22 =	simm.s32 $0x1BFF;
	s21 =	sshll.u32 s9, $0x1;
	s6 =	sadd.s32 s7, s19  }
0xa3: {  	s10 =	simm.s32 $0x0;
	s20 =	sshll.u32 s8, $0x1;
	s8 =	sadd.s32 s21, s6  }
0xa4: {  	[timem:s10], [sflag:s22] =	dma.local [hbm:s8], s20  }
0xa5: {  	_ =	swait.ge [sflag:s22], s20  }
0xa6: {  	s7 =	ssub.s32 $0x0, s20;
	[sflag:s22] =	ssyncset.done $0x0  }
0xa7: {  	[sflag:s22] =	ssyncadd.s32 s7;
	_ =	sdelay $0x1  }
0xa8: {  	s23 =	simm.s32 $0x1B8B  }
0xa9: {  	_ =	swait.ge [sflag:s23], $0x1  }
0xaa: {  	[sflag:s23] =	ssyncset.done $0x0  }
0xab: {  	s25 =	simm.s32 $0x1B8E;
	s24 =	sld [smem:$0x3FFE];
	[sflag:s23] =	ssyncadd.s32 $0xFFFFFFFF  }
0xac: {  	s26 =	simm.s32 $execute0_lowered;
	[smem:$0x3FD2] =	sst s25  }
0xad: {  	s8 =	sshll.u32 s26, $0x1;
	_ =	strace $0x80000046;
	[dreg:$0x1] =	wrdreg $0xFFFFFFFF  }
0xae: {  	s28 =	simm.s32 $_size_execute0_lowered;
	s6 =	sadd.s32 s6, s8;
	[dreg:$0x0] =	wrdreg $0x0  }
0xaf: {  	s8 =	sshll.u32 s28, $0x1;
	[dreg:$0x2] =	wrdreg s6  }
0xb0: {  	[dreg:$0x3] =	wrdreg s8  }
0xb1: {  	[dreg:$0x4] =	wrdreg $0xC0  }
0xb2: {  	_ =	task [dreg:s10], $0x5FFFF  }
0xb3: {  	[dreg:$0x1] =	wrdreg $0xFFFFFFFF  }
0xb4: {  	[dreg:$0x0] =	wrdreg $0x60  }
0xb5: {  	[dreg:$0x2] =	wrdreg s18  }
0xb6: {  	[dreg:$0x3] =	wrdreg s5  }
0xb7: {  	[dreg:$0x4] =	wrdreg s17  }
0xb8: {  	[dreg:$0x5] =	wrdreg s16  }
0xb9: {  	[dreg:$0x6] =	wrdreg s24  }
0xba: {  	[dreg:$0x7] =	wrdreg $0x9  }
0xbb: {  	_ =	task.clear_ibuf [dreg:s10], $0x8FFFF;
	_ =	strace $0x90000046  }
0xbc: {  	s29 =	simm.s32 $0x9;
	_ =	strace $0x80000048  }
0xbd: {  	_ =	swait.ge [sflag:s29], $0x1  }
0xbe: {  	[sflag:s29] =	ssyncadd.s32 $0xFFFFFFFF  }
0xbf: {  	_ =	strace $0x90000048  }
0xc0: {  	_ =	sfence  }
0xc1: {  	s30 =	sld [smem:$0x0];
	_ =	sdelay $0x2  }
0xc2: {  	s31 =	sshll.u32 s1, $0xD;
	s1 =	sshrl.u32 s1, $0x2  }
0xc3: {  	s3 =	sand.u32 $0x4000, s31;
	s1 =	sadd.s32 s1, s30  }
0xc4: {  	s0 =	sor.u32 s3, s0;
	s1 =	sshll.u32 s1, $0x11  }
0xc5: {  	s0 =	sor.u32 s1, s0  }
0xc6: {  	s0 =	sadd.s32 $0x8F2B, s0  }
0xc7: {  	[sflag:s0] =	ssyncadd.remote.s32 $0x1  }
0xc8: {  	_ =	sfence.sel $0xFFFF  }
0xc9: {  	[dreg:$0x0] =	wrdreg $0xFFFFFFFF;
	(pc) =	sbr.abs _section_cstart, $3  }
0xca: {  	[dreg:$0x1] =	wrdreg $0xFFFFFFFF  }
0xcb: {  	_ =	task.clear_ibuf [dreg:s10], $0x2FFFF;
	_ =	strace $0x9FFFFFFF  }
0xcc: {  	(tm) =	ssettm $0x7FFFFFFF  }
0xcd: {  	_ =	shalt  }
tec
execute0_lowered:
.L_overlay_start_1:
0x0: {  	(tag) =	ssettag $0x1  }
0x1: {  	s1 =	rddreg [dreg:$0x0]  }
0x2: {  	s2 =	rddreg [dreg:$0x1]  }
0x3: {  	s0 =	rddreg [dreg:$0x2]  }
0x4: {  	s3 =	rddreg [dreg:$0x3]  }
0x5: {  	s6 =	rddreg [dreg:$0x4]  }
0x6: {  	s4 =	srdreg.scid;
	s8 =	stileid.u32;
	s16 =	simm.s32 $0x5  }
0x7: {  	s24 =	simm.s32 $0x80;
	s28 =	simm.s32 $0x8000;
	s30 =	simm.s32 $0x10000  }
0x8: {  	s31 =	simm.s32 $0x1;
	s18 =	simm.s32 $0x4;
	s19 =	simm.s32 $0x0  }
0x9: {  	s5 =	sand.u32 $0x1, s4;
	s4 =	simm.s32 $0x0;
	s8 =	sshll.u32 s8, $0xB  }
0xa: {  	s6 =	sadd.s32 $0x4C00, s6;
	s7 =	sshll.u32 s5, $0xF;
	s9 =	ssub.s32 $0x2, s5  }
0xb: {  	[smem:$0x7FF] =	sst s4;
	s5 =	sor.u32 s8, s7;
	s25 =	sshrl.u32 s9, $0x1  }
0xc: {  	_ =	strace $0x80000047;
	s8 =	sshrl.u32 s5, $0x3;
	s7 =	ssub.s32 s9, s25  }
0xd: {  	s25 =	simm.s32 $0x4000;
	s10 =	sor.u32 $0x2000, s8;
	s26 =	sadd.s32 s0, s8  }
.Ltmp0:
0xe: {  	s29 =	sadd.s32 s3, s8;
	s12 =	sor.u32 $0x4000, s8;
	(pc) =	sbr.rel .LBB2_1-.Ltmp0, $4  }
0xf: {  	s8 =	sor.u32 $0x6000, s8;
	s15 =	smax.u32 s7, $0x1;
	[dreg:$0x6] =	wrdreg s26  }
0x10: {  	[dreg:$0x7] =	wrdreg s29;
	s9 =	sadd.s32 s0, s10;
	s10 =	sadd.s32 s3, s10  }
0x11: {  	s11 =	sadd.s32 s0, s12;
	s12 =	sadd.s32 s3, s12;
	s13 =	sadd.s32 s0, s8  }
0x12: {  	s14 =	sadd.s32 s3, s8;
	s0 =	simm.s32 $0x2;
	s3 =	simm.s32 $0x3  }
.LBB2_10:
0x13: {  	s19 =	sadd.s32 $0x1, s19  }
0x14: {  	_ =	swait.ge [sflag:s3], $0x4000;
	p0 =	sne.s32 s19, s15  }
.Ltmp1:
0x15: {  	[sflag:s3] =	ssyncset.done $0x0;
	(pc) =	sbr.rel @!p0 .LBB2_11-.Ltmp1, $4  }
0x16: {  	[sflag:s3] =	ssyncadd.s32 $0xFFFFC000  }
0x17: {  	_ =	swait.ge [sflag:s18], $0x4000  }
0x18: {  	[sflag:s18] =	ssyncset.done $0x0  }
0x19: {  	[sflag:s18] =	ssyncadd.s32 $0xFFFFC000  }
.LBB2_1:
0x1a: {  	s7 =	rddreg [dreg:$0x6]  }
0x1b: {  	[tilespmem:s4], [sflag:$0x5] =	stream.linear.gather [hbm4b:s7+s4], $0x800, $0x38;
	[tilespmem:$0x14000] =	vst v63  }
0x1c: {  	_ =	swait.ge [sflag:s16], $0x800  }
0x1d: {  	[sflag:s16] =	ssyncset.done $0x0  }
0x1e: {  	s8 =	simm.s32 $0x2000;
	s29 =	rddreg [dreg:$0x7];
	[sflag:s16] =	ssyncadd.s32 $0xFFFFF800  }
0x1f: {  	[tilespmem:s8], [sflag:$0x5] =	stream.linear.gather [hbm4b:s29+s4], $0x800, $0x38;
	[tilespmem:$0x14000] =	vst v63  }
0x20: {  	_ =	swait.ge [sflag:s16], $0x800  }
0x21: {  	[sflag:s16] =	ssyncset.done $0x0  }
0x22: {  	s17 =	simm.s32 $0x800;
	[sflag:s16] =	ssyncadd.s32 $0xFFFFF800  }
0x23: {  	[tilespmem:s17], [sflag:$0x5] =	stream.linear.gather [hbm4b:s9+s4], $0x800, $0x38;
	[tilespmem:$0x14000] =	vst v63  }
0x24: {  	_ =	swait.ge [sflag:s16], $0x800  }
0x25: {  	[sflag:s16] =	ssyncset.done $0x0  }
0x26: {  	s20 =	simm.s32 $0x2800;
	[sflag:s16] =	ssyncadd.s32 $0xFFFFF800  }
0x27: {  	[tilespmem:s20], [sflag:$0x5] =	stream.linear.gather [hbm4b:s10+s4], $0x800, $0x38;
	[tilespmem:$0x14000] =	vst v63  }
0x28: {  	_ =	swait.ge [sflag:s16], $0x800  }
0x29: {  	[sflag:s16] =	ssyncset.done $0x0  }
0x2a: {  	s21 =	simm.s32 $0x1000;
	[sflag:s16] =	ssyncadd.s32 $0xFFFFF800  }
0x2b: {  	[tilespmem:s21], [sflag:$0x5] =	stream.linear.gather [hbm4b:s11+s4], $0x800, $0x38;
	[tilespmem:$0x14000] =	vst v63  }
0x2c: {  	_ =	swait.ge [sflag:s16], $0x800  }
0x2d: {  	[sflag:s16] =	ssyncset.done $0x0  }
0x2e: {  	s22 =	simm.s32 $0x3000;
	[sflag:s16] =	ssyncadd.s32 $0xFFFFF800  }
0x2f: {  	[tilespmem:s22], [sflag:$0x5] =	stream.linear.gather [hbm4b:s12+s4], $0x800, $0x38;
	[tilespmem:$0x14000] =	vst v63  }
0x30: {  	_ =	swait.ge [sflag:s16], $0x800  }
0x31: {  	[sflag:s16] =	ssyncset.done $0x0  }
0x32: {  	s23 =	simm.s32 $0x1800;
	[sflag:s16] =	ssyncadd.s32 $0xFFFFF800  }
0x33: {  	[tilespmem:s23], [sflag:$0x5] =	stream.linear.gather [hbm4b:s13+s4], $0x800, $0x38;
	[tilespmem:$0x14000] =	vst v63  }
0x34: {  	_ =	swait.ge [sflag:s16], $0x800  }
0x35: {  	[sflag:s16] =	ssyncset.done $0x0  }
0x36: {  	s26 =	simm.s32 $0x3800;
	[sflag:s16] =	ssyncadd.s32 $0xFFFFF800  }
0x37: {  	[tilespmem:s26], [sflag:$0x5] =	stream.linear.gather [hbm4b:s14+s4], $0x800, $0x38;
	[tilespmem:$0x14000] =	vst v63  }
0x38: {  	_ =	swait.ge [sflag:s16], $0x800  }
0x39: {  	[sflag:s16] =	ssyncset.done $0x0  }
0x3a: {  	s17 =	simm.s32 $0x830;
	[sflag:s16] =	ssyncadd.s32 $0xFFFFF800  }
0x3b: {  	v0 =	vld [tilespmem:s17+$0x0];
	_ =	sdelay $0x2  }
0x3c: {  	s29 =	simm.s32 $0x400  }
0x3d: {  	s7 =	sand.u32 $0xC00, s29;
	v1 =	vld [tilespmem:s17+$0xFFFFFFD0]  }
0x3e: {  	v2 =	vld [tilespmem:s17+$0xFFFFFFE0];
	v0 =	vadd.s32 s7, v0  }
0x3f: {  	s8 =	simm.s32 $0x2830;
	v3 =	vld [tilespmem:s17+$0xFFFFFFF0];
	[tilespmem:s17+$0x0] =	vst v0  }
0x40: {  	s20 =	simm.s32 $0x870;
	v4 =	vld [tilespmem:s8+$0x0]  }
0x41: {  	v5 =	vld [tilespmem:s20+$0x0]  }
0x42: {  	v6 =	vld [tilespmem:s20+$0xFFFFFFD0];
	v0 =	vadd.s32 s7, v1  }
0x43: {  	v7 =	vld [tilespmem:s20+$0xFFFFFFE0];
	[tilespmem:s17+$0xFFFFFFD0] =	vst v0;
	v0 =	vadd.s32 s7, v2  }
0x44: {  	s22 =	simm.s32 $0x420;
	v1 =	vadd.s32 s7, v3;
	[tilespmem:s17+$0xFFFFFFE0] =	vst v0;
	v0 =	vld [tilespmem:s20+$0xFFFFFFF0]  }
0x45: {  	[tilespmem:s17+$0xFFFFFFF0] =	vst v1;
	s17 =	sand.u32 $0xC00, s22;
	v1 =	vld [tilespmem:s8+$0xFFFFFFD0];
	v3 =	vadd.s32 s7, v4  }
0x46: {  	v2 =	vld [tilespmem:s8+$0xFFFFFFE0];
	v4 =	vadd.s32 s17, v5;
	[tilespmem:s8+$0x0] =	vst v3  }
0x47: {  	s21 =	simm.s32 $0x2870;
	v5 =	vadd.s32 s17, v6;
	[tilespmem:s20+$0x0] =	vst v4;
	v3 =	vld [tilespmem:s8+$0xFFFFFFF0]  }
0x48: {  	s23 =	simm.s32 $0x84;
	s26 =	simm.s32 $0x8B0;
	[tilespmem:s20+$0xFFFFFFD0] =	vst v5;
	v5 =	vadd.s32 s17, v7;
	v4 =	vld [tilespmem:s21+$0x0]  }
.LBB2_2:
0x49: {  	v6 =	vld [tilespmem:s26+$0x0];
	s23 =	sadd.s32 $0x4, s23;
	[tilespmem:s20+$0xFFFFFFE0] =	vst v5;
	v0 =	vadd.s32 s17, v0  }
0x4a: {  	v5 =	vld [tilespmem:s26+$0xFFFFFFD0];
	p0 =	slt.u32 s23, $0x1FC;
	[tilespmem:s20+$0xFFFFFFF0] =	vst v0;
	v0 =	vadd.s32 s7, v1;
	s20 =	smov.u32 s26  }
0x4b: {  	v7 =	vld [tilespmem:s26+$0xFFFFFFE0];
	[tilespmem:s8+$0xFFFFFFD0] =	vst v0;
	v1 =	vadd.s32 s7, v2  }
.Ltmp2:
0x4c: {  	s22 =	sadd.s32 $0x20, s22;
	v0 =	vld [tilespmem:s26+$0xFFFFFFF0];
	[tilespmem:s8+$0xFFFFFFE0] =	vst v1;
	v2 =	vadd.s32 s7, v3;
	s7 =	smov.u32 s17;
	(pc) =	sbr.rel @p0 .LBB2_2-.Ltmp2, $4  }
0x4d: {  	s17 =	sand.u32 $0xC00, s22;
	v1 =	vld [tilespmem:s21+$0xFFFFFFD0];
	v3 =	vadd.s32 s7, v4;
	[tilespmem:s8+$0xFFFFFFF0] =	vst v2;
	s8 =	smov.u32 s21  }
0x4e: {  	v4 =	vadd.s32 s17, v6;
	v2 =	vld [tilespmem:s21+$0xFFFFFFE0];
	[tilespmem:s21+$0x0] =	vst v3  }
0x4f: {  	s21 =	sadd.s32 $0x40, s21;
	v5 =	vadd.s32 s17, v5;
	[tilespmem:s26+$0x0] =	vst v4;
	v3 =	vld [tilespmem:s8+$0xFFFFFFF0]  }
0x50: {  	s26 =	sadd.s32 $0x40, s26;
	[tilespmem:s20+$0xFFFFFFD0] =	vst v5;
	v5 =	vadd.s32 s17, v7;
	v4 =	vld [tilespmem:s21+$0x0]  }
0x51: {  	[tilespmem:s20+$0xFFFFFFE0] =	vst v5;
	v0 =	vadd.s32 s17, v0;
	v54 =	vld [tilespmem:s21+$0xFFFFFFD0]  }
0x52: {  	[tilespmem:s20+$0xFFFFFFF0] =	vst v0;
	v55 =	vadd.s32 s7, v1;
	v56 =	vld [tilespmem:s21+$0xFFFFFFE0]  }
0x53: {  	[tilespmem:s8+$0xFFFFFFD0] =	vst v55;
	v57 =	vadd.s32 s7, v2;
	v58 =	vld [tilespmem:s21+$0xFFFFFFF0]  }
0x54: {  	[tilespmem:s8+$0xFFFFFFE0] =	vst v57;
	v59 =	vadd.s32 s7, v3  }
0x55: {  	v60 =	vadd.s32 s17, v4;
	[tilespmem:s8+$0xFFFFFFF0] =	vst v59  }
0x56: {  	[tilespmem:s21+$0x0] =	vst v60;
	v61 =	vadd.s32 s17, v54  }
0x57: {  	[tilespmem:s21+$0xFFFFFFD0] =	vst v61;
	v62 =	vadd.s32 s17, v56  }
0x58: {  	[tilespmem:s21+$0xFFFFFFE0] =	vst v62;
	v63 =	vadd.s32 s17, v58  }
0x59: {  	s20 =	simm.s32 $0x0;
	[tilespmem:s21+$0xFFFFFFF0] =	vst v63  }
0x5a: {  	[tilespmem:s25], [sflag:$0x1] =	stream.indirect.gather [hbm4b:s1+s24], $0x80, s20, s24, $0xb8;
	[tilespmem:$0x14000] =	vst v63  }
0x5b: {  	s23 =	simm.s32 $0x2000;
	s26 =	simm.s32 $0xC000  }
0x5c: {  	[tilespmem:s26], [sflag:$0x1] =	stream.indirect.gather [hbm4b:s2+s24], $0x80, s23, s24, $0xb8;
	[tilespmem:$0x14000] =	vst v63  }
0x5d: {  	_ = 	snop  }
0x5e: {  	[tilespmem:s28], [sflag:$0x2] =	stream.indirect.gather [hbm4b:s1+s24], $0x80, s24, s24, $0xb8;
	[tilespmem:$0x14000] =	vst v63  }
0x5f: {  	s29 =	simm.s32 $0x2080  }
0x60: {  	[tilespmem:s30], [sflag:$0x2] =	stream.indirect.gather [hbm4b:s2+s24], $0x80, s29, s24, $0xb8;
	[tilespmem:$0x14000] =	vst v63  }
.LBB2_4:
0x61: {  	_ =	swait.ge [sflag:s31], $0x4000  }
0x62: {  	[sflag:s31] =	ssyncset.done $0x0  }
0x63: {  	[sflag:s31] =	ssyncadd.s32 $0xFFFFC000  }
0x64: {  	_ =	swait.ge [sflag:s31], $0x4000  }
0x65: {  	[sflag:s31] =	ssyncset.done $0x0  }
0x66: {  	s21 =	simm.s32 $0x4080;
	[sflag:s31] =	ssyncadd.s32 $0xFFFFC000  }
0x67: {  	s7 =	simm.s32 $0xC080;
	v0 =	vld [tilespmem:s21+$0x0]  }
0x68: {  	v1 =	vld [tilespmem:s7+$0x0];
	_ =	sdelay $0x3  }
0x69: {  	v2 =	vld [tilespmem:s21+$0xFFFFFF80]  }
0x6a: {  	v0 =	vadd.f32 v1, v0;
	v1 =	vld [tilespmem:s7+$0xFFFFFF80];
	_ =	sdelay $0x1  }
0x6b: {  	[tilespmem:s21+$0x0] =	vst v0;
	v0 =	vld [tilespmem:s21+$0x10]  }
0x6c: {  	v3 =	vld [tilespmem:s7+$0x10];
	_ =	sdelay $0x1  }
0x6d: {  	v1 =	vadd.f32 v1, v2;
	_ =	sdelay $0x1  }
0x6e: {  	v4 =	vld [tilespmem:s21+$0xFFFFFF90];
	[tilespmem:s21+$0xFFFFFF80] =	vst v1  }
0x6f: {  	v0 =	vadd.f32 v3, v0;
	v1 =	vld [tilespmem:s7+$0xFFFFFF90];
	_ =	sdelay $0x1  }
0x70: {  	[tilespmem:s21+$0x10] =	vst v0;
	v0 =	vld [tilespmem:s21+$0x20]  }
0x71: {  	v3 =	vld [tilespmem:s7+$0x20]  }
0x72: {  	v5 =	vld [tilespmem:s21+$0xFFFFFFB0]  }
0x73: {  	s22 =	simm.s32 $0x4180;
	v6 =	vld [tilespmem:s21+$0xFFFFFFD0];
	v1 =	vadd.f32 v1, v4  }
0x74: {  	v7 =	vld [tilespmem:s22+$0x0]  }
0x75: {  	v2 =	vld [tilespmem:s21+$0xFFFFFFA0];
	[tilespmem:s21+$0xFFFFFF90] =	vst v1  }
0x76: {  	v0 =	vadd.f32 v3, v0;
	v1 =	vld [tilespmem:s7+$0xFFFFFFA0]  }
0x77: {  	v8 =	vld [tilespmem:s21+$0xFFFFFFE0]  }
0x78: {  	[tilespmem:s21+$0x20] =	vst v0;
	v0 =	vld [tilespmem:s21+$0x30]  }
0x79: {  	s23 =	simm.s32 $0xC180;
	v3 =	vld [tilespmem:s7+$0x30]  }
0x7a: {  	v10 =	vld [tilespmem:s23+$0xFFFFFF80]  }
0x7b: {  	v1 =	vadd.f32 v1, v2;
	v2 =	vld [tilespmem:s23+$0x0]  }
0x7c: {  	v12 =	vld [tilespmem:s22+$0xFFFFFF90]  }
0x7d: {  	s29 =	simm.s32 $0xC280;
	v13 =	vld [tilespmem:s22+$0xFFFFFFD0]  }
0x7e: {  	v15 =	vld [tilespmem:s29+$0xFFFFFF80];
	v0 =	vadd.f32 v3, v0  }
0x7f: {  	[tilespmem:s21+$0xFFFFFFA0] =	vst v1;
	v1 =	vld [tilespmem:s21+$0x40]  }
0x80: {  	[tilespmem:s21+$0x30] =	vst v0;
	v2 =	vadd.f32 v2, v7;
	v7 =	vld [tilespmem:s22+$0xFFFFFF80]  }
0x81: {  	s26 =	simm.s32 $0x4280;
	v9 =	vld [tilespmem:s7+$0x40]  }
0x82: {  	v16 =	vld [tilespmem:s26+$0xFFFFFF80]  }
0x83: {  	v3 =	vld [tilespmem:s7+$0xFFFFFFB0]  }
0x84: {  	v17 =	vld [tilespmem:s22+$0x50]  }
0x85: {  	[tilespmem:s22+$0x0] =	vst v2;
	v2 =	vld [tilespmem:s22+$0x10];
	v7 =	vadd.f32 v10, v7  }
0x86: {  	v11 =	vld [tilespmem:s23+$0x10];
	v1 =	vadd.f32 v9, v1  }
0x87: {  	v9 =	vld [tilespmem:s21+$0x50];
	[tilespmem:s22+$0xFFFFFF80] =	vst v7  }
0x88: {  	[tilespmem:s21+$0x40] =	vst v1;
	v1 =	vadd.f32 v3, v5;
	v5 =	vld [tilespmem:s23+$0xFFFFFF90]  }
0x89: {  	v3 =	vld [tilespmem:s7+$0x50]  }
0x8a: {  	v60 =	vld [tilespmem:s26+$0xFFFFFFA0]  }
0x8b: {  	v4 =	vld [tilespmem:s21+$0xFFFFFFC0];
	v2 =	vadd.f32 v11, v2;
	[tilespmem:s21+$0xFFFFFFB0] =	vst v1  }
0x8c: {  	v1 =	vld [tilespmem:s7+$0xFFFFFFC0]  }
0x8d: {  	[tilespmem:s22+$0x10] =	vst v2;
	v2 =	vld [tilespmem:s22+$0x20]  }
0x8e: {  	v5 =	vadd.f32 v5, v12;
	v3 =	vadd.f32 v3, v9;
	v9 =	vld [tilespmem:s23+$0x20]  }
0x8f: {  	v18 =	vld [tilespmem:s22+$0x60];
	v15 =	vadd.f32 v15, v16  }
0x90: {  	v10 =	vld [tilespmem:s22+$0xFFFFFFA0];
	[tilespmem:s22+$0xFFFFFF90] =	vst v5  }
0x91: {  	[tilespmem:s26+$0xFFFFFF80] =	vst v15;
	v1 =	vadd.f32 v1, v4;
	v4 =	vld [tilespmem:s23+$0xFFFFFFA0]  }
0x92: {  	v15 =	vld [tilespmem:s29+$0xFFFFFF90]  }
0x93: {  	v0 =	vld [tilespmem:s21+$0xFFFFFFF0];
	[tilespmem:s21+$0xFFFFFFC0] =	vst v1;
	v1 =	vadd.f32 v9, v2  }
0x94: {  	v7 =	vld [tilespmem:s22+$0xFFFFFFB0]  }
0x95: {  	v5 =	vld [tilespmem:s22+$0x30];
	[tilespmem:s22+$0x20] =	vst v1  }
0x96: {  	v4 =	vadd.f32 v4, v10;
	v10 =	vld [tilespmem:s23+$0x30]  }
0x97: {  	v2 =	vld [tilespmem:s7+$0xFFFFFFD0]  }
0x98: {  	v11 =	vld [tilespmem:s21+$0x60]  }
0x99: {  	v12 =	vld [tilespmem:s22+$0xFFFFFFC0];
	[tilespmem:s21+$0x50] =	vst v3  }
0x9a: {  	v3 =	vld [tilespmem:s7+$0x60]  }
0x9b: {  	[tilespmem:s22+$0xFFFFFFA0] =	vst v4;
	v4 =	vld [tilespmem:s26+$0x0];
	v5 =	vadd.f32 v10, v5  }
0x9c: {  	v2 =	vadd.f32 v2, v6;
	v6 =	vld [tilespmem:s29+$0x0]  }
0x9d: {  	v10 =	vld [tilespmem:s22+$0x40];
	[tilespmem:s22+$0x30] =	vst v5  }
0x9e: {  	v5 =	vld [tilespmem:s23+$0x40]  }
0x9f: {  	v9 =	vld [tilespmem:s21+$0x70];
	v3 =	vadd.f32 v3, v11  }
0xa0: {  	v1 =	vld [tilespmem:s22+$0xFFFFFFE0]  }
0xa1: {  	[tilespmem:s21+$0x60] =	vst v3;
	v3 =	vld [tilespmem:s23+$0xFFFFFFB0];
	v4 =	vadd.f32 v6, v4  }
0xa2: {  	v6 =	vld [tilespmem:s26+$0xFFFFFF90]  }
0xa3: {  	[tilespmem:s26+$0x0] =	vst v4;
	v4 =	vld [tilespmem:s26+$0x10];
	v5 =	vadd.f32 v5, v10  }
0xa4: {  	v10 =	vld [tilespmem:s29+$0x10]  }
0xa5: {  	v11 =	vld [tilespmem:s7+$0x70];
	[tilespmem:s22+$0x40] =	vst v5  }
0xa6: {  	v3 =	vadd.f32 v3, v7;
	v7 =	vld [tilespmem:s23+$0x50]  }
0xa7: {  	[tilespmem:s21+$0xFFFFFFD0] =	vst v2;
	v2 =	vld [tilespmem:s22+$0xFFFFFFF0]  }
0xa8: {  	v14 =	vld [tilespmem:s7+$0xFFFFFFE0];
	[tilespmem:s22+$0xFFFFFFB0] =	vst v3;
	v6 =	vadd.f32 v15, v6  }
0xa9: {  	v3 =	vadd.f32 v10, v4;
	v10 =	vld [tilespmem:s23+$0xFFFFFFC0]  }
0xaa: {  	[tilespmem:s26+$0xFFFFFF90] =	vst v6;
	v6 =	vld [tilespmem:s26+$0xFFFFFFE0]  }
0xab: {  	v5 =	vld [tilespmem:s26+$0xFFFFFFB0];
	[tilespmem:s26+$0x10] =	vst v3;
	v3 =	vadd.f32 v7, v17  }
0xac: {  	v7 =	vld [tilespmem:s26+$0x20]  }
0xad: {  	v15 =	vld [tilespmem:s29+$0x20];
	[tilespmem:s22+$0x50] =	vst v3  }
0xae: {  	v10 =	vadd.f32 v10, v12;
	v12 =	vld [tilespmem:s23+$0x60]  }
0xaf: {  	v61 =	vld [tilespmem:s29+$0xFFFFFFA0]  }
0xb0: {  	v4 =	vld [tilespmem:s26+$0xFFFFFFC0];
	[tilespmem:s22+$0xFFFFFFC0] =	vst v10  }
0xb1: {  	v10 =	vld [tilespmem:s23+$0xFFFFFFD0]  }
0xb2: {  	v3 =	vld [tilespmem:s26+$0xFFFFFFD0];
	v7 =	vadd.f32 v15, v7  }
0xb3: {  	v15 =	vld [tilespmem:s22+$0x70];
	v12 =	vadd.f32 v12, v18  }
0xb4: {  	[tilespmem:s26+$0x20] =	vst v7;
	v7 =	vadd.f32 v14, v8;
	v14 =	vld [tilespmem:s26+$0x30]  }
0xb5: {  	v8 =	vadd.f32 v61, v60;
	v62 =	vld [tilespmem:s29+$0x30];
	[tilespmem:s22+$0x60] =	vst v12  }
0xb6: {  	[tilespmem:s21+$0xFFFFFFE0] =	vst v7;
	v7 =	vadd.f32 v10, v13;
	v63 =	vld [tilespmem:s23+$0x70]  }
0xb7: {  	[tilespmem:s26+$0xFFFFFFA0] =	vst v8;
	v8 =	vld [tilespmem:s7+$0xFFFFFFF0]  }
0xb8: {  	v12 =	vld [tilespmem:s29+$0xFFFFFFB0];
	[tilespmem:s22+$0xFFFFFFD0] =	vst v7  }
0xb9: {  	v10 =	vadd.f32 v11, v9;
	v9 =	vld [tilespmem:s23+$0xFFFFFFE0]  }
0xba: {  	v7 =	vld [tilespmem:s26+$0xFFFFFFF0];
	v13 =	vadd.f32 v62, v14  }
0xbb: {  	s17 =	simm.s32 $0x4;
	s8 =	simm.s32 $0x4380;
	s7 =	simm.s32 $0xC280;
	[tilespmem:s21+$0x70] =	vst v10;
	v10 =	vld [tilespmem:s26+$0x40];
	v11 =	vadd.f32 v63, v15  }
.LBB2_5:
0xbc: {  	v14 =	vld [tilespmem:s8+$0x0];
	[tilespmem:s26+$0x30] =	vst v13;
	s29 =	sadd.s32 $0x100, s29;
	v8 =	vadd.f32 v8, v0;
	v0 =	vmov v2  }
0xbd: {  	v13 =	vld [tilespmem:s29+$0x0];
	v12 =	vadd.f32 v12, v5;
	[tilespmem:s22+$0x70] =	vst v11  }
0xbe: {  	s17 =	sadd.s32 $0x2, s17;
	v5 =	vld [tilespmem:s7+$0x40];
	v9 =	vadd.f32 v9, v1;
	[tilespmem:s21+$0xFFFFFFF0] =	vst v8;
	v1 =	vmov v6;
	s21 =	smov.u32 s22;
	s22 =	smov.u32 s26  }
0xbf: {  	p0 =	slt.u32 s17, $0x7E;
	s26 =	smov.u32 s8;
	v6 =	vld [tilespmem:s29+$0xFFFFFF80];
	[tilespmem:s22+$0xFFFFFFB0] =	vst v12;
	v2 =	vmov v7  }
0xc0: {  	v7 =	vld [tilespmem:s8+$0xFFFFFF80];
	[tilespmem:s21+$0xFFFFFFE0] =	vst v9  }
0xc1: {  	v8 =	vld [tilespmem:s8+$0xFFFFFF90]  }
0xc2: {  	v9 =	vld [tilespmem:s8+$0xFFFFFFA0];
	v11 =	vadd.f32 v13, v14  }
0xc3: {  	v5 =	vadd.f32 v5, v10;
	v10 =	vld [tilespmem:s22+$0x50]  }
0xc4: {  	[tilespmem:s8+$0x0] =	vst v11;
	v11 =	vld [tilespmem:s8+$0x10]  }
0xc5: {  	v6 =	vadd.f32 v6, v7;
	v7 =	vld [tilespmem:s29+$0x10];
	[tilespmem:s22+$0x40] =	vst v5  }
0xc6: {  	v12 =	vld [tilespmem:s7+$0x50]  }
0xc7: {  	[tilespmem:s8+$0xFFFFFF80] =	vst v6;
	v5 =	vld [tilespmem:s8+$0xFFFFFFB0]  }
0xc8: {  	v6 =	vld [tilespmem:s29+$0xFFFFFF90]  }
0xc9: {  	v13 =	vld [tilespmem:s7+$0xFFFFFFC0]  }
0xca: {  	v14 =	vld [tilespmem:s8+$0xFFFFFFC0];
	v7 =	vadd.f32 v7, v11  }
0xcb: {  	v10 =	vadd.f32 v12, v10;
	v11 =	vld [tilespmem:s22+$0x60]  }
0xcc: {  	[tilespmem:s8+$0x10] =	vst v7;
	v7 =	vld [tilespmem:s8+$0x20]  }
0xcd: {  	v6 =	vadd.f32 v6, v8;
	v8 =	vld [tilespmem:s29+$0x20];
	[tilespmem:s22+$0x50] =	vst v10  }
0xce: {  	v10 =	vadd.f32 v13, v4;
	v12 =	vld [tilespmem:s7+$0x60]  }
0xcf: {  	[tilespmem:s8+$0xFFFFFF90] =	vst v6;
	v13 =	vld [tilespmem:s8+$0xFFFFFFD0];
	v4 =	vmov v14  }
0xd0: {  	v14 =	vld [tilespmem:s29+$0xFFFFFFA0];
	[tilespmem:s22+$0xFFFFFFC0] =	vst v10  }
0xd1: {  	v10 =	vld [tilespmem:s7+$0xFFFFFFD0]  }
0xd2: {  	v6 =	vld [tilespmem:s8+$0xFFFFFFE0];
	v7 =	vadd.f32 v8, v7  }
0xd3: {  	v8 =	vadd.f32 v12, v11;
	v11 =	vld [tilespmem:s22+$0x70]  }
0xd4: {  	[tilespmem:s8+$0x20] =	vst v7;
	v15 =	vld [tilespmem:s8+$0x30]  }
0xd5: {  	v7 =	vadd.f32 v14, v9;
	v14 =	vld [tilespmem:s29+$0x30];
	[tilespmem:s22+$0x60] =	vst v8  }
0xd6: {  	v9 =	vadd.f32 v10, v3;
	v16 =	vld [tilespmem:s7+$0x70];
	v3 =	vmov v13  }
.Ltmp3:
0xd7: {  	[tilespmem:s8+$0xFFFFFFA0] =	vst v7;
	v8 =	vld [tilespmem:s23+$0xFFFFFFF0];
	s23 =	smov.u32 s7;
	s7 =	smov.u32 s29;
	(pc) =	sbr.rel @p0 .LBB2_5-.Ltmp3, $4  }
0xd8: {  	v12 =	vld [tilespmem:s29+$0xFFFFFFB0];
	[tilespmem:s22+$0xFFFFFFD0] =	vst v9  }
0xd9: {  	v9 =	vld [tilespmem:s23+$0xFFFFFFE0]  }
0xda: {  	v7 =	vld [tilespmem:s8+$0xFFFFFFF0];
	v13 =	vadd.f32 v14, v15  }
0xdb: {  	s8 =	sadd.s32 $0x100, s8;
	v10 =	vld [tilespmem:s26+$0x40];
	v11 =	vadd.f32 v16, v11  }
0xdc: {  	_ = 	snop  }
0xdd: {  	[tilespmem:s26+$0x30] =	vst v13;
	v5 =	vadd.f32 v12, v5  }
0xde: {  	v53 =	vld [tilespmem:s7+$0x40]  }
0xdf: {  	[tilespmem:s26+$0xFFFFFFB0] =	vst v5  }
0xe0: {  	v5 =	vld [tilespmem:s7+$0xFFFFFFC0];
	_ =	sdelay $0x2  }
0xe1: {  	v10 =	vadd.f32 v53, v10;
	_ =	sdelay $0x1  }
0xe2: {  	v54 =	vld [tilespmem:s26+$0x50];
	[tilespmem:s26+$0x40] =	vst v10;
	v4 =	vadd.f32 v5, v4  }
0xe3: {  	v5 =	vld [tilespmem:s7+$0x50]  }
0xe4: {  	[tilespmem:s26+$0xFFFFFFC0] =	vst v4  }
0xe5: {  	v4 =	vld [tilespmem:s7+$0xFFFFFFD0];
	_ =	sdelay $0x2  }
0xe6: {  	v5 =	vadd.f32 v5, v54;
	_ =	sdelay $0x1  }
0xe7: {  	v55 =	vld [tilespmem:s26+$0x60];
	[tilespmem:s26+$0x50] =	vst v5;
	v3 =	vadd.f32 v4, v3  }
0xe8: {  	v4 =	vld [tilespmem:s7+$0x60]  }
0xe9: {  	[tilespmem:s26+$0xFFFFFFD0] =	vst v3  }
0xea: {  	v3 =	vld [tilespmem:s7+$0xFFFFFFE0];
	_ =	sdelay $0x2  }
0xeb: {  	v4 =	vadd.f32 v4, v55  }
0xec: {  	v1 =	vadd.f32 v9, v1  }
0xed: {  	v5 =	vld [tilespmem:s26+$0x70];
	[tilespmem:s26+$0x60] =	vst v4;
	v3 =	vadd.f32 v3, v6  }
0xee: {  	[tilespmem:s22+$0xFFFFFFE0] =	vst v1;
	v1 =	vld [tilespmem:s7+$0x70]  }
0xef: {  	v4 =	vld [tilespmem:s23+$0xFFFFFFF0];
	[tilespmem:s26+$0xFFFFFFE0] =	vst v3  }
0xf0: {  	v3 =	vld [tilespmem:s7+$0xFFFFFFF0];
	_ =	sdelay $0x1  }
0xf1: {  	v0 =	vadd.f32 v8, v0;
	s17 =	sshrl.u32 s20, $0x3  }
0xf2: {  	[tilespmem:s22+$0x70] =	vst v11;
	s8 =	sshll.u32 s17, $0x10;
	s23 =	sshll.u32 s20, $0x8;
	s7 =	sshll.u32 s17, $0xB;
	v1 =	vadd.f32 v1, v5  }
0xf3: {  	[tilespmem:s21+$0xFFFFFFF0] =	vst v0;
	s21 =	sor.u32 s5, s8;
	v0 =	vadd.f32 v4, v2;
	s29 =	ssub.s32 s23, s7  }
0xf4: {  	s8 =	sadd.s32 s21, s29;
	[tilespmem:s26+$0x70] =	vst v1;
	v1 =	vadd.f32 v3, v7  }
0xf5: {  	[tilespmem:s22+$0xFFFFFFF0] =	vst v0;
	s8 =	sshll.u32 s8, $0x4  }
0xf6: {  	p0 =	seq.s32 s20, $0x1F;
	s8 =	sadd.s32 s6, s8;
	[tilespmem:s26+$0xFFFFFFF0] =	vst v1  }
0xf7: {  	[hbm4b:s8+s4] =	stream.linear.scatter [tilespmem:s25], [sflag:$0x3], $0x4000, $0x38;
	[tilespmem:$0x14000] =	vst v63  }
0xf8: {  	s8 =	simm.s32 @!p0 $0x3  }
0xf9: {  	_ =	swait.ge @!p0 [sflag:s8], $0x4000  }
0xfa: {  	s17 =	simm.s32 @!p0 $0x80;
	[sflag:s8] =	ssyncset.done @!p0 $0x0  }
0xfb: {  	s22 =	simm.s32 @!p0 $0x4000;
	[sflag:s8] =	ssyncadd.s32 @!p0 $0xFFFFC000;
	s8 =	sadd.s32 @!p0 $0x100, s23  }
0xfc: {  	[tilespmem:s22], [sflag:$0x1] =	stream.indirect.gather @!p0 [hbm4b:s1+s17], $0x80, s8, s17, $0xb8;
	[tilespmem:$0x14000] =	vst v63  }
0xfd: {  	s8 =	sadd.s32 @!p0 $0x2100, s23;
	s22 =	simm.s32 @!p0 $0xC000  }
0xfe: {  	[tilespmem:s22], [sflag:$0x1] =	stream.indirect.gather @!p0 [hbm4b:s2+s17], $0x80, s8, s17, $0xb8;
	[tilespmem:$0x14000] =	vst v63  }
0xff: {  	_ =	swait.ge [sflag:s0], $0x4000  }
0x100: {  	[sflag:s0] =	ssyncset.done $0x0  }
0x101: {  	[sflag:s0] =	ssyncadd.s32 $0xFFFFC000  }
0x102: {  	_ =	swait.ge [sflag:s0], $0x4000  }
0x103: {  	[sflag:s0] =	ssyncset.done $0x0  }
0x104: {  	s22 =	simm.s32 $0x0;
	[sflag:s0] =	ssyncadd.s32 $0xFFFFC000  }
0x105: {  	v0 =	vld [tilespmem:s22+$0x8000]  }
0x106: {  	v1 =	vld [tilespmem:s22+$0x10000]  }
0x107: {  	v2 =	vld [tilespmem:s22+$0x8010]  }
0x108: {  	v3 =	vld [tilespmem:s22+$0x10010]  }
0x109: {  	v4 =	vld [tilespmem:s22+$0x8020]  }
0x10a: {  	v5 =	vld [tilespmem:s22+$0x10020]  }
0x10b: {  	v6 =	vld [tilespmem:s22+$0x10030]  }
0x10c: {  	v7 =	vld [tilespmem:s22+$0x80F0]  }
0x10d: {  	v56 =	vld [tilespmem:s22+$0x100F0]  }
0x10e: {  	v57 =	vld [tilespmem:s22+$0x10080]  }
0x10f: {  	v58 =	vld [tilespmem:s22+$0x8090]  }
0x110: {  	v59 =	vld [tilespmem:s22+$0x10090]  }
0x111: {  	v60 =	vld [tilespmem:s22+$0x80A0];
	v0 =	vadd.f32 v1, v0  }
0x112: {  	v1 =	vld [tilespmem:s22+$0x8030]  }
0x113: {  	v61 =	vld [tilespmem:s22+$0x100A0];
	[tilespmem:s22+$0x8000] =	vst v0;
	v0 =	vadd.f32 v3, v2  }
0x114: {  	v2 =	vld [tilespmem:s22+$0x8040]  }
0x115: {  	v3 =	vld [tilespmem:s22+$0x10040];
	[tilespmem:s22+$0x8010] =	vst v0;
	v0 =	vadd.f32 v5, v4  }
0x116: {  	v4 =	vld [tilespmem:s22+$0x8050]  }
0x117: {  	v5 =	vld [tilespmem:s22+$0x10050];
	[tilespmem:s22+$0x8020] =	vst v0;
	v0 =	vadd.f32 v6, v1  }
0x118: {  	v1 =	vld [tilespmem:s22+$0x8060]  }
0x119: {  	[tilespmem:s22+$0x8030] =	vst v0;
	v0 =	vld [tilespmem:s22+$0x8080]  }
0x11a: {  	v6 =	vadd.f32 v56, v7;
	v7 =	vld [tilespmem:s22+$0x10060]  }
0x11b: {  	v9 =	vadd.f32 v59, v58;
	v2 =	vadd.f32 v3, v2;
	v3 =	vld [tilespmem:s22+$0x10070]  }
0x11c: {  	[tilespmem:s22+$0x80F0] =	vst v6;
	v6 =	vld [tilespmem:s22+$0x8070]  }
0x11d: {  	v62 =	vld [tilespmem:s22+$0x80B0];
	[tilespmem:s22+$0x8090] =	vst v9;
	v4 =	vadd.f32 v5, v4  }
0x11e: {  	v63 =	vld [tilespmem:s22+$0x100B0];
	[tilespmem:s22+$0x8040] =	vst v2;
	v0 =	vadd.f32 v57, v0  }
0x11f: {  	v2 =	vld [tilespmem:s22+$0x100C0];
	v5 =	vadd.f32 v7, v1;
	[tilespmem:s22+$0x8050] =	vst v4  }
0x120: {  	v4 =	vadd.f32 v61, v60;
	[tilespmem:s22+$0x8080] =	vst v0;
	v0 =	vld [tilespmem:s22+$0x80C0]  }
0x121: {  	v1 =	vld [tilespmem:s22+$0x80D0];
	[tilespmem:s22+$0x8060] =	vst v5;
	v5 =	vadd.f32 v3, v6  }
0x122: {  	v3 =	vld [tilespmem:s22+$0x100D0];
	[tilespmem:s22+$0x80A0] =	vst v4  }
0x123: {  	s7 =	ssub.s32 $0x0, s7;
	s8 =	simm.s32 $0x0;
	s17 =	simm.s32 $0x400;
	v4 =	vld [tilespmem:s22+$0x80E0];
	[tilespmem:s22+$0x8070] =	vst v5;
	v5 =	vadd.f32 v63, v62  }
.LBB2_7:
0x124: {  	s26 =	sshra.s32 s17, $0x2;
	v6 =	vld [tilespmem:s22+$0x100E0]  }
0x125: {  	s8 =	sadd.s32 $0x2, s8;
	v7 =	vld [tilespmem:s26+$0x80F0];
	[tilespmem:s22+$0x80B0] =	vst v5;
	v0 =	vadd.f32 v2, v0  }
0x126: {  	p1 =	slt.u32 s8, $0x7E;
	v2 =	vld [tilespmem:s26+$0x100F0]  }
0x127: {  	v5 =	vld [tilespmem:s26+$0x8000];
	[tilespmem:s22+$0x80C0] =	vst v0;
	v0 =	vadd.f32 v3, v1  }
0x128: {  	v1 =	vld [tilespmem:s26+$0x10000]  }
0x129: {  	v3 =	vld [tilespmem:s26+$0x8010];
	[tilespmem:s22+$0x80D0] =	vst v0;
	v0 =	vadd.f32 v6, v4  }
0x12a: {  	v4 =	vld [tilespmem:s26+$0x10010]  }
0x12b: {  	v6 =	vld [tilespmem:s26+$0x8020];
	v2 =	vadd.f32 v2, v7;
	[tilespmem:s22+$0x80E0] =	vst v0;
	s22 =	smov.u32 s26  }
0x12c: {  	v0 =	vld [tilespmem:s22+$0x10020]  }
0x12d: {  	v1 =	vadd.f32 v1, v5;
	v5 =	vld [tilespmem:s22+$0x8030];
	[tilespmem:s22+$0x80F0] =	vst v2  }
0x12e: {  	v2 =	vld [tilespmem:s22+$0x10030]  }
0x12f: {  	[tilespmem:s22+$0x8000] =	vst v1;
	v1 =	vadd.f32 v4, v3;
	v3 =	vld [tilespmem:s22+$0x8040]  }
0x130: {  	v4 =	vld [tilespmem:s22+$0x10040]  }
0x131: {  	[tilespmem:s22+$0x8010] =	vst v1;
	v0 =	vadd.f32 v0, v6;
	v1 =	vld [tilespmem:s22+$0x8050]  }
0x132: {  	v6 =	vld [tilespmem:s22+$0x10050]  }
0x133: {  	[tilespmem:s22+$0x8020] =	vst v0;
	v0 =	vadd.f32 v2, v5;
	v2 =	vld [tilespmem:s22+$0x8060]  }
0x134: {  	v5 =	vld [tilespmem:s22+$0x10060]  }
0x135: {  	[tilespmem:s22+$0x8030] =	vst v0;
	v0 =	vadd.f32 v4, v3;
	v3 =	vld [tilespmem:s22+$0x8070]  }
0x136: {  	v4 =	vld [tilespmem:s22+$0x10070]  }
0x137: {  	[tilespmem:s22+$0x8040] =	vst v0;
	v0 =	vadd.f32 v6, v1;
	v1 =	vld [tilespmem:s22+$0x8080]  }
0x138: {  	v6 =	vld [tilespmem:s22+$0x10080]  }
0x139: {  	[tilespmem:s22+$0x8050] =	vst v0;
	v0 =	vadd.f32 v5, v2;
	v2 =	vld [tilespmem:s22+$0x8090]  }
0x13a: {  	v5 =	vld [tilespmem:s22+$0x10090]  }
0x13b: {  	[tilespmem:s22+$0x8060] =	vst v0;
	v0 =	vadd.f32 v4, v3;
	v3 =	vld [tilespmem:s22+$0x80A0]  }
0x13c: {  	v4 =	vld [tilespmem:s22+$0x100A0]  }
0x13d: {  	[tilespmem:s22+$0x8070] =	vst v0;
	v0 =	vadd.f32 v6, v1;
	v6 =	vld [tilespmem:s22+$0x80B0]  }
0x13e: {  	v7 =	vld [tilespmem:s22+$0x100B0]  }
.Ltmp4:
0x13f: {  	[tilespmem:s22+$0x8080] =	vst v0;
	v1 =	vadd.f32 v5, v2;
	v0 =	vld [tilespmem:s22+$0x80C0];
	(pc) =	sbr.rel @p1 .LBB2_7-.Ltmp4, $4  }
0x140: {  	v2 =	vld [tilespmem:s22+$0x100C0]  }
0x141: {  	[tilespmem:s22+$0x8090] =	vst v1;
	v4 =	vadd.f32 v4, v3;
	v1 =	vld [tilespmem:s22+$0x80D0]  }
0x142: {  	v3 =	vld [tilespmem:s22+$0x100D0]  }
0x143: {  	s17 =	sadd.s32 $0x400, s17;
	[tilespmem:s22+$0x80A0] =	vst v4;
	v5 =	vadd.f32 v7, v6;
	v4 =	vld [tilespmem:s22+$0x80E0]  }
0x144: {  	v6 =	vld [tilespmem:s22+$0x100E0];
	_ =	sdelay $0x2  }
0x145: {  	s7 =	sadd.s32 s23, s7;
	v0 =	vadd.f32 v2, v0  }
.Ltmp5:
0x146: {  	[tilespmem:s22+$0x80B0] =	vst v5;
	s7 =	sadd.s32 s21, s7;
	v1 =	vadd.f32 v3, v1;
	(pc) =	sbr.rel @p0 .LBB2_10-.Ltmp5, $4  }
0x147: {  	s7 =	sshll.u32 s7, $0x4;
	[tilespmem:s22+$0x80C0] =	vst v0;
	v63 =	vadd.f32 v6, v4  }
0x148: {  	s7 =	sadd.s32 s6, s7;
	[tilespmem:s22+$0x80D0] =	vst v1  }
0x149: {  	s7 =	sadd.s32 $0x800, s7;
	[tilespmem:s22+$0x80E0] =	vst v63  }
0x14a: {  	[hbm4b:s7+s4] =	stream.linear.scatter [tilespmem:s28], [sflag:$0x4], $0x4000, $0x38;
	[tilespmem:$0x14000] =	vst v63  }
0x14b: {  	_ =	swait.ge [sflag:s18], $0x4000  }
.Ltmp6:
0x14c: {  	[sflag:s18] =	ssyncset.done $0x0;
	(pc) =	sbr.rel .LBB2_4-.Ltmp6, $4  }
0x14d: {  	s7 =	sadd.s32 $0x180, s23;
	[sflag:s18] =	ssyncadd.s32 $0xFFFFC000  }
0x14e: {  	[tilespmem:s28], [sflag:$0x2] =	stream.indirect.gather [hbm4b:s1+s24], $0x80, s7, s24, $0xb8;
	[tilespmem:$0x14000] =	vst v63  }
0x14f: {  	s29 =	sadd.s32 $0x2180, s23;
	s20 =	sadd.s32 $0x1, s20  }
0x150: {  	[tilespmem:s30], [sflag:$0x2] =	stream.indirect.gather [hbm4b:s2+s24], $0x80, s29, s24, $0xb8;
	[tilespmem:$0x14000] =	vst v63  }
.LBB2_11:
0x151: {  	_ =	sfence.sel $0x180000  }
0x152: {  	[bflag:$0x0] =	sbarrier.arrive $0xFFFF  }
0x153: {  	_ =	strace $0x90000047  }
0x154: {  	s0 =	stileid.u32;
	[bflag:$0x2] =	sbarrier.arrive $0xFFFF  }
0x155: {  	p0 =	sne.s32 s0, $0x0;
	s0 =	rddreg [dreg:$0x5]  }
0x156: {  	s0 =	sadd.s32 @!p0 $0x100000, s0  }
0x157: {  	[sflag:s0] =	ssyncadd.tile.s32 @!p0 $0x1;
	_ =	shalt  }
.Lfunc_end2:
_tile_overlayer_lowered:
.L_overlay_start_2:
0x158: {  	(tag) =	ssettag $0x2  }
0x159: {  	s0 =	rddreg [dreg:$0x0];
	s2 =	stileid.u32  }
0x15a: {  	s1 =	rddreg [dreg:$0x1];
	p0 =	sne.s32 s2, $0x0  }
0x15b: {  	s3 =	rddreg [dreg:$0x2];
	[bflag:$0x3] =	sbarrier.arrive $0xFFFF;
	s2 =	simm.s32 @!p0 $0x1C05  }
0x15c: {  	[timem:s3], [sflag:s2] =	dma.local @!p0 [hbm:s0], s1  }
0x15d: {  	s0 =	simm.s32 @!p0 $0x5  }
0x15e: {  	_ =	swait.ge @!p0 [sflag:s0], s1  }
0x15f: {  	s1 =	ssub.s32 @!p0 $0x0, s1;
	[sflag:s0] =	ssyncset.done @!p0 $0x0  }
0x160: {  	[sflag:s0] =	ssyncadd.s32 @!p0 s1  }
0x161: {  	[bflag:$0x3] =	sbarrier.arrive $0xFFFF  }
0x162: {  	_ =	shalt  }

// kernel: sc_scatter_agg.3.cloned.1.call-start
scs
__scs_entry_jumppad:
0x0: {  	(pc) =	sbr.rel $0x88, $3  }
0x1: {  	(tag) =	ssettag $0x0;
	lr =	simm.s32 $0x1  }
0x2: {  	[smem:$0x3F8F] =	sst lr;
	_ =	strace $0xD0000000  }
0x3: {  	_ = 	snop  }
0x4: {  	_ = 	snop  }
0x5: {  	_ = 	snop  }
0x6: {  	_ = 	snop  }
0x7: {  	_ = 	snop  }
__scs_overlays_trampoline_lowered:
0x8: {  	[smem:$0x3F9E] =	sst s0  }
0x9: {  	[smem:$0x3F9F] =	sst s1  }
0xa: {  	[smem:$0x3FA0] =	sst s2  }
0xb: {  	[smem:$0x3FA1] =	sst s3  }
0xc: {  	[smem:$0x3FA2] =	sst s4  }
0xd: {  	[smem:$0x3FA3] =	sst s5  }
0xe: {  	[smem:$0x3FA4] =	sst s6  }
0xf: {  	[smem:$0x3FA5] =	sst s7  }
0x10: {  	[smem:$0x3FA6] =	sst s8  }
0x11: {  	[smem:$0x3FA7] =	sst s9;
	s0 =	simm.s32 @!p0 $0x0  }
0x12: {  	s1 =	sld [smem:$0x3F8D];
	s0 =	simm.s32 @p0 $0x1  }
0x13: {  	[smem:$0x3FA8] =	sst s0;
	s0 =	simm.s32 @!p1 $0x0  }
0x14: {  	s2 =	sld [smem:$0x3F8C];
	s0 =	simm.s32 @p1 $0x1  }
0x15: {  	[smem:$0x3FA9] =	sst s0;
	s0 =	simm.s32 @!p2 $0x0  }
0x16: {  	s3 =	sld [smem:$0x3FDB];
	s0 =	simm.s32 @p2 $0x1  }
0x17: {  	s4 =	simm.s32 $0x1BF5;
	[smem:$0x3FAB] =	sst s0  }
0x18: {  	s0 =	sld [smem:$0x3F8E];
	_ =	swait.ge [sflag:s4], $0x0  }
0x19: {  	s7 =	sld [smem:$0x3F8F]  }
0x1a: {  	s8 =	sadd.s32 $0xFFFFE003, lr  }
0x1b: {  	s9 =	sadd.s32 $0xFFFFFEF7, lr;
	s5 =	simm.s32 $0xFFFFFFFF;
	p2 =	slt.u32 s8, $0xFFFFF086  }
0x1c: {  	p1 =	slt.u32 s9, $0xF7A;
	s5 =	simm.s32 @!p2 $0x0  }
0x1d: {  	s5 =	simm.s32 @p1 $0x1;
	p0 =	seq.s32 s7, s2  }
0x1e: {  	s7 =	smul.u32 @!p0 $0xF7A, s2;
	p2 =	seq.s32 @!p0 s5, $0x0  }
0x1f: {  	s9 =	smul.u32 $0xF7A, s1;
	s8 =	simm.s32 @!p0 $0x1BF5;
	p2 =	por !p2, p0  }
0x20: {  	[sflag:s8] =	ssyncset.s32 @!p0 $0xFFFFF086;
	s6 =	sadd.s32 @!p0 s3, s7;
	s7 =	simm.s32 @!p0 $0x108  }
0x21: {  	s3 =	sadd.s32 s3, s9;
	s6 =	sadd.s32 @!p0 $0x88, s6;
	s7 =	simm.s32 @p2 $0x1082  }
0x22: {  	[simem:s7], [sflag:s8] =	dma.local @!p0 [hbm:s6], $0xF7A  }
0x23: {  	s9 =	sor.u32 $0xD0000000, s2;
	s6 =	simm.s32 $0x108;
	_ =	swait.ge @!p0 [sflag:s8], $0x0  }
0x24: {  	s3 =	sadd.s32 $0x88, s3;
	s6 =	simm.s32 @!p1 $0x1082;
	[sflag:s4] =	ssyncset.s32 $0xFFFFF086  }
0x25: {  	[simem:s6], [sflag:s4] =	dma.local [hbm:s3], $0xF7A  }
0x26: {  	[smem:$0x3F8F] =	sst s1;
	(tag) =	ssettag s2;
	_ =	strace s9  }
0x27: {  	s1 =	sld [smem:$0x3F9F]  }
0x28: {  	s2 =	sld [smem:$0x3FA0]  }
0x29: {  	s4 =	sld [smem:$0x3FA2]  }
0x2a: {  	p0 =	seq.s32 s5, $0x0;
	s5 =	sld [smem:$0x3FA3]  }
0x2b: {  	s6 =	sld [smem:$0x3FA4]  }
0x2c: {  	s7 =	sld [smem:$0x3FA5]  }
0x2d: {  	s3 =	simm.s32 $0x108;
	s8 =	sld [smem:$0x3FA6]  }
0x2e: {  	s3 =	simm.s32 @!p0 $0x1082;
	s9 =	sld [smem:$0x3FA7]  }
0x2f: {  	lr =	sadd.s32 s0, s3;
	s0 =	sld [smem:$0x3F9E]  }
0x30: {  	s3 =	sld [smem:$0x3FA1]  }
0x31: {  	[smem:$0x3FAA] =	sst s10  }
0x32: {  	s10 =	sld [smem:$0x3FA8];
	_ =	sdelay $0x3  }
0x33: {  	p0 =	seq.s32 s10, $0x1;
	s10 =	sld [smem:$0x3FAA];
	_ =	sdelay $0x3  }
0x34: {  	[smem:$0x3FAA] =	sst s10  }
0x35: {  	s10 =	sld [smem:$0x3FA9];
	_ =	sdelay $0x3  }
0x36: {  	p1 =	seq.s32 s10, $0x1;
	s10 =	sld [smem:$0x3FAA];
	_ =	sdelay $0x3  }
0x37: {  	[smem:$0x3FAA] =	sst s10  }
0x38: {  	s10 =	sld [smem:$0x3FAB]  }
0x39: {  	_ = 	snop;
	(pc) =	sbr.ind lr, $3  }
0x3a: {  	_ = 	snop  }
0x3b: {  	_ = 	snop  }
0x3c: {  	p2 =	seq.s32 s10, $0x1;
	s10 =	sld [smem:$0x3FAA]  }
0x3d: {  	_ =	shalt  }
0x3e: {  	_ =	shalt  }
0x3f: {  	_ =	shalt  }
0x40: {  	_ =	shalt  }
0x41: {  	_ =	shalt  }
0x42: {  	_ =	shalt  }
0x43: {  	_ =	shalt  }
0x44: {  	_ =	shalt  }
0x45: {  	_ =	shalt  }
0x46: {  	_ =	shalt  }
0x47: {  	_ =	shalt  }
0x48: {  	_ =	shalt  }
0x49: {  	_ =	shalt  }
0x4a: {  	_ =	shalt  }
0x4b: {  	_ =	shalt  }
0x4c: {  	_ =	shalt  }
0x4d: {  	_ =	shalt  }
0x4e: {  	_ =	shalt  }
0x4f: {  	_ =	shalt  }
0x50: {  	_ =	shalt  }
0x51: {  	_ =	shalt  }
0x52: {  	_ =	shalt  }
0x53: {  	_ =	shalt  }
0x54: {  	_ =	shalt  }
0x55: {  	_ =	shalt  }
0x56: {  	_ =	shalt  }
0x57: {  	_ =	shalt  }
0x58: {  	_ =	shalt  }
0x59: {  	_ =	shalt  }
0x5a: {  	_ =	shalt  }
0x5b: {  	_ =	shalt  }
0x5c: {  	_ =	shalt  }
0x5d: {  	_ =	shalt  }
0x5e: {  	_ =	shalt  }
0x5f: {  	_ =	shalt  }
0x60: {  	_ =	shalt  }
0x61: {  	_ =	shalt  }
0x62: {  	_ =	shalt  }
0x63: {  	_ =	shalt  }
0x64: {  	_ =	shalt  }
0x65: {  	_ =	shalt  }
0x66: {  	_ =	shalt  }
0x67: {  	_ =	shalt  }
0x68: {  	_ =	shalt  }
0x69: {  	_ =	shalt  }
0x6a: {  	_ =	shalt  }
0x6b: {  	_ =	shalt  }
0x6c: {  	_ =	shalt  }
0x6d: {  	_ =	shalt  }
0x6e: {  	_ =	shalt  }
0x6f: {  	_ =	shalt  }
0x70: {  	_ =	shalt  }
0x71: {  	_ =	shalt  }
0x72: {  	_ =	shalt  }
0x73: {  	_ =	shalt  }
0x74: {  	_ =	shalt  }
0x75: {  	_ =	shalt  }
0x76: {  	_ =	shalt  }
0x77: {  	_ =	shalt  }
0x78: {  	_ =	shalt  }
0x79: {  	_ =	shalt  }
0x7a: {  	_ =	shalt  }
0x7b: {  	_ =	shalt  }
0x7c: {  	_ =	shalt  }
0x7d: {  	_ =	shalt  }
0x7e: {  	_ =	shalt  }
0x7f: {  	_ =	shalt  }
0x80: {  	_ =	shalt  }
0x81: {  	_ =	shalt  }
0x82: {  	_ =	shalt  }
0x83: {  	_ =	shalt  }
0x84: {  	_ =	shalt  }
0x85: {  	_ =	shalt  }
0x86: {  	_ =	shalt  }
0x87: {  	_ =	shalt  }
.Lfunc_end0:
.L_simem_size_0:
called_computation.1_lowered:
.L_overlay_start_0:
0x88: {  	s2 =	sld [smem:$0x3FD9]  }
0x89: {  	s3 =	sld [smem:$0x3FFE];
	_ =	sdelay $0x1  }
0x8a: {  	s1 =	srdreg.scid  }
0x8b: {  	s0 =	sand.u32 $0x1, s1  }
0x8c: {  	s14 =	sshll.u32 s0, $0xA;
	s2 =	sadd.s32 s3, s2  }
0x8d: {  	s2 =	sadd.s32 s2, s14  }
0x8e: {  	[smem:$0x3FB6] =	sst s2  }
0x8f: {  	_ = 	snop  }
0x90: {  	s2 =	sld [smem:$0x3FD0];
	_ =	sdelay $0x2  }
0x91: {  	s15 =	simm.s32 $0xA;
	s4 =	simm.s32 $0x10  }
0x92: {  	[smem:s4], [sflag:s15] =	dma.local [hbm:s2], $0x1  }
0x93: {  	_ =	swait.eq [sflag:s15], $0x1  }
0x94: {  	[sflag:s15] =	ssyncset.done $0x0  }
0x95: {  	s16 =	sld [smem:$0x11];
	[sflag:s15] =	ssyncadd.s32 $0xFFFFFFFF  }
0x96: {  	s17 =	sld [smem:$0x13];
	(tm) =	ssettm $0x1  }
0x97: {  	s18 =	sld [smem:$0x3FFB];
	_ =	sdelay $0x3  }
0x98: {  	_ =	strace s18  }
0x99: {  	s4 =	sld [smem:$0x3FFC];
	_ =	sdelay $0x3  }
0x9a: {  	_ =	strace s4  }
0x9b: {  	s4 =	sld [smem:$0x3FFD];
	_ =	sdelay $0x3  }
0x9c: {  	_ =	strace s4  }
0x9d: {  	_ =	strace $0x8FFFFFFF  }
0x9e: {  	s19 =	sld [smem:$0x3FDB];
	_ =	sdelay $0x1  }
0x9f: {  	s5 =	simm.s32 $_scs_section_size  }
0xa0: {  	s6 =	simm.s32 $_size__tile_overlayer_lowered;
	s7 =	simm.s32 $_tile_overlayer_lowered  }
0xa1: {  	s22 =	simm.s32 $0x1BFF;
	s21 =	sshll.u32 s7, $0x1;
	s4 =	sadd.s32 s5, s19  }
0xa2: {  	s8 =	simm.s32 $0x0;
	s20 =	sshll.u32 s6, $0x1;
	s6 =	sadd.s32 s21, s4  }
0xa3: {  	[timem:s8], [sflag:s22] =	dma.local [hbm:s6], s20  }
0xa4: {  	_ =	swait.ge [sflag:s22], s20  }
0xa5: {  	s5 =	ssub.s32 $0x0, s20;
	[sflag:s22] =	ssyncset.done $0x0  }
0xa6: {  	[sflag:s22] =	ssyncadd.s32 s5;
	_ =	sdelay $0x1  }
0xa7: {  	s23 =	simm.s32 $0x1B8B  }
0xa8: {  	_ =	swait.ge [sflag:s23], $0x1  }
0xa9: {  	[sflag:s23] =	ssyncset.done $0x0  }
0xaa: {  	s25 =	simm.s32 $0x1B8E;
	s24 =	sld [smem:$0x3FFE];
	[sflag:s23] =	ssyncadd.s32 $0xFFFFFFFF  }
0xab: {  	s26 =	simm.s32 $execute0_lowered;
	[smem:$0x3FD2] =	sst s25  }
0xac: {  	s6 =	sshll.u32 s26, $0x1;
	_ =	strace $0x80000049;
	[dreg:$0x1] =	wrdreg $0xFFFFFFFF  }
0xad: {  	s28 =	simm.s32 $_size_execute0_lowered;
	s4 =	sadd.s32 s4, s6;
	[dreg:$0x0] =	wrdreg $0x0  }
0xae: {  	s6 =	sshll.u32 s28, $0x1;
	[dreg:$0x2] =	wrdreg s4  }
0xaf: {  	[dreg:$0x3] =	wrdreg s6  }
0xb0: {  	[dreg:$0x4] =	wrdreg $0xC0  }
0xb1: {  	_ =	task [dreg:s8], $0x5FFFF  }
0xb2: {  	[dreg:$0x1] =	wrdreg $0xFFFFFFFF  }
0xb3: {  	[dreg:$0x0] =	wrdreg $0x60  }
0xb4: {  	[dreg:$0x2] =	wrdreg s16  }
0xb5: {  	[dreg:$0x3] =	wrdreg s24  }
0xb6: {  	[dreg:$0x4] =	wrdreg s17  }
0xb7: {  	[dreg:$0x5] =	wrdreg $0x0  }
0xb8: {  	[dreg:$0x6] =	wrdreg $0x9  }
0xb9: {  	_ =	task.clear_ibuf [dreg:s8], $0x7FFFF;
	_ =	strace $0x90000049  }
0xba: {  	s29 =	simm.s32 $0x9;
	_ =	strace $0x8000004B  }
0xbb: {  	_ =	swait.ge [sflag:s29], $0x1  }
0xbc: {  	[sflag:s29] =	ssyncadd.s32 $0xFFFFFFFF  }
0xbd: {  	_ =	strace $0x9000004B  }
0xbe: {  	_ =	sfence  }
0xbf: {  	s30 =	sld [smem:$0x0];
	_ =	sdelay $0x2  }
0xc0: {  	s31 =	sshll.u32 s1, $0xD;
	s1 =	sshrl.u32 s1, $0x2  }
0xc1: {  	s3 =	sand.u32 $0x4000, s31;
	s1 =	sadd.s32 s1, s30  }
0xc2: {  	s0 =	sor.u32 s3, s0;
	s1 =	sshll.u32 s1, $0x11  }
0xc3: {  	s0 =	sor.u32 s1, s0  }
0xc4: {  	s0 =	sadd.s32 $0x8F2B, s0  }
0xc5: {  	[sflag:s0] =	ssyncadd.remote.s32 $0x1  }
0xc6: {  	_ =	sfence.sel $0xFFFF  }
0xc7: {  	[dreg:$0x0] =	wrdreg $0xFFFFFFFF;
	(pc) =	sbr.abs _section_cstart, $3  }
0xc8: {  	[dreg:$0x1] =	wrdreg $0xFFFFFFFF  }
0xc9: {  	_ =	task.clear_ibuf [dreg:s8], $0x2FFFF;
	_ =	strace $0x9FFFFFFF  }
0xca: {  	(tm) =	ssettm $0x7FFFFFFF  }
0xcb: {  	_ =	shalt  }
tec
execute0_lowered:
.L_overlay_start_1:
0x0: {  	(tag) =	ssettag $0x1  }
0x1: {  	s0 =	rddreg [dreg:$0x0]  }
0x2: {  	s3 =	rddreg [dreg:$0x1]  }
0x3: {  	s5 =	rddreg [dreg:$0x2]  }
0x4: {  	s1 =	rddreg [dreg:$0x3];
	s2 =	simm.s32 $0x0;
	s4 =	srdreg.scid  }
0x5: {  	s16 =	stileid.u32;
	s28 =	simm.s32 $0x4400;
	s29 =	simm.s32 $0x4600  }
0x6: {  	s30 =	simm.s32 $0x4480;
	s31 =	simm.s32 $0x8600;
	[smem:$0x7FF] =	sst s2  }
0x7: {  	s6 =	sand.u32 $0x1, s4;
	s7 =	sadd.s32 $0x404E00, s3;
	s3 =	sadd.s32 $0x404C00, s3  }
0x8: {  	s9 =	sshll.u32 s16, $0x10;
	s12 =	sshll.u32 s16, $0xC;
	_ =	strace $0x8000004A  }
0x9: {  	s4 =	ssub.s32 $0x2, s6;
	s10 =	sshrl.u32 s9, $0x2;
	s11 =	sshll.u32 s6, $0x11  }
0xa: {  	s20 =	sshll.u32 s6, $0x8;
	s15 =	sshllo.u32 s6, $0x1;
	s18 =	sshll.u32 s6, $0xF  }
0xb: {  	s8 =	sshrl.u32 s4, $0x1;
	s25 =	sshll.u32 s15, $0x10;
	s26 =	sshll.u32 s15, $0x7  }
0xc: {  	s8 =	ssub.s32 s4, s8;
	s4 =	sadd.s32 s10, s1;
	s10 =	sor.u32 s12, s11  }
0xd: {  	s11 =	sadd.s32 s3, s20;
	s12 =	sor.u32 s12, s25;
	s3 =	sadd.s32 s3, s26  }
0xe: {  	s20 =	sshll.u32 s6, $0x15;
	s6 =	simm.s32 $0x2;
	[dreg:$0x6] =	wrdreg s11  }
0xf: {  	s19 =	sadd.s32 $0x2000, s4;
	s13 =	sshrl.u32 s10, $0x3;
	[dreg:$0xb] =	wrdreg s3  }
0x10: {  	s22 =	sor.u32 $0x80, s10;
	s23 =	sshll.u32 s10, $0x4;
	[dreg:$0x5] =	wrdreg s19  }
0x11: {  	s21 =	sadd.s32 s7, s13;
	s14 =	sshrl.u32 s22, $0x3;
	s13 =	sadd.s32 s0, s23  }
0x12: {  	s11 =	sshll.u32 s22, $0x4;
	s19 =	sshll.u32 s16, $0xB;
	[dreg:$0x7] =	wrdreg s21  }
0x13: {  	s22 =	sor.u32 $0x100, s10;
	s23 =	sor.u32 $0x10180, s10;
	[dreg:$0x8] =	wrdreg s13  }
0x14: {  	s24 =	sadd.s32 s7, s14;
	s11 =	sadd.s32 s0, s11;
	s13 =	sshll.u32 s12, $0x4  }
0x15: {  	s14 =	sor.u32 $0x80, s12;
	s21 =	sor.u32 $0x180, s10;
	[dreg:$0x9] =	wrdreg s24  }
0x16: {  	s25 =	sshrl.u32 s23, $0x3;
	[dreg:$0xa] =	wrdreg s11;
	s11 =	sshrl.u32 s12, $0x3  }
0x17: {  	s15 =	sshrl.u32 s14, $0x3;
	s24 =	sor.u32 $0x10100, s10;
	s10 =	simm.s32 $0x0  }
0x18: {  	s3 =	sadd.s32 s7, s11;
	s11 =	sshll.u32 s14, $0x4;
	s26 =	sshrl.u32 s24, $0x3  }
0x19: {  	s24 =	simm.s32 $0xC600;
	[dreg:$0xc] =	wrdreg s3;
	s3 =	sadd.s32 s0, s13  }
0x1a: {  	s17 =	sadd.s32 s0, s11;
	s0 =	sadd.s32 s20, s0;
	s23 =	sadd.s32 s26, s7  }
0x1b: {  	s26 =	simm.s32 $0x4000;
	[dreg:$0xd] =	wrdreg s3;
	s3 =	sadd.s32 s7, s15  }
0x1c: {  	[dreg:$0xf] =	wrdreg s17;
	s17 =	smax.u32 s8, $0x1;
	s0 =	sadd.s32 s9, s0  }
0x1d: {  	s8 =	simm.s32 $0x3;
	s9 =	simm.s32 $0x4;
	[dreg:$0xe] =	wrdreg s3  }
.Ltmp0:
0x1e: {  	s3 =	sadd.s32 s5, s18;
	s18 =	sadd.s32 $0x1800, s0;
	(pc) =	sbr.rel .LBB2_1-.Ltmp0, $4  }
0x1f: {  	s12 =	sadd.s32 $0x101800, s0;
	s16 =	sadd.s32 s19, s3;
	s3 =	sshrl.u32 s21, $0x3  }
0x20: {  	s0 =	simm.s32 $0x1;
	s5 =	simm.s32 $0x4500;
	s19 =	sadd.s32 s3, s7  }
0x21: {  	s3 =	sshrl.u32 s22, $0x3;
	s22 =	sadd.s32 s25, s7;
	s25 =	simm.s32 $0x5  }
0x22: {  	v0 =	vimm.f32 $0.0e+00;
	s20 =	sadd.s32 s3, s7;
	s3 =	simm.s32 $0x80;
	s7 =	simm.s32 $0x4580  }
.LBB2_9:
0x23: {  	_ =	swait.ge [sflag:s8], $0x4000  }
0x24: {  	[sflag:s8] =	ssyncset.done $0x0  }
0x25: {  	[sflag:s8] =	ssyncadd.s32 $0xFFFFC000  }
0x26: {  	_ =	swait.ge [sflag:s9], $0x4000  }
0x27: {  	[sflag:s9] =	ssyncset.done $0x0  }
0x28: {  	[sflag:s9] =	ssyncadd.s32 $0xFFFFC000  }
0x29: {  	[bflag:$0x0] =	sbarrier.arrive $0xFFFF  }
0x2a: {  	[tilespmem:s29], [sflag:$0x5] =	stream.linear.gather [spmem:s4], $0x4000, $0x38;
	[tilespmem:$0xE600] =	vst v63  }
0x2b: {  	s10 =	sadd.s32 $0x1, s10;
	_ =	swait.ge [sflag:s25], $0x4000  }
0x2c: {  	p0 =	sne.s32 s10, s17;
	[sflag:s25] =	ssyncset.done $0x0  }
.Ltmp1:
0x2d: {  	[sflag:s25] =	ssyncadd.s32 $0xFFFFC000;
	(pc) =	sbr.rel @!p0 .LBB2_10-.Ltmp1, $4  }
0x2e: {  	[hbm4b:s16+s2] =	stream.linear.scatter [tilespmem:s29], [sflag:$0x5], $0x4000, $0x38;
	[tilespmem:$0xE600] =	vst v63  }
0x2f: {  	_ =	swait.ge [sflag:s25], $0x4000  }
0x30: {  	[sflag:s25] =	ssyncset.done $0x0  }
0x31: {  	[sflag:s25] =	ssyncadd.s32 $0xFFFFC000  }
.LBB2_1:
0x32: {  	s11 =	simm.s32 $0x0;
	s21 =	simm.s32 $0x200  }
.LBB2_2:
0x33: {  	p0 =	sne.s32 s21, $0x7E00;
	[tilespmem:s11+$0xC670] =	vst v0  }
0x34: {  	[tilespmem:s11+$0xC600] =	vst v0  }
0x35: {  	[tilespmem:s11+$0xC610] =	vst v0  }
.Ltmp2:
0x36: {  	[tilespmem:s11+$0xC620] =	vst v0;
	(pc) =	sbr.rel @p0 .LBB2_2-.Ltmp2, $4  }
0x37: {  	[tilespmem:s11+$0xC630] =	vst v0  }
0x38: {  	[tilespmem:s11+$0xC640] =	vst v0  }
0x39: {  	[tilespmem:s11+$0xC650] =	vst v0  }
0x3a: {  	[tilespmem:s11+$0xC660] =	vst v0;
	s11 =	sshra.s32 s21, $0x2;
	s21 =	sadd.s32 $0x200, s21  }
0x3b: {  	[tilespmem:s11+$0xC670] =	vst v0  }
0x3c: {  	[tilespmem:s11+$0xC600] =	vst v0  }
0x3d: {  	[tilespmem:s11+$0xC610] =	vst v0  }
0x3e: {  	[tilespmem:s11+$0xC620] =	vst v0  }
0x3f: {  	[tilespmem:s11+$0xC630] =	vst v0  }
0x40: {  	[tilespmem:s11+$0xC640] =	vst v0  }
0x41: {  	[tilespmem:s11+$0xC650] =	vst v0  }
0x42: {  	[tilespmem:s11+$0xC660] =	vst v0  }
0x43: {  	[spmem:s4] =	stream.linear.scatter [tilespmem:s24], [sflag:$0x5], $0x2000, $0x38;
	[tilespmem:$0xE600] =	vst v63  }
0x44: {  	_ =	swait.ge [sflag:s25], $0x2000  }
0x45: {  	[sflag:s25] =	ssyncset.done $0x0  }
0x46: {  	s15 =	rddreg [dreg:$0x5];
	[sflag:s25] =	ssyncadd.s32 $0xFFFFE000  }
0x47: {  	[spmem:s15] =	stream.linear.scatter [tilespmem:s24], [sflag:$0x5], $0x2000, $0x38;
	[tilespmem:$0xE600] =	vst v63  }
0x48: {  	_ =	swait.ge [sflag:s25], $0x2000  }
0x49: {  	[sflag:s25] =	ssyncset.done $0x0  }
0x4a: {  	[sflag:s25] =	ssyncadd.s32 $0xFFFFE000  }
0x4b: {  	[bflag:$0x0] =	sbarrier.arrive $0xFFFF  }
0x4c: {  	s11 =	simm.s32 $0x0;
	s13 =	rddreg [dreg:$0x6]  }
0x4d: {  	[tilespmem:s26], [sflag:$0x5] =	stream.linear.gather [hbm4b:s13+s11], $0x400, $0x38;
	[tilespmem:$0xE600] =	vst v63  }
0x4e: {  	_ =	swait.ge [sflag:s25], $0x400  }
0x4f: {  	[sflag:s25] =	ssyncset.done $0x0  }
0x50: {  	s21 =	rddreg [dreg:$0x7];
	[sflag:s25] =	ssyncadd.s32 $0xFFFFFC00  }
0x51: {  	[tilespmem:s28], [sflag:$0x5] =	stream.linear.gather [hbm4b:s21+s11], $0x80, $0x38;
	[tilespmem:$0xE600] =	vst v63  }
0x52: {  	_ =	swait.ge [sflag:s25], $0x80  }
0x53: {  	[sflag:s25] =	ssyncset.done $0x0  }
0x54: {  	s14 =	rddreg [dreg:$0x8];
	[sflag:s25] =	ssyncadd.s32 $0xFFFFFF80  }
0x55: {  	[tilespmem:s29], [sflag:$0x1] =	stream.linear.gather [hbm4b:s14+s11], $0x4000, $0x38;
	[tilespmem:$0xE600] =	vst v63  }
0x56: {  	s15 =	rddreg [dreg:$0x9]  }
0x57: {  	[tilespmem:s30], [sflag:$0x5] =	stream.linear.gather [hbm4b:s15+s11], $0x80, $0x38;
	[tilespmem:$0xE600] =	vst v63  }
0x58: {  	_ =	swait.ge [sflag:s25], $0x80  }
0x59: {  	[sflag:s25] =	ssyncset.done $0x0  }
0x5a: {  	s21 =	rddreg [dreg:$0xa];
	[sflag:s25] =	ssyncadd.s32 $0xFFFFFF80  }
0x5b: {  	[tilespmem:s31], [sflag:$0x2] =	stream.linear.gather [hbm4b:s21+s11], $0x4000, $0x38;
	[tilespmem:$0xE600] =	vst v63  }
0x5c: {  	s21 =	smov.u32 s18  }
.LBB2_4:
0x5d: {  	v1 =	vld [tilespmem:$0x4400];
	_ =	sdelay $0x5  }
0x5e: {  	v2 =	vld [tilespmem:$0x4410];
	_ =	sdelay $0x1  }
0x5f: {  	v1 =	vld.idx.msk [tilespmem:v1+s26+$0x0], $0xffff;
	_ =	sdelay $0x3  }
0x60: {  	v3 =	vld [tilespmem:$0x4420]  }
0x61: {  	[tilespmem:$0x4500] =	vst v1  }
0x62: {  	v1 =	vld.idx.msk [tilespmem:v2+s26+$0x0], $0xffff;
	_ =	sdelay $0x3  }
0x63: {  	v2 =	vld [tilespmem:$0x4430]  }
0x64: {  	[tilespmem:$0x4510] =	vst v1  }
0x65: {  	v1 =	vld.idx.msk [tilespmem:v3+s26+$0x0], $0xffff;
	_ =	sdelay $0x3  }
0x66: {  	v3 =	vld [tilespmem:$0x4440]  }
0x67: {  	[tilespmem:$0x4520] =	vst v1  }
0x68: {  	v1 =	vld.idx.msk [tilespmem:v2+s26+$0x0], $0xffff;
	_ =	sdelay $0x3  }
0x69: {  	v2 =	vld [tilespmem:$0x4450]  }
0x6a: {  	[tilespmem:$0x4530] =	vst v1  }
0x6b: {  	v1 =	vld.idx.msk [tilespmem:v3+s26+$0x0], $0xffff;
	_ =	sdelay $0x3  }
0x6c: {  	v3 =	vld [tilespmem:$0x4460]  }
0x6d: {  	[tilespmem:$0x4540] =	vst v1  }
0x6e: {  	v1 =	vld.idx.msk [tilespmem:v2+s26+$0x0], $0xffff;
	_ =	sdelay $0x3  }
0x6f: {  	v2 =	vld [tilespmem:$0x4470]  }
0x70: {  	[tilespmem:$0x4550] =	vst v1  }
0x71: {  	v1 =	vld.idx.msk [tilespmem:v3+s26+$0x0], $0xffff;
	_ =	sdelay $0x4  }
0x72: {  	[tilespmem:$0x4560] =	vst v1  }
0x73: {  	v1 =	vld.idx.msk [tilespmem:v2+s26+$0x0], $0xffff;
	_ =	sdelay $0x4  }
0x74: {  	[tilespmem:$0x4570] =	vst v1  }
0x75: {  	_ =	swait.ge [sflag:s0], $0x4000  }
0x76: {  	p0 =	seq.s32 s11, $0x1E0;
	[sflag:s0] =	ssyncset.done $0x0  }
0x77: {  	s13 =	simm.s32 @!p0 $0x3;
	[sflag:s0] =	ssyncadd.s32 $0xFFFFC000  }
0x78: {  	[spmem:s1] =	stream.indirect.scatter.add.f32 [tilespmem:s29], [sflag:$0x3], $0x80, s5, s3, $0xb8;
	[tilespmem:$0xE600] =	vst v63  }
0x79: {  	_ =	swait.ge @!p0 [sflag:s13], $0x4000  }
0x7a: {  	s14 =	simm.s32 @!p0 $0x0;
	[sflag:s13] =	ssyncset.done @!p0 $0x0  }
0x7b: {  	s15 =	simm.s32 @!p0 $0x4400;
	[sflag:s13] =	ssyncadd.s32 @!p0 $0xFFFFC000;
	s13 =	sadd.s32 @!p0 s11, s20  }
0x7c: {  	[tilespmem:s15], [sflag:$0x5] =	stream.linear.gather @!p0 [hbm4b:s13+s14], $0x80, $0x38;
	[tilespmem:$0xE600] =	vst v63  }
0x7d: {  	s13 =	simm.s32 @!p0 $0x5  }
0x7e: {  	_ =	swait.ge @!p0 [sflag:s13], $0x80  }
0x7f: {  	[sflag:s13] =	ssyncset.done @!p0 $0x0  }
0x80: {  	s15 =	simm.s32 @!p0 $0x4600;
	[sflag:s13] =	ssyncadd.s32 @!p0 $0xFFFFFF80;
	s13 =	sadd.s32 @!p0 $0xFFFFF800, s21  }
0x81: {  	[tilespmem:s15], [sflag:$0x1] =	stream.linear.gather @!p0 [hbm4b:s13+s14], $0x4000, $0x38;
	[tilespmem:$0xE600] =	vst v63  }
0x82: {  	v1 =	vld [tilespmem:$0x4480];
	_ =	sdelay $0x5  }
0x83: {  	v2 =	vld [tilespmem:$0x4490];
	_ =	sdelay $0x1  }
0x84: {  	v1 =	vld.idx.msk [tilespmem:v1+s26+$0x0], $0xffff;
	_ =	sdelay $0x3  }
0x85: {  	v3 =	vld [tilespmem:$0x44A0]  }
0x86: {  	[tilespmem:$0x4580] =	vst v1  }
0x87: {  	v1 =	vld.idx.msk [tilespmem:v2+s26+$0x0], $0xffff;
	_ =	sdelay $0x3  }
0x88: {  	v2 =	vld [tilespmem:$0x44B0]  }
0x89: {  	[tilespmem:$0x4590] =	vst v1  }
0x8a: {  	v1 =	vld.idx.msk [tilespmem:v3+s26+$0x0], $0xffff;
	_ =	sdelay $0x3  }
0x8b: {  	v3 =	vld [tilespmem:$0x44C0]  }
0x8c: {  	[tilespmem:$0x45A0] =	vst v1  }
0x8d: {  	v1 =	vld.idx.msk [tilespmem:v2+s26+$0x0], $0xffff;
	_ =	sdelay $0x3  }
0x8e: {  	v2 =	vld [tilespmem:$0x44D0]  }
0x8f: {  	[tilespmem:$0x45B0] =	vst v1  }
0x90: {  	v1 =	vld.idx.msk [tilespmem:v3+s26+$0x0], $0xffff;
	_ =	sdelay $0x3  }
0x91: {  	v3 =	vld [tilespmem:$0x44E0]  }
0x92: {  	[tilespmem:$0x45C0] =	vst v1  }
0x93: {  	v1 =	vld.idx.msk [tilespmem:v2+s26+$0x0], $0xffff;
	_ =	sdelay $0x3  }
0x94: {  	v2 =	vld [tilespmem:$0x44F0]  }
0x95: {  	[tilespmem:$0x45D0] =	vst v1  }
0x96: {  	v1 =	vld.idx.msk [tilespmem:v3+s26+$0x0], $0xffff;
	_ =	sdelay $0x4  }
0x97: {  	[tilespmem:$0x45E0] =	vst v1  }
0x98: {  	v1 =	vld.idx.msk [tilespmem:v2+s26+$0x0], $0xffff;
	_ =	sdelay $0x4  }
.Ltmp3:
0x99: {  	[tilespmem:$0x45F0] =	vst v1;
	(pc) =	sbr.rel @p0 .LBB2_6-.Ltmp3, $4  }
0x9a: {  	_ =	swait.ge [sflag:s6], $0x4000  }
0x9b: {  	[sflag:s6] =	ssyncset.done $0x0  }
0x9c: {  	[sflag:s6] =	ssyncadd.s32 $0xFFFFC000  }
0x9d: {  	[spmem:s1] =	stream.indirect.scatter.add.f32 [tilespmem:s31], [sflag:$0x4], $0x80, s7, s3, $0xb8;
	[tilespmem:$0xE600] =	vst v63  }
0x9e: {  	_ =	swait.ge [sflag:s9], $0x4000  }
0x9f: {  	[sflag:s9] =	ssyncset.done $0x0  }
0xa0: {  	s13 =	sadd.s32 s11, s19;
	[sflag:s9] =	ssyncadd.s32 $0xFFFFC000  }
0xa1: {  	[tilespmem:s30], [sflag:$0x5] =	stream.linear.gather [hbm4b:s13+s2], $0x80, $0x38;
	[tilespmem:$0xE600] =	vst v63  }
.Ltmp4:
0xa2: {  	_ =	swait.ge [sflag:s25], $0x80;
	(pc) =	sbr.rel .LBB2_4-.Ltmp4, $4  }
0xa3: {  	[sflag:s25] =	ssyncset.done $0x0  }
0xa4: {  	[sflag:s25] =	ssyncadd.s32 $0xFFFFFF80  }
0xa5: {  	[tilespmem:s31], [sflag:$0x2] =	stream.linear.gather [hbm4b:s21+s2], $0x4000, $0x38;
	[tilespmem:$0xE600] =	vst v63  }
0xa6: {  	s11 =	sadd.s32 $0x20, s11;
	s21 =	sadd.s32 $0x1000, s21  }
.LBB2_6:
0xa7: {  	_ =	swait.ge [sflag:s8], $0x4000  }
0xa8: {  	[sflag:s8] =	ssyncset.done $0x0  }
0xa9: {  	[sflag:s8] =	ssyncadd.s32 $0xFFFFC000  }
0xaa: {  	_ =	swait.ge [sflag:s9], $0x4000  }
0xab: {  	[sflag:s9] =	ssyncset.done $0x0  }
0xac: {  	s11 =	simm.s32 $0x0;
	s13 =	rddreg [dreg:$0xb];
	[sflag:s9] =	ssyncadd.s32 $0xFFFFC000  }
0xad: {  	[tilespmem:s26], [sflag:$0x5] =	stream.linear.gather [hbm4b:s13+s11], $0x400, $0x38;
	[tilespmem:$0xE600] =	vst v63  }
0xae: {  	_ =	swait.ge [sflag:s25], $0x400  }
0xaf: {  	[sflag:s25] =	ssyncset.done $0x0  }
0xb0: {  	s21 =	rddreg [dreg:$0xc];
	[sflag:s25] =	ssyncadd.s32 $0xFFFFFC00  }
0xb1: {  	[tilespmem:s28], [sflag:$0x5] =	stream.linear.gather [hbm4b:s21+s11], $0x80, $0x38;
	[tilespmem:$0xE600] =	vst v63  }
0xb2: {  	_ =	swait.ge [sflag:s25], $0x80  }
0xb3: {  	[sflag:s25] =	ssyncset.done $0x0  }
0xb4: {  	s14 =	rddreg [dreg:$0xd];
	[sflag:s25] =	ssyncadd.s32 $0xFFFFFF80  }
0xb5: {  	[tilespmem:s29], [sflag:$0x1] =	stream.linear.gather [hbm4b:s14+s11], $0x4000, $0x38;
	[tilespmem:$0xE600] =	vst v63  }
0xb6: {  	s15 =	rddreg [dreg:$0xe]  }
0xb7: {  	[tilespmem:s30], [sflag:$0x5] =	stream.linear.gather [hbm4b:s15+s11], $0x80, $0x38;
	[tilespmem:$0xE600] =	vst v63  }
0xb8: {  	_ =	swait.ge [sflag:s25], $0x80  }
0xb9: {  	[sflag:s25] =	ssyncset.done $0x0  }
0xba: {  	s21 =	rddreg [dreg:$0xf];
	[sflag:s25] =	ssyncadd.s32 $0xFFFFFF80  }
0xbb: {  	[tilespmem:s31], [sflag:$0x2] =	stream.linear.gather [hbm4b:s21+s11], $0x4000, $0x38;
	[tilespmem:$0xE600] =	vst v63  }
0xbc: {  	s21 =	smov.u32 s12  }
.LBB2_7:
0xbd: {  	v1 =	vld [tilespmem:$0x4400];
	_ =	sdelay $0x6  }
0xbe: {  	v2 =	vld [tilespmem:$0x4410]  }
0xbf: {  	v1 =	vld.idx.msk [tilespmem:v1+s26+$0x0], $0xffff;
	_ =	sdelay $0x4  }
0xc0: {  	v1 =	vadd.s32 $0x400, v1  }
0xc1: {  	[tilespmem:$0x4500] =	vst v1;
	v1 =	vld [tilespmem:$0x4420]  }
0xc2: {  	v2 =	vld.idx.msk [tilespmem:v2+s26+$0x0], $0xffff;
	_ =	sdelay $0x4  }
0xc3: {  	v2 =	vadd.s32 $0x400, v2  }
0xc4: {  	[tilespmem:$0x4510] =	vst v2;
	v2 =	vld [tilespmem:$0x4430]  }
0xc5: {  	v1 =	vld.idx.msk [tilespmem:v1+s26+$0x0], $0xffff;
	_ =	sdelay $0x4  }
0xc6: {  	v1 =	vadd.s32 $0x400, v1  }
0xc7: {  	[tilespmem:$0x4520] =	vst v1;
	v1 =	vld [tilespmem:$0x4440]  }
0xc8: {  	v2 =	vld.idx.msk [tilespmem:v2+s26+$0x0], $0xffff;
	_ =	sdelay $0x4  }
0xc9: {  	v2 =	vadd.s32 $0x400, v2  }
0xca: {  	[tilespmem:$0x4530] =	vst v2;
	v2 =	vld [tilespmem:$0x4450]  }
0xcb: {  	v1 =	vld.idx.msk [tilespmem:v1+s26+$0x0], $0xffff;
	_ =	sdelay $0x4  }
0xcc: {  	v1 =	vadd.s32 $0x400, v1  }
0xcd: {  	[tilespmem:$0x4540] =	vst v1;
	v1 =	vld [tilespmem:$0x4460]  }
0xce: {  	v2 =	vld.idx.msk [tilespmem:v2+s26+$0x0], $0xffff;
	_ =	sdelay $0x4  }
0xcf: {  	v2 =	vadd.s32 $0x400, v2  }
0xd0: {  	[tilespmem:$0x4550] =	vst v2;
	v2 =	vld [tilespmem:$0x4470]  }
0xd1: {  	v1 =	vld.idx.msk [tilespmem:v1+s26+$0x0], $0xffff;
	_ =	sdelay $0x4  }
0xd2: {  	v1 =	vadd.s32 $0x400, v1  }
0xd3: {  	[tilespmem:$0x4560] =	vst v1  }
0xd4: {  	v1 =	vld.idx.msk [tilespmem:v2+s26+$0x0], $0xffff;
	_ =	sdelay $0x4  }
0xd5: {  	v1 =	vadd.s32 $0x400, v1  }
0xd6: {  	[tilespmem:$0x4570] =	vst v1  }
0xd7: {  	_ =	swait.ge [sflag:s0], $0x4000  }
0xd8: {  	p0 =	seq.s32 s11, $0x1E0;
	[sflag:s0] =	ssyncset.done $0x0  }
0xd9: {  	s13 =	simm.s32 @!p0 $0x3;
	[sflag:s0] =	ssyncadd.s32 $0xFFFFC000  }
0xda: {  	[spmem:s1] =	stream.indirect.scatter.add.f32 [tilespmem:s29], [sflag:$0x3], $0x80, s5, s3, $0xb8;
	[tilespmem:$0xE600] =	vst v63  }
0xdb: {  	_ =	swait.ge @!p0 [sflag:s13], $0x4000  }
0xdc: {  	s14 =	simm.s32 @!p0 $0x0;
	[sflag:s13] =	ssyncset.done @!p0 $0x0  }
0xdd: {  	s15 =	simm.s32 @!p0 $0x4400;
	[sflag:s13] =	ssyncadd.s32 @!p0 $0xFFFFC000;
	s13 =	sadd.s32 @!p0 s11, s23  }
0xde: {  	[tilespmem:s15], [sflag:$0x5] =	stream.linear.gather @!p0 [hbm4b:s13+s14], $0x80, $0x38;
	[tilespmem:$0xE600] =	vst v63  }
0xdf: {  	s13 =	simm.s32 @!p0 $0x5  }
0xe0: {  	_ =	swait.ge @!p0 [sflag:s13], $0x80  }
0xe1: {  	[sflag:s13] =	ssyncset.done @!p0 $0x0  }
0xe2: {  	s15 =	simm.s32 @!p0 $0x4600;
	[sflag:s13] =	ssyncadd.s32 @!p0 $0xFFFFFF80;
	s13 =	sadd.s32 @!p0 $0xFFFFF800, s21  }
0xe3: {  	[tilespmem:s15], [sflag:$0x1] =	stream.linear.gather @!p0 [hbm4b:s13+s14], $0x4000, $0x38;
	[tilespmem:$0xE600] =	vst v63  }
0xe4: {  	v1 =	vld [tilespmem:$0x4480];
	_ =	sdelay $0x6  }
0xe5: {  	v2 =	vld [tilespmem:$0x4490]  }
0xe6: {  	v1 =	vld.idx.msk [tilespmem:v1+s26+$0x0], $0xffff;
	_ =	sdelay $0x4  }
0xe7: {  	v1 =	vadd.s32 $0x400, v1  }
0xe8: {  	[tilespmem:$0x4580] =	vst v1;
	v1 =	vld [tilespmem:$0x44A0]  }
0xe9: {  	v2 =	vld.idx.msk [tilespmem:v2+s26+$0x0], $0xffff;
	_ =	sdelay $0x4  }
0xea: {  	v2 =	vadd.s32 $0x400, v2  }
0xeb: {  	[tilespmem:$0x4590] =	vst v2;
	v2 =	vld [tilespmem:$0x44B0]  }
0xec: {  	v1 =	vld.idx.msk [tilespmem:v1+s26+$0x0], $0xffff;
	_ =	sdelay $0x4  }
0xed: {  	v1 =	vadd.s32 $0x400, v1  }
0xee: {  	[tilespmem:$0x45A0] =	vst v1;
	v1 =	vld [tilespmem:$0x44C0]  }
0xef: {  	v2 =	vld.idx.msk [tilespmem:v2+s26+$0x0], $0xffff;
	_ =	sdelay $0x4  }
0xf0: {  	v2 =	vadd.s32 $0x400, v2  }
0xf1: {  	[tilespmem:$0x45B0] =	vst v2;
	v2 =	vld [tilespmem:$0x44D0]  }
0xf2: {  	v1 =	vld.idx.msk [tilespmem:v1+s26+$0x0], $0xffff;
	_ =	sdelay $0x4  }
0xf3: {  	v1 =	vadd.s32 $0x400, v1  }
0xf4: {  	[tilespmem:$0x45C0] =	vst v1;
	v1 =	vld [tilespmem:$0x44E0]  }
0xf5: {  	v2 =	vld.idx.msk [tilespmem:v2+s26+$0x0], $0xffff;
	_ =	sdelay $0x4  }
0xf6: {  	v2 =	vadd.s32 $0x400, v2  }
0xf7: {  	[tilespmem:$0x45D0] =	vst v2;
	v2 =	vld [tilespmem:$0x44F0]  }
0xf8: {  	v1 =	vld.idx.msk [tilespmem:v1+s26+$0x0], $0xffff;
	_ =	sdelay $0x4  }
0xf9: {  	v1 =	vadd.s32 $0x400, v1  }
0xfa: {  	[tilespmem:$0x45E0] =	vst v1  }
0xfb: {  	v1 =	vld.idx.msk [tilespmem:v2+s26+$0x0], $0xffff;
	_ =	sdelay $0x4  }
0xfc: {  	v1 =	vadd.s32 $0x400, v1  }
.Ltmp5:
0xfd: {  	[tilespmem:$0x45F0] =	vst v1;
	(pc) =	sbr.rel @p0 .LBB2_9-.Ltmp5, $4  }
0xfe: {  	_ =	swait.ge [sflag:s6], $0x4000  }
0xff: {  	[sflag:s6] =	ssyncset.done $0x0  }
0x100: {  	[sflag:s6] =	ssyncadd.s32 $0xFFFFC000  }
0x101: {  	[spmem:s1] =	stream.indirect.scatter.add.f32 [tilespmem:s31], [sflag:$0x4], $0x80, s7, s3, $0xb8;
	[tilespmem:$0xE600] =	vst v63  }
0x102: {  	_ =	swait.ge [sflag:s9], $0x4000  }
0x103: {  	[sflag:s9] =	ssyncset.done $0x0  }
0x104: {  	s13 =	sadd.s32 s11, s22;
	[sflag:s9] =	ssyncadd.s32 $0xFFFFC000  }
0x105: {  	[tilespmem:s30], [sflag:$0x5] =	stream.linear.gather [hbm4b:s13+s2], $0x80, $0x38;
	[tilespmem:$0xE600] =	vst v63  }
.Ltmp6:
0x106: {  	_ =	swait.ge [sflag:s25], $0x80;
	(pc) =	sbr.rel .LBB2_7-.Ltmp6, $4  }
0x107: {  	[sflag:s25] =	ssyncset.done $0x0  }
0x108: {  	[sflag:s25] =	ssyncadd.s32 $0xFFFFFF80  }
0x109: {  	[tilespmem:s31], [sflag:$0x2] =	stream.linear.gather [hbm4b:s21+s2], $0x4000, $0x38;
	[tilespmem:$0xE600] =	vst v63  }
0x10a: {  	s11 =	sadd.s32 $0x20, s11;
	s21 =	sadd.s32 $0x1000, s21  }
.LBB2_10:
0x10b: {  	_ =	sfence.sel $0x180000  }
0x10c: {  	[bflag:$0x0] =	sbarrier.arrive $0xFFFF  }
0x10d: {  	_ =	strace $0x9000004A  }
0x10e: {  	s0 =	stileid.u32;
	[bflag:$0x2] =	sbarrier.arrive $0xFFFF  }
0x10f: {  	p0 =	sne.s32 s0, $0x0;
	s0 =	rddreg [dreg:$0x4]  }
0x110: {  	s0 =	sadd.s32 @!p0 $0x100000, s0  }
0x111: {  	[sflag:s0] =	ssyncadd.tile.s32 @!p0 $0x1;
	_ =	shalt  }
.Lfunc_end2:
_tile_overlayer_lowered:
.L_overlay_start_2:
0x112: {  	(tag) =	ssettag $0x2  }
0x113: {  	s0 =	rddreg [dreg:$0x0];
	s2 =	stileid.u32  }
0x114: {  	s1 =	rddreg [dreg:$0x1];
	p0 =	sne.s32 s2, $0x0  }
0x115: {  	s3 =	rddreg [dreg:$0x2];
	[bflag:$0x3] =	sbarrier.arrive $0xFFFF;
	s2 =	simm.s32 @!p0 $0x1C05  }
0x116: {  	[timem:s3], [sflag:s2] =	dma.local @!p0 [hbm:s0], s1  }
0x117: {  	s0 =	simm.s32 @!p0 $0x5  }
0x118: {  	_ =	swait.ge @!p0 [sflag:s0], s1  }
0x119: {  	s1 =	ssub.s32 @!p0 $0x0, s1;
	[sflag:s0] =	ssyncset.done @!p0 $0x0  }
0x11a: {  	[sflag:s0] =	ssyncadd.s32 @!p0 s1  }
0x11b: {  	[bflag:$0x3] =	sbarrier.arrive $0xFFFF  }
0x11c: {  	_ =	shalt  }

</sc_bundles>
